<compile_context>
chip_gen: v7x
topology: tpu7x:2x2x1
jax: 0.10.2.dev20260603
libtpu: 0.0.44.dev20260713+nightly
codegen_flags: <defaults>
</compile_context>

<pallas_src>
import functools

import jax
import jax.numpy as jnp
from jax import lax
from jax.experimental import pallas as pl
from jax.experimental.pallas import tpu as pltpu
from jax.experimental.pallas import tpu_sc as plsc

_N = 10000
_E = 320000
_TILE = 400
_GRID = _N // _TILE

_f32 = jnp.float32


def _dot_t(a, w):
    return lax.dot_general(a, w, (((1,), (1,)), ((), ())),
                           preferred_element_type=_f32)


def _rc_from_cnt(cnt_ref):
    cnt = cnt_ref[...][:, 0:1]
    return 1.0 / jnp.maximum(cnt, 1.0)


def _tc1_body(acc_ref, cnt_ref, x_ref, ewl_ref, ewr_ref, eb_ref,
              cwl_ref, cwr_ref, cb_ref, he_ref, hc_ref):
    rc = _rc_from_cnt(cnt_ref)
    agg = acc_ref[...] * rc
    x = x_ref[...]
    he = jnp.maximum(_dot_t(agg, ewl_ref[...]) + _dot_t(x, ewr_ref[...])
                     + eb_ref[...][None, :], 0.0)
    hc = jnp.maximum(_dot_t(agg, cwl_ref[...]) + _dot_t(x, cwr_ref[...])
                     + cb_ref[...][None, :], 0.0)
    he_ref[0] = he[:, :128]
    he_ref[1] = he[:, 128:]
    hc_ref[0] = hc[:, :128]
    hc_ref[1] = hc[:, 128:]


def _tc1(acc, cnt, x, ewl, ewr, eb, cwl, cwr, cb):
    T = _TILE
    row3 = pl.BlockSpec((2, T, 128), lambda i: (0, i, 0))
    return pl.pallas_call(
        _tc1_body,
        grid=(_GRID,),
        in_specs=[
            pl.BlockSpec((T, 128), lambda i: (i, 0)),
            pl.BlockSpec((T, 128), lambda i: (i, 0)),
            pl.BlockSpec((T, 128), lambda i: (i, 0)),
            pl.BlockSpec((256, 128), lambda i: (0, 0)),
            pl.BlockSpec((256, 128), lambda i: (0, 0)),
            pl.BlockSpec((256,), lambda i: (0,)),
            pl.BlockSpec((256, 128), lambda i: (0, 0)),
            pl.BlockSpec((256, 128), lambda i: (0, 0)),
            pl.BlockSpec((256,), lambda i: (0,)),
        ],
        out_specs=[row3, row3],
        out_shape=[jax.ShapeDtypeStruct((2, _N, 128), _f32),
                   jax.ShapeDtypeStruct((2, _N, 128), _f32)],
    )(acc, cnt, x, ewl, ewr, eb, cwl, cwr, cb)


def _tc2_body(acc_ref, h_ref, cnt_ref, noise_ref, wl_ref, wr_ref, b_ref,
              regw_ref, regb_ref, g1w_ref, g1b_ref, deg_ref, g1_ref):
    rc = _rc_from_cnt(cnt_ref)
    wl = wl_ref[...]
    wr = wr_ref[...]
    z = (_dot_t(acc_ref[0] * rc, wl[:, :128]) +
         _dot_t(acc_ref[1] * rc, wl[:, 128:]) +
         _dot_t(h_ref[0], wr[:, :128]) +
         _dot_t(h_ref[1], wr[:, 128:]) + b_ref[...][None, :])
    d = jnp.sum(z * regw_ref[...], axis=1, keepdims=True) + regb_ref[0]
    deg_ref[...] = jnp.maximum(d, 0.0)
    g1_ref[...] = jnp.maximum(_dot_t(z + noise_ref[...], g1w_ref[...])
                              + g1b_ref[...][None, :], 0.0)


def _tc2(acc, h, cnt, noise, wl, wr, b, regw, regb, g1w, g1b):
    T = _TILE
    row3 = pl.BlockSpec((2, T, 128), lambda i: (0, i, 0))
    return pl.pallas_call(
        _tc2_body,
        grid=(_GRID,),
        in_specs=[
            row3, row3,
            pl.BlockSpec((T, 128), lambda i: (i, 0)),
            pl.BlockSpec((T, 128), lambda i: (i, 0)),
            pl.BlockSpec((128, 256), lambda i: (0, 0)),
            pl.BlockSpec((128, 256), lambda i: (0, 0)),
            pl.BlockSpec((128,), lambda i: (0,)),
            pl.BlockSpec((1, 128), lambda i: (0, 0)),
            pl.BlockSpec((1,), lambda i: (0,)),
            pl.BlockSpec((256, 128), lambda i: (0, 0)),
            pl.BlockSpec((256,), lambda i: (0,)),
        ],
        out_specs=[pl.BlockSpec((T, 1), lambda i: (i, 0)),
                   pl.BlockSpec((T, 256), lambda i: (i, 0))],
        out_shape=[jax.ShapeDtypeStruct((_N, 1), _f32),
                   jax.ShapeDtypeStruct((_N, 256), _f32)],
    )(acc, h, cnt, noise, wl, wr, b, regw, regb, g1w, g1b)


def _tc3_body(g1_ref, g2w_ref, g2b_ref, gfw_ref, gfb_ref, out_ref):
    g2 = jnp.maximum(_dot_t(g1_ref[...], g2w_ref[...]) + g2b_ref[...][None, :],
                     0.0)
    out_ref[...] = jnp.tanh(_dot_t(g2, gfw_ref[...]) + gfb_ref[...][None, :])


def _tc3(g1, g2w, g2b, gfw, gfb):
    T = _TILE
    return pl.pallas_call(
        _tc3_body,
        grid=(_GRID,),
        in_specs=[
            pl.BlockSpec((T, 256), lambda i: (i, 0)),
            pl.BlockSpec((2048, 256), lambda i: (0, 0)),
            pl.BlockSpec((2048,), lambda i: (0,)),
            pl.BlockSpec((640, 2048), lambda i: (0, 0)),
            pl.BlockSpec((640,), lambda i: (0,)),
        ],
        out_specs=pl.BlockSpec((T, 640), lambda i: (i, 0)),
        out_shape=jax.ShapeDtypeStruct((_N, 640), _f32),
    )(g1, g2w, g2b, gfw, gfb)


def _tc4_body(acc_ref, h_ref, cnt_ref, wl_ref, wr_ref, b_ref, nc_ref):
    rc = _rc_from_cnt(cnt_ref)
    wl = wl_ref[...]
    wr = wr_ref[...]
    nc_ref[...] = (_dot_t(acc_ref[0] * rc, wl[:, :128]) +
                   _dot_t(acc_ref[1] * rc, wl[:, 128:]) +
                   _dot_t(h_ref[0], wr[:, :128]) +
                   _dot_t(h_ref[1], wr[:, 128:]) + b_ref[...][None, :])


def _tc4(acc, h, cnt, wl, wr, b):
    T = _TILE
    row3 = pl.BlockSpec((2, T, 128), lambda i: (0, i, 0))
    return pl.pallas_call(
        _tc4_body,
        grid=(_GRID,),
        in_specs=[
            row3, row3,
            pl.BlockSpec((T, 128), lambda i: (i, 0)),
            pl.BlockSpec((128, 256), lambda i: (0, 0)),
            pl.BlockSpec((128, 256), lambda i: (0, 0)),
            pl.BlockSpec((128,), lambda i: (0,)),
        ],
        out_specs=pl.BlockSpec((T, 128), lambda i: (i, 0)),
        out_shape=jax.ShapeDtypeStruct((_N, 128), _f32),
    )(acc, h, cnt, wl, wr, b)


_B = 128
_EP = 323584
_HP = 5120
_AR = 5248
_RIN = _AR // 16
_RWB = _HP // 16
_NBLK = _EP // _B // 16


@functools.lru_cache(maxsize=None)
def _sc_mesh():
    return plsc.VectorSubcoreMesh(core_axis_name="c", subcore_axis_name="s")


def _remap_dst(dstv, part_base):
    basev = jnp.full((16,), part_base, jnp.int32)
    dumpv = jnp.full((16,), _HP, jnp.int32)
    for j in range(_B // 16):
        sl = pl.ds(j * 16, 16)
        local = dstv[sl] - basev
        ok = (local >= 0) & (local < _HP)
        dstv[sl] = jnp.where(ok, local, dumpv)


def _agg_pass(c, s, tab_h, src_h, dst_h, srcv, dstv, rows, accs, sem,
              part_base, src_off):
    def blk(i, carry):
        off = (s + 16 * i) * _B
        pltpu.sync_copy(src_h.at[pl.ds(off, _B)], srcv)
        if src_off is not None:
            for j in range(_B // 16):
                sl = pl.ds(j * 16, 16)
                srcv[sl] = srcv[sl] + src_off
        pltpu.async_copy(tab_h.at[srcv], rows, sem).wait()
        pltpu.sync_copy(dst_h.at[pl.ds(off, _B)], dstv)
        _remap_dst(dstv, part_base)
        pltpu.sync_copy(rows, accs.at[dstv], add=True)
        return carry

    lax.fori_loop(0, _NBLK, blk, 0)


def _slab_init(s, z_h, dst):
    r0 = s * _RIN
    pltpu.sync_copy(z_h.at[pl.ds(r0, _RIN)], dst.at[pl.ds(r0, _RIN)])


def _slab_wb(s, src, out_h, row_base, lead=None):
    r0 = s * _RWB
    if lead is None:
        dst = out_h.at[pl.ds(row_base + r0, _RWB)]
    else:
        dst = out_h.at[lead, pl.ds(row_base + r0, _RWB)]
    pltpu.sync_copy(src.at[pl.ds(r0, _RWB)], dst)


def _sc0_body(ones_h, dst_h, zacc_h, cnt_o, dstv, onesv, accs):
    c = lax.axis_index("c")
    s = lax.axis_index("s")
    _slab_init(s, zacc_h, accs)
    pltpu.sync_copy(ones_h, onesv)
    plsc.subcore_barrier()

    def blk(i, carry):
        off = (s + 16 * i) * _B
        pltpu.sync_copy(dst_h.at[pl.ds(off, _B)], dstv)
        _remap_dst(dstv, c * _HP)
        pltpu.sync_copy(onesv, accs.at[dstv], add=True)
        return carry

    lax.fori_loop(0, _NBLK, blk, 0)
    plsc.subcore_barrier()
    _slab_wb(s, accs, cnt_o, c * _HP)


def _sc0(ones128, dst, zacc):
    f = functools.partial(
        pl.kernel,
        out_type=jax.ShapeDtypeStruct((2 * _HP, 128), _f32),
        mesh=_sc_mesh(),
        scratch_types=[
            pltpu.VMEM((_B,), jnp.int32),
            pltpu.VMEM((_B, 128), _f32),
            pltpu.VMEM_SHARED((_AR, 128), _f32),
        ],
    )(_sc0_body)
    return f(ones128, dst, zacc)


def _sc1_body(x_h, src_h, dst_h, zacc_h, acc_o, srcv, dstv, rows, accs, sem):
    c = lax.axis_index("c")
    s = lax.axis_index("s")
    _slab_init(s, zacc_h, accs)
    plsc.subcore_barrier()
    _agg_pass(c, s, x_h, src_h, dst_h, srcv, dstv, rows, accs, sem,
              part_base=c * _HP, src_off=None)
    plsc.subcore_barrier()
    _slab_wb(s, accs, acc_o, c * _HP)


def _sc1(x, src, dst, zacc):
    f = functools.partial(
        pl.kernel,
        out_type=jax.ShapeDtypeStruct((2 * _HP, 128), _f32),
        mesh=_sc_mesh(),
        scratch_types=[
            pltpu.VMEM((_B,), jnp.int32),
            pltpu.VMEM((_B,), jnp.int32),
            pltpu.VMEM((_B, 128), _f32),
            pltpu.VMEM_SHARED((_AR, 128), _f32),
            pltpu.SemaphoreType.DMA,
        ],
    )(_sc1_body)
    return f(x, src, dst, zacc)


def _sc2_body(tab_h, src_h, dst_h, zacc_h, acc_o,
              srcv, dstv, rows, accs, sem):
    c = lax.axis_index("c")
    s = lax.axis_index("s")
    src_off = jnp.full((16,), c * _N, jnp.int32)
    for p in (0, 1):
        _slab_init(s, zacc_h, accs)
        plsc.subcore_barrier()
        _agg_pass(c, s, tab_h, src_h, dst_h, srcv, dstv, rows, accs, sem,
                  part_base=p * _HP, src_off=src_off)
        plsc.subcore_barrier()
        _slab_wb(s, accs, acc_o, p * _HP, lead=c)
        plsc.subcore_barrier()


def _sc2(tab, src, dst, zacc):
    f = functools.partial(
        pl.kernel,
        out_type=jax.ShapeDtypeStruct((2, 2 * _HP, 128), _f32),
        mesh=_sc_mesh(),
        scratch_types=[
            pltpu.VMEM((_B,), jnp.int32),
            pltpu.VMEM((_B,), jnp.int32),
            pltpu.VMEM((_B, 128), _f32),
            pltpu.VMEM_SHARED((_AR, 128), _f32),
            pltpu.SemaphoreType.DMA,
        ],
    )(_sc2_body)
    return f(tab, src, dst, zacc)


def kernel(x, edge_index, enc_Wl1, enc_Wr1, enc_b1, enc_Wl2, enc_Wr2, enc_b2,
           reg_W, reg_b, g1_W, g1_b, g2_W, g2_b, gf_W, gf_b,
           cls_Wl1, cls_Wr1, cls_b1, cls_Wl2, cls_Wr2, cls_b2, noise):
    src = edge_index[0].astype(jnp.int32)
    dst = edge_index[1].astype(jnp.int32)
    pad = _EP - _E
    src = jnp.concatenate([src, jnp.zeros((pad,), jnp.int32)])
    dst = jnp.concatenate([dst, jnp.full((pad,), _N, jnp.int32)])
    zacc = jnp.zeros((_AR, 128), _f32)
    ones128 = jnp.ones((_B, 128), _f32)

    cnt = _sc0(ones128, dst, zacc)
    acc1 = _sc1(x, src, dst, zacc)
    h_enc, h_cls = _tc1(acc1, cnt, x, enc_Wl1, enc_Wr1, enc_b1,
                        cls_Wl1, cls_Wr1, cls_b1)
    acc2e = _sc2(h_enc.reshape(2 * _N, 128), src, dst, zacc)
    acc2c = _sc2(h_cls.reshape(2 * _N, 128), src, dst, zacc)
    degree, g1 = _tc2(acc2e, h_enc, cnt, noise, enc_Wl2, enc_Wr2, enc_b2,
                      reg_W, reg_b, g1_W, g1_b)
    nc = _tc4(acc2c, h_cls, cnt, cls_Wl2, cls_Wr2, cls_b2)
    gen_feat = _tc3(g1, g2_W, g2_b, gf_W, gf_b)
    return degree, gen_feat, nc

# --- scband reference (transcript-rebuilt; emitter-appended) ---
"""Pipeline reference for scband-local-sage-plus-20383914787277 (READ-ONLY COPY).

The authoritative reference and input builder live on the scoring server;
editing this copy changes nothing except your own understanding.
"""

import jax, jax.numpy as jnp
import numpy as np

N = 10000
E = 320000
D = 128
HID = 256
GEN = 128
OUT = 128
NUM_PRED = 5

def _glorot(key, shape):
    lim = float(np.sqrt(6.0 / (shape[0] + shape[1])))
    return jax.random.uniform(key, shape, minval=-lim, maxval=lim, dtype=jnp.float32)

def setup_inputs(seed: int = 0):
    key = jax.random.key(seed)
    ks = jax.random.split(key, 16)
    inp = {}
    inp["x"] = jax.random.normal(ks[0], (N, D), dtype=jnp.float32)
    inp["edge_index"] = jax.random.randint(ks[1], (2, E), 0, N, dtype=jnp.int32)
    inp["enc_Wl1"] = _glorot(ks[2], (HID, D)); inp["enc_Wr1"] = _glorot(ks[3], (HID, D)); inp["enc_b1"] = jnp.zeros((HID,), jnp.float32)
    inp["enc_Wl2"] = _glorot(ks[4], (GEN, HID)); inp["enc_Wr2"] = _glorot(ks[5], (GEN, HID)); inp["enc_b2"] = jnp.zeros((GEN,), jnp.float32)
    inp["reg_W"] = _glorot(ks[6], (1, GEN)); inp["reg_b"] = jnp.zeros((1,), jnp.float32)
    inp["g1_W"] = _glorot(ks[7], (256, GEN)); inp["g1_b"] = jnp.zeros((256,), jnp.float32)
    inp["g2_W"] = _glorot(ks[8], (2048, 256)); inp["g2_b"] = jnp.zeros((2048,), jnp.float32)
    inp["gf_W"] = _glorot(ks[9], (NUM_PRED * D, 2048)); inp["gf_b"] = jnp.zeros((NUM_PRED * D,), jnp.float32)
    inp["cls_Wl1"] = _glorot(ks[10], (HID, D)); inp["cls_Wr1"] = _glorot(ks[11], (HID, D)); inp["cls_b1"] = jnp.zeros((HID,), jnp.float32)
    inp["cls_Wl2"] = _glorot(ks[12], (OUT, HID)); inp["cls_Wr2"] = _glorot(ks[13], (OUT, HID)); inp["cls_b2"] = jnp.zeros((OUT,), jnp.float32)
    inp["noise"] = jax.random.normal(ks[14], (N, GEN), dtype=jnp.float32)
    return inp

def _sage_conv(x, src, dst, Wl, Wr, b):
    n = x.shape[0]
    msg = jnp.take(x, src, axis=0)
    s = jax.ops.segment_sum(msg, dst, num_segments=n + 1)[:n]
    cnt = jax.ops.segment_sum(jnp.ones(src.shape, jnp.float32), dst, num_segments=n + 1)[:n]
    agg = s / jnp.maximum(cnt, 1.0)[:, None]
    return agg @ Wl.T + x @ Wr.T + b

def _sage_net(x, src, dst, Wl1, Wr1, b1, Wl2, Wr2, b2):
    h = jax.nn.relu(_sage_conv(x, src, dst, Wl1, Wr1, b1))
    return _sage_conv(h, src, dst, Wl2, Wr2, b2)

def _forward(p, edge_index):
    src = edge_index[0].astype(jnp.int32)
    dst = edge_index[1].astype(jnp.int32)
    x = p["x"]
    z = _sage_net(x, src, dst, p["enc_Wl1"], p["enc_Wr1"], p["enc_b1"], p["enc_Wl2"], p["enc_Wr2"], p["enc_b2"])
    degree = jax.nn.relu(z @ p["reg_W"].T + p["reg_b"])
    g = z + p["noise"]
    g = jax.nn.relu(g @ p["g1_W"].T + p["g1_b"])
    g = jax.nn.relu(g @ p["g2_W"].T + p["g2_b"])
    gen_feat = jnp.tanh(g @ p["gf_W"].T + p["gf_b"])
    num_node = x.shape[0]
    deg_i = jnp.clip(jnp.round(jax.lax.stop_gradient(degree[:, 0])).astype(jnp.int32), 0, NUM_PRED)
    js = jnp.tile(jnp.arange(NUM_PRED, dtype=jnp.int32), num_node)
    new_src = jnp.repeat(jnp.arange(num_node, dtype=jnp.int32), NUM_PRED)
    total = num_node * (1 + NUM_PRED)
    new_dst0 = num_node + jnp.arange(num_node * NUM_PRED, dtype=jnp.int32)
    valid = js < jnp.repeat(deg_i, NUM_PRED)
    new_dst = jnp.where(valid, new_dst0, jnp.int32(total))
    fill_x = jnp.concatenate([jax.lax.stop_gradient(x), gen_feat.reshape(-1, D)], axis=0)
    fsrc = jnp.concatenate([src, new_src])
    fdst = jnp.concatenate([dst, new_dst])
    nc = _sage_net(fill_x, fsrc, fdst, p["cls_Wl1"], p["cls_Wr1"], p["cls_b1"], p["cls_Wl2"], p["cls_Wr2"], p["cls_b2"])
    return degree, gen_feat, nc[:num_node]

def reference(x, edge_index, enc_Wl1, enc_Wr1, enc_b1, enc_Wl2, enc_Wr2, enc_b2,
              reg_W, reg_b, g1_W, g1_b, g2_W, g2_b, gf_W, gf_b,
              cls_Wl1, cls_Wr1, cls_b1, cls_Wl2, cls_Wr2, cls_b2, noise):
    inp = {
        "x": x,
        "enc_Wl1": enc_Wl1, "enc_Wr1": enc_Wr1, "enc_b1": enc_b1,
        "enc_Wl2": enc_Wl2, "enc_Wr2": enc_Wr2, "enc_b2": enc_b2,
        "reg_W": reg_W, "reg_b": reg_b,
        "g1_W": g1_W, "g1_b": g1_b,
        "g2_W": g2_W, "g2_b": g2_b,
        "gf_W": gf_W, "gf_b": gf_b,
        "cls_Wl1": cls_Wl1, "cls_Wr1": cls_Wr1, "cls_b1": cls_b1,
        "cls_Wl2": cls_Wl2, "cls_Wr2": cls_Wr2, "cls_b2": cls_b2,
        "noise": noise,
    }
    return _forward(inp, edge_index)

if __name__ == "__main__":
    import jax
    _d = setup_inputs()
    print(jax.jit(kernel)(*tuple(_d.values())))

</pallas_src>

<mosaic_0001>
#map = affine_map<(d0, d1) -> (0, 0)>
#map1 = affine_map<(d0, d1) -> (0)>
module attributes {stable_mosaic.version = 14 : i64} {
  func.func @_sc1_body(%arg0: i32, %arg1: i32, %arg2: memref<10000x128xf32, #tpu.memory_space<hbm>>, %arg3: memref<323584xi32, #tpu.memory_space<hbm>>, %arg4: memref<323584xi32, #tpu.memory_space<hbm>>, %arg5: memref<5248x128xf32, #tpu.memory_space<hbm>>, %arg6: memref<10240x128xf32, #tpu.memory_space<hbm>>, %arg7: memref<128xi32, #tpu.memory_space<vmem>>, %arg8: memref<128xi32, #tpu.memory_space<vmem>>, %arg9: memref<128x128xf32, #tpu.memory_space<vmem>>, %arg10: memref<5248x128xf32, #tpu.memory_space<vmem_shared>>, %arg11: memref<!tpu.dma_semaphore, #tpu.memory_space<semaphore_mem>>) attributes {dimension_semantics = [#tpu.dimension_semantics<core_parallel>, #tpu.dimension_semantics<subcore_parallel>], iteration_bounds = array<i64: 2, 16>, scalar_prefetch = 0 : i64, scratch_operands = 5 : i64, tpu.core_type = #tpu.core_type<sc_vector_subcore>, window_params = [{transform_indices = #map}, {transform_indices = #map1}, {transform_indices = #map1}, {transform_indices = #map}, {transform_indices = #map}]} {
    %mul3A = arith.constant 328 : i32
    %mul3A_0 = arith.muli %arg1, %mul3A : i32
    "tpu.region"() ({
      %run_scoped3A = tpu.sem_alloc : memref<!tpu.dma_semaphore, #tpu.memory_space<semaphore_mem>>
      %dma_start3A = arith.constant 0 : i32
      %dma_start3A_13 = tpu.memref_slice %arg10[%mul3A_0, %dma_start3A] : memref<5248x128xf32, #tpu.memory_space<vmem_shared>> -> memref<328x128xf32, #tpu.memory_space<vmem_shared>>
      %dma_start3A_14 = arith.constant 0 : i32
      %dma_start3A_15 = tpu.memref_slice %arg5[%mul3A_0, %dma_start3A_14] : memref<5248x128xf32, #tpu.memory_space<hbm>> -> memref<328x128xf32, #tpu.memory_space<hbm>>
      tpu.enqueue_dma source(%dma_start3A_15 : memref<328x128xf32, #tpu.memory_space<hbm>>) target(%dma_start3A_13 : memref<328x128xf32, #tpu.memory_space<vmem_shared>>) target_semaphore(%run_scoped3A : memref<!tpu.dma_semaphore, #tpu.memory_space<semaphore_mem>>)
      %dma_wait3A = arith.constant 0 : i32
      %dma_wait3A_16 = tpu.memref_slice %arg10[%mul3A_0, %dma_wait3A] : memref<5248x128xf32, #tpu.memory_space<vmem_shared>> -> memref<328x128xf32, #tpu.memory_space<vmem_shared>>
      %dma_wait3A_17 = arith.constant 0 : i32
      %dma_wait3A_18 = tpu.memref_slice %arg5[%mul3A_0, %dma_wait3A_17] : memref<5248x128xf32, #tpu.memory_space<hbm>> -> memref<328x128xf32, #tpu.memory_space<hbm>>
      tpu.wait_dma2 semaphore(%run_scoped3A : memref<!tpu.dma_semaphore, #tpu.memory_space<semaphore_mem>>) src(%dma_wait3A_18 : memref<328x128xf32, #tpu.memory_space<hbm>>) dst(%dma_wait3A_16 : memref<328x128xf32, #tpu.memory_space<vmem_shared>>)
      tpu.yield
    }) : () -> ()
    %barrier3A = arith.constant 0 : index
    tpu.barrier barrier_id(%barrier3A)
    %mul3A_1 = arith.constant 5120 : i32
    %mul3A_2 = arith.muli %arg0, %mul3A_1 : i32
    %scan3A = arith.constant 0 : i32
    %scan3A_3 = arith.constant 0 : i32
    %scan3A_4 = arith.constant 158 : i32
    %scan3A_5 = arith.addi %scan3A_3, %scan3A_4 : i32
    %scan3A_6 = arith.constant 1 : i32
    scf.for %scan3A_13 = %scan3A_3 to %scan3A_5 step %scan3A_6  : i32 {
      %mul3A_14 = arith.constant 16 : i32
      %mul3A_15 = arith.muli %mul3A_14, %scan3A_13 : i32
      %add3A_16 = arith.addi %arg1, %mul3A_15 : i32
      %mul3A_17 = arith.constant 128 : i32
      %mul3A_18 = arith.muli %add3A_16, %mul3A_17 : i32
      "tpu.region"() ({
        %run_scoped3A = tpu.sem_alloc : memref<!tpu.dma_semaphore, #tpu.memory_space<semaphore_mem>>
        %dma_start3A_146 = tpu.memref_slice %arg3[%mul3A_18] : memref<323584xi32, #tpu.memory_space<hbm>> -> memref<128xi32, #tpu.memory_space<hbm>>
        %dma_start3A_147 = tpu.memref_slice %arg3[%mul3A_18] : memref<323584xi32, #tpu.memory_space<hbm>> -> memref<128xi32, #tpu.memory_space<hbm>>
        tpu.enqueue_dma source(%dma_start3A_147 : memref<128xi32, #tpu.memory_space<hbm>>) target(%arg7 : memref<128xi32, #tpu.memory_space<vmem>>) target_semaphore(%run_scoped3A : memref<!tpu.dma_semaphore, #tpu.memory_space<semaphore_mem>>)
        %dma_wait3A_148 = tpu.memref_slice %arg3[%mul3A_18] : memref<323584xi32, #tpu.memory_space<hbm>> -> memref<128xi32, #tpu.memory_space<hbm>>
        %dma_wait3A_149 = tpu.memref_slice %arg3[%mul3A_18] : memref<323584xi32, #tpu.memory_space<hbm>> -> memref<128xi32, #tpu.memory_space<hbm>>
        tpu.wait_dma2 semaphore(%run_scoped3A : memref<!tpu.dma_semaphore, #tpu.memory_space<semaphore_mem>>) src(%dma_wait3A_149 : memref<128xi32, #tpu.memory_space<hbm>>) dst(%arg7 : memref<128xi32, #tpu.memory_space<vmem>>)
        tpu.yield
      }) : () -> ()
      %dma_start3A = arith.constant 0 : i32
      %dma_start3A_19 = arith.constant 0 : i32
      %dma_start3A_20 = tpu.memref_slice %arg2[%dma_start3A, %dma_start3A_19] : memref<10000x128xf32, #tpu.memory_space<hbm>> -> memref<10000x128xf32, #tpu.memory_space<hbm>>
      tpu.enqueue_indirect_dma source(%dma_start3A_20 : memref<10000x128xf32, #tpu.memory_space<hbm>>) target(%arg9 : memref<128x128xf32, #tpu.memory_space<vmem>>) offsets(%arg7 : memref<128xi32, #tpu.memory_space<vmem>>) semaphore(%arg11 : memref<!tpu.dma_semaphore, #tpu.memory_space<semaphore_mem>>)
      %dma_wait3A = arith.constant 0 : i32
      %dma_wait3A_21 = arith.constant 0 : i32
      %dma_wait3A_22 = tpu.memref_slice %arg2[%dma_wait3A, %dma_wait3A_21] : memref<10000x128xf32, #tpu.memory_space<hbm>> -> memref<10000x128xf32, #tpu.memory_space<hbm>>
      tpu.wait_indirect_dma semaphore(%arg11 : memref<!tpu.dma_semaphore, #tpu.memory_space<semaphore_mem>>) src(%dma_wait3A_22 : memref<10000x128xf32, #tpu.memory_space<hbm>>) dst(%arg9 : memref<128x128xf32, #tpu.memory_space<vmem>>)
      "tpu.region"() ({
        %run_scoped3A = tpu.sem_alloc : memref<!tpu.dma_semaphore, #tpu.memory_space<semaphore_mem>>
        %dma_start3A_146 = tpu.memref_slice %arg4[%mul3A_18] : memref<323584xi32, #tpu.memory_space<hbm>> -> memref<128xi32, #tpu.memory_space<hbm>>
        %dma_start3A_147 = tpu.memref_slice %arg4[%mul3A_18] : memref<323584xi32, #tpu.memory_space<hbm>> -> memref<128xi32, #tpu.memory_space<hbm>>
        tpu.enqueue_dma source(%dma_start3A_147 : memref<128xi32, #tpu.memory_space<hbm>>) target(%arg8 : memref<128xi32, #tpu.memory_space<vmem>>) target_semaphore(%run_scoped3A : memref<!tpu.dma_semaphore, #tpu.memory_space<semaphore_mem>>)
        %dma_wait3A_148 = tpu.memref_slice %arg4[%mul3A_18] : memref<323584xi32, #tpu.memory_space<hbm>> -> memref<128xi32, #tpu.memory_space<hbm>>
        %dma_wait3A_149 = tpu.memref_slice %arg4[%mul3A_18] : memref<323584xi32, #tpu.memory_space<hbm>> -> memref<128xi32, #tpu.memory_space<hbm>>
        tpu.wait_dma2 semaphore(%run_scoped3A : memref<!tpu.dma_semaphore, #tpu.memory_space<semaphore_mem>>) src(%dma_wait3A_149 : memref<128xi32, #tpu.memory_space<hbm>>) dst(%arg8 : memref<128xi32, #tpu.memory_space<vmem>>)
        tpu.yield
      }) : () -> ()
      %broadcast_in_dim3A = vector.broadcast %mul3A_2 : i32 to vector<16xi32>
      %broadcast_in_dim3A_23 = arith.constant 5120 : i32
      %broadcast_in_dim3A_24 = vector.broadcast %broadcast_in_dim3A_23 : i32 to vector<16xi32>
      %get3A = arith.constant 0 : index
      %get3A_25 = tpu.vector_load %arg8[%get3A] {strides = array<i32>} : memref<128xi32, #tpu.memory_space<vmem>>, vector<16xi32>,
      %get3A_26 = vector.shape_cast %get3A_25 : vector<16xi32> to vector<16xi32>
      %sub3A = arith.subi %get3A_26, %broadcast_in_dim3A : vector<16xi32>
      %ge3A = arith.constant 0 : i32
      %ge3A_27 = vector.broadcast %ge3A : i32 to vector<16xi32>
      %ge3A_28 = arith.cmpi sge, %sub3A, %ge3A_27 : vector<16xi32>
      %lt3A = arith.constant 5120 : i32
      %lt3A_29 = vector.broadcast %lt3A : i32 to vector<16xi32>
      %lt3A_30 = arith.cmpi slt, %sub3A, %lt3A_29 : vector<16xi32>
      %and3A = arith.andi %ge3A_28, %lt3A_30 : vector<16xi1>
      %select_n3A = arith.select %and3A, %sub3A, %broadcast_in_dim3A_24 : vector<16xi1>, vector<16xi32>
      %swap3A = arith.constant 0 : index
      %swap3A_31 = tpu.vector_load %arg8[%swap3A] {strides = array<i32>} : memref<128xi32, #tpu.memory_space<vmem>>, vector<16xi32>,
      %swap3A_32 = vector.shape_cast %swap3A_31 : vector<16xi32> to vector<16xi32>
      %swap3A_33 = vector.shape_cast %select_n3A : vector<16xi32> to vector<16xi32>
      tpu.vector_store %arg8[%swap3A], %swap3A_33 {strides = array<i32>} : memref<128xi32, #tpu.memory_space<vmem>>, vector<16xi32>,
      %get3A_34 = arith.constant 16 : index
      %get3A_35 = tpu.vector_load %arg8[%get3A_34] {strides = array<i32>} : memref<128xi32, #tpu.memory_space<vmem>>, vector<16xi32>,
      %get3A_36 = vector.shape_cast %get3A_35 : vector<16xi32> to vector<16xi32>
      %sub3A_37 = arith.subi %get3A_36, %broadcast_in_dim3A : vector<16xi32>
      %ge3A_38 = arith.constant 0 : i32
      %ge3A_39 = vector.broadcast %ge3A_38 : i32 to vector<16xi32>
      %ge3A_40 = arith.cmpi sge, %sub3A_37, %ge3A_39 : vector<16xi32>
      %lt3A_41 = arith.constant 5120 : i32
      %lt3A_42 = vector.broadcast %lt3A_41 : i32 to vector<16xi32>
      %lt3A_43 = arith.cmpi slt, %sub3A_37, %lt3A_42 : vector<16xi32>
      %and3A_44 = arith.andi %ge3A_40, %lt3A_43 : vector<16xi1>
      %select_n3A_45 = arith.select %and3A_44, %sub3A_37, %broadcast_in_dim3A_24 : vector<16xi1>, vector<16xi32>
      %swap3A_46 = arith.constant 16 : index
      %swap3A_47 = tpu.vector_load %arg8[%swap3A_46] {strides = array<i32>} : memref<128xi32, #tpu.memory_space<vmem>>, vector<16xi32>,
      %swap3A_48 = vector.shape_cast %swap3A_47 : vector<16xi32> to vector<16xi32>
      %swap3A_49 = vector.shape_cast %select_n3A_45 : vector<16xi32> to vector<16xi32>
      tpu.vector_store %arg8[%swap3A_46], %swap3A_49 {strides = array<i32>} : memref<128xi32, #tpu.memory_space<vmem>>, vector<16xi32>,
      %get3A_50 = arith.constant 32 : index
      %get3A_51 = tpu.vector_load %arg8[%get3A_50] {strides = array<i32>} : memref<128xi32, #tpu.memory_space<vmem>>, vector<16xi32>,
      %get3A_52 = vector.shape_cast %get3A_51 : vector<16xi32> to vector<16xi32>
      %sub3A_53 = arith.subi %get3A_52, %broadcast_in_dim3A : vector<16xi32>
      %ge3A_54 = arith.constant 0 : i32
      %ge3A_55 = vector.broadcast %ge3A_54 : i32 to vector<16xi32>
      %ge3A_56 = arith.cmpi sge, %sub3A_53, %ge3A_55 : vector<16xi32>
      %lt3A_57 = arith.constant 5120 : i32
      %lt3A_58 = vector.broadcast %lt3A_57 : i32 to vector<16xi32>
      %lt3A_59 = arith.cmpi slt, %sub3A_53, %lt3A_58 : vector<16xi32>
      %and3A_60 = arith.andi %ge3A_56, %lt3A_59 : vector<16xi1>
      %select_n3A_61 = arith.select %and3A_60, %sub3A_53, %broadcast_in_dim3A_24 : vector<16xi1>, vector<16xi32>
      %swap3A_62 = arith.constant 32 : index
      %swap3A_63 = tpu.vector_load %arg8[%swap3A_62] {strides = array<i32>} : memref<128xi32, #tpu.memory_space<vmem>>, vector<16xi32>,
      %swap3A_64 = vector.shape_cast %swap3A_63 : vector<16xi32> to vector<16xi32>
      %swap3A_65 = vector.shape_cast %select_n3A_61 : vector<16xi32> to vector<16xi32>
      tpu.vector_store %arg8[%swap3A_62], %swap3A_65 {strides = array<i32>} : memref<128xi32, #tpu.memory_space<vmem>>, vector<16xi32>,
      %get3A_66 = arith.constant 48 : index
      %get3A_67 = tpu.vector_load %arg8[%get3A_66] {strides = array<i32>} : memref<128xi32, #tpu.memory_space<vmem>>, vector<16xi32>,
      %get3A_68 = vector.shape_cast %get3A_67 : vector<16xi32> to vector<16xi32>
      %sub3A_69 = arith.subi %get3A_68, %broadcast_in_dim3A : vector<16xi32>
      %ge3A_70 = arith.constant 0 : i32
      %ge3A_71 = vector.broadcast %ge3A_70 : i32 to vector<16xi32>
      %ge3A_72 = arith.cmpi sge, %sub3A_69, %ge3A_71 : vector<16xi32>
      %lt3A_73 = arith.constant 5120 : i32
      %lt3A_74 = vector.broadcast %lt3A_73 : i32 to vector<16xi32>
      %lt3A_75 = arith.cmpi slt, %sub3A_69, %lt3A_74 : vector<16xi32>
      %and3A_76 = arith.andi %ge3A_72, %lt3A_75 : vector<16xi1>
      %select_n3A_77 = arith.select %and3A_76, %sub3A_69, %broadcast_in_dim3A_24 : vector<16xi1>, vector<16xi32>
      %swap3A_78 = arith.constant 48 : index
      %swap3A_79 = tpu.vector_load %arg8[%swap3A_78] {strides = array<i32>} : memref<128xi32, #tpu.memory_space<vmem>>, vector<16xi32>,
      %swap3A_80 = vector.shape_cast %swap3A_79 : vector<16xi32> to vector<16xi32>
      %swap3A_81 = vector.shape_cast %select_n3A_77 : vector<16xi32> to vector<16xi32>
      tpu.vector_store %arg8[%swap3A_78], %swap3A_81 {strides = array<i32>} : memref<128xi32, #tpu.memory_space<vmem>>, vector<16xi32>,
      %get3A_82 = arith.constant 64 : index
      %get3A_83 = tpu.vector_load %arg8[%get3A_82] {strides = array<i32>} : memref<128xi32, #tpu.memory_space<vmem>>, vector<16xi32>,
      %get3A_84 = vector.shape_cast %get3A_83 : vector<16xi32> to vector<16xi32>
      %sub3A_85 = arith.subi %get3A_84, %broadcast_in_dim3A : vector<16xi32>
      %ge3A_86 = arith.constant 0 : i32
      %ge3A_87 = vector.broadcast %ge3A_86 : i32 to vector<16xi32>
      %ge3A_88 = arith.cmpi sge, %sub3A_85, %ge3A_87 : vector<16xi32>
      %lt3A_89 = arith.constant 5120 : i32
      %lt3A_90 = vector.broadcast %lt3A_89 : i32 to vector<16xi32>
      %lt3A_91 = arith.cmpi slt, %sub3A_85, %lt3A_90 : vector<16xi32>
      %and3A_92 = arith.andi %ge3A_88, %lt3A_91 : vector<16xi1>
      %select_n3A_93 = arith.select %and3A_92, %sub3A_85, %broadcast_in_dim3A_24 : vector<16xi1>, vector<16xi32>
      %swap3A_94 = arith.constant 64 : index
      %swap3A_95 = tpu.vector_load %arg8[%swap3A_94] {strides = array<i32>} : memref<128xi32, #tpu.memory_space<vmem>>, vector<16xi32>,
      %swap3A_96 = vector.shape_cast %swap3A_95 : vector<16xi32> to vector<16xi32>
      %swap3A_97 = vector.shape_cast %select_n3A_93 : vector<16xi32> to vector<16xi32>
      tpu.vector_store %arg8[%swap3A_94], %swap3A_97 {strides = array<i32>} : memref<128xi32, #tpu.memory_space<vmem>>, vector<16xi32>,
      %get3A_98 = arith.constant 80 : index
      %get3A_99 = tpu.vector_load %arg8[%get3A_98] {strides = array<i32>} : memref<128xi32, #tpu.memory_space<vmem>>, vector<16xi32>,
      %get3A_100 = vector.shape_cast %get3A_99 : vector<16xi32> to vector<16xi32>
      %sub3A_101 = arith.subi %get3A_100, %broadcast_in_dim3A : vector<16xi32>
      %ge3A_102 = arith.constant 0 : i32
      %ge3A_103 = vector.broadcast %ge3A_102 : i32 to vector<16xi32>
      %ge3A_104 = arith.cmpi sge, %sub3A_101, %ge3A_103 : vector<16xi32>
      %lt3A_105 = arith.constant 5120 : i32
      %lt3A_106 = vector.broadcast %lt3A_105 : i32 to vector<16xi32>
      %lt3A_107 = arith.cmpi slt, %sub3A_101, %lt3A_106 : vector<16xi32>
      %and3A_108 = arith.andi %ge3A_104, %lt3A_107 : vector<16xi1>
      %select_n3A_109 = arith.select %and3A_108, %sub3A_101, %broadcast_in_dim3A_24 : vector<16xi1>, vector<16xi32>
      %swap3A_110 = arith.constant 80 : index
      %swap3A_111 = tpu.vector_load %arg8[%swap3A_110] {strides = array<i32>} : memref<128xi32, #tpu.memory_space<vmem>>, vector<16xi32>,
      %swap3A_112 = vector.shape_cast %swap3A_111 : vector<16xi32> to vector<16xi32>
      %swap3A_113 = vector.shape_cast %select_n3A_109 : vector<16xi32> to vector<16xi32>
      tpu.vector_store %arg8[%swap3A_110], %swap3A_113 {strides = array<i32>} : memref<128xi32, #tpu.memory_space<vmem>>, vector<16xi32>,
      %get3A_114 = arith.constant 96 : index
      %get3A_115 = tpu.vector_load %arg8[%get3A_114] {strides = array<i32>} : memref<128xi32, #tpu.memory_space<vmem>>, vector<16xi32>,
      %get3A_116 = vector.shape_cast %get3A_115 : vector<16xi32> to vector<16xi32>
      %sub3A_117 = arith.subi %get3A_116, %broadcast_in_dim3A : vector<16xi32>
      %ge3A_118 = arith.constant 0 : i32
      %ge3A_119 = vector.broadcast %ge3A_118 : i32 to vector<16xi32>
      %ge3A_120 = arith.cmpi sge, %sub3A_117, %ge3A_119 : vector<16xi32>
      %lt3A_121 = arith.constant 5120 : i32
      %lt3A_122 = vector.broadcast %lt3A_121 : i32 to vector<16xi32>
      %lt3A_123 = arith.cmpi slt, %sub3A_117, %lt3A_122 : vector<16xi32>
      %and3A_124 = arith.andi %ge3A_120, %lt3A_123 : vector<16xi1>
      %select_n3A_125 = arith.select %and3A_124, %sub3A_117, %broadcast_in_dim3A_24 : vector<16xi1>, vector<16xi32>
      %swap3A_126 = arith.constant 96 : index
      %swap3A_127 = tpu.vector_load %arg8[%swap3A_126] {strides = array<i32>} : memref<128xi32, #tpu.memory_space<vmem>>, vector<16xi32>,
      %swap3A_128 = vector.shape_cast %swap3A_127 : vector<16xi32> to vector<16xi32>
      %swap3A_129 = vector.shape_cast %select_n3A_125 : vector<16xi32> to vector<16xi32>
      tpu.vector_store %arg8[%swap3A_126], %swap3A_129 {strides = array<i32>} : memref<128xi32, #tpu.memory_space<vmem>>, vector<16xi32>,
      %get3A_130 = arith.constant 112 : index
      %get3A_131 = tpu.vector_load %arg8[%get3A_130] {strides = array<i32>} : memref<128xi32, #tpu.memory_space<vmem>>, vector<16xi32>,
      %get3A_132 = vector.shape_cast %get3A_131 : vector<16xi32> to vector<16xi32>
      %sub3A_133 = arith.subi %get3A_132, %broadcast_in_dim3A : vector<16xi32>
      %ge3A_134 = arith.constant 0 : i32
      %ge3A_135 = vector.broadcast %ge3A_134 : i32 to vector<16xi32>
      %ge3A_136 = arith.cmpi sge, %sub3A_133, %ge3A_135 : vector<16xi32>
      %lt3A_137 = arith.constant 5120 : i32
      %lt3A_138 = vector.broadcast %lt3A_137 : i32 to vector<16xi32>
      %lt3A_139 = arith.cmpi slt, %sub3A_133, %lt3A_138 : vector<16xi32>
      %and3A_140 = arith.andi %ge3A_136, %lt3A_139 : vector<16xi1>
      %select_n3A_141 = arith.select %and3A_140, %sub3A_133, %broadcast_in_dim3A_24 : vector<16xi1>, vector<16xi32>
      %swap3A_142 = arith.constant 112 : index
      %swap3A_143 = tpu.vector_load %arg8[%swap3A_142] {strides = array<i32>} : memref<128xi32, #tpu.memory_space<vmem>>, vector<16xi32>,
      %swap3A_144 = vector.shape_cast %swap3A_143 : vector<16xi32> to vector<16xi32>
      %swap3A_145 = vector.shape_cast %select_n3A_141 : vector<16xi32> to vector<16xi32>
      tpu.vector_store %arg8[%swap3A_142], %swap3A_145 {strides = array<i32>} : memref<128xi32, #tpu.memory_space<vmem>>, vector<16xi32>,
      "tpu.region"() ({
        %run_scoped3A = tpu.sem_alloc : memref<!tpu.dma_semaphore, #tpu.memory_space<semaphore_mem>>
        %dma_start3A_146 = arith.constant 0 : i32
        %dma_start3A_147 = arith.constant 0 : i32
        %dma_start3A_148 = tpu.memref_slice %arg10[%dma_start3A_146, %dma_start3A_147] : memref<5248x128xf32, #tpu.memory_space<vmem_shared>> -> memref<5248x128xf32, #tpu.memory_space<vmem_shared>>
        tpu.enqueue_indirect_dma source(%arg9 : memref<128x128xf32, #tpu.memory_space<vmem>>) target(%dma_start3A_148 : memref<5248x128xf32, #tpu.memory_space<vmem_shared>>) offsets(%arg8 : memref<128xi32, #tpu.memory_space<vmem>>) semaphore(%run_scoped3A : memref<!tpu.dma_semaphore, #tpu.memory_space<semaphore_mem>>) {add = true}
        %dma_wait3A_149 = arith.constant 0 : i32
        %dma_wait3A_150 = arith.constant 0 : i32
        %dma_wait3A_151 = tpu.memref_slice %arg10[%dma_wait3A_149, %dma_wait3A_150] : memref<5248x128xf32, #tpu.memory_space<vmem_shared>> -> memref<5248x128xf32, #tpu.memory_space<vmem_shared>>
        tpu.wait_indirect_dma semaphore(%run_scoped3A : memref<!tpu.dma_semaphore, #tpu.memory_space<semaphore_mem>>) src(%arg9 : memref<128x128xf32, #tpu.memory_space<vmem>>) dst(%dma_wait3A_151 : memref<5248x128xf32, #tpu.memory_space<vmem_shared>>)
        tpu.yield
      }) : () -> ()
    }
    %scan3A_7 = arith.constant 158 : i32
    %barrier3A_8 = arith.constant 0 : index
    tpu.barrier barrier_id(%barrier3A_8)
    %mul3A_9 = arith.constant 5120 : i32
    %mul3A_10 = arith.muli %arg0, %mul3A_9 : i32
    %mul3A_11 = arith.constant 320 : i32
    %mul3A_12 = arith.muli %arg1, %mul3A_11 : i32
    %add3A = arith.addi %mul3A_10, %mul3A_12 : i32
    "tpu.region"() ({
      %run_scoped3A = tpu.sem_alloc : memref<!tpu.dma_semaphore, #tpu.memory_space<semaphore_mem>>
      %dma_start3A = arith.constant 0 : i32
      %dma_start3A_13 = tpu.memref_slice %arg6[%add3A, %dma_start3A] : memref<10240x128xf32, #tpu.memory_space<hbm>> -> memref<320x128xf32, #tpu.memory_space<hbm>>
      %dma_start3A_14 = arith.constant 0 : i32
      %dma_start3A_15 = tpu.memref_slice %arg10[%mul3A_12, %dma_start3A_14] : memref<5248x128xf32, #tpu.memory_space<vmem_shared>> -> memref<320x128xf32, #tpu.memory_space<vmem_shared>>
      tpu.enqueue_dma source(%dma_start3A_15 : memref<320x128xf32, #tpu.memory_space<vmem_shared>>) target(%dma_start3A_13 : memref<320x128xf32, #tpu.memory_space<hbm>>) target_semaphore(%run_scoped3A : memref<!tpu.dma_semaphore, #tpu.memory_space<semaphore_mem>>)
      %dma_wait3A = arith.constant 0 : i32
      %dma_wait3A_16 = tpu.memref_slice %arg6[%add3A, %dma_wait3A] : memref<10240x128xf32, #tpu.memory_space<hbm>> -> memref<320x128xf32, #tpu.memory_space<hbm>>
      %dma_wait3A_17 = arith.constant 0 : i32
      %dma_wait3A_18 = tpu.memref_slice %arg10[%mul3A_12, %dma_wait3A_17] : memref<5248x128xf32, #tpu.memory_space<vmem_shared>> -> memref<320x128xf32, #tpu.memory_space<vmem_shared>>
      tpu.wait_dma2 semaphore(%run_scoped3A : memref<!tpu.dma_semaphore, #tpu.memory_space<semaphore_mem>>) src(%dma_wait3A_18 : memref<320x128xf32, #tpu.memory_space<vmem_shared>>) dst(%dma_wait3A_16 : memref<320x128xf32, #tpu.memory_space<hbm>>)
      tpu.yield
    }) : () -> ()
    return
  }
}

#map = affine_map<(d0, d1) -> (0, 0)>
#map1 = affine_map<(d0, d1) -> (0)>
module attributes {stable_mosaic.version = 14 : i64} {
  func.func @_sc0_body(%arg0: i32, %arg1: i32, %arg2: memref<128x128xf32, #tpu.memory_space<hbm>>, %arg3: memref<323584xi32, #tpu.memory_space<hbm>>, %arg4: memref<5248x128xf32, #tpu.memory_space<hbm>>, %arg5: memref<10240x128xf32, #tpu.memory_space<hbm>>, %arg6: memref<128xi32, #tpu.memory_space<vmem>>, %arg7: memref<128x128xf32, #tpu.memory_space<vmem>>, %arg8: memref<5248x128xf32, #tpu.memory_space<vmem_shared>>) attributes {dimension_semantics = [#tpu.dimension_semantics<core_parallel>, #tpu.dimension_semantics<subcore_parallel>], iteration_bounds = array<i64: 2, 16>, scalar_prefetch = 0 : i64, scratch_operands = 3 : i64, tpu.core_type = #tpu.core_type<sc_vector_subcore>, window_params = [{transform_indices = #map}, {transform_indices = #map1}, {transform_indices = #map}, {transform_indices = #map}]} {
    %mul3A = arith.constant 328 : i32
    %mul3A_0 = arith.muli %arg1, %mul3A : i32
    "tpu.region"() ({
      %run_scoped3A = tpu.sem_alloc : memref<!tpu.dma_semaphore, #tpu.memory_space<semaphore_mem>>
      %dma_start3A = arith.constant 0 : i32
      %dma_start3A_11 = tpu.memref_slice %arg8[%mul3A_0, %dma_start3A] : memref<5248x128xf32, #tpu.memory_space<vmem_shared>> -> memref<328x128xf32, #tpu.memory_space<vmem_shared>>
      %dma_start3A_12 = arith.constant 0 : i32
      %dma_start3A_13 = tpu.memref_slice %arg4[%mul3A_0, %dma_start3A_12] : memref<5248x128xf32, #tpu.memory_space<hbm>> -> memref<328x128xf32, #tpu.memory_space<hbm>>
      tpu.enqueue_dma source(%dma_start3A_13 : memref<328x128xf32, #tpu.memory_space<hbm>>) target(%dma_start3A_11 : memref<328x128xf32, #tpu.memory_space<vmem_shared>>) target_semaphore(%run_scoped3A : memref<!tpu.dma_semaphore, #tpu.memory_space<semaphore_mem>>)
      %dma_wait3A = arith.constant 0 : i32
      %dma_wait3A_14 = tpu.memref_slice %arg8[%mul3A_0, %dma_wait3A] : memref<5248x128xf32, #tpu.memory_space<vmem_shared>> -> memref<328x128xf32, #tpu.memory_space<vmem_shared>>
      %dma_wait3A_15 = arith.constant 0 : i32
      %dma_wait3A_16 = tpu.memref_slice %arg4[%mul3A_0, %dma_wait3A_15] : memref<5248x128xf32, #tpu.memory_space<hbm>> -> memref<328x128xf32, #tpu.memory_space<hbm>>
      tpu.wait_dma2 semaphore(%run_scoped3A : memref<!tpu.dma_semaphore, #tpu.memory_space<semaphore_mem>>) src(%dma_wait3A_16 : memref<328x128xf32, #tpu.memory_space<hbm>>) dst(%dma_wait3A_14 : memref<328x128xf32, #tpu.memory_space<vmem_shared>>)
      tpu.yield
    }) : () -> ()
    "tpu.region"() ({
      %run_scoped3A = tpu.sem_alloc : memref<!tpu.dma_semaphore, #tpu.memory_space<semaphore_mem>>
      tpu.enqueue_dma source(%arg2 : memref<128x128xf32, #tpu.memory_space<hbm>>) target(%arg7 : memref<128x128xf32, #tpu.memory_space<vmem>>) target_semaphore(%run_scoped3A : memref<!tpu.dma_semaphore, #tpu.memory_space<semaphore_mem>>)
      tpu.wait_dma2 semaphore(%run_scoped3A : memref<!tpu.dma_semaphore, #tpu.memory_space<semaphore_mem>>) src(%arg2 : memref<128x128xf32, #tpu.memory_space<hbm>>) dst(%arg7 : memref<128x128xf32, #tpu.memory_space<vmem>>)
      tpu.yield
    }) : () -> ()
    %barrier3A = arith.constant 0 : index
    tpu.barrier barrier_id(%barrier3A)
    %scan3A = arith.constant 0 : i32
    %scan3A_1 = arith.constant 0 : i32
    %scan3A_2 = arith.constant 158 : i32
    %scan3A_3 = arith.addi %scan3A_1, %scan3A_2 : i32
    %scan3A_4 = arith.constant 1 : i32
    scf.for %scan3A_11 = %scan3A_1 to %scan3A_3 step %scan3A_4  : i32 {
      %mul3A_12 = arith.constant 16 : i32
      %mul3A_13 = arith.muli %mul3A_12, %scan3A_11 : i32
      %add3A_14 = arith.addi %arg1, %mul3A_13 : i32
      %mul3A_15 = arith.constant 128 : i32
      %mul3A_16 = arith.muli %add3A_14, %mul3A_15 : i32
      "tpu.region"() ({
        %run_scoped3A = tpu.sem_alloc : memref<!tpu.dma_semaphore, #tpu.memory_space<semaphore_mem>>
        %dma_start3A = tpu.memref_slice %arg3[%mul3A_16] : memref<323584xi32, #tpu.memory_space<hbm>> -> memref<128xi32, #tpu.memory_space<hbm>>
        %dma_start3A_142 = tpu.memref_slice %arg3[%mul3A_16] : memref<323584xi32, #tpu.memory_space<hbm>> -> memref<128xi32, #tpu.memory_space<hbm>>
        tpu.enqueue_dma source(%dma_start3A_142 : memref<128xi32, #tpu.memory_space<hbm>>) target(%arg6 : memref<128xi32, #tpu.memory_space<vmem>>) target_semaphore(%run_scoped3A : memref<!tpu.dma_semaphore, #tpu.memory_space<semaphore_mem>>)
        %dma_wait3A = tpu.memref_slice %arg3[%mul3A_16] : memref<323584xi32, #tpu.memory_space<hbm>> -> memref<128xi32, #tpu.memory_space<hbm>>
        %dma_wait3A_143 = tpu.memref_slice %arg3[%mul3A_16] : memref<323584xi32, #tpu.memory_space<hbm>> -> memref<128xi32, #tpu.memory_space<hbm>>
        tpu.wait_dma2 semaphore(%run_scoped3A : memref<!tpu.dma_semaphore, #tpu.memory_space<semaphore_mem>>) src(%dma_wait3A_143 : memref<128xi32, #tpu.memory_space<hbm>>) dst(%arg6 : memref<128xi32, #tpu.memory_space<vmem>>)
        tpu.yield
      }) : () -> ()
      %mul3A_17 = arith.constant 5120 : i32
      %mul3A_18 = arith.muli %arg0, %mul3A_17 : i32
      %broadcast_in_dim3A = vector.broadcast %mul3A_18 : i32 to vector<16xi32>
      %broadcast_in_dim3A_19 = arith.constant 5120 : i32
      %broadcast_in_dim3A_20 = vector.broadcast %broadcast_in_dim3A_19 : i32 to vector<16xi32>
      %get3A = arith.constant 0 : index
      %get3A_21 = tpu.vector_load %arg6[%get3A] {strides = array<i32>} : memref<128xi32, #tpu.memory_space<vmem>>, vector<16xi32>,
      %get3A_22 = vector.shape_cast %get3A_21 : vector<16xi32> to vector<16xi32>
      %sub3A = arith.subi %get3A_22, %broadcast_in_dim3A : vector<16xi32>
      %ge3A = arith.constant 0 : i32
      %ge3A_23 = vector.broadcast %ge3A : i32 to vector<16xi32>
      %ge3A_24 = arith.cmpi sge, %sub3A, %ge3A_23 : vector<16xi32>
      %lt3A = arith.constant 5120 : i32
      %lt3A_25 = vector.broadcast %lt3A : i32 to vector<16xi32>
      %lt3A_26 = arith.cmpi slt, %sub3A, %lt3A_25 : vector<16xi32>
      %and3A = arith.andi %ge3A_24, %lt3A_26 : vector<16xi1>
      %select_n3A = arith.select %and3A, %sub3A, %broadcast_in_dim3A_20 : vector<16xi1>, vector<16xi32>
      %swap3A = arith.constant 0 : index
      %swap3A_27 = tpu.vector_load %arg6[%swap3A] {strides = array<i32>} : memref<128xi32, #tpu.memory_space<vmem>>, vector<16xi32>,
      %swap3A_28 = vector.shape_cast %swap3A_27 : vector<16xi32> to vector<16xi32>
      %swap3A_29 = vector.shape_cast %select_n3A : vector<16xi32> to vector<16xi32>
      tpu.vector_store %arg6[%swap3A], %swap3A_29 {strides = array<i32>} : memref<128xi32, #tpu.memory_space<vmem>>, vector<16xi32>,
      %get3A_30 = arith.constant 16 : index
      %get3A_31 = tpu.vector_load %arg6[%get3A_30] {strides = array<i32>} : memref<128xi32, #tpu.memory_space<vmem>>, vector<16xi32>,
      %get3A_32 = vector.shape_cast %get3A_31 : vector<16xi32> to vector<16xi32>
      %sub3A_33 = arith.subi %get3A_32, %broadcast_in_dim3A : vector<16xi32>
      %ge3A_34 = arith.constant 0 : i32
      %ge3A_35 = vector.broadcast %ge3A_34 : i32 to vector<16xi32>
      %ge3A_36 = arith.cmpi sge, %sub3A_33, %ge3A_35 : vector<16xi32>
      %lt3A_37 = arith.constant 5120 : i32
      %lt3A_38 = vector.broadcast %lt3A_37 : i32 to vector<16xi32>
      %lt3A_39 = arith.cmpi slt, %sub3A_33, %lt3A_38 : vector<16xi32>
      %and3A_40 = arith.andi %ge3A_36, %lt3A_39 : vector<16xi1>
      %select_n3A_41 = arith.select %and3A_40, %sub3A_33, %broadcast_in_dim3A_20 : vector<16xi1>, vector<16xi32>
      %swap3A_42 = arith.constant 16 : index
      %swap3A_43 = tpu.vector_load %arg6[%swap3A_42] {strides = array<i32>} : memref<128xi32, #tpu.memory_space<vmem>>, vector<16xi32>,
      %swap3A_44 = vector.shape_cast %swap3A_43 : vector<16xi32> to vector<16xi32>
      %swap3A_45 = vector.shape_cast %select_n3A_41 : vector<16xi32> to vector<16xi32>
      tpu.vector_store %arg6[%swap3A_42], %swap3A_45 {strides = array<i32>} : memref<128xi32, #tpu.memory_space<vmem>>, vector<16xi32>,
      %get3A_46 = arith.constant 32 : index
      %get3A_47 = tpu.vector_load %arg6[%get3A_46] {strides = array<i32>} : memref<128xi32, #tpu.memory_space<vmem>>, vector<16xi32>,
      %get3A_48 = vector.shape_cast %get3A_47 : vector<16xi32> to vector<16xi32>
      %sub3A_49 = arith.subi %get3A_48, %broadcast_in_dim3A : vector<16xi32>
      %ge3A_50 = arith.constant 0 : i32
      %ge3A_51 = vector.broadcast %ge3A_50 : i32 to vector<16xi32>
      %ge3A_52 = arith.cmpi sge, %sub3A_49, %ge3A_51 : vector<16xi32>
      %lt3A_53 = arith.constant 5120 : i32
      %lt3A_54 = vector.broadcast %lt3A_53 : i32 to vector<16xi32>
      %lt3A_55 = arith.cmpi slt, %sub3A_49, %lt3A_54 : vector<16xi32>
      %and3A_56 = arith.andi %ge3A_52, %lt3A_55 : vector<16xi1>
      %select_n3A_57 = arith.select %and3A_56, %sub3A_49, %broadcast_in_dim3A_20 : vector<16xi1>, vector<16xi32>
      %swap3A_58 = arith.constant 32 : index
      %swap3A_59 = tpu.vector_load %arg6[%swap3A_58] {strides = array<i32>} : memref<128xi32, #tpu.memory_space<vmem>>, vector<16xi32>,
      %swap3A_60 = vector.shape_cast %swap3A_59 : vector<16xi32> to vector<16xi32>
      %swap3A_61 = vector.shape_cast %select_n3A_57 : vector<16xi32> to vector<16xi32>
      tpu.vector_store %arg6[%swap3A_58], %swap3A_61 {strides = array<i32>} : memref<128xi32, #tpu.memory_space<vmem>>, vector<16xi32>,
      %get3A_62 = arith.constant 48 : index
      %get3A_63 = tpu.vector_load %arg6[%get3A_62] {strides = array<i32>} : memref<128xi32, #tpu.memory_space<vmem>>, vector<16xi32>,
      %get3A_64 = vector.shape_cast %get3A_63 : vector<16xi32> to vector<16xi32>
      %sub3A_65 = arith.subi %get3A_64, %broadcast_in_dim3A : vector<16xi32>
      %ge3A_66 = arith.constant 0 : i32
      %ge3A_67 = vector.broadcast %ge3A_66 : i32 to vector<16xi32>
      %ge3A_68 = arith.cmpi sge, %sub3A_65, %ge3A_67 : vector<16xi32>
      %lt3A_69 = arith.constant 5120 : i32
      %lt3A_70 = vector.broadcast %lt3A_69 : i32 to vector<16xi32>
      %lt3A_71 = arith.cmpi slt, %sub3A_65, %lt3A_70 : vector<16xi32>
      %and3A_72 = arith.andi %ge3A_68, %lt3A_71 : vector<16xi1>
      %select_n3A_73 = arith.select %and3A_72, %sub3A_65, %broadcast_in_dim3A_20 : vector<16xi1>, vector<16xi32>
      %swap3A_74 = arith.constant 48 : index
      %swap3A_75 = tpu.vector_load %arg6[%swap3A_74] {strides = array<i32>} : memref<128xi32, #tpu.memory_space<vmem>>, vector<16xi32>,
      %swap3A_76 = vector.shape_cast %swap3A_75 : vector<16xi32> to vector<16xi32>
      %swap3A_77 = vector.shape_cast %select_n3A_73 : vector<16xi32> to vector<16xi32>
      tpu.vector_store %arg6[%swap3A_74], %swap3A_77 {strides = array<i32>} : memref<128xi32, #tpu.memory_space<vmem>>, vector<16xi32>,
      %get3A_78 = arith.constant 64 : index
      %get3A_79 = tpu.vector_load %arg6[%get3A_78] {strides = array<i32>} : memref<128xi32, #tpu.memory_space<vmem>>, vector<16xi32>,
      %get3A_80 = vector.shape_cast %get3A_79 : vector<16xi32> to vector<16xi32>
      %sub3A_81 = arith.subi %get3A_80, %broadcast_in_dim3A : vector<16xi32>
      %ge3A_82 = arith.constant 0 : i32
      %ge3A_83 = vector.broadcast %ge3A_82 : i32 to vector<16xi32>
      %ge3A_84 = arith.cmpi sge, %sub3A_81, %ge3A_83 : vector<16xi32>
      %lt3A_85 = arith.constant 5120 : i32
      %lt3A_86 = vector.broadcast %lt3A_85 : i32 to vector<16xi32>
      %lt3A_87 = arith.cmpi slt, %sub3A_81, %lt3A_86 : vector<16xi32>
      %and3A_88 = arith.andi %ge3A_84, %lt3A_87 : vector<16xi1>
      %select_n3A_89 = arith.select %and3A_88, %sub3A_81, %broadcast_in_dim3A_20 : vector<16xi1>, vector<16xi32>
      %swap3A_90 = arith.constant 64 : index
      %swap3A_91 = tpu.vector_load %arg6[%swap3A_90] {strides = array<i32>} : memref<128xi32, #tpu.memory_space<vmem>>, vector<16xi32>,
      %swap3A_92 = vector.shape_cast %swap3A_91 : vector<16xi32> to vector<16xi32>
      %swap3A_93 = vector.shape_cast %select_n3A_89 : vector<16xi32> to vector<16xi32>
      tpu.vector_store %arg6[%swap3A_90], %swap3A_93 {strides = array<i32>} : memref<128xi32, #tpu.memory_space<vmem>>, vector<16xi32>,
      %get3A_94 = arith.constant 80 : index
      %get3A_95 = tpu.vector_load %arg6[%get3A_94] {strides = array<i32>} : memref<128xi32, #tpu.memory_space<vmem>>, vector<16xi32>,
      %get3A_96 = vector.shape_cast %get3A_95 : vector<16xi32> to vector<16xi32>
      %sub3A_97 = arith.subi %get3A_96, %broadcast_in_dim3A : vector<16xi32>
      %ge3A_98 = arith.constant 0 : i32
      %ge3A_99 = vector.broadcast %ge3A_98 : i32 to vector<16xi32>
      %ge3A_100 = arith.cmpi sge, %sub3A_97, %ge3A_99 : vector<16xi32>
      %lt3A_101 = arith.constant 5120 : i32
      %lt3A_102 = vector.broadcast %lt3A_101 : i32 to vector<16xi32>
      %lt3A_103 = arith.cmpi slt, %sub3A_97, %lt3A_102 : vector<16xi32>
      %and3A_104 = arith.andi %ge3A_100, %lt3A_103 : vector<16xi1>
      %select_n3A_105 = arith.select %and3A_104, %sub3A_97, %broadcast_in_dim3A_20 : vector<16xi1>, vector<16xi32>
      %swap3A_106 = arith.constant 80 : index
      %swap3A_107 = tpu.vector_load %arg6[%swap3A_106] {strides = array<i32>} : memref<128xi32, #tpu.memory_space<vmem>>, vector<16xi32>,
      %swap3A_108 = vector.shape_cast %swap3A_107 : vector<16xi32> to vector<16xi32>
      %swap3A_109 = vector.shape_cast %select_n3A_105 : vector<16xi32> to vector<16xi32>
      tpu.vector_store %arg6[%swap3A_106], %swap3A_109 {strides = array<i32>} : memref<128xi32, #tpu.memory_space<vmem>>, vector<16xi32>,
      %get3A_110 = arith.constant 96 : index
      %get3A_111 = tpu.vector_load %arg6[%get3A_110] {strides = array<i32>} : memref<128xi32, #tpu.memory_space<vmem>>, vector<16xi32>,
      %get3A_112 = vector.shape_cast %get3A_111 : vector<16xi32> to vector<16xi32>
      %sub3A_113 = arith.subi %get3A_112, %broadcast_in_dim3A : vector<16xi32>
      %ge3A_114 = arith.constant 0 : i32
      %ge3A_115 = vector.broadcast %ge3A_114 : i32 to vector<16xi32>
      %ge3A_116 = arith.cmpi sge, %sub3A_113, %ge3A_115 : vector<16xi32>
      %lt3A_117 = arith.constant 5120 : i32
      %lt3A_118 = vector.broadcast %lt3A_117 : i32 to vector<16xi32>
      %lt3A_119 = arith.cmpi slt, %sub3A_113, %lt3A_118 : vector<16xi32>
      %and3A_120 = arith.andi %ge3A_116, %lt3A_119 : vector<16xi1>
      %select_n3A_121 = arith.select %and3A_120, %sub3A_113, %broadcast_in_dim3A_20 : vector<16xi1>, vector<16xi32>
      %swap3A_122 = arith.constant 96 : index
      %swap3A_123 = tpu.vector_load %arg6[%swap3A_122] {strides = array<i32>} : memref<128xi32, #tpu.memory_space<vmem>>, vector<16xi32>,
      %swap3A_124 = vector.shape_cast %swap3A_123 : vector<16xi32> to vector<16xi32>
      %swap3A_125 = vector.shape_cast %select_n3A_121 : vector<16xi32> to vector<16xi32>
      tpu.vector_store %arg6[%swap3A_122], %swap3A_125 {strides = array<i32>} : memref<128xi32, #tpu.memory_space<vmem>>, vector<16xi32>,
      %get3A_126 = arith.constant 112 : index
      %get3A_127 = tpu.vector_load %arg6[%get3A_126] {strides = array<i32>} : memref<128xi32, #tpu.memory_space<vmem>>, vector<16xi32>,
      %get3A_128 = vector.shape_cast %get3A_127 : vector<16xi32> to vector<16xi32>
      %sub3A_129 = arith.subi %get3A_128, %broadcast_in_dim3A : vector<16xi32>
      %ge3A_130 = arith.constant 0 : i32
      %ge3A_131 = vector.broadcast %ge3A_130 : i32 to vector<16xi32>
      %ge3A_132 = arith.cmpi sge, %sub3A_129, %ge3A_131 : vector<16xi32>
      %lt3A_133 = arith.constant 5120 : i32
      %lt3A_134 = vector.broadcast %lt3A_133 : i32 to vector<16xi32>
      %lt3A_135 = arith.cmpi slt, %sub3A_129, %lt3A_134 : vector<16xi32>
      %and3A_136 = arith.andi %ge3A_132, %lt3A_135 : vector<16xi1>
      %select_n3A_137 = arith.select %and3A_136, %sub3A_129, %broadcast_in_dim3A_20 : vector<16xi1>, vector<16xi32>
      %swap3A_138 = arith.constant 112 : index
      %swap3A_139 = tpu.vector_load %arg6[%swap3A_138] {strides = array<i32>} : memref<128xi32, #tpu.memory_space<vmem>>, vector<16xi32>,
      %swap3A_140 = vector.shape_cast %swap3A_139 : vector<16xi32> to vector<16xi32>
      %swap3A_141 = vector.shape_cast %select_n3A_137 : vector<16xi32> to vector<16xi32>
      tpu.vector_store %arg6[%swap3A_138], %swap3A_141 {strides = array<i32>} : memref<128xi32, #tpu.memory_space<vmem>>, vector<16xi32>,
      "tpu.region"() ({
        %run_scoped3A = tpu.sem_alloc : memref<!tpu.dma_semaphore, #tpu.memory_space<semaphore_mem>>
        %dma_start3A = arith.constant 0 : i32
        %dma_start3A_142 = arith.constant 0 : i32
        %dma_start3A_143 = tpu.memref_slice %arg8[%dma_start3A, %dma_start3A_142] : memref<5248x128xf32, #tpu.memory_space<vmem_shared>> -> memref<5248x128xf32, #tpu.memory_space<vmem_shared>>
        tpu.enqueue_indirect_dma source(%arg7 : memref<128x128xf32, #tpu.memory_space<vmem>>) target(%dma_start3A_143 : memref<5248x128xf32, #tpu.memory_space<vmem_shared>>) offsets(%arg6 : memref<128xi32, #tpu.memory_space<vmem>>) semaphore(%run_scoped3A : memref<!tpu.dma_semaphore, #tpu.memory_space<semaphore_mem>>) {add = true}
        %dma_wait3A = arith.constant 0 : i32
        %dma_wait3A_144 = arith.constant 0 : i32
        %dma_wait3A_145 = tpu.memref_slice %arg8[%dma_wait3A, %dma_wait3A_144] : memref<5248x128xf32, #tpu.memory_space<vmem_shared>> -> memref<5248x128xf32, #tpu.memory_space<vmem_shared>>
        tpu.wait_indirect_dma semaphore(%run_scoped3A : memref<!tpu.dma_semaphore, #tpu.memory_space<semaphore_mem>>) src(%arg7 : memref<128x128xf32, #tpu.memory_space<vmem>>) dst(%dma_wait3A_145 : memref<5248x128xf32, #tpu.memory_space<vmem_shared>>)
        tpu.yield
      }) : () -> ()
    }
    %scan3A_5 = arith.constant 158 : i32
    %barrier3A_6 = arith.constant 0 : index
    tpu.barrier barrier_id(%barrier3A_6)
    %mul3A_7 = arith.constant 5120 : i32
    %mul3A_8 = arith.muli %arg0, %mul3A_7 : i32
    %mul3A_9 = arith.constant 320 : i32
    %mul3A_10 = arith.muli %arg1, %mul3A_9 : i32
    %add3A = arith.addi %mul3A_8, %mul3A_10 : i32
    "tpu.region"() ({
      %run_scoped3A = tpu.sem_alloc : memref<!tpu.dma_semaphore, #tpu.memory_space<semaphore_mem>>
      %dma_start3A = arith.constant 0 : i32
      %dma_start3A_11 = tpu.memref_slice %arg5[%add3A, %dma_start3A] : memref<10240x128xf32, #tpu.memory_space<hbm>> -> memref<320x128xf32, #tpu.memory_space<hbm>>
      %dma_start3A_12 = arith.constant 0 : i32
      %dma_start3A_13 = tpu.memref_slice %arg8[%mul3A_10, %dma_start3A_12] : memref<5248x128xf32, #tpu.memory_space<vmem_shared>> -> memref<320x128xf32, #tpu.memory_space<vmem_shared>>
      tpu.enqueue_dma source(%dma_start3A_13 : memref<320x128xf32, #tpu.memory_space<vmem_shared>>) target(%dma_start3A_11 : memref<320x128xf32, #tpu.memory_space<hbm>>) target_semaphore(%run_scoped3A : memref<!tpu.dma_semaphore, #tpu.memory_space<semaphore_mem>>)
      %dma_wait3A = arith.constant 0 : i32
      %dma_wait3A_14 = tpu.memref_slice %arg5[%add3A, %dma_wait3A] : memref<10240x128xf32, #tpu.memory_space<hbm>> -> memref<320x128xf32, #tpu.memory_space<hbm>>
      %dma_wait3A_15 = arith.constant 0 : i32
      %dma_wait3A_16 = tpu.memref_slice %arg8[%mul3A_10, %dma_wait3A_15] : memref<5248x128xf32, #tpu.memory_space<vmem_shared>> -> memref<320x128xf32, #tpu.memory_space<vmem_shared>>
      tpu.wait_dma2 semaphore(%run_scoped3A : memref<!tpu.dma_semaphore, #tpu.memory_space<semaphore_mem>>) src(%dma_wait3A_16 : memref<320x128xf32, #tpu.memory_space<vmem_shared>>) dst(%dma_wait3A_14 : memref<320x128xf32, #tpu.memory_space<hbm>>)
      tpu.yield
    }) : () -> ()
    return
  }
}

#map = affine_map<(d0, d1) -> (0, 0)>
#map1 = affine_map<(d0, d1) -> (0)>
#map2 = affine_map<(d0, d1) -> (0, 0, 0)>
module attributes {stable_mosaic.version = 14 : i64} {
  func.func @_sc2_body(%arg0: i32, %arg1: i32, %arg2: memref<20000x128xf32, #tpu.memory_space<hbm>>, %arg3: memref<323584xi32, #tpu.memory_space<hbm>>, %arg4: memref<323584xi32, #tpu.memory_space<hbm>>, %arg5: memref<5248x128xf32, #tpu.memory_space<hbm>>, %arg6: memref<2x10240x128xf32, #tpu.memory_space<hbm>>, %arg7: memref<128xi32, #tpu.memory_space<vmem>>, %arg8: memref<128xi32, #tpu.memory_space<vmem>>, %arg9: memref<128x128xf32, #tpu.memory_space<vmem>>, %arg10: memref<5248x128xf32, #tpu.memory_space<vmem_shared>>, %arg11: memref<!tpu.dma_semaphore, #tpu.memory_space<semaphore_mem>>) attributes {dimension_semantics = [#tpu.dimension_semantics<core_parallel>, #tpu.dimension_semantics<subcore_parallel>], iteration_bounds = array<i64: 2, 16>, scalar_prefetch = 0 : i64, scratch_operands = 5 : i64, tpu.core_type = #tpu.core_type<sc_vector_subcore>, window_params = [{transform_indices = #map}, {transform_indices = #map1}, {transform_indices = #map1}, {transform_indices = #map}, {transform_indices = #map2}]} {
    %mul3A = arith.constant 10000 : i32
    %mul3A_0 = arith.muli %arg0, %mul3A : i32
    %broadcast_in_dim3A = vector.broadcast %mul3A_0 : i32 to vector<16xi32>
    %mul3A_1 = arith.constant 328 : i32
    %mul3A_2 = arith.muli %arg1, %mul3A_1 : i32
    "tpu.region"() ({
      %run_scoped3A = tpu.sem_alloc : memref<!tpu.dma_semaphore, #tpu.memory_space<semaphore_mem>>
      %dma_start3A = arith.constant 0 : i32
      %dma_start3A_28 = tpu.memref_slice %arg10[%mul3A_2, %dma_start3A] : memref<5248x128xf32, #tpu.memory_space<vmem_shared>> -> memref<328x128xf32, #tpu.memory_space<vmem_shared>>
      %dma_start3A_29 = arith.constant 0 : i32
      %dma_start3A_30 = tpu.memref_slice %arg5[%mul3A_2, %dma_start3A_29] : memref<5248x128xf32, #tpu.memory_space<hbm>> -> memref<328x128xf32, #tpu.memory_space<hbm>>
      tpu.enqueue_dma source(%dma_start3A_30 : memref<328x128xf32, #tpu.memory_space<hbm>>) target(%dma_start3A_28 : memref<328x128xf32, #tpu.memory_space<vmem_shared>>) target_semaphore(%run_scoped3A : memref<!tpu.dma_semaphore, #tpu.memory_space<semaphore_mem>>)
      %dma_wait3A = arith.constant 0 : i32
      %dma_wait3A_31 = tpu.memref_slice %arg10[%mul3A_2, %dma_wait3A] : memref<5248x128xf32, #tpu.memory_space<vmem_shared>> -> memref<328x128xf32, #tpu.memory_space<vmem_shared>>
      %dma_wait3A_32 = arith.constant 0 : i32
      %dma_wait3A_33 = tpu.memref_slice %arg5[%mul3A_2, %dma_wait3A_32] : memref<5248x128xf32, #tpu.memory_space<hbm>> -> memref<328x128xf32, #tpu.memory_space<hbm>>
      tpu.wait_dma2 semaphore(%run_scoped3A : memref<!tpu.dma_semaphore, #tpu.memory_space<semaphore_mem>>) src(%dma_wait3A_33 : memref<328x128xf32, #tpu.memory_space<hbm>>) dst(%dma_wait3A_31 : memref<328x128xf32, #tpu.memory_space<vmem_shared>>)
      tpu.yield
    }) : () -> ()
    %barrier3A = arith.constant 0 : index
    tpu.barrier barrier_id(%barrier3A)
    %scan3A = arith.constant 0 : i32
    %scan3A_3 = arith.constant 0 : i32
    %scan3A_4 = arith.constant 158 : i32
    %scan3A_5 = arith.addi %scan3A_3, %scan3A_4 : i32
    %scan3A_6 = arith.constant 1 : i32
    scf.for %scan3A_28 = %scan3A_3 to %scan3A_5 step %scan3A_6  : i32 {
      %mul3A_29 = arith.constant 16 : i32
      %mul3A_30 = arith.muli %mul3A_29, %scan3A_28 : i32
      %add3A_31 = arith.addi %arg1, %mul3A_30 : i32
      %mul3A_32 = arith.constant 128 : i32
      %mul3A_33 = arith.muli %add3A_31, %mul3A_32 : i32
      "tpu.region"() ({
        %run_scoped3A = tpu.sem_alloc : memref<!tpu.dma_semaphore, #tpu.memory_space<semaphore_mem>>
        %dma_start3A_227 = tpu.memref_slice %arg3[%mul3A_33] : memref<323584xi32, #tpu.memory_space<hbm>> -> memref<128xi32, #tpu.memory_space<hbm>>
        %dma_start3A_228 = tpu.memref_slice %arg3[%mul3A_33] : memref<323584xi32, #tpu.memory_space<hbm>> -> memref<128xi32, #tpu.memory_space<hbm>>
        tpu.enqueue_dma source(%dma_start3A_228 : memref<128xi32, #tpu.memory_space<hbm>>) target(%arg7 : memref<128xi32, #tpu.memory_space<vmem>>) target_semaphore(%run_scoped3A : memref<!tpu.dma_semaphore, #tpu.memory_space<semaphore_mem>>)
        %dma_wait3A_229 = tpu.memref_slice %arg3[%mul3A_33] : memref<323584xi32, #tpu.memory_space<hbm>> -> memref<128xi32, #tpu.memory_space<hbm>>
        %dma_wait3A_230 = tpu.memref_slice %arg3[%mul3A_33] : memref<323584xi32, #tpu.memory_space<hbm>> -> memref<128xi32, #tpu.memory_space<hbm>>
        tpu.wait_dma2 semaphore(%run_scoped3A : memref<!tpu.dma_semaphore, #tpu.memory_space<semaphore_mem>>) src(%dma_wait3A_230 : memref<128xi32, #tpu.memory_space<hbm>>) dst(%arg7 : memref<128xi32, #tpu.memory_space<vmem>>)
        tpu.yield
      }) : () -> ()
      %get3A = arith.constant 0 : index
      %get3A_34 = tpu.vector_load %arg7[%get3A] {strides = array<i32>} : memref<128xi32, #tpu.memory_space<vmem>>, vector<16xi32>,
      %get3A_35 = vector.shape_cast %get3A_34 : vector<16xi32> to vector<16xi32>
      %add3A_36 = arith.addi %get3A_35, %broadcast_in_dim3A : vector<16xi32>
      %swap3A = arith.constant 0 : index
      %swap3A_37 = tpu.vector_load %arg7[%swap3A] {strides = array<i32>} : memref<128xi32, #tpu.memory_space<vmem>>, vector<16xi32>,
      %swap3A_38 = vector.shape_cast %swap3A_37 : vector<16xi32> to vector<16xi32>
      %swap3A_39 = vector.shape_cast %add3A_36 : vector<16xi32> to vector<16xi32>
      tpu.vector_store %arg7[%swap3A], %swap3A_39 {strides = array<i32>} : memref<128xi32, #tpu.memory_space<vmem>>, vector<16xi32>,
      %get3A_40 = arith.constant 16 : index
      %get3A_41 = tpu.vector_load %arg7[%get3A_40] {strides = array<i32>} : memref<128xi32, #tpu.memory_space<vmem>>, vector<16xi32>,
      %get3A_42 = vector.shape_cast %get3A_41 : vector<16xi32> to vector<16xi32>
      %add3A_43 = arith.addi %get3A_42, %broadcast_in_dim3A : vector<16xi32>
      %swap3A_44 = arith.constant 16 : index
      %swap3A_45 = tpu.vector_load %arg7[%swap3A_44] {strides = array<i32>} : memref<128xi32, #tpu.memory_space<vmem>>, vector<16xi32>,
      %swap3A_46 = vector.shape_cast %swap3A_45 : vector<16xi32> to vector<16xi32>
      %swap3A_47 = vector.shape_cast %add3A_43 : vector<16xi32> to vector<16xi32>
      tpu.vector_store %arg7[%swap3A_44], %swap3A_47 {strides = array<i32>} : memref<128xi32, #tpu.memory_space<vmem>>, vector<16xi32>,
      %get3A_48 = arith.constant 32 : index
      %get3A_49 = tpu.vector_load %arg7[%get3A_48] {strides = array<i32>} : memref<128xi32, #tpu.memory_space<vmem>>, vector<16xi32>,
      %get3A_50 = vector.shape_cast %get3A_49 : vector<16xi32> to vector<16xi32>
      %add3A_51 = arith.addi %get3A_50, %broadcast_in_dim3A : vector<16xi32>
      %swap3A_52 = arith.constant 32 : index
      %swap3A_53 = tpu.vector_load %arg7[%swap3A_52] {strides = array<i32>} : memref<128xi32, #tpu.memory_space<vmem>>, vector<16xi32>,
      %swap3A_54 = vector.shape_cast %swap3A_53 : vector<16xi32> to vector<16xi32>
      %swap3A_55 = vector.shape_cast %add3A_51 : vector<16xi32> to vector<16xi32>
      tpu.vector_store %arg7[%swap3A_52], %swap3A_55 {strides = array<i32>} : memref<128xi32, #tpu.memory_space<vmem>>, vector<16xi32>,
      %get3A_56 = arith.constant 48 : index
      %get3A_57 = tpu.vector_load %arg7[%get3A_56] {strides = array<i32>} : memref<128xi32, #tpu.memory_space<vmem>>, vector<16xi32>,
      %get3A_58 = vector.shape_cast %get3A_57 : vector<16xi32> to vector<16xi32>
      %add3A_59 = arith.addi %get3A_58, %broadcast_in_dim3A : vector<16xi32>
      %swap3A_60 = arith.constant 48 : index
      %swap3A_61 = tpu.vector_load %arg7[%swap3A_60] {strides = array<i32>} : memref<128xi32, #tpu.memory_space<vmem>>, vector<16xi32>,
      %swap3A_62 = vector.shape_cast %swap3A_61 : vector<16xi32> to vector<16xi32>
      %swap3A_63 = vector.shape_cast %add3A_59 : vector<16xi32> to vector<16xi32>
      tpu.vector_store %arg7[%swap3A_60], %swap3A_63 {strides = array<i32>} : memref<128xi32, #tpu.memory_space<vmem>>, vector<16xi32>,
      %get3A_64 = arith.constant 64 : index
      %get3A_65 = tpu.vector_load %arg7[%get3A_64] {strides = array<i32>} : memref<128xi32, #tpu.memory_space<vmem>>, vector<16xi32>,
      %get3A_66 = vector.shape_cast %get3A_65 : vector<16xi32> to vector<16xi32>
      %add3A_67 = arith.addi %get3A_66, %broadcast_in_dim3A : vector<16xi32>
      %swap3A_68 = arith.constant 64 : index
      %swap3A_69 = tpu.vector_load %arg7[%swap3A_68] {strides = array<i32>} : memref<128xi32, #tpu.memory_space<vmem>>, vector<16xi32>,
      %swap3A_70 = vector.shape_cast %swap3A_69 : vector<16xi32> to vector<16xi32>
      %swap3A_71 = vector.shape_cast %add3A_67 : vector<16xi32> to vector<16xi32>
      tpu.vector_store %arg7[%swap3A_68], %swap3A_71 {strides = array<i32>} : memref<128xi32, #tpu.memory_space<vmem>>, vector<16xi32>,
      %get3A_72 = arith.constant 80 : index
      %get3A_73 = tpu.vector_load %arg7[%get3A_72] {strides = array<i32>} : memref<128xi32, #tpu.memory_space<vmem>>, vector<16xi32>,
      %get3A_74 = vector.shape_cast %get3A_73 : vector<16xi32> to vector<16xi32>
      %add3A_75 = arith.addi %get3A_74, %broadcast_in_dim3A : vector<16xi32>
      %swap3A_76 = arith.constant 80 : index
      %swap3A_77 = tpu.vector_load %arg7[%swap3A_76] {strides = array<i32>} : memref<128xi32, #tpu.memory_space<vmem>>, vector<16xi32>,
      %swap3A_78 = vector.shape_cast %swap3A_77 : vector<16xi32> to vector<16xi32>
      %swap3A_79 = vector.shape_cast %add3A_75 : vector<16xi32> to vector<16xi32>
      tpu.vector_store %arg7[%swap3A_76], %swap3A_79 {strides = array<i32>} : memref<128xi32, #tpu.memory_space<vmem>>, vector<16xi32>,
      %get3A_80 = arith.constant 96 : index
      %get3A_81 = tpu.vector_load %arg7[%get3A_80] {strides = array<i32>} : memref<128xi32, #tpu.memory_space<vmem>>, vector<16xi32>,
      %get3A_82 = vector.shape_cast %get3A_81 : vector<16xi32> to vector<16xi32>
      %add3A_83 = arith.addi %get3A_82, %broadcast_in_dim3A : vector<16xi32>
      %swap3A_84 = arith.constant 96 : index
      %swap3A_85 = tpu.vector_load %arg7[%swap3A_84] {strides = array<i32>} : memref<128xi32, #tpu.memory_space<vmem>>, vector<16xi32>,
      %swap3A_86 = vector.shape_cast %swap3A_85 : vector<16xi32> to vector<16xi32>
      %swap3A_87 = vector.shape_cast %add3A_83 : vector<16xi32> to vector<16xi32>
      tpu.vector_store %arg7[%swap3A_84], %swap3A_87 {strides = array<i32>} : memref<128xi32, #tpu.memory_space<vmem>>, vector<16xi32>,
      %get3A_88 = arith.constant 112 : index
      %get3A_89 = tpu.vector_load %arg7[%get3A_88] {strides = array<i32>} : memref<128xi32, #tpu.memory_space<vmem>>, vector<16xi32>,
      %get3A_90 = vector.shape_cast %get3A_89 : vector<16xi32> to vector<16xi32>
      %add3A_91 = arith.addi %get3A_90, %broadcast_in_dim3A : vector<16xi32>
      %swap3A_92 = arith.constant 112 : index
      %swap3A_93 = tpu.vector_load %arg7[%swap3A_92] {strides = array<i32>} : memref<128xi32, #tpu.memory_space<vmem>>, vector<16xi32>,
      %swap3A_94 = vector.shape_cast %swap3A_93 : vector<16xi32> to vector<16xi32>
      %swap3A_95 = vector.shape_cast %add3A_91 : vector<16xi32> to vector<16xi32>
      tpu.vector_store %arg7[%swap3A_92], %swap3A_95 {strides = array<i32>} : memref<128xi32, #tpu.memory_space<vmem>>, vector<16xi32>,
      %dma_start3A = arith.constant 0 : i32
      %dma_start3A_96 = arith.constant 0 : i32
      %dma_start3A_97 = tpu.memref_slice %arg2[%dma_start3A, %dma_start3A_96] : memref<20000x128xf32, #tpu.memory_space<hbm>> -> memref<20000x128xf32, #tpu.memory_space<hbm>>
      tpu.enqueue_indirect_dma source(%dma_start3A_97 : memref<20000x128xf32, #tpu.memory_space<hbm>>) target(%arg9 : memref<128x128xf32, #tpu.memory_space<vmem>>) offsets(%arg7 : memref<128xi32, #tpu.memory_space<vmem>>) semaphore(%arg11 : memref<!tpu.dma_semaphore, #tpu.memory_space<semaphore_mem>>)
      %dma_wait3A = arith.constant 0 : i32
      %dma_wait3A_98 = arith.constant 0 : i32
      %dma_wait3A_99 = tpu.memref_slice %arg2[%dma_wait3A, %dma_wait3A_98] : memref<20000x128xf32, #tpu.memory_space<hbm>> -> memref<20000x128xf32, #tpu.memory_space<hbm>>
      tpu.wait_indirect_dma semaphore(%arg11 : memref<!tpu.dma_semaphore, #tpu.memory_space<semaphore_mem>>) src(%dma_wait3A_99 : memref<20000x128xf32, #tpu.memory_space<hbm>>) dst(%arg9 : memref<128x128xf32, #tpu.memory_space<vmem>>)
      "tpu.region"() ({
        %run_scoped3A = tpu.sem_alloc : memref<!tpu.dma_semaphore, #tpu.memory_space<semaphore_mem>>
        %dma_start3A_227 = tpu.memref_slice %arg4[%mul3A_33] : memref<323584xi32, #tpu.memory_space<hbm>> -> memref<128xi32, #tpu.memory_space<hbm>>
        %dma_start3A_228 = tpu.memref_slice %arg4[%mul3A_33] : memref<323584xi32, #tpu.memory_space<hbm>> -> memref<128xi32, #tpu.memory_space<hbm>>
        tpu.enqueue_dma source(%dma_start3A_228 : memref<128xi32, #tpu.memory_space<hbm>>) target(%arg8 : memref<128xi32, #tpu.memory_space<vmem>>) target_semaphore(%run_scoped3A : memref<!tpu.dma_semaphore, #tpu.memory_space<semaphore_mem>>)
        %dma_wait3A_229 = tpu.memref_slice %arg4[%mul3A_33] : memref<323584xi32, #tpu.memory_space<hbm>> -> memref<128xi32, #tpu.memory_space<hbm>>
        %dma_wait3A_230 = tpu.memref_slice %arg4[%mul3A_33] : memref<323584xi32, #tpu.memory_space<hbm>> -> memref<128xi32, #tpu.memory_space<hbm>>
        tpu.wait_dma2 semaphore(%run_scoped3A : memref<!tpu.dma_semaphore, #tpu.memory_space<semaphore_mem>>) src(%dma_wait3A_230 : memref<128xi32, #tpu.memory_space<hbm>>) dst(%arg8 : memref<128xi32, #tpu.memory_space<vmem>>)
        tpu.yield
      }) : () -> ()
      %broadcast_in_dim3A_100 = arith.constant 0 : i32
      %broadcast_in_dim3A_101 = vector.broadcast %broadcast_in_dim3A_100 : i32 to vector<16xi32>
      %broadcast_in_dim3A_102 = arith.constant 5120 : i32
      %broadcast_in_dim3A_103 = vector.broadcast %broadcast_in_dim3A_102 : i32 to vector<16xi32>
      %get3A_104 = arith.constant 0 : index
      %get3A_105 = tpu.vector_load %arg8[%get3A_104] {strides = array<i32>} : memref<128xi32, #tpu.memory_space<vmem>>, vector<16xi32>,
      %get3A_106 = vector.shape_cast %get3A_105 : vector<16xi32> to vector<16xi32>
      %sub3A = arith.subi %get3A_106, %broadcast_in_dim3A_101 : vector<16xi32>
      %ge3A = arith.constant 0 : i32
      %ge3A_107 = vector.broadcast %ge3A : i32 to vector<16xi32>
      %ge3A_108 = arith.cmpi sge, %sub3A, %ge3A_107 : vector<16xi32>
      %lt3A = arith.constant 5120 : i32
      %lt3A_109 = vector.broadcast %lt3A : i32 to vector<16xi32>
      %lt3A_110 = arith.cmpi slt, %sub3A, %lt3A_109 : vector<16xi32>
      %and3A = arith.andi %ge3A_108, %lt3A_110 : vector<16xi1>
      %select_n3A = arith.select %and3A, %sub3A, %broadcast_in_dim3A_103 : vector<16xi1>, vector<16xi32>
      %swap3A_111 = arith.constant 0 : index
      %swap3A_112 = tpu.vector_load %arg8[%swap3A_111] {strides = array<i32>} : memref<128xi32, #tpu.memory_space<vmem>>, vector<16xi32>,
      %swap3A_113 = vector.shape_cast %swap3A_112 : vector<16xi32> to vector<16xi32>
      %swap3A_114 = vector.shape_cast %select_n3A : vector<16xi32> to vector<16xi32>
      tpu.vector_store %arg8[%swap3A_111], %swap3A_114 {strides = array<i32>} : memref<128xi32, #tpu.memory_space<vmem>>, vector<16xi32>,
      %get3A_115 = arith.constant 16 : index
      %get3A_116 = tpu.vector_load %arg8[%get3A_115] {strides = array<i32>} : memref<128xi32, #tpu.memory_space<vmem>>, vector<16xi32>,
      %get3A_117 = vector.shape_cast %get3A_116 : vector<16xi32> to vector<16xi32>
      %sub3A_118 = arith.subi %get3A_117, %broadcast_in_dim3A_101 : vector<16xi32>
      %ge3A_119 = arith.constant 0 : i32
      %ge3A_120 = vector.broadcast %ge3A_119 : i32 to vector<16xi32>
      %ge3A_121 = arith.cmpi sge, %sub3A_118, %ge3A_120 : vector<16xi32>
      %lt3A_122 = arith.constant 5120 : i32
      %lt3A_123 = vector.broadcast %lt3A_122 : i32 to vector<16xi32>
      %lt3A_124 = arith.cmpi slt, %sub3A_118, %lt3A_123 : vector<16xi32>
      %and3A_125 = arith.andi %ge3A_121, %lt3A_124 : vector<16xi1>
      %select_n3A_126 = arith.select %and3A_125, %sub3A_118, %broadcast_in_dim3A_103 : vector<16xi1>, vector<16xi32>
      %swap3A_127 = arith.constant 16 : index
      %swap3A_128 = tpu.vector_load %arg8[%swap3A_127] {strides = array<i32>} : memref<128xi32, #tpu.memory_space<vmem>>, vector<16xi32>,
      %swap3A_129 = vector.shape_cast %swap3A_128 : vector<16xi32> to vector<16xi32>
      %swap3A_130 = vector.shape_cast %select_n3A_126 : vector<16xi32> to vector<16xi32>
      tpu.vector_store %arg8[%swap3A_127], %swap3A_130 {strides = array<i32>} : memref<128xi32, #tpu.memory_space<vmem>>, vector<16xi32>,
      %get3A_131 = arith.constant 32 : index
      %get3A_132 = tpu.vector_load %arg8[%get3A_131] {strides = array<i32>} : memref<128xi32, #tpu.memory_space<vmem>>, vector<16xi32>,
      %get3A_133 = vector.shape_cast %get3A_132 : vector<16xi32> to vector<16xi32>
      %sub3A_134 = arith.subi %get3A_133, %broadcast_in_dim3A_101 : vector<16xi32>
      %ge3A_135 = arith.constant 0 : i32
      %ge3A_136 = vector.broadcast %ge3A_135 : i32 to vector<16xi32>
      %ge3A_137 = arith.cmpi sge, %sub3A_134, %ge3A_136 : vector<16xi32>
      %lt3A_138 = arith.constant 5120 : i32
      %lt3A_139 = vector.broadcast %lt3A_138 : i32 to vector<16xi32>
      %lt3A_140 = arith.cmpi slt, %sub3A_134, %lt3A_139 : vector<16xi32>
      %and3A_141 = arith.andi %ge3A_137, %lt3A_140 : vector<16xi1>
      %select_n3A_142 = arith.select %and3A_141, %sub3A_134, %broadcast_in_dim3A_103 : vector<16xi1>, vector<16xi32>
      %swap3A_143 = arith.constant 32 : index
      %swap3A_144 = tpu.vector_load %arg8[%swap3A_143] {strides = array<i32>} : memref<128xi32, #tpu.memory_space<vmem>>, vector<16xi32>,
      %swap3A_145 = vector.shape_cast %swap3A_144 : vector<16xi32> to vector<16xi32>
      %swap3A_146 = vector.shape_cast %select_n3A_142 : vector<16xi32> to vector<16xi32>
      tpu.vector_store %arg8[%swap3A_143], %swap3A_146 {strides = array<i32>} : memref<128xi32, #tpu.memory_space<vmem>>, vector<16xi32>,
      %get3A_147 = arith.constant 48 : index
      %get3A_148 = tpu.vector_load %arg8[%get3A_147] {strides = array<i32>} : memref<128xi32, #tpu.memory_space<vmem>>, vector<16xi32>,
      %get3A_149 = vector.shape_cast %get3A_148 : vector<16xi32> to vector<16xi32>
      %sub3A_150 = arith.subi %get3A_149, %broadcast_in_dim3A_101 : vector<16xi32>
      %ge3A_151 = arith.constant 0 : i32
      %ge3A_152 = vector.broadcast %ge3A_151 : i32 to vector<16xi32>
      %ge3A_153 = arith.cmpi sge, %sub3A_150, %ge3A_152 : vector<16xi32>
      %lt3A_154 = arith.constant 5120 : i32
      %lt3A_155 = vector.broadcast %lt3A_154 : i32 to vector<16xi32>
      %lt3A_156 = arith.cmpi slt, %sub3A_150, %lt3A_155 : vector<16xi32>
      %and3A_157 = arith.andi %ge3A_153, %lt3A_156 : vector<16xi1>
      %select_n3A_158 = arith.select %and3A_157, %sub3A_150, %broadcast_in_dim3A_103 : vector<16xi1>, vector<16xi32>
      %swap3A_159 = arith.constant 48 : index
      %swap3A_160 = tpu.vector_load %arg8[%swap3A_159] {strides = array<i32>} : memref<128xi32, #tpu.memory_space<vmem>>, vector<16xi32>,
      %swap3A_161 = vector.shape_cast %swap3A_160 : vector<16xi32> to vector<16xi32>
      %swap3A_162 = vector.shape_cast %select_n3A_158 : vector<16xi32> to vector<16xi32>
      tpu.vector_store %arg8[%swap3A_159], %swap3A_162 {strides = array<i32>} : memref<128xi32, #tpu.memory_space<vmem>>, vector<16xi32>,
      %get3A_163 = arith.constant 64 : index
      %get3A_164 = tpu.vector_load %arg8[%get3A_163] {strides = array<i32>} : memref<128xi32, #tpu.memory_space<vmem>>, vector<16xi32>,
      %get3A_165 = vector.shape_cast %get3A_164 : vector<16xi32> to vector<16xi32>
      %sub3A_166 = arith.subi %get3A_165, %broadcast_in_dim3A_101 : vector<16xi32>
      %ge3A_167 = arith.constant 0 : i32
      %ge3A_168 = vector.broadcast %ge3A_167 : i32 to vector<16xi32>
      %ge3A_169 = arith.cmpi sge, %sub3A_166, %ge3A_168 : vector<16xi32>
      %lt3A_170 = arith.constant 5120 : i32
      %lt3A_171 = vector.broadcast %lt3A_170 : i32 to vector<16xi32>
      %lt3A_172 = arith.cmpi slt, %sub3A_166, %lt3A_171 : vector<16xi32>
      %and3A_173 = arith.andi %ge3A_169, %lt3A_172 : vector<16xi1>
      %select_n3A_174 = arith.select %and3A_173, %sub3A_166, %broadcast_in_dim3A_103 : vector<16xi1>, vector<16xi32>
      %swap3A_175 = arith.constant 64 : index
      %swap3A_176 = tpu.vector_load %arg8[%swap3A_175] {strides = array<i32>} : memref<128xi32, #tpu.memory_space<vmem>>, vector<16xi32>,
      %swap3A_177 = vector.shape_cast %swap3A_176 : vector<16xi32> to vector<16xi32>
      %swap3A_178 = vector.shape_cast %select_n3A_174 : vector<16xi32> to vector<16xi32>
      tpu.vector_store %arg8[%swap3A_175], %swap3A_178 {strides = array<i32>} : memref<128xi32, #tpu.memory_space<vmem>>, vector<16xi32>,
      %get3A_179 = arith.constant 80 : index
      %get3A_180 = tpu.vector_load %arg8[%get3A_179] {strides = array<i32>} : memref<128xi32, #tpu.memory_space<vmem>>, vector<16xi32>,
      %get3A_181 = vector.shape_cast %get3A_180 : vector<16xi32> to vector<16xi32>
      %sub3A_182 = arith.subi %get3A_181, %broadcast_in_dim3A_101 : vector<16xi32>
      %ge3A_183 = arith.constant 0 : i32
      %ge3A_184 = vector.broadcast %ge3A_183 : i32 to vector<16xi32>
      %ge3A_185 = arith.cmpi sge, %sub3A_182, %ge3A_184 : vector<16xi32>
      %lt3A_186 = arith.constant 5120 : i32
      %lt3A_187 = vector.broadcast %lt3A_186 : i32 to vector<16xi32>
      %lt3A_188 = arith.cmpi slt, %sub3A_182, %lt3A_187 : vector<16xi32>
      %and3A_189 = arith.andi %ge3A_185, %lt3A_188 : vector<16xi1>
      %select_n3A_190 = arith.select %and3A_189, %sub3A_182, %broadcast_in_dim3A_103 : vector<16xi1>, vector<16xi32>
      %swap3A_191 = arith.constant 80 : index
      %swap3A_192 = tpu.vector_load %arg8[%swap3A_191] {strides = array<i32>} : memref<128xi32, #tpu.memory_space<vmem>>, vector<16xi32>,
      %swap3A_193 = vector.shape_cast %swap3A_192 : vector<16xi32> to vector<16xi32>
      %swap3A_194 = vector.shape_cast %select_n3A_190 : vector<16xi32> to vector<16xi32>
      tpu.vector_store %arg8[%swap3A_191], %swap3A_194 {strides = array<i32>} : memref<128xi32, #tpu.memory_space<vmem>>, vector<16xi32>,
      %get3A_195 = arith.constant 96 : index
      %get3A_196 = tpu.vector_load %arg8[%get3A_195] {strides = array<i32>} : memref<128xi32, #tpu.memory_space<vmem>>, vector<16xi32>,
      %get3A_197 = vector.shape_cast %get3A_196 : vector<16xi32> to vector<16xi32>
      %sub3A_198 = arith.subi %get3A_197, %broadcast_in_dim3A_101 : vector<16xi32>
      %ge3A_199 = arith.constant 0 : i32
      %ge3A_200 = vector.broadcast %ge3A_199 : i32 to vector<16xi32>
      %ge3A_201 = arith.cmpi sge, %sub3A_198, %ge3A_200 : vector<16xi32>
      %lt3A_202 = arith.constant 5120 : i32
      %lt3A_203 = vector.broadcast %lt3A_202 : i32 to vector<16xi32>
      %lt3A_204 = arith.cmpi slt, %sub3A_198, %lt3A_203 : vector<16xi32>
      %and3A_205 = arith.andi %ge3A_201, %lt3A_204 : vector<16xi1>
      %select_n3A_206 = arith.select %and3A_205, %sub3A_198, %broadcast_in_dim3A_103 : vector<16xi1>, vector<16xi32>
      %swap3A_207 = arith.constant 96 : index
      %swap3A_208 = tpu.vector_load %arg8[%swap3A_207] {strides = array<i32>} : memref<128xi32, #tpu.memory_space<vmem>>, vector<16xi32>,
      %swap3A_209 = vector.shape_cast %swap3A_208 : vector<16xi32> to vector<16xi32>
      %swap3A_210 = vector.shape_cast %select_n3A_206 : vector<16xi32> to vector<16xi32>
      tpu.vector_store %arg8[%swap3A_207], %swap3A_210 {strides = array<i32>} : memref<128xi32, #tpu.memory_space<vmem>>, vector<16xi32>,
      %get3A_211 = arith.constant 112 : index
      %get3A_212 = tpu.vector_load %arg8[%get3A_211] {strides = array<i32>} : memref<128xi32, #tpu.memory_space<vmem>>, vector<16xi32>,
      %get3A_213 = vector.shape_cast %get3A_212 : vector<16xi32> to vector<16xi32>
      %sub3A_214 = arith.subi %get3A_213, %broadcast_in_dim3A_101 : vector<16xi32>
      %ge3A_215 = arith.constant 0 : i32
      %ge3A_216 = vector.broadcast %ge3A_215 : i32 to vector<16xi32>
      %ge3A_217 = arith.cmpi sge, %sub3A_214, %ge3A_216 : vector<16xi32>
      %lt3A_218 = arith.constant 5120 : i32
      %lt3A_219 = vector.broadcast %lt3A_218 : i32 to vector<16xi32>
      %lt3A_220 = arith.cmpi slt, %sub3A_214, %lt3A_219 : vector<16xi32>
      %and3A_221 = arith.andi %ge3A_217, %lt3A_220 : vector<16xi1>
      %select_n3A_222 = arith.select %and3A_221, %sub3A_214, %broadcast_in_dim3A_103 : vector<16xi1>, vector<16xi32>
      %swap3A_223 = arith.constant 112 : index
      %swap3A_224 = tpu.vector_load %arg8[%swap3A_223] {strides = array<i32>} : memref<128xi32, #tpu.memory_space<vmem>>, vector<16xi32>,
      %swap3A_225 = vector.shape_cast %swap3A_224 : vector<16xi32> to vector<16xi32>
      %swap3A_226 = vector.shape_cast %select_n3A_222 : vector<16xi32> to vector<16xi32>
      tpu.vector_store %arg8[%swap3A_223], %swap3A_226 {strides = array<i32>} : memref<128xi32, #tpu.memory_space<vmem>>, vector<16xi32>,
      "tpu.region"() ({
        %run_scoped3A = tpu.sem_alloc : memref<!tpu.dma_semaphore, #tpu.memory_space<semaphore_mem>>
        %dma_start3A_227 = arith.constant 0 : i32
        %dma_start3A_228 = arith.constant 0 : i32
        %dma_start3A_229 = tpu.memref_slice %arg10[%dma_start3A_227, %dma_start3A_228] : memref<5248x128xf32, #tpu.memory_space<vmem_shared>> -> memref<5248x128xf32, #tpu.memory_space<vmem_shared>>
        tpu.enqueue_indirect_dma source(%arg9 : memref<128x128xf32, #tpu.memory_space<vmem>>) target(%dma_start3A_229 : memref<5248x128xf32, #tpu.memory_space<vmem_shared>>) offsets(%arg8 : memref<128xi32, #tpu.memory_space<vmem>>) semaphore(%run_scoped3A : memref<!tpu.dma_semaphore, #tpu.memory_space<semaphore_mem>>) {add = true}
        %dma_wait3A_230 = arith.constant 0 : i32
        %dma_wait3A_231 = arith.constant 0 : i32
        %dma_wait3A_232 = tpu.memref_slice %arg10[%dma_wait3A_230, %dma_wait3A_231] : memref<5248x128xf32, #tpu.memory_space<vmem_shared>> -> memref<5248x128xf32, #tpu.memory_space<vmem_shared>>
        tpu.wait_indirect_dma semaphore(%run_scoped3A : memref<!tpu.dma_semaphore, #tpu.memory_space<semaphore_mem>>) src(%arg9 : memref<128x128xf32, #tpu.memory_space<vmem>>) dst(%dma_wait3A_232 : memref<5248x128xf32, #tpu.memory_space<vmem_shared>>)
        tpu.yield
      }) : () -> ()
    }
    %scan3A_7 = arith.constant 158 : i32
    %barrier3A_8 = arith.constant 0 : index
    tpu.barrier barrier_id(%barrier3A_8)
    %mul3A_9 = arith.constant 320 : i32
    %mul3A_10 = arith.muli %arg1, %mul3A_9 : i32
    %add3A = arith.constant 0 : i32
    %add3A_11 = arith.addi %add3A, %mul3A_10 : i32
    "tpu.region"() ({
      %run_scoped3A = tpu.sem_alloc : memref<!tpu.dma_semaphore, #tpu.memory_space<semaphore_mem>>
      %dma_start3A = arith.constant 0 : i32
      %dma_start3A_28 = tpu.memref_slice %arg6[%arg0, %add3A_11, %dma_start3A] : memref<2x10240x128xf32, #tpu.memory_space<hbm>> -> memref<1x320x128xf32, #tpu.memory_space<hbm>>
      %dma_start3A_29 = tpu.memref_squeeze %dma_start3A_28 : memref<1x320x128xf32, #tpu.memory_space<hbm>> -> memref<320x128xf32, #tpu.memory_space<hbm>>
      %dma_start3A_30 = arith.constant 0 : i32
      %dma_start3A_31 = tpu.memref_slice %arg10[%mul3A_10, %dma_start3A_30] : memref<5248x128xf32, #tpu.memory_space<vmem_shared>> -> memref<320x128xf32, #tpu.memory_space<vmem_shared>>
      tpu.enqueue_dma source(%dma_start3A_31 : memref<320x128xf32, #tpu.memory_space<vmem_shared>>) target(%dma_start3A_29 : memref<320x128xf32, #tpu.memory_space<hbm>>) target_semaphore(%run_scoped3A : memref<!tpu.dma_semaphore, #tpu.memory_space<semaphore_mem>>)
      %dma_wait3A = arith.constant 0 : i32
      %dma_wait3A_32 = tpu.memref_slice %arg6[%arg0, %add3A_11, %dma_wait3A] : memref<2x10240x128xf32, #tpu.memory_space<hbm>> -> memref<1x320x128xf32, #tpu.memory_space<hbm>>
      %dma_wait3A_33 = tpu.memref_squeeze %dma_wait3A_32 : memref<1x320x128xf32, #tpu.memory_space<hbm>> -> memref<320x128xf32, #tpu.memory_space<hbm>>
      %dma_wait3A_34 = arith.constant 0 : i32
      %dma_wait3A_35 = tpu.memref_slice %arg10[%mul3A_10, %dma_wait3A_34] : memref<5248x128xf32, #tpu.memory_space<vmem_shared>> -> memref<320x128xf32, #tpu.memory_space<vmem_shared>>
      tpu.wait_dma2 semaphore(%run_scoped3A : memref<!tpu.dma_semaphore, #tpu.memory_space<semaphore_mem>>) src(%dma_wait3A_35 : memref<320x128xf32, #tpu.memory_space<vmem_shared>>) dst(%dma_wait3A_33 : memref<320x128xf32, #tpu.memory_space<hbm>>)
      tpu.yield
    }) : () -> ()
    %barrier3A_12 = arith.constant 0 : index
    tpu.barrier barrier_id(%barrier3A_12)
    %mul3A_13 = arith.constant 328 : i32
    %mul3A_14 = arith.muli %arg1, %mul3A_13 : i32
    "tpu.region"() ({
      %run_scoped3A = tpu.sem_alloc : memref<!tpu.dma_semaphore, #tpu.memory_space<semaphore_mem>>
      %dma_start3A = arith.constant 0 : i32
      %dma_start3A_28 = tpu.memref_slice %arg10[%mul3A_14, %dma_start3A] : memref<5248x128xf32, #tpu.memory_space<vmem_shared>> -> memref<328x128xf32, #tpu.memory_space<vmem_shared>>
      %dma_start3A_29 = arith.constant 0 : i32
      %dma_start3A_30 = tpu.memref_slice %arg5[%mul3A_14, %dma_start3A_29] : memref<5248x128xf32, #tpu.memory_space<hbm>> -> memref<328x128xf32, #tpu.memory_space<hbm>>
      tpu.enqueue_dma source(%dma_start3A_30 : memref<328x128xf32, #tpu.memory_space<hbm>>) target(%dma_start3A_28 : memref<328x128xf32, #tpu.memory_space<vmem_shared>>) target_semaphore(%run_scoped3A : memref<!tpu.dma_semaphore, #tpu.memory_space<semaphore_mem>>)
      %dma_wait3A = arith.constant 0 : i32
      %dma_wait3A_31 = tpu.memref_slice %arg10[%mul3A_14, %dma_wait3A] : memref<5248x128xf32, #tpu.memory_space<vmem_shared>> -> memref<328x128xf32, #tpu.memory_space<vmem_shared>>
      %dma_wait3A_32 = arith.constant 0 : i32
      %dma_wait3A_33 = tpu.memref_slice %arg5[%mul3A_14, %dma_wait3A_32] : memref<5248x128xf32, #tpu.memory_space<hbm>> -> memref<328x128xf32, #tpu.memory_space<hbm>>
      tpu.wait_dma2 semaphore(%run_scoped3A : memref<!tpu.dma_semaphore, #tpu.memory_space<semaphore_mem>>) src(%dma_wait3A_33 : memref<328x128xf32, #tpu.memory_space<hbm>>) dst(%dma_wait3A_31 : memref<328x128xf32, #tpu.memory_space<vmem_shared>>)
      tpu.yield
    }) : () -> ()
    %barrier3A_15 = arith.constant 0 : index
    tpu.barrier barrier_id(%barrier3A_15)
    %scan3A_16 = arith.constant 0 : i32
    %scan3A_17 = arith.constant 0 : i32
    %scan3A_18 = arith.constant 158 : i32
    %scan3A_19 = arith.addi %scan3A_17, %scan3A_18 : i32
    %scan3A_20 = arith.constant 1 : i32
    scf.for %scan3A_28 = %scan3A_17 to %scan3A_19 step %scan3A_20  : i32 {
      %mul3A_29 = arith.constant 16 : i32
      %mul3A_30 = arith.muli %mul3A_29, %scan3A_28 : i32
      %add3A_31 = arith.addi %arg1, %mul3A_30 : i32
      %mul3A_32 = arith.constant 128 : i32
      %mul3A_33 = arith.muli %add3A_31, %mul3A_32 : i32
      "tpu.region"() ({
        %run_scoped3A = tpu.sem_alloc : memref<!tpu.dma_semaphore, #tpu.memory_space<semaphore_mem>>
        %dma_start3A_227 = tpu.memref_slice %arg3[%mul3A_33] : memref<323584xi32, #tpu.memory_space<hbm>> -> memref<128xi32, #tpu.memory_space<hbm>>
        %dma_start3A_228 = tpu.memref_slice %arg3[%mul3A_33] : memref<323584xi32, #tpu.memory_space<hbm>> -> memref<128xi32, #tpu.memory_space<hbm>>
        tpu.enqueue_dma source(%dma_start3A_228 : memref<128xi32, #tpu.memory_space<hbm>>) target(%arg7 : memref<128xi32, #tpu.memory_space<vmem>>) target_semaphore(%run_scoped3A : memref<!tpu.dma_semaphore, #tpu.memory_space<semaphore_mem>>)
        %dma_wait3A_229 = tpu.memref_slice %arg3[%mul3A_33] : memref<323584xi32, #tpu.memory_space<hbm>> -> memref<128xi32, #tpu.memory_space<hbm>>
        %dma_wait3A_230 = tpu.memref_slice %arg3[%mul3A_33] : memref<323584xi32, #tpu.memory_space<hbm>> -> memref<128xi32, #tpu.memory_space<hbm>>
        tpu.wait_dma2 semaphore(%run_scoped3A : memref<!tpu.dma_semaphore, #tpu.memory_space<semaphore_mem>>) src(%dma_wait3A_230 : memref<128xi32, #tpu.memory_space<hbm>>) dst(%arg7 : memref<128xi32, #tpu.memory_space<vmem>>)
        tpu.yield
      }) : () -> ()
      %get3A = arith.constant 0 : index
      %get3A_34 = tpu.vector_load %arg7[%get3A] {strides = array<i32>} : memref<128xi32, #tpu.memory_space<vmem>>, vector<16xi32>,
      %get3A_35 = vector.shape_cast %get3A_34 : vector<16xi32> to vector<16xi32>
      %add3A_36 = arith.addi %get3A_35, %broadcast_in_dim3A : vector<16xi32>
      %swap3A = arith.constant 0 : index
      %swap3A_37 = tpu.vector_load %arg7[%swap3A] {strides = array<i32>} : memref<128xi32, #tpu.memory_space<vmem>>, vector<16xi32>,
      %swap3A_38 = vector.shape_cast %swap3A_37 : vector<16xi32> to vector<16xi32>
      %swap3A_39 = vector.shape_cast %add3A_36 : vector<16xi32> to vector<16xi32>
      tpu.vector_store %arg7[%swap3A], %swap3A_39 {strides = array<i32>} : memref<128xi32, #tpu.memory_space<vmem>>, vector<16xi32>,
      %get3A_40 = arith.constant 16 : index
      %get3A_41 = tpu.vector_load %arg7[%get3A_40] {strides = array<i32>} : memref<128xi32, #tpu.memory_space<vmem>>, vector<16xi32>,
      %get3A_42 = vector.shape_cast %get3A_41 : vector<16xi32> to vector<16xi32>
      %add3A_43 = arith.addi %get3A_42, %broadcast_in_dim3A : vector<16xi32>
      %swap3A_44 = arith.constant 16 : index
      %swap3A_45 = tpu.vector_load %arg7[%swap3A_44] {strides = array<i32>} : memref<128xi32, #tpu.memory_space<vmem>>, vector<16xi32>,
      %swap3A_46 = vector.shape_cast %swap3A_45 : vector<16xi32> to vector<16xi32>
      %swap3A_47 = vector.shape_cast %add3A_43 : vector<16xi32> to vector<16xi32>
      tpu.vector_store %arg7[%swap3A_44], %swap3A_47 {strides = array<i32>} : memref<128xi32, #tpu.memory_space<vmem>>, vector<16xi32>,
      %get3A_48 = arith.constant 32 : index
      %get3A_49 = tpu.vector_load %arg7[%get3A_48] {strides = array<i32>} : memref<128xi32, #tpu.memory_space<vmem>>, vector<16xi32>,
      %get3A_50 = vector.shape_cast %get3A_49 : vector<16xi32> to vector<16xi32>
      %add3A_51 = arith.addi %get3A_50, %broadcast_in_dim3A : vector<16xi32>
      %swap3A_52 = arith.constant 32 : index
      %swap3A_53 = tpu.vector_load %arg7[%swap3A_52] {strides = array<i32>} : memref<128xi32, #tpu.memory_space<vmem>>, vector<16xi32>,
      %swap3A_54 = vector.shape_cast %swap3A_53 : vector<16xi32> to vector<16xi32>
      %swap3A_55 = vector.shape_cast %add3A_51 : vector<16xi32> to vector<16xi32>
      tpu.vector_store %arg7[%swap3A_52], %swap3A_55 {strides = array<i32>} : memref<128xi32, #tpu.memory_space<vmem>>, vector<16xi32>,
      %get3A_56 = arith.constant 48 : index
      %get3A_57 = tpu.vector_load %arg7[%get3A_56] {strides = array<i32>} : memref<128xi32, #tpu.memory_space<vmem>>, vector<16xi32>,
      %get3A_58 = vector.shape_cast %get3A_57 : vector<16xi32> to vector<16xi32>
      %add3A_59 = arith.addi %get3A_58, %broadcast_in_dim3A : vector<16xi32>
      %swap3A_60 = arith.constant 48 : index
      %swap3A_61 = tpu.vector_load %arg7[%swap3A_60] {strides = array<i32>} : memref<128xi32, #tpu.memory_space<vmem>>, vector<16xi32>,
      %swap3A_62 = vector.shape_cast %swap3A_61 : vector<16xi32> to vector<16xi32>
      %swap3A_63 = vector.shape_cast %add3A_59 : vector<16xi32> to vector<16xi32>
      tpu.vector_store %arg7[%swap3A_60], %swap3A_63 {strides = array<i32>} : memref<128xi32, #tpu.memory_space<vmem>>, vector<16xi32>,
      %get3A_64 = arith.constant 64 : index
      %get3A_65 = tpu.vector_load %arg7[%get3A_64] {strides = array<i32>} : memref<128xi32, #tpu.memory_space<vmem>>, vector<16xi32>,
      %get3A_66 = vector.shape_cast %get3A_65 : vector<16xi32> to vector<16xi32>
      %add3A_67 = arith.addi %get3A_66, %broadcast_in_dim3A : vector<16xi32>
      %swap3A_68 = arith.constant 64 : index
      %swap3A_69 = tpu.vector_load %arg7[%swap3A_68] {strides = array<i32>} : memref<128xi32, #tpu.memory_space<vmem>>, vector<16xi32>,
      %swap3A_70 = vector.shape_cast %swap3A_69 : vector<16xi32> to vector<16xi32>
      %swap3A_71 = vector.shape_cast %add3A_67 : vector<16xi32> to vector<16xi32>
      tpu.vector_store %arg7[%swap3A_68], %swap3A_71 {strides = array<i32>} : memref<128xi32, #tpu.memory_space<vmem>>, vector<16xi32>,
      %get3A_72 = arith.constant 80 : index
      %get3A_73 = tpu.vector_load %arg7[%get3A_72] {strides = array<i32>} : memref<128xi32, #tpu.memory_space<vmem>>, vector<16xi32>,
      %get3A_74 = vector.shape_cast %get3A_73 : vector<16xi32> to vector<16xi32>
      %add3A_75 = arith.addi %get3A_74, %broadcast_in_dim3A : vector<16xi32>
      %swap3A_76 = arith.constant 80 : index
      %swap3A_77 = tpu.vector_load %arg7[%swap3A_76] {strides = array<i32>} : memref<128xi32, #tpu.memory_space<vmem>>, vector<16xi32>,
      %swap3A_78 = vector.shape_cast %swap3A_77 : vector<16xi32> to vector<16xi32>
      %swap3A_79 = vector.shape_cast %add3A_75 : vector<16xi32> to vector<16xi32>
      tpu.vector_store %arg7[%swap3A_76], %swap3A_79 {strides = array<i32>} : memref<128xi32, #tpu.memory_space<vmem>>, vector<16xi32>,
      %get3A_80 = arith.constant 96 : index
      %get3A_81 = tpu.vector_load %arg7[%get3A_80] {strides = array<i32>} : memref<128xi32, #tpu.memory_space<vmem>>, vector<16xi32>,
      %get3A_82 = vector.shape_cast %get3A_81 : vector<16xi32> to vector<16xi32>
      %add3A_83 = arith.addi %get3A_82, %broadcast_in_dim3A : vector<16xi32>
      %swap3A_84 = arith.constant 96 : index
      %swap3A_85 = tpu.vector_load %arg7[%swap3A_84] {strides = array<i32>} : memref<128xi32, #tpu.memory_space<vmem>>, vector<16xi32>,
      %swap3A_86 = vector.shape_cast %swap3A_85 : vector<16xi32> to vector<16xi32>
      %swap3A_87 = vector.shape_cast %add3A_83 : vector<16xi32> to vector<16xi32>
      tpu.vector_store %arg7[%swap3A_84], %swap3A_87 {strides = array<i32>} : memref<128xi32, #tpu.memory_space<vmem>>, vector<16xi32>,
      %get3A_88 = arith.constant 112 : index
      %get3A_89 = tpu.vector_load %arg7[%get3A_88] {strides = array<i32>} : memref<128xi32, #tpu.memory_space<vmem>>, vector<16xi32>,
      %get3A_90 = vector.shape_cast %get3A_89 : vector<16xi32> to vector<16xi32>
      %add3A_91 = arith.addi %get3A_90, %broadcast_in_dim3A : vector<16xi32>
      %swap3A_92 = arith.constant 112 : index
      %swap3A_93 = tpu.vector_load %arg7[%swap3A_92] {strides = array<i32>} : memref<128xi32, #tpu.memory_space<vmem>>, vector<16xi32>,
      %swap3A_94 = vector.shape_cast %swap3A_93 : vector<16xi32> to vector<16xi32>
      %swap3A_95 = vector.shape_cast %add3A_91 : vector<16xi32> to vector<16xi32>
      tpu.vector_store %arg7[%swap3A_92], %swap3A_95 {strides = array<i32>} : memref<128xi32, #tpu.memory_space<vmem>>, vector<16xi32>,
      %dma_start3A = arith.constant 0 : i32
      %dma_start3A_96 = arith.constant 0 : i32
      %dma_start3A_97 = tpu.memref_slice %arg2[%dma_start3A, %dma_start3A_96] : memref<20000x128xf32, #tpu.memory_space<hbm>> -> memref<20000x128xf32, #tpu.memory_space<hbm>>
      tpu.enqueue_indirect_dma source(%dma_start3A_97 : memref<20000x128xf32, #tpu.memory_space<hbm>>) target(%arg9 : memref<128x128xf32, #tpu.memory_space<vmem>>) offsets(%arg7 : memref<128xi32, #tpu.memory_space<vmem>>) semaphore(%arg11 : memref<!tpu.dma_semaphore, #tpu.memory_space<semaphore_mem>>)
      %dma_wait3A = arith.constant 0 : i32
      %dma_wait3A_98 = arith.constant 0 : i32
      %dma_wait3A_99 = tpu.memref_slice %arg2[%dma_wait3A, %dma_wait3A_98] : memref<20000x128xf32, #tpu.memory_space<hbm>> -> memref<20000x128xf32, #tpu.memory_space<hbm>>
      tpu.wait_indirect_dma semaphore(%arg11 : memref<!tpu.dma_semaphore, #tpu.memory_space<semaphore_mem>>) src(%dma_wait3A_99 : memref<20000x128xf32, #tpu.memory_space<hbm>>) dst(%arg9 : memref<128x128xf32, #tpu.memory_space<vmem>>)
      "tpu.region"() ({
        %run_scoped3A = tpu.sem_alloc : memref<!tpu.dma_semaphore, #tpu.memory_space<semaphore_mem>>
        %dma_start3A_227 = tpu.memref_slice %arg4[%mul3A_33] : memref<323584xi32, #tpu.memory_space<hbm>> -> memref<128xi32, #tpu.memory_space<hbm>>
        %dma_start3A_228 = tpu.memref_slice %arg4[%mul3A_33] : memref<323584xi32, #tpu.memory_space<hbm>> -> memref<128xi32, #tpu.memory_space<hbm>>
        tpu.enqueue_dma source(%dma_start3A_228 : memref<128xi32, #tpu.memory_space<hbm>>) target(%arg8 : memref<128xi32, #tpu.memory_space<vmem>>) target_semaphore(%run_scoped3A : memref<!tpu.dma_semaphore, #tpu.memory_space<semaphore_mem>>)
        %dma_wait3A_229 = tpu.memref_slice %arg4[%mul3A_33] : memref<323584xi32, #tpu.memory_space<hbm>> -> memref<128xi32, #tpu.memory_space<hbm>>
        %dma_wait3A_230 = tpu.memref_slice %arg4[%mul3A_33] : memref<323584xi32, #tpu.memory_space<hbm>> -> memref<128xi32, #tpu.memory_space<hbm>>
        tpu.wait_dma2 semaphore(%run_scoped3A : memref<!tpu.dma_semaphore, #tpu.memory_space<semaphore_mem>>) src(%dma_wait3A_230 : memref<128xi32, #tpu.memory_space<hbm>>) dst(%arg8 : memref<128xi32, #tpu.memory_space<vmem>>)
        tpu.yield
      }) : () -> ()
      %broadcast_in_dim3A_100 = arith.constant 5120 : i32
      %broadcast_in_dim3A_101 = vector.broadcast %broadcast_in_dim3A_100 : i32 to vector<16xi32>
      %broadcast_in_dim3A_102 = arith.constant 5120 : i32
      %broadcast_in_dim3A_103 = vector.broadcast %broadcast_in_dim3A_102 : i32 to vector<16xi32>
      %get3A_104 = arith.constant 0 : index
      %get3A_105 = tpu.vector_load %arg8[%get3A_104] {strides = array<i32>} : memref<128xi32, #tpu.memory_space<vmem>>, vector<16xi32>,
      %get3A_106 = vector.shape_cast %get3A_105 : vector<16xi32> to vector<16xi32>
      %sub3A = arith.subi %get3A_106, %broadcast_in_dim3A_101 : vector<16xi32>
      %ge3A = arith.constant 0 : i32
      %ge3A_107 = vector.broadcast %ge3A : i32 to vector<16xi32>
      %ge3A_108 = arith.cmpi sge, %sub3A, %ge3A_107 : vector<16xi32>
      %lt3A = arith.constant 5120 : i32
      %lt3A_109 = vector.broadcast %lt3A : i32 to vector<16xi32>
      %lt3A_110 = arith.cmpi slt, %sub3A, %lt3A_109 : vector<16xi32>
      %and3A = arith.andi %ge3A_108, %lt3A_110 : vector<16xi1>
      %select_n3A = arith.select %and3A, %sub3A, %broadcast_in_dim3A_103 : vector<16xi1>, vector<16xi32>
      %swap3A_111 = arith.constant 0 : index
      %swap3A_112 = tpu.vector_load %arg8[%swap3A_111] {strides = array<i32>} : memref<128xi32, #tpu.memory_space<vmem>>, vector<16xi32>,
      %swap3A_113 = vector.shape_cast %swap3A_112 : vector<16xi32> to vector<16xi32>
      %swap3A_114 = vector.shape_cast %select_n3A : vector<16xi32> to vector<16xi32>
      tpu.vector_store %arg8[%swap3A_111], %swap3A_114 {strides = array<i32>} : memref<128xi32, #tpu.memory_space<vmem>>, vector<16xi32>,
      %get3A_115 = arith.constant 16 : index
      %get3A_116 = tpu.vector_load %arg8[%get3A_115] {strides = array<i32>} : memref<128xi32, #tpu.memory_space<vmem>>, vector<16xi32>,
      %get3A_117 = vector.shape_cast %get3A_116 : vector<16xi32> to vector<16xi32>
      %sub3A_118 = arith.subi %get3A_117, %broadcast_in_dim3A_101 : vector<16xi32>
      %ge3A_119 = arith.constant 0 : i32
      %ge3A_120 = vector.broadcast %ge3A_119 : i32 to vector<16xi32>
      %ge3A_121 = arith.cmpi sge, %sub3A_118, %ge3A_120 : vector<16xi32>
      %lt3A_122 = arith.constant 5120 : i32
      %lt3A_123 = vector.broadcast %lt3A_122 : i32 to vector<16xi32>
      %lt3A_124 = arith.cmpi slt, %sub3A_118, %lt3A_123 : vector<16xi32>
      %and3A_125 = arith.andi %ge3A_121, %lt3A_124 : vector<16xi1>
      %select_n3A_126 = arith.select %and3A_125, %sub3A_118, %broadcast_in_dim3A_103 : vector<16xi1>, vector<16xi32>
      %swap3A_127 = arith.constant 16 : index
      %swap3A_128 = tpu.vector_load %arg8[%swap3A_127] {strides = array<i32>} : memref<128xi32, #tpu.memory_space<vmem>>, vector<16xi32>,
      %swap3A_129 = vector.shape_cast %swap3A_128 : vector<16xi32> to vector<16xi32>
      %swap3A_130 = vector.shape_cast %select_n3A_126 : vector<16xi32> to vector<16xi32>
      tpu.vector_store %arg8[%swap3A_127], %swap3A_130 {strides = array<i32>} : memref<128xi32, #tpu.memory_space<vmem>>, vector<16xi32>,
      %get3A_131 = arith.constant 32 : index
      %get3A_132 = tpu.vector_load %arg8[%get3A_131] {strides = array<i32>} : memref<128xi32, #tpu.memory_space<vmem>>, vector<16xi32>,
      %get3A_133 = vector.shape_cast %get3A_132 : vector<16xi32> to vector<16xi32>
      %sub3A_134 = arith.subi %get3A_133, %broadcast_in_dim3A_101 : vector<16xi32>
      %ge3A_135 = arith.constant 0 : i32
      %ge3A_136 = vector.broadcast %ge3A_135 : i32 to vector<16xi32>
      %ge3A_137 = arith.cmpi sge, %sub3A_134, %ge3A_136 : vector<16xi32>
      %lt3A_138 = arith.constant 5120 : i32
      %lt3A_139 = vector.broadcast %lt3A_138 : i32 to vector<16xi32>
      %lt3A_140 = arith.cmpi slt, %sub3A_134, %lt3A_139 : vector<16xi32>
      %and3A_141 = arith.andi %ge3A_137, %lt3A_140 : vector<16xi1>
      %select_n3A_142 = arith.select %and3A_141, %sub3A_134, %broadcast_in_dim3A_103 : vector<16xi1>, vector<16xi32>
      %swap3A_143 = arith.constant 32 : index
      %swap3A_144 = tpu.vector_load %arg8[%swap3A_143] {strides = array<i32>} : memref<128xi32, #tpu.memory_space<vmem>>, vector<16xi32>,
      %swap3A_145 = vector.shape_cast %swap3A_144 : vector<16xi32> to vector<16xi32>
      %swap3A_146 = vector.shape_cast %select_n3A_142 : vector<16xi32> to vector<16xi32>
      tpu.vector_store %arg8[%swap3A_143], %swap3A_146 {strides = array<i32>} : memref<128xi32, #tpu.memory_space<vmem>>, vector<16xi32>,
      %get3A_147 = arith.constant 48 : index
      %get3A_148 = tpu.vector_load %arg8[%get3A_147] {strides = array<i32>} : memref<128xi32, #tpu.memory_space<vmem>>, vector<16xi32>,
      %get3A_149 = vector.shape_cast %get3A_148 : vector<16xi32> to vector<16xi32>
      %sub3A_150 = arith.subi %get3A_149, %broadcast_in_dim3A_101 : vector<16xi32>
      %ge3A_151 = arith.constant 0 : i32
      %ge3A_152 = vector.broadcast %ge3A_151 : i32 to vector<16xi32>
      %ge3A_153 = arith.cmpi sge, %sub3A_150, %ge3A_152 : vector<16xi32>
      %lt3A_154 = arith.constant 5120 : i32
      %lt3A_155 = vector.broadcast %lt3A_154 : i32 to vector<16xi32>
      %lt3A_156 = arith.cmpi slt, %sub3A_150, %lt3A_155 : vector<16xi32>
      %and3A_157 = arith.andi %ge3A_153, %lt3A_156 : vector<16xi1>
      %select_n3A_158 = arith.select %and3A_157, %sub3A_150, %broadcast_in_dim3A_103 : vector<16xi1>, vector<16xi32>
      %swap3A_159 = arith.constant 48 : index
      %swap3A_160 = tpu.vector_load %arg8[%swap3A_159] {strides = array<i32>} : memref<128xi32, #tpu.memory_space<vmem>>, vector<16xi32>,
      %swap3A_161 = vector.shape_cast %swap3A_160 : vector<16xi32> to vector<16xi32>
      %swap3A_162 = vector.shape_cast %select_n3A_158 : vector<16xi32> to vector<16xi32>
      tpu.vector_store %arg8[%swap3A_159], %swap3A_162 {strides = array<i32>} : memref<128xi32, #tpu.memory_space<vmem>>, vector<16xi32>,
      %get3A_163 = arith.constant 64 : index
      %get3A_164 = tpu.vector_load %arg8[%get3A_163] {strides = array<i32>} : memref<128xi32, #tpu.memory_space<vmem>>, vector<16xi32>,
      %get3A_165 = vector.shape_cast %get3A_164 : vector<16xi32> to vector<16xi32>
      %sub3A_166 = arith.subi %get3A_165, %broadcast_in_dim3A_101 : vector<16xi32>
      %ge3A_167 = arith.constant 0 : i32
      %ge3A_168 = vector.broadcast %ge3A_167 : i32 to vector<16xi32>
      %ge3A_169 = arith.cmpi sge, %sub3A_166, %ge3A_168 : vector<16xi32>
      %lt3A_170 = arith.constant 5120 : i32
      %lt3A_171 = vector.broadcast %lt3A_170 : i32 to vector<16xi32>
      %lt3A_172 = arith.cmpi slt, %sub3A_166, %lt3A_171 : vector<16xi32>
      %and3A_173 = arith.andi %ge3A_169, %lt3A_172 : vector<16xi1>
      %select_n3A_174 = arith.select %and3A_173, %sub3A_166, %broadcast_in_dim3A_103 : vector<16xi1>, vector<16xi32>
      %swap3A_175 = arith.constant 64 : index
      %swap3A_176 = tpu.vector_load %arg8[%swap3A_175] {strides = array<i32>} : memref<128xi32, #tpu.memory_space<vmem>>, vector<16xi32>,
      %swap3A_177 = vector.shape_cast %swap3A_176 : vector<16xi32> to vector<16xi32>
      %swap3A_178 = vector.shape_cast %select_n3A_174 : vector<16xi32> to vector<16xi32>
      tpu.vector_store %arg8[%swap3A_175], %swap3A_178 {strides = array<i32>} : memref<128xi32, #tpu.memory_space<vmem>>, vector<16xi32>,
      %get3A_179 = arith.constant 80 : index
      %get3A_180 = tpu.vector_load %arg8[%get3A_179] {strides = array<i32>} : memref<128xi32, #tpu.memory_space<vmem>>, vector<16xi32>,
      %get3A_181 = vector.shape_cast %get3A_180 : vector<16xi32> to vector<16xi32>
      %sub3A_182 = arith.subi %get3A_181, %broadcast_in_dim3A_101 : vector<16xi32>
      %ge3A_183 = arith.constant 0 : i32
      %ge3A_184 = vector.broadcast %ge3A_183 : i32 to vector<16xi32>
      %ge3A_185 = arith.cmpi sge, %sub3A_182, %ge3A_184 : vector<16xi32>
      %lt3A_186 = arith.constant 5120 : i32
      %lt3A_187 = vector.broadcast %lt3A_186 : i32 to vector<16xi32>
      %lt3A_188 = arith.cmpi slt, %sub3A_182, %lt3A_187 : vector<16xi32>
      %and3A_189 = arith.andi %ge3A_185, %lt3A_188 : vector<16xi1>
      %select_n3A_190 = arith.select %and3A_189, %sub3A_182, %broadcast_in_dim3A_103 : vector<16xi1>, vector<16xi32>
      %swap3A_191 = arith.constant 80 : index
      %swap3A_192 = tpu.vector_load %arg8[%swap3A_191] {strides = array<i32>} : memref<128xi32, #tpu.memory_space<vmem>>, vector<16xi32>,
      %swap3A_193 = vector.shape_cast %swap3A_192 : vector<16xi32> to vector<16xi32>
      %swap3A_194 = vector.shape_cast %select_n3A_190 : vector<16xi32> to vector<16xi32>
      tpu.vector_store %arg8[%swap3A_191], %swap3A_194 {strides = array<i32>} : memref<128xi32, #tpu.memory_space<vmem>>, vector<16xi32>,
      %get3A_195 = arith.constant 96 : index
      %get3A_196 = tpu.vector_load %arg8[%get3A_195] {strides = array<i32>} : memref<128xi32, #tpu.memory_space<vmem>>, vector<16xi32>,
      %get3A_197 = vector.shape_cast %get3A_196 : vector<16xi32> to vector<16xi32>
      %sub3A_198 = arith.subi %get3A_197, %broadcast_in_dim3A_101 : vector<16xi32>
      %ge3A_199 = arith.constant 0 : i32
      %ge3A_200 = vector.broadcast %ge3A_199 : i32 to vector<16xi32>
      %ge3A_201 = arith.cmpi sge, %sub3A_198, %ge3A_200 : vector<16xi32>
      %lt3A_202 = arith.constant 5120 : i32
      %lt3A_203 = vector.broadcast %lt3A_202 : i32 to vector<16xi32>
      %lt3A_204 = arith.cmpi slt, %sub3A_198, %lt3A_203 : vector<16xi32>
      %and3A_205 = arith.andi %ge3A_201, %lt3A_204 : vector<16xi1>
      %select_n3A_206 = arith.select %and3A_205, %sub3A_198, %broadcast_in_dim3A_103 : vector<16xi1>, vector<16xi32>
      %swap3A_207 = arith.constant 96 : index
      %swap3A_208 = tpu.vector_load %arg8[%swap3A_207] {strides = array<i32>} : memref<128xi32, #tpu.memory_space<vmem>>, vector<16xi32>,
      %swap3A_209 = vector.shape_cast %swap3A_208 : vector<16xi32> to vector<16xi32>
      %swap3A_210 = vector.shape_cast %select_n3A_206 : vector<16xi32> to vector<16xi32>
      tpu.vector_store %arg8[%swap3A_207], %swap3A_210 {strides = array<i32>} : memref<128xi32, #tpu.memory_space<vmem>>, vector<16xi32>,
      %get3A_211 = arith.constant 112 : index
      %get3A_212 = tpu.vector_load %arg8[%get3A_211] {strides = array<i32>} : memref<128xi32, #tpu.memory_space<vmem>>, vector<16xi32>,
      %get3A_213 = vector.shape_cast %get3A_212 : vector<16xi32> to vector<16xi32>
      %sub3A_214 = arith.subi %get3A_213, %broadcast_in_dim3A_101 : vector<16xi32>
      %ge3A_215 = arith.constant 0 : i32
      %ge3A_216 = vector.broadcast %ge3A_215 : i32 to vector<16xi32>
      %ge3A_217 = arith.cmpi sge, %sub3A_214, %ge3A_216 : vector<16xi32>
      %lt3A_218 = arith.constant 5120 : i32
      %lt3A_219 = vector.broadcast %lt3A_218 : i32 to vector<16xi32>
      %lt3A_220 = arith.cmpi slt, %sub3A_214, %lt3A_219 : vector<16xi32>
      %and3A_221 = arith.andi %ge3A_217, %lt3A_220 : vector<16xi1>
      %select_n3A_222 = arith.select %and3A_221, %sub3A_214, %broadcast_in_dim3A_103 : vector<16xi1>, vector<16xi32>
      %swap3A_223 = arith.constant 112 : index
      %swap3A_224 = tpu.vector_load %arg8[%swap3A_223] {strides = array<i32>} : memref<128xi32, #tpu.memory_space<vmem>>, vector<16xi32>,
      %swap3A_225 = vector.shape_cast %swap3A_224 : vector<16xi32> to vector<16xi32>
      %swap3A_226 = vector.shape_cast %select_n3A_222 : vector<16xi32> to vector<16xi32>
      tpu.vector_store %arg8[%swap3A_223], %swap3A_226 {strides = array<i32>} : memref<128xi32, #tpu.memory_space<vmem>>, vector<16xi32>,
      "tpu.region"() ({
        %run_scoped3A = tpu.sem_alloc : memref<!tpu.dma_semaphore, #tpu.memory_space<semaphore_mem>>
        %dma_start3A_227 = arith.constant 0 : i32
        %dma_start3A_228 = arith.constant 0 : i32
        %dma_start3A_229 = tpu.memref_slice %arg10[%dma_start3A_227, %dma_start3A_228] : memref<5248x128xf32, #tpu.memory_space<vmem_shared>> -> memref<5248x128xf32, #tpu.memory_space<vmem_shared>>
        tpu.enqueue_indirect_dma source(%arg9 : memref<128x128xf32, #tpu.memory_space<vmem>>) target(%dma_start3A_229 : memref<5248x128xf32, #tpu.memory_space<vmem_shared>>) offsets(%arg8 : memref<128xi32, #tpu.memory_space<vmem>>) semaphore(%run_scoped3A : memref<!tpu.dma_semaphore, #tpu.memory_space<semaphore_mem>>) {add = true}
        %dma_wait3A_230 = arith.constant 0 : i32
        %dma_wait3A_231 = arith.constant 0 : i32
        %dma_wait3A_232 = tpu.memref_slice %arg10[%dma_wait3A_230, %dma_wait3A_231] : memref<5248x128xf32, #tpu.memory_space<vmem_shared>> -> memref<5248x128xf32, #tpu.memory_space<vmem_shared>>
        tpu.wait_indirect_dma semaphore(%run_scoped3A : memref<!tpu.dma_semaphore, #tpu.memory_space<semaphore_mem>>) src(%arg9 : memref<128x128xf32, #tpu.memory_space<vmem>>) dst(%dma_wait3A_232 : memref<5248x128xf32, #tpu.memory_space<vmem_shared>>)
        tpu.yield
      }) : () -> ()
    }
    %scan3A_21 = arith.constant 158 : i32
    %barrier3A_22 = arith.constant 0 : index
    tpu.barrier barrier_id(%barrier3A_22)
    %mul3A_23 = arith.constant 320 : i32
    %mul3A_24 = arith.muli %arg1, %mul3A_23 : i32
    %add3A_25 = arith.constant 5120 : i32
    %add3A_26 = arith.addi %add3A_25, %mul3A_24 : i32
    "tpu.region"() ({
      %run_scoped3A = tpu.sem_alloc : memref<!tpu.dma_semaphore, #tpu.memory_space<semaphore_mem>>
      %dma_start3A = arith.constant 0 : i32
      %dma_start3A_28 = tpu.memref_slice %arg6[%arg0, %add3A_26, %dma_start3A] : memref<2x10240x128xf32, #tpu.memory_space<hbm>> -> memref<1x320x128xf32, #tpu.memory_space<hbm>>
      %dma_start3A_29 = tpu.memref_squeeze %dma_start3A_28 : memref<1x320x128xf32, #tpu.memory_space<hbm>> -> memref<320x128xf32, #tpu.memory_space<hbm>>
      %dma_start3A_30 = arith.constant 0 : i32
      %dma_start3A_31 = tpu.memref_slice %arg10[%mul3A_24, %dma_start3A_30] : memref<5248x128xf32, #tpu.memory_space<vmem_shared>> -> memref<320x128xf32, #tpu.memory_space<vmem_shared>>
      tpu.enqueue_dma source(%dma_start3A_31 : memref<320x128xf32, #tpu.memory_space<vmem_shared>>) target(%dma_start3A_29 : memref<320x128xf32, #tpu.memory_space<hbm>>) target_semaphore(%run_scoped3A : memref<!tpu.dma_semaphore, #tpu.memory_space<semaphore_mem>>)
      %dma_wait3A = arith.constant 0 : i32
      %dma_wait3A_32 = tpu.memref_slice %arg6[%arg0, %add3A_26, %dma_wait3A] : memref<2x10240x128xf32, #tpu.memory_space<hbm>> -> memref<1x320x128xf32, #tpu.memory_space<hbm>>
      %dma_wait3A_33 = tpu.memref_squeeze %dma_wait3A_32 : memref<1x320x128xf32, #tpu.memory_space<hbm>> -> memref<320x128xf32, #tpu.memory_space<hbm>>
      %dma_wait3A_34 = arith.constant 0 : i32
      %dma_wait3A_35 = tpu.memref_slice %arg10[%mul3A_24, %dma_wait3A_34] : memref<5248x128xf32, #tpu.memory_space<vmem_shared>> -> memref<320x128xf32, #tpu.memory_space<vmem_shared>>
      tpu.wait_dma2 semaphore(%run_scoped3A : memref<!tpu.dma_semaphore, #tpu.memory_space<semaphore_mem>>) src(%dma_wait3A_35 : memref<320x128xf32, #tpu.memory_space<vmem_shared>>) dst(%dma_wait3A_33 : memref<320x128xf32, #tpu.memory_space<hbm>>)
      tpu.yield
    }) : () -> ()
    %barrier3A_27 = arith.constant 0 : index
    tpu.barrier barrier_id(%barrier3A_27)
    return
  }
}

#map = affine_map<(d0, d1) -> (0, 0)>
#map1 = affine_map<(d0, d1) -> (0)>
#map2 = affine_map<(d0, d1) -> (0, 0, 0)>
module attributes {stable_mosaic.version = 14 : i64} {
  func.func @_sc2_body(%arg0: i32, %arg1: i32, %arg2: memref<20000x128xf32, #tpu.memory_space<hbm>>, %arg3: memref<323584xi32, #tpu.memory_space<hbm>>, %arg4: memref<323584xi32, #tpu.memory_space<hbm>>, %arg5: memref<5248x128xf32, #tpu.memory_space<hbm>>, %arg6: memref<2x10240x128xf32, #tpu.memory_space<hbm>>, %arg7: memref<128xi32, #tpu.memory_space<vmem>>, %arg8: memref<128xi32, #tpu.memory_space<vmem>>, %arg9: memref<128x128xf32, #tpu.memory_space<vmem>>, %arg10: memref<5248x128xf32, #tpu.memory_space<vmem_shared>>, %arg11: memref<!tpu.dma_semaphore, #tpu.memory_space<semaphore_mem>>) attributes {dimension_semantics = [#tpu.dimension_semantics<core_parallel>, #tpu.dimension_semantics<subcore_parallel>], iteration_bounds = array<i64: 2, 16>, scalar_prefetch = 0 : i64, scratch_operands = 5 : i64, tpu.core_type = #tpu.core_type<sc_vector_subcore>, window_params = [{transform_indices = #map}, {transform_indices = #map1}, {transform_indices = #map1}, {transform_indices = #map}, {transform_indices = #map2}]} {
    %mul3A = arith.constant 10000 : i32
    %mul3A_0 = arith.muli %arg0, %mul3A : i32
    %broadcast_in_dim3A = vector.broadcast %mul3A_0 : i32 to vector<16xi32>
    %mul3A_1 = arith.constant 328 : i32
    %mul3A_2 = arith.muli %arg1, %mul3A_1 : i32
    "tpu.region"() ({
      %run_scoped3A = tpu.sem_alloc : memref<!tpu.dma_semaphore, #tpu.memory_space<semaphore_mem>>
      %dma_start3A = arith.constant 0 : i32
      %dma_start3A_28 = tpu.memref_slice %arg10[%mul3A_2, %dma_start3A] : memref<5248x128xf32, #tpu.memory_space<vmem_shared>> -> memref<328x128xf32, #tpu.memory_space<vmem_shared>>
      %dma_start3A_29 = arith.constant 0 : i32
      %dma_start3A_30 = tpu.memref_slice %arg5[%mul3A_2, %dma_start3A_29] : memref<5248x128xf32, #tpu.memory_space<hbm>> -> memref<328x128xf32, #tpu.memory_space<hbm>>
      tpu.enqueue_dma source(%dma_start3A_30 : memref<328x128xf32, #tpu.memory_space<hbm>>) target(%dma_start3A_28 : memref<328x128xf32, #tpu.memory_space<vmem_shared>>) target_semaphore(%run_scoped3A : memref<!tpu.dma_semaphore, #tpu.memory_space<semaphore_mem>>)
      %dma_wait3A = arith.constant 0 : i32
      %dma_wait3A_31 = tpu.memref_slice %arg10[%mul3A_2, %dma_wait3A] : memref<5248x128xf32, #tpu.memory_space<vmem_shared>> -> memref<328x128xf32, #tpu.memory_space<vmem_shared>>
      %dma_wait3A_32 = arith.constant 0 : i32
      %dma_wait3A_33 = tpu.memref_slice %arg5[%mul3A_2, %dma_wait3A_32] : memref<5248x128xf32, #tpu.memory_space<hbm>> -> memref<328x128xf32, #tpu.memory_space<hbm>>
      tpu.wait_dma2 semaphore(%run_scoped3A : memref<!tpu.dma_semaphore, #tpu.memory_space<semaphore_mem>>) src(%dma_wait3A_33 : memref<328x128xf32, #tpu.memory_space<hbm>>) dst(%dma_wait3A_31 : memref<328x128xf32, #tpu.memory_space<vmem_shared>>)
      tpu.yield
    }) : () -> ()
    %barrier3A = arith.constant 0 : index
    tpu.barrier barrier_id(%barrier3A)
    %scan3A = arith.constant 0 : i32
    %scan3A_3 = arith.constant 0 : i32
    %scan3A_4 = arith.constant 158 : i32
    %scan3A_5 = arith.addi %scan3A_3, %scan3A_4 : i32
    %scan3A_6 = arith.constant 1 : i32
    scf.for %scan3A_28 = %scan3A_3 to %scan3A_5 step %scan3A_6  : i32 {
      %mul3A_29 = arith.constant 16 : i32
      %mul3A_30 = arith.muli %mul3A_29, %scan3A_28 : i32
      %add3A_31 = arith.addi %arg1, %mul3A_30 : i32
      %mul3A_32 = arith.constant 128 : i32
      %mul3A_33 = arith.muli %add3A_31, %mul3A_32 : i32
      "tpu.region"() ({
        %run_scoped3A = tpu.sem_alloc : memref<!tpu.dma_semaphore, #tpu.memory_space<semaphore_mem>>
        %dma_start3A_227 = tpu.memref_slice %arg3[%mul3A_33] : memref<323584xi32, #tpu.memory_space<hbm>> -> memref<128xi32, #tpu.memory_space<hbm>>
        %dma_start3A_228 = tpu.memref_slice %arg3[%mul3A_33] : memref<323584xi32, #tpu.memory_space<hbm>> -> memref<128xi32, #tpu.memory_space<hbm>>
        tpu.enqueue_dma source(%dma_start3A_228 : memref<128xi32, #tpu.memory_space<hbm>>) target(%arg7 : memref<128xi32, #tpu.memory_space<vmem>>) target_semaphore(%run_scoped3A : memref<!tpu.dma_semaphore, #tpu.memory_space<semaphore_mem>>)
        %dma_wait3A_229 = tpu.memref_slice %arg3[%mul3A_33] : memref<323584xi32, #tpu.memory_space<hbm>> -> memref<128xi32, #tpu.memory_space<hbm>>
        %dma_wait3A_230 = tpu.memref_slice %arg3[%mul3A_33] : memref<323584xi32, #tpu.memory_space<hbm>> -> memref<128xi32, #tpu.memory_space<hbm>>
        tpu.wait_dma2 semaphore(%run_scoped3A : memref<!tpu.dma_semaphore, #tpu.memory_space<semaphore_mem>>) src(%dma_wait3A_230 : memref<128xi32, #tpu.memory_space<hbm>>) dst(%arg7 : memref<128xi32, #tpu.memory_space<vmem>>)
        tpu.yield
      }) : () -> ()
      %get3A = arith.constant 0 : index
      %get3A_34 = tpu.vector_load %arg7[%get3A] {strides = array<i32>} : memref<128xi32, #tpu.memory_space<vmem>>, vector<16xi32>,
      %get3A_35 = vector.shape_cast %get3A_34 : vector<16xi32> to vector<16xi32>
      %add3A_36 = arith.addi %get3A_35, %broadcast_in_dim3A : vector<16xi32>
      %swap3A = arith.constant 0 : index
      %swap3A_37 = tpu.vector_load %arg7[%swap3A] {strides = array<i32>} : memref<128xi32, #tpu.memory_space<vmem>>, vector<16xi32>,
      %swap3A_38 = vector.shape_cast %swap3A_37 : vector<16xi32> to vector<16xi32>
      %swap3A_39 = vector.shape_cast %add3A_36 : vector<16xi32> to vector<16xi32>
      tpu.vector_store %arg7[%swap3A], %swap3A_39 {strides = array<i32>} : memref<128xi32, #tpu.memory_space<vmem>>, vector<16xi32>,
      %get3A_40 = arith.constant 16 : index
      %get3A_41 = tpu.vector_load %arg7[%get3A_40] {strides = array<i32>} : memref<128xi32, #tpu.memory_space<vmem>>, vector<16xi32>,
      %get3A_42 = vector.shape_cast %get3A_41 : vector<16xi32> to vector<16xi32>
      %add3A_43 = arith.addi %get3A_42, %broadcast_in_dim3A : vector<16xi32>
      %swap3A_44 = arith.constant 16 : index
      %swap3A_45 = tpu.vector_load %arg7[%swap3A_44] {strides = array<i32>} : memref<128xi32, #tpu.memory_space<vmem>>, vector<16xi32>,
      %swap3A_46 = vector.shape_cast %swap3A_45 : vector<16xi32> to vector<16xi32>
      %swap3A_47 = vector.shape_cast %add3A_43 : vector<16xi32> to vector<16xi32>
      tpu.vector_store %arg7[%swap3A_44], %swap3A_47 {strides = array<i32>} : memref<128xi32, #tpu.memory_space<vmem>>, vector<16xi32>,
      %get3A_48 = arith.constant 32 : index
      %get3A_49 = tpu.vector_load %arg7[%get3A_48] {strides = array<i32>} : memref<128xi32, #tpu.memory_space<vmem>>, vector<16xi32>,
      %get3A_50 = vector.shape_cast %get3A_49 : vector<16xi32> to vector<16xi32>
      %add3A_51 = arith.addi %get3A_50, %broadcast_in_dim3A : vector<16xi32>
      %swap3A_52 = arith.constant 32 : index
      %swap3A_53 = tpu.vector_load %arg7[%swap3A_52] {strides = array<i32>} : memref<128xi32, #tpu.memory_space<vmem>>, vector<16xi32>,
      %swap3A_54 = vector.shape_cast %swap3A_53 : vector<16xi32> to vector<16xi32>
      %swap3A_55 = vector.shape_cast %add3A_51 : vector<16xi32> to vector<16xi32>
      tpu.vector_store %arg7[%swap3A_52], %swap3A_55 {strides = array<i32>} : memref<128xi32, #tpu.memory_space<vmem>>, vector<16xi32>,
      %get3A_56 = arith.constant 48 : index
      %get3A_57 = tpu.vector_load %arg7[%get3A_56] {strides = array<i32>} : memref<128xi32, #tpu.memory_space<vmem>>, vector<16xi32>,
      %get3A_58 = vector.shape_cast %get3A_57 : vector<16xi32> to vector<16xi32>
      %add3A_59 = arith.addi %get3A_58, %broadcast_in_dim3A : vector<16xi32>
      %swap3A_60 = arith.constant 48 : index
      %swap3A_61 = tpu.vector_load %arg7[%swap3A_60] {strides = array<i32>} : memref<128xi32, #tpu.memory_space<vmem>>, vector<16xi32>,
      %swap3A_62 = vector.shape_cast %swap3A_61 : vector<16xi32> to vector<16xi32>
      %swap3A_63 = vector.shape_cast %add3A_59 : vector<16xi32> to vector<16xi32>
      tpu.vector_store %arg7[%swap3A_60], %swap3A_63 {strides = array<i32>} : memref<128xi32, #tpu.memory_space<vmem>>, vector<16xi32>,
      %get3A_64 = arith.constant 64 : index
      %get3A_65 = tpu.vector_load %arg7[%get3A_64] {strides = array<i32>} : memref<128xi32, #tpu.memory_space<vmem>>, vector<16xi32>,
      %get3A_66 = vector.shape_cast %get3A_65 : vector<16xi32> to vector<16xi32>
      %add3A_67 = arith.addi %get3A_66, %broadcast_in_dim3A : vector<16xi32>
      %swap3A_68 = arith.constant 64 : index
      %swap3A_69 = tpu.vector_load %arg7[%swap3A_68] {strides = array<i32>} : memref<128xi32, #tpu.memory_space<vmem>>, vector<16xi32>,
      %swap3A_70 = vector.shape_cast %swap3A_69 : vector<16xi32> to vector<16xi32>
      %swap3A_71 = vector.shape_cast %add3A_67 : vector<16xi32> to vector<16xi32>
      tpu.vector_store %arg7[%swap3A_68], %swap3A_71 {strides = array<i32>} : memref<128xi32, #tpu.memory_space<vmem>>, vector<16xi32>,
      %get3A_72 = arith.constant 80 : index
      %get3A_73 = tpu.vector_load %arg7[%get3A_72] {strides = array<i32>} : memref<128xi32, #tpu.memory_space<vmem>>, vector<16xi32>,
      %get3A_74 = vector.shape_cast %get3A_73 : vector<16xi32> to vector<16xi32>
      %add3A_75 = arith.addi %get3A_74, %broadcast_in_dim3A : vector<16xi32>
      %swap3A_76 = arith.constant 80 : index
      %swap3A_77 = tpu.vector_load %arg7[%swap3A_76] {strides = array<i32>} : memref<128xi32, #tpu.memory_space<vmem>>, vector<16xi32>,
      %swap3A_78 = vector.shape_cast %swap3A_77 : vector<16xi32> to vector<16xi32>
      %swap3A_79 = vector.shape_cast %add3A_75 : vector<16xi32> to vector<16xi32>
      tpu.vector_store %arg7[%swap3A_76], %swap3A_79 {strides = array<i32>} : memref<128xi32, #tpu.memory_space<vmem>>, vector<16xi32>,
      %get3A_80 = arith.constant 96 : index
      %get3A_81 = tpu.vector_load %arg7[%get3A_80] {strides = array<i32>} : memref<128xi32, #tpu.memory_space<vmem>>, vector<16xi32>,
      %get3A_82 = vector.shape_cast %get3A_81 : vector<16xi32> to vector<16xi32>
      %add3A_83 = arith.addi %get3A_82, %broadcast_in_dim3A : vector<16xi32>
      %swap3A_84 = arith.constant 96 : index
      %swap3A_85 = tpu.vector_load %arg7[%swap3A_84] {strides = array<i32>} : memref<128xi32, #tpu.memory_space<vmem>>, vector<16xi32>,
      %swap3A_86 = vector.shape_cast %swap3A_85 : vector<16xi32> to vector<16xi32>
      %swap3A_87 = vector.shape_cast %add3A_83 : vector<16xi32> to vector<16xi32>
      tpu.vector_store %arg7[%swap3A_84], %swap3A_87 {strides = array<i32>} : memref<128xi32, #tpu.memory_space<vmem>>, vector<16xi32>,
      %get3A_88 = arith.constant 112 : index
      %get3A_89 = tpu.vector_load %arg7[%get3A_88] {strides = array<i32>} : memref<128xi32, #tpu.memory_space<vmem>>, vector<16xi32>,
      %get3A_90 = vector.shape_cast %get3A_89 : vector<16xi32> to vector<16xi32>
      %add3A_91 = arith.addi %get3A_90, %broadcast_in_dim3A : vector<16xi32>
      %swap3A_92 = arith.constant 112 : index
      %swap3A_93 = tpu.vector_load %arg7[%swap3A_92] {strides = array<i32>} : memref<128xi32, #tpu.memory_space<vmem>>, vector<16xi32>,
      %swap3A_94 = vector.shape_cast %swap3A_93 : vector<16xi32> to vector<16xi32>
      %swap3A_95 = vector.shape_cast %add3A_91 : vector<16xi32> to vector<16xi32>
      tpu.vector_store %arg7[%swap3A_92], %swap3A_95 {strides = array<i32>} : memref<128xi32, #tpu.memory_space<vmem>>, vector<16xi32>,
      %dma_start3A = arith.constant 0 : i32
      %dma_start3A_96 = arith.constant 0 : i32
      %dma_start3A_97 = tpu.memref_slice %arg2[%dma_start3A, %dma_start3A_96] : memref<20000x128xf32, #tpu.memory_space<hbm>> -> memref<20000x128xf32, #tpu.memory_space<hbm>>
      tpu.enqueue_indirect_dma source(%dma_start3A_97 : memref<20000x128xf32, #tpu.memory_space<hbm>>) target(%arg9 : memref<128x128xf32, #tpu.memory_space<vmem>>) offsets(%arg7 : memref<128xi32, #tpu.memory_space<vmem>>) semaphore(%arg11 : memref<!tpu.dma_semaphore, #tpu.memory_space<semaphore_mem>>)
      %dma_wait3A = arith.constant 0 : i32
      %dma_wait3A_98 = arith.constant 0 : i32
      %dma_wait3A_99 = tpu.memref_slice %arg2[%dma_wait3A, %dma_wait3A_98] : memref<20000x128xf32, #tpu.memory_space<hbm>> -> memref<20000x128xf32, #tpu.memory_space<hbm>>
      tpu.wait_indirect_dma semaphore(%arg11 : memref<!tpu.dma_semaphore, #tpu.memory_space<semaphore_mem>>) src(%dma_wait3A_99 : memref<20000x128xf32, #tpu.memory_space<hbm>>) dst(%arg9 : memref<128x128xf32, #tpu.memory_space<vmem>>)
      "tpu.region"() ({
        %run_scoped3A = tpu.sem_alloc : memref<!tpu.dma_semaphore, #tpu.memory_space<semaphore_mem>>
        %dma_start3A_227 = tpu.memref_slice %arg4[%mul3A_33] : memref<323584xi32, #tpu.memory_space<hbm>> -> memref<128xi32, #tpu.memory_space<hbm>>
        %dma_start3A_228 = tpu.memref_slice %arg4[%mul3A_33] : memref<323584xi32, #tpu.memory_space<hbm>> -> memref<128xi32, #tpu.memory_space<hbm>>
        tpu.enqueue_dma source(%dma_start3A_228 : memref<128xi32, #tpu.memory_space<hbm>>) target(%arg8 : memref<128xi32, #tpu.memory_space<vmem>>) target_semaphore(%run_scoped3A : memref<!tpu.dma_semaphore, #tpu.memory_space<semaphore_mem>>)
        %dma_wait3A_229 = tpu.memref_slice %arg4[%mul3A_33] : memref<323584xi32, #tpu.memory_space<hbm>> -> memref<128xi32, #tpu.memory_space<hbm>>
        %dma_wait3A_230 = tpu.memref_slice %arg4[%mul3A_33] : memref<323584xi32, #tpu.memory_space<hbm>> -> memref<128xi32, #tpu.memory_space<hbm>>
        tpu.wait_dma2 semaphore(%run_scoped3A : memref<!tpu.dma_semaphore, #tpu.memory_space<semaphore_mem>>) src(%dma_wait3A_230 : memref<128xi32, #tpu.memory_space<hbm>>) dst(%arg8 : memref<128xi32, #tpu.memory_space<vmem>>)
        tpu.yield
      }) : () -> ()
      %broadcast_in_dim3A_100 = arith.constant 0 : i32
      %broadcast_in_dim3A_101 = vector.broadcast %broadcast_in_dim3A_100 : i32 to vector<16xi32>
      %broadcast_in_dim3A_102 = arith.constant 5120 : i32
      %broadcast_in_dim3A_103 = vector.broadcast %broadcast_in_dim3A_102 : i32 to vector<16xi32>
      %get3A_104 = arith.constant 0 : index
      %get3A_105 = tpu.vector_load %arg8[%get3A_104] {strides = array<i32>} : memref<128xi32, #tpu.memory_space<vmem>>, vector<16xi32>,
      %get3A_106 = vector.shape_cast %get3A_105 : vector<16xi32> to vector<16xi32>
      %sub3A = arith.subi %get3A_106, %broadcast_in_dim3A_101 : vector<16xi32>
      %ge3A = arith.constant 0 : i32
      %ge3A_107 = vector.broadcast %ge3A : i32 to vector<16xi32>
      %ge3A_108 = arith.cmpi sge, %sub3A, %ge3A_107 : vector<16xi32>
      %lt3A = arith.constant 5120 : i32
      %lt3A_109 = vector.broadcast %lt3A : i32 to vector<16xi32>
      %lt3A_110 = arith.cmpi slt, %sub3A, %lt3A_109 : vector<16xi32>
      %and3A = arith.andi %ge3A_108, %lt3A_110 : vector<16xi1>
      %select_n3A = arith.select %and3A, %sub3A, %broadcast_in_dim3A_103 : vector<16xi1>, vector<16xi32>
      %swap3A_111 = arith.constant 0 : index
      %swap3A_112 = tpu.vector_load %arg8[%swap3A_111] {strides = array<i32>} : memref<128xi32, #tpu.memory_space<vmem>>, vector<16xi32>,
      %swap3A_113 = vector.shape_cast %swap3A_112 : vector<16xi32> to vector<16xi32>
      %swap3A_114 = vector.shape_cast %select_n3A : vector<16xi32> to vector<16xi32>
      tpu.vector_store %arg8[%swap3A_111], %swap3A_114 {strides = array<i32>} : memref<128xi32, #tpu.memory_space<vmem>>, vector<16xi32>,
      %get3A_115 = arith.constant 16 : index
      %get3A_116 = tpu.vector_load %arg8[%get3A_115] {strides = array<i32>} : memref<128xi32, #tpu.memory_space<vmem>>, vector<16xi32>,
      %get3A_117 = vector.shape_cast %get3A_116 : vector<16xi32> to vector<16xi32>
      %sub3A_118 = arith.subi %get3A_117, %broadcast_in_dim3A_101 : vector<16xi32>
      %ge3A_119 = arith.constant 0 : i32
      %ge3A_120 = vector.broadcast %ge3A_119 : i32 to vector<16xi32>
      %ge3A_121 = arith.cmpi sge, %sub3A_118, %ge3A_120 : vector<16xi32>
      %lt3A_122 = arith.constant 5120 : i32
      %lt3A_123 = vector.broadcast %lt3A_122 : i32 to vector<16xi32>
      %lt3A_124 = arith.cmpi slt, %sub3A_118, %lt3A_123 : vector<16xi32>
      %and3A_125 = arith.andi %ge3A_121, %lt3A_124 : vector<16xi1>
      %select_n3A_126 = arith.select %and3A_125, %sub3A_118, %broadcast_in_dim3A_103 : vector<16xi1>, vector<16xi32>
      %swap3A_127 = arith.constant 16 : index
      %swap3A_128 = tpu.vector_load %arg8[%swap3A_127] {strides = array<i32>} : memref<128xi32, #tpu.memory_space<vmem>>, vector<16xi32>,
      %swap3A_129 = vector.shape_cast %swap3A_128 : vector<16xi32> to vector<16xi32>
      %swap3A_130 = vector.shape_cast %select_n3A_126 : vector<16xi32> to vector<16xi32>
      tpu.vector_store %arg8[%swap3A_127], %swap3A_130 {strides = array<i32>} : memref<128xi32, #tpu.memory_space<vmem>>, vector<16xi32>,
      %get3A_131 = arith.constant 32 : index
      %get3A_132 = tpu.vector_load %arg8[%get3A_131] {strides = array<i32>} : memref<128xi32, #tpu.memory_space<vmem>>, vector<16xi32>,
      %get3A_133 = vector.shape_cast %get3A_132 : vector<16xi32> to vector<16xi32>
      %sub3A_134 = arith.subi %get3A_133, %broadcast_in_dim3A_101 : vector<16xi32>
      %ge3A_135 = arith.constant 0 : i32
      %ge3A_136 = vector.broadcast %ge3A_135 : i32 to vector<16xi32>
      %ge3A_137 = arith.cmpi sge, %sub3A_134, %ge3A_136 : vector<16xi32>
      %lt3A_138 = arith.constant 5120 : i32
      %lt3A_139 = vector.broadcast %lt3A_138 : i32 to vector<16xi32>
      %lt3A_140 = arith.cmpi slt, %sub3A_134, %lt3A_139 : vector<16xi32>
      %and3A_141 = arith.andi %ge3A_137, %lt3A_140 : vector<16xi1>
      %select_n3A_142 = arith.select %and3A_141, %sub3A_134, %broadcast_in_dim3A_103 : vector<16xi1>, vector<16xi32>
      %swap3A_143 = arith.constant 32 : index
      %swap3A_144 = tpu.vector_load %arg8[%swap3A_143] {strides = array<i32>} : memref<128xi32, #tpu.memory_space<vmem>>, vector<16xi32>,
      %swap3A_145 = vector.shape_cast %swap3A_144 : vector<16xi32> to vector<16xi32>
      %swap3A_146 = vector.shape_cast %select_n3A_142 : vector<16xi32> to vector<16xi32>
      tpu.vector_store %arg8[%swap3A_143], %swap3A_146 {strides = array<i32>} : memref<128xi32, #tpu.memory_space<vmem>>, vector<16xi32>,
      %get3A_147 = arith.constant 48 : index
      %get3A_148 = tpu.vector_load %arg8[%get3A_147] {strides = array<i32>} : memref<128xi32, #tpu.memory_space<vmem>>, vector<16xi32>,
      %get3A_149 = vector.shape_cast %get3A_148 : vector<16xi32> to vector<16xi32>
      %sub3A_150 = arith.subi %get3A_149, %broadcast_in_dim3A_101 : vector<16xi32>
      %ge3A_151 = arith.constant 0 : i32
      %ge3A_152 = vector.broadcast %ge3A_151 : i32 to vector<16xi32>
      %ge3A_153 = arith.cmpi sge, %sub3A_150, %ge3A_152 : vector<16xi32>
      %lt3A_154 = arith.constant 5120 : i32
      %lt3A_155 = vector.broadcast %lt3A_154 : i32 to vector<16xi32>
      %lt3A_156 = arith.cmpi slt, %sub3A_150, %lt3A_155 : vector<16xi32>
      %and3A_157 = arith.andi %ge3A_153, %lt3A_156 : vector<16xi1>
      %select_n3A_158 = arith.select %and3A_157, %sub3A_150, %broadcast_in_dim3A_103 : vector<16xi1>, vector<16xi32>
      %swap3A_159 = arith.constant 48 : index
      %swap3A_160 = tpu.vector_load %arg8[%swap3A_159] {strides = array<i32>} : memref<128xi32, #tpu.memory_space<vmem>>, vector<16xi32>,
      %swap3A_161 = vector.shape_cast %swap3A_160 : vector<16xi32> to vector<16xi32>
      %swap3A_162 = vector.shape_cast %select_n3A_158 : vector<16xi32> to vector<16xi32>
      tpu.vector_store %arg8[%swap3A_159], %swap3A_162 {strides = array<i32>} : memref<128xi32, #tpu.memory_space<vmem>>, vector<16xi32>,
      %get3A_163 = arith.constant 64 : index
      %get3A_164 = tpu.vector_load %arg8[%get3A_163] {strides = array<i32>} : memref<128xi32, #tpu.memory_space<vmem>>, vector<16xi32>,
      %get3A_165 = vector.shape_cast %get3A_164 : vector<16xi32> to vector<16xi32>
      %sub3A_166 = arith.subi %get3A_165, %broadcast_in_dim3A_101 : vector<16xi32>
      %ge3A_167 = arith.constant 0 : i32
      %ge3A_168 = vector.broadcast %ge3A_167 : i32 to vector<16xi32>
      %ge3A_169 = arith.cmpi sge, %sub3A_166, %ge3A_168 : vector<16xi32>
      %lt3A_170 = arith.constant 5120 : i32
      %lt3A_171 = vector.broadcast %lt3A_170 : i32 to vector<16xi32>
      %lt3A_172 = arith.cmpi slt, %sub3A_166, %lt3A_171 : vector<16xi32>
      %and3A_173 = arith.andi %ge3A_169, %lt3A_172 : vector<16xi1>
      %select_n3A_174 = arith.select %and3A_173, %sub3A_166, %broadcast_in_dim3A_103 : vector<16xi1>, vector<16xi32>
      %swap3A_175 = arith.constant 64 : index
      %swap3A_176 = tpu.vector_load %arg8[%swap3A_175] {strides = array<i32>} : memref<128xi32, #tpu.memory_space<vmem>>, vector<16xi32>,
      %swap3A_177 = vector.shape_cast %swap3A_176 : vector<16xi32> to vector<16xi32>
      %swap3A_178 = vector.shape_cast %select_n3A_174 : vector<16xi32> to vector<16xi32>
      tpu.vector_store %arg8[%swap3A_175], %swap3A_178 {strides = array<i32>} : memref<128xi32, #tpu.memory_space<vmem>>, vector<16xi32>,
      %get3A_179 = arith.constant 80 : index
      %get3A_180 = tpu.vector_load %arg8[%get3A_179] {strides = array<i32>} : memref<128xi32, #tpu.memory_space<vmem>>, vector<16xi32>,
      %get3A_181 = vector.shape_cast %get3A_180 : vector<16xi32> to vector<16xi32>
      %sub3A_182 = arith.subi %get3A_181, %broadcast_in_dim3A_101 : vector<16xi32>
      %ge3A_183 = arith.constant 0 : i32
      %ge3A_184 = vector.broadcast %ge3A_183 : i32 to vector<16xi32>
      %ge3A_185 = arith.cmpi sge, %sub3A_182, %ge3A_184 : vector<16xi32>
      %lt3A_186 = arith.constant 5120 : i32
      %lt3A_187 = vector.broadcast %lt3A_186 : i32 to vector<16xi32>
      %lt3A_188 = arith.cmpi slt, %sub3A_182, %lt3A_187 : vector<16xi32>
      %and3A_189 = arith.andi %ge3A_185, %lt3A_188 : vector<16xi1>
      %select_n3A_190 = arith.select %and3A_189, %sub3A_182, %broadcast_in_dim3A_103 : vector<16xi1>, vector<16xi32>
      %swap3A_191 = arith.constant 80 : index
      %swap3A_192 = tpu.vector_load %arg8[%swap3A_191] {strides = array<i32>} : memref<128xi32, #tpu.memory_space<vmem>>, vector<16xi32>,
      %swap3A_193 = vector.shape_cast %swap3A_192 : vector<16xi32> to vector<16xi32>
      %swap3A_194 = vector.shape_cast %select_n3A_190 : vector<16xi32> to vector<16xi32>
      tpu.vector_store %arg8[%swap3A_191], %swap3A_194 {strides = array<i32>} : memref<128xi32, #tpu.memory_space<vmem>>, vector<16xi32>,
      %get3A_195 = arith.constant 96 : index
      %get3A_196 = tpu.vector_load %arg8[%get3A_195] {strides = array<i32>} : memref<128xi32, #tpu.memory_space<vmem>>, vector<16xi32>,
      %get3A_197 = vector.shape_cast %get3A_196 : vector<16xi32> to vector<16xi32>
      %sub3A_198 = arith.subi %get3A_197, %broadcast_in_dim3A_101 : vector<16xi32>
      %ge3A_199 = arith.constant 0 : i32
      %ge3A_200 = vector.broadcast %ge3A_199 : i32 to vector<16xi32>
      %ge3A_201 = arith.cmpi sge, %sub3A_198, %ge3A_200 : vector<16xi32>
      %lt3A_202 = arith.constant 5120 : i32
      %lt3A_203 = vector.broadcast %lt3A_202 : i32 to vector<16xi32>
      %lt3A_204 = arith.cmpi slt, %sub3A_198, %lt3A_203 : vector<16xi32>
      %and3A_205 = arith.andi %ge3A_201, %lt3A_204 : vector<16xi1>
      %select_n3A_206 = arith.select %and3A_205, %sub3A_198, %broadcast_in_dim3A_103 : vector<16xi1>, vector<16xi32>
      %swap3A_207 = arith.constant 96 : index
      %swap3A_208 = tpu.vector_load %arg8[%swap3A_207] {strides = array<i32>} : memref<128xi32, #tpu.memory_space<vmem>>, vector<16xi32>,
      %swap3A_209 = vector.shape_cast %swap3A_208 : vector<16xi32> to vector<16xi32>
      %swap3A_210 = vector.shape_cast %select_n3A_206 : vector<16xi32> to vector<16xi32>
      tpu.vector_store %arg8[%swap3A_207], %swap3A_210 {strides = array<i32>} : memref<128xi32, #tpu.memory_space<vmem>>, vector<16xi32>,
      %get3A_211 = arith.constant 112 : index
      %get3A_212 = tpu.vector_load %arg8[%get3A_211] {strides = array<i32>} : memref<128xi32, #tpu.memory_space<vmem>>, vector<16xi32>,
      %get3A_213 = vector.shape_cast %get3A_212 : vector<16xi32> to vector<16xi32>
      %sub3A_214 = arith.subi %get3A_213, %broadcast_in_dim3A_101 : vector<16xi32>
      %ge3A_215 = arith.constant 0 : i32
      %ge3A_216 = vector.broadcast %ge3A_215 : i32 to vector<16xi32>
      %ge3A_217 = arith.cmpi sge, %sub3A_214, %ge3A_216 : vector<16xi32>
      %lt3A_218 = arith.constant 5120 : i32
      %lt3A_219 = vector.broadcast %lt3A_218 : i32 to vector<16xi32>
      %lt3A_220 = arith.cmpi slt, %sub3A_214, %lt3A_219 : vector<16xi32>
      %and3A_221 = arith.andi %ge3A_217, %lt3A_220 : vector<16xi1>
      %select_n3A_222 = arith.select %and3A_221, %sub3A_214, %broadcast_in_dim3A_103 : vector<16xi1>, vector<16xi32>
      %swap3A_223 = arith.constant 112 : index
      %swap3A_224 = tpu.vector_load %arg8[%swap3A_223] {strides = array<i32>} : memref<128xi32, #tpu.memory_space<vmem>>, vector<16xi32>,
      %swap3A_225 = vector.shape_cast %swap3A_224 : vector<16xi32> to vector<16xi32>
      %swap3A_226 = vector.shape_cast %select_n3A_222 : vector<16xi32> to vector<16xi32>
      tpu.vector_store %arg8[%swap3A_223], %swap3A_226 {strides = array<i32>} : memref<128xi32, #tpu.memory_space<vmem>>, vector<16xi32>,
      "tpu.region"() ({
        %run_scoped3A = tpu.sem_alloc : memref<!tpu.dma_semaphore, #tpu.memory_space<semaphore_mem>>
        %dma_start3A_227 = arith.constant 0 : i32
        %dma_start3A_228 = arith.constant 0 : i32
        %dma_start3A_229 = tpu.memref_slice %arg10[%dma_start3A_227, %dma_start3A_228] : memref<5248x128xf32, #tpu.memory_space<vmem_shared>> -> memref<5248x128xf32, #tpu.memory_space<vmem_shared>>
        tpu.enqueue_indirect_dma source(%arg9 : memref<128x128xf32, #tpu.memory_space<vmem>>) target(%dma_start3A_229 : memref<5248x128xf32, #tpu.memory_space<vmem_shared>>) offsets(%arg8 : memref<128xi32, #tpu.memory_space<vmem>>) semaphore(%run_scoped3A : memref<!tpu.dma_semaphore, #tpu.memory_space<semaphore_mem>>) {add = true}
        %dma_wait3A_230 = arith.constant 0 : i32
        %dma_wait3A_231 = arith.constant 0 : i32
        %dma_wait3A_232 = tpu.memref_slice %arg10[%dma_wait3A_230, %dma_wait3A_231] : memref<5248x128xf32, #tpu.memory_space<vmem_shared>> -> memref<5248x128xf32, #tpu.memory_space<vmem_shared>>
        tpu.wait_indirect_dma semaphore(%run_scoped3A : memref<!tpu.dma_semaphore, #tpu.memory_space<semaphore_mem>>) src(%arg9 : memref<128x128xf32, #tpu.memory_space<vmem>>) dst(%dma_wait3A_232 : memref<5248x128xf32, #tpu.memory_space<vmem_shared>>)
        tpu.yield
      }) : () -> ()
    }
    %scan3A_7 = arith.constant 158 : i32
    %barrier3A_8 = arith.constant 0 : index
    tpu.barrier barrier_id(%barrier3A_8)
    %mul3A_9 = arith.constant 320 : i32
    %mul3A_10 = arith.muli %arg1, %mul3A_9 : i32
    %add3A = arith.constant 0 : i32
    %add3A_11 = arith.addi %add3A, %mul3A_10 : i32
    "tpu.region"() ({
      %run_scoped3A = tpu.sem_alloc : memref<!tpu.dma_semaphore, #tpu.memory_space<semaphore_mem>>
      %dma_start3A = arith.constant 0 : i32
      %dma_start3A_28 = tpu.memref_slice %arg6[%arg0, %add3A_11, %dma_start3A] : memref<2x10240x128xf32, #tpu.memory_space<hbm>> -> memref<1x320x128xf32, #tpu.memory_space<hbm>>
      %dma_start3A_29 = tpu.memref_squeeze %dma_start3A_28 : memref<1x320x128xf32, #tpu.memory_space<hbm>> -> memref<320x128xf32, #tpu.memory_space<hbm>>
      %dma_start3A_30 = arith.constant 0 : i32
      %dma_start3A_31 = tpu.memref_slice %arg10[%mul3A_10, %dma_start3A_30] : memref<5248x128xf32, #tpu.memory_space<vmem_shared>> -> memref<320x128xf32, #tpu.memory_space<vmem_shared>>
      tpu.enqueue_dma source(%dma_start3A_31 : memref<320x128xf32, #tpu.memory_space<vmem_shared>>) target(%dma_start3A_29 : memref<320x128xf32, #tpu.memory_space<hbm>>) target_semaphore(%run_scoped3A : memref<!tpu.dma_semaphore, #tpu.memory_space<semaphore_mem>>)
      %dma_wait3A = arith.constant 0 : i32
      %dma_wait3A_32 = tpu.memref_slice %arg6[%arg0, %add3A_11, %dma_wait3A] : memref<2x10240x128xf32, #tpu.memory_space<hbm>> -> memref<1x320x128xf32, #tpu.memory_space<hbm>>
      %dma_wait3A_33 = tpu.memref_squeeze %dma_wait3A_32 : memref<1x320x128xf32, #tpu.memory_space<hbm>> -> memref<320x128xf32, #tpu.memory_space<hbm>>
      %dma_wait3A_34 = arith.constant 0 : i32
      %dma_wait3A_35 = tpu.memref_slice %arg10[%mul3A_10, %dma_wait3A_34] : memref<5248x128xf32, #tpu.memory_space<vmem_shared>> -> memref<320x128xf32, #tpu.memory_space<vmem_shared>>
      tpu.wait_dma2 semaphore(%run_scoped3A : memref<!tpu.dma_semaphore, #tpu.memory_space<semaphore_mem>>) src(%dma_wait3A_35 : memref<320x128xf32, #tpu.memory_space<vmem_shared>>) dst(%dma_wait3A_33 : memref<320x128xf32, #tpu.memory_space<hbm>>)
      tpu.yield
    }) : () -> ()
    %barrier3A_12 = arith.constant 0 : index
    tpu.barrier barrier_id(%barrier3A_12)
    %mul3A_13 = arith.constant 328 : i32
    %mul3A_14 = arith.muli %arg1, %mul3A_13 : i32
    "tpu.region"() ({
      %run_scoped3A = tpu.sem_alloc : memref<!tpu.dma_semaphore, #tpu.memory_space<semaphore_mem>>
      %dma_start3A = arith.constant 0 : i32
      %dma_start3A_28 = tpu.memref_slice %arg10[%mul3A_14, %dma_start3A] : memref<5248x128xf32, #tpu.memory_space<vmem_shared>> -> memref<328x128xf32, #tpu.memory_space<vmem_shared>>
      %dma_start3A_29 = arith.constant 0 : i32
      %dma_start3A_30 = tpu.memref_slice %arg5[%mul3A_14, %dma_start3A_29] : memref<5248x128xf32, #tpu.memory_space<hbm>> -> memref<328x128xf32, #tpu.memory_space<hbm>>
      tpu.enqueue_dma source(%dma_start3A_30 : memref<328x128xf32, #tpu.memory_space<hbm>>) target(%dma_start3A_28 : memref<328x128xf32, #tpu.memory_space<vmem_shared>>) target_semaphore(%run_scoped3A : memref<!tpu.dma_semaphore, #tpu.memory_space<semaphore_mem>>)
      %dma_wait3A = arith.constant 0 : i32
      %dma_wait3A_31 = tpu.memref_slice %arg10[%mul3A_14, %dma_wait3A] : memref<5248x128xf32, #tpu.memory_space<vmem_shared>> -> memref<328x128xf32, #tpu.memory_space<vmem_shared>>
      %dma_wait3A_32 = arith.constant 0 : i32
      %dma_wait3A_33 = tpu.memref_slice %arg5[%mul3A_14, %dma_wait3A_32] : memref<5248x128xf32, #tpu.memory_space<hbm>> -> memref<328x128xf32, #tpu.memory_space<hbm>>
      tpu.wait_dma2 semaphore(%run_scoped3A : memref<!tpu.dma_semaphore, #tpu.memory_space<semaphore_mem>>) src(%dma_wait3A_33 : memref<328x128xf32, #tpu.memory_space<hbm>>) dst(%dma_wait3A_31 : memref<328x128xf32, #tpu.memory_space<vmem_shared>>)
      tpu.yield
    }) : () -> ()
    %barrier3A_15 = arith.constant 0 : index
    tpu.barrier barrier_id(%barrier3A_15)
    %scan3A_16 = arith.constant 0 : i32
    %scan3A_17 = arith.constant 0 : i32
    %scan3A_18 = arith.constant 158 : i32
    %scan3A_19 = arith.addi %scan3A_17, %scan3A_18 : i32
    %scan3A_20 = arith.constant 1 : i32
    scf.for %scan3A_28 = %scan3A_17 to %scan3A_19 step %scan3A_20  : i32 {
      %mul3A_29 = arith.constant 16 : i32
      %mul3A_30 = arith.muli %mul3A_29, %scan3A_28 : i32
      %add3A_31 = arith.addi %arg1, %mul3A_30 : i32
      %mul3A_32 = arith.constant 128 : i32
      %mul3A_33 = arith.muli %add3A_31, %mul3A_32 : i32
      "tpu.region"() ({
        %run_scoped3A = tpu.sem_alloc : memref<!tpu.dma_semaphore, #tpu.memory_space<semaphore_mem>>
        %dma_start3A_227 = tpu.memref_slice %arg3[%mul3A_33] : memref<323584xi32, #tpu.memory_space<hbm>> -> memref<128xi32, #tpu.memory_space<hbm>>
        %dma_start3A_228 = tpu.memref_slice %arg3[%mul3A_33] : memref<323584xi32, #tpu.memory_space<hbm>> -> memref<128xi32, #tpu.memory_space<hbm>>
        tpu.enqueue_dma source(%dma_start3A_228 : memref<128xi32, #tpu.memory_space<hbm>>) target(%arg7 : memref<128xi32, #tpu.memory_space<vmem>>) target_semaphore(%run_scoped3A : memref<!tpu.dma_semaphore, #tpu.memory_space<semaphore_mem>>)
        %dma_wait3A_229 = tpu.memref_slice %arg3[%mul3A_33] : memref<323584xi32, #tpu.memory_space<hbm>> -> memref<128xi32, #tpu.memory_space<hbm>>
        %dma_wait3A_230 = tpu.memref_slice %arg3[%mul3A_33] : memref<323584xi32, #tpu.memory_space<hbm>> -> memref<128xi32, #tpu.memory_space<hbm>>
        tpu.wait_dma2 semaphore(%run_scoped3A : memref<!tpu.dma_semaphore, #tpu.memory_space<semaphore_mem>>) src(%dma_wait3A_230 : memref<128xi32, #tpu.memory_space<hbm>>) dst(%arg7 : memref<128xi32, #tpu.memory_space<vmem>>)
        tpu.yield
      }) : () -> ()
      %get3A = arith.constant 0 : index
      %get3A_34 = tpu.vector_load %arg7[%get3A] {strides = array<i32>} : memref<128xi32, #tpu.memory_space<vmem>>, vector<16xi32>,
      %get3A_35 = vector.shape_cast %get3A_34 : vector<16xi32> to vector<16xi32>
      %add3A_36 = arith.addi %get3A_35, %broadcast_in_dim3A : vector<16xi32>
      %swap3A = arith.constant 0 : index
      %swap3A_37 = tpu.vector_load %arg7[%swap3A] {strides = array<i32>} : memref<128xi32, #tpu.memory_space<vmem>>, vector<16xi32>,
      %swap3A_38 = vector.shape_cast %swap3A_37 : vector<16xi32> to vector<16xi32>
      %swap3A_39 = vector.shape_cast %add3A_36 : vector<16xi32> to vector<16xi32>
      tpu.vector_store %arg7[%swap3A], %swap3A_39 {strides = array<i32>} : memref<128xi32, #tpu.memory_space<vmem>>, vector<16xi32>,
      %get3A_40 = arith.constant 16 : index
      %get3A_41 = tpu.vector_load %arg7[%get3A_40] {strides = array<i32>} : memref<128xi32, #tpu.memory_space<vmem>>, vector<16xi32>,
      %get3A_42 = vector.shape_cast %get3A_41 : vector<16xi32> to vector<16xi32>
      %add3A_43 = arith.addi %get3A_42, %broadcast_in_dim3A : vector<16xi32>
      %swap3A_44 = arith.constant 16 : index
      %swap3A_45 = tpu.vector_load %arg7[%swap3A_44] {strides = array<i32>} : memref<128xi32, #tpu.memory_space<vmem>>, vector<16xi32>,
      %swap3A_46 = vector.shape_cast %swap3A_45 : vector<16xi32> to vector<16xi32>
      %swap3A_47 = vector.shape_cast %add3A_43 : vector<16xi32> to vector<16xi32>
      tpu.vector_store %arg7[%swap3A_44], %swap3A_47 {strides = array<i32>} : memref<128xi32, #tpu.memory_space<vmem>>, vector<16xi32>,
      %get3A_48 = arith.constant 32 : index
      %get3A_49 = tpu.vector_load %arg7[%get3A_48] {strides = array<i32>} : memref<128xi32, #tpu.memory_space<vmem>>, vector<16xi32>,
      %get3A_50 = vector.shape_cast %get3A_49 : vector<16xi32> to vector<16xi32>
      %add3A_51 = arith.addi %get3A_50, %broadcast_in_dim3A : vector<16xi32>
      %swap3A_52 = arith.constant 32 : index
      %swap3A_53 = tpu.vector_load %arg7[%swap3A_52] {strides = array<i32>} : memref<128xi32, #tpu.memory_space<vmem>>, vector<16xi32>,
      %swap3A_54 = vector.shape_cast %swap3A_53 : vector<16xi32> to vector<16xi32>
      %swap3A_55 = vector.shape_cast %add3A_51 : vector<16xi32> to vector<16xi32>
      tpu.vector_store %arg7[%swap3A_52], %swap3A_55 {strides = array<i32>} : memref<128xi32, #tpu.memory_space<vmem>>, vector<16xi32>,
      %get3A_56 = arith.constant 48 : index
      %get3A_57 = tpu.vector_load %arg7[%get3A_56] {strides = array<i32>} : memref<128xi32, #tpu.memory_space<vmem>>, vector<16xi32>,
      %get3A_58 = vector.shape_cast %get3A_57 : vector<16xi32> to vector<16xi32>
      %add3A_59 = arith.addi %get3A_58, %broadcast_in_dim3A : vector<16xi32>
      %swap3A_60 = arith.constant 48 : index
      %swap3A_61 = tpu.vector_load %arg7[%swap3A_60] {strides = array<i32>} : memref<128xi32, #tpu.memory_space<vmem>>, vector<16xi32>,
      %swap3A_62 = vector.shape_cast %swap3A_61 : vector<16xi32> to vector<16xi32>
      %swap3A_63 = vector.shape_cast %add3A_59 : vector<16xi32> to vector<16xi32>
      tpu.vector_store %arg7[%swap3A_60], %swap3A_63 {strides = array<i32>} : memref<128xi32, #tpu.memory_space<vmem>>, vector<16xi32>,
      %get3A_64 = arith.constant 64 : index
      %get3A_65 = tpu.vector_load %arg7[%get3A_64] {strides = array<i32>} : memref<128xi32, #tpu.memory_space<vmem>>, vector<16xi32>,
      %get3A_66 = vector.shape_cast %get3A_65 : vector<16xi32> to vector<16xi32>
      %add3A_67 = arith.addi %get3A_66, %broadcast_in_dim3A : vector<16xi32>
      %swap3A_68 = arith.constant 64 : index
      %swap3A_69 = tpu.vector_load %arg7[%swap3A_68] {strides = array<i32>} : memref<128xi32, #tpu.memory_space<vmem>>, vector<16xi32>,
      %swap3A_70 = vector.shape_cast %swap3A_69 : vector<16xi32> to vector<16xi32>
      %swap3A_71 = vector.shape_cast %add3A_67 : vector<16xi32> to vector<16xi32>
      tpu.vector_store %arg7[%swap3A_68], %swap3A_71 {strides = array<i32>} : memref<128xi32, #tpu.memory_space<vmem>>, vector<16xi32>,
      %get3A_72 = arith.constant 80 : index
      %get3A_73 = tpu.vector_load %arg7[%get3A_72] {strides = array<i32>} : memref<128xi32, #tpu.memory_space<vmem>>, vector<16xi32>,
      %get3A_74 = vector.shape_cast %get3A_73 : vector<16xi32> to vector<16xi32>
      %add3A_75 = arith.addi %get3A_74, %broadcast_in_dim3A : vector<16xi32>
      %swap3A_76 = arith.constant 80 : index
      %swap3A_77 = tpu.vector_load %arg7[%swap3A_76] {strides = array<i32>} : memref<128xi32, #tpu.memory_space<vmem>>, vector<16xi32>,
      %swap3A_78 = vector.shape_cast %swap3A_77 : vector<16xi32> to vector<16xi32>
      %swap3A_79 = vector.shape_cast %add3A_75 : vector<16xi32> to vector<16xi32>
      tpu.vector_store %arg7[%swap3A_76], %swap3A_79 {strides = array<i32>} : memref<128xi32, #tpu.memory_space<vmem>>, vector<16xi32>,
      %get3A_80 = arith.constant 96 : index
      %get3A_81 = tpu.vector_load %arg7[%get3A_80] {strides = array<i32>} : memref<128xi32, #tpu.memory_space<vmem>>, vector<16xi32>,
      %get3A_82 = vector.shape_cast %get3A_81 : vector<16xi32> to vector<16xi32>
      %add3A_83 = arith.addi %get3A_82, %broadcast_in_dim3A : vector<16xi32>
      %swap3A_84 = arith.constant 96 : index
      %swap3A_85 = tpu.vector_load %arg7[%swap3A_84] {strides = array<i32>} : memref<128xi32, #tpu.memory_space<vmem>>, vector<16xi32>,
      %swap3A_86 = vector.shape_cast %swap3A_85 : vector<16xi32> to vector<16xi32>
      %swap3A_87 = vector.shape_cast %add3A_83 : vector<16xi32> to vector<16xi32>
      tpu.vector_store %arg7[%swap3A_84], %swap3A_87 {strides = array<i32>} : memref<128xi32, #tpu.memory_space<vmem>>, vector<16xi32>,
      %get3A_88 = arith.constant 112 : index
      %get3A_89 = tpu.vector_load %arg7[%get3A_88] {strides = array<i32>} : memref<128xi32, #tpu.memory_space<vmem>>, vector<16xi32>,
      %get3A_90 = vector.shape_cast %get3A_89 : vector<16xi32> to vector<16xi32>
      %add3A_91 = arith.addi %get3A_90, %broadcast_in_dim3A : vector<16xi32>
      %swap3A_92 = arith.constant 112 : index
      %swap3A_93 = tpu.vector_load %arg7[%swap3A_92] {strides = array<i32>} : memref<128xi32, #tpu.memory_space<vmem>>, vector<16xi32>,
      %swap3A_94 = vector.shape_cast %swap3A_93 : vector<16xi32> to vector<16xi32>
      %swap3A_95 = vector.shape_cast %add3A_91 : vector<16xi32> to vector<16xi32>
      tpu.vector_store %arg7[%swap3A_92], %swap3A_95 {strides = array<i32>} : memref<128xi32, #tpu.memory_space<vmem>>, vector<16xi32>,
      %dma_start3A = arith.constant 0 : i32
      %dma_start3A_96 = arith.constant 0 : i32
      %dma_start3A_97 = tpu.memref_slice %arg2[%dma_start3A, %dma_start3A_96] : memref<20000x128xf32, #tpu.memory_space<hbm>> -> memref<20000x128xf32, #tpu.memory_space<hbm>>
      tpu.enqueue_indirect_dma source(%dma_start3A_97 : memref<20000x128xf32, #tpu.memory_space<hbm>>) target(%arg9 : memref<128x128xf32, #tpu.memory_space<vmem>>) offsets(%arg7 : memref<128xi32, #tpu.memory_space<vmem>>) semaphore(%arg11 : memref<!tpu.dma_semaphore, #tpu.memory_space<semaphore_mem>>)
      %dma_wait3A = arith.constant 0 : i32
      %dma_wait3A_98 = arith.constant 0 : i32
      %dma_wait3A_99 = tpu.memref_slice %arg2[%dma_wait3A, %dma_wait3A_98] : memref<20000x128xf32, #tpu.memory_space<hbm>> -> memref<20000x128xf32, #tpu.memory_space<hbm>>
      tpu.wait_indirect_dma semaphore(%arg11 : memref<!tpu.dma_semaphore, #tpu.memory_space<semaphore_mem>>) src(%dma_wait3A_99 : memref<20000x128xf32, #tpu.memory_space<hbm>>) dst(%arg9 : memref<128x128xf32, #tpu.memory_space<vmem>>)
      "tpu.region"() ({
        %run_scoped3A = tpu.sem_alloc : memref<!tpu.dma_semaphore, #tpu.memory_space<semaphore_mem>>
        %dma_start3A_227 = tpu.memref_slice %arg4[%mul3A_33] : memref<323584xi32, #tpu.memory_space<hbm>> -> memref<128xi32, #tpu.memory_space<hbm>>
        %dma_start3A_228 = tpu.memref_slice %arg4[%mul3A_33] : memref<323584xi32, #tpu.memory_space<hbm>> -> memref<128xi32, #tpu.memory_space<hbm>>
        tpu.enqueue_dma source(%dma_start3A_228 : memref<128xi32, #tpu.memory_space<hbm>>) target(%arg8 : memref<128xi32, #tpu.memory_space<vmem>>) target_semaphore(%run_scoped3A : memref<!tpu.dma_semaphore, #tpu.memory_space<semaphore_mem>>)
        %dma_wait3A_229 = tpu.memref_slice %arg4[%mul3A_33] : memref<323584xi32, #tpu.memory_space<hbm>> -> memref<128xi32, #tpu.memory_space<hbm>>
        %dma_wait3A_230 = tpu.memref_slice %arg4[%mul3A_33] : memref<323584xi32, #tpu.memory_space<hbm>> -> memref<128xi32, #tpu.memory_space<hbm>>
        tpu.wait_dma2 semaphore(%run_scoped3A : memref<!tpu.dma_semaphore, #tpu.memory_space<semaphore_mem>>) src(%dma_wait3A_230 : memref<128xi32, #tpu.memory_space<hbm>>) dst(%arg8 : memref<128xi32, #tpu.memory_space<vmem>>)
        tpu.yield
      }) : () -> ()
      %broadcast_in_dim3A_100 = arith.constant 5120 : i32
      %broadcast_in_dim3A_101 = vector.broadcast %broadcast_in_dim3A_100 : i32 to vector<16xi32>
      %broadcast_in_dim3A_102 = arith.constant 5120 : i32
      %broadcast_in_dim3A_103 = vector.broadcast %broadcast_in_dim3A_102 : i32 to vector<16xi32>
      %get3A_104 = arith.constant 0 : index
      %get3A_105 = tpu.vector_load %arg8[%get3A_104] {strides = array<i32>} : memref<128xi32, #tpu.memory_space<vmem>>, vector<16xi32>,
      %get3A_106 = vector.shape_cast %get3A_105 : vector<16xi32> to vector<16xi32>
      %sub3A = arith.subi %get3A_106, %broadcast_in_dim3A_101 : vector<16xi32>
      %ge3A = arith.constant 0 : i32
      %ge3A_107 = vector.broadcast %ge3A : i32 to vector<16xi32>
      %ge3A_108 = arith.cmpi sge, %sub3A, %ge3A_107 : vector<16xi32>
      %lt3A = arith.constant 5120 : i32
      %lt3A_109 = vector.broadcast %lt3A : i32 to vector<16xi32>
      %lt3A_110 = arith.cmpi slt, %sub3A, %lt3A_109 : vector<16xi32>
      %and3A = arith.andi %ge3A_108, %lt3A_110 : vector<16xi1>
      %select_n3A = arith.select %and3A, %sub3A, %broadcast_in_dim3A_103 : vector<16xi1>, vector<16xi32>
      %swap3A_111 = arith.constant 0 : index
      %swap3A_112 = tpu.vector_load %arg8[%swap3A_111] {strides = array<i32>} : memref<128xi32, #tpu.memory_space<vmem>>, vector<16xi32>,
      %swap3A_113 = vector.shape_cast %swap3A_112 : vector<16xi32> to vector<16xi32>
      %swap3A_114 = vector.shape_cast %select_n3A : vector<16xi32> to vector<16xi32>
      tpu.vector_store %arg8[%swap3A_111], %swap3A_114 {strides = array<i32>} : memref<128xi32, #tpu.memory_space<vmem>>, vector<16xi32>,
      %get3A_115 = arith.constant 16 : index
      %get3A_116 = tpu.vector_load %arg8[%get3A_115] {strides = array<i32>} : memref<128xi32, #tpu.memory_space<vmem>>, vector<16xi32>,
      %get3A_117 = vector.shape_cast %get3A_116 : vector<16xi32> to vector<16xi32>
      %sub3A_118 = arith.subi %get3A_117, %broadcast_in_dim3A_101 : vector<16xi32>
      %ge3A_119 = arith.constant 0 : i32
      %ge3A_120 = vector.broadcast %ge3A_119 : i32 to vector<16xi32>
      %ge3A_121 = arith.cmpi sge, %sub3A_118, %ge3A_120 : vector<16xi32>
      %lt3A_122 = arith.constant 5120 : i32
      %lt3A_123 = vector.broadcast %lt3A_122 : i32 to vector<16xi32>
      %lt3A_124 = arith.cmpi slt, %sub3A_118, %lt3A_123 : vector<16xi32>
      %and3A_125 = arith.andi %ge3A_121, %lt3A_124 : vector<16xi1>
      %select_n3A_126 = arith.select %and3A_125, %sub3A_118, %broadcast_in_dim3A_103 : vector<16xi1>, vector<16xi32>
      %swap3A_127 = arith.constant 16 : index
      %swap3A_128 = tpu.vector_load %arg8[%swap3A_127] {strides = array<i32>} : memref<128xi32, #tpu.memory_space<vmem>>, vector<16xi32>,
      %swap3A_129 = vector.shape_cast %swap3A_128 : vector<16xi32> to vector<16xi32>
      %swap3A_130 = vector.shape_cast %select_n3A_126 : vector<16xi32> to vector<16xi32>
      tpu.vector_store %arg8[%swap3A_127], %swap3A_130 {strides = array<i32>} : memref<128xi32, #tpu.memory_space<vmem>>, vector<16xi32>,
      %get3A_131 = arith.constant 32 : index
      %get3A_132 = tpu.vector_load %arg8[%get3A_131] {strides = array<i32>} : memref<128xi32, #tpu.memory_space<vmem>>, vector<16xi32>,
      %get3A_133 = vector.shape_cast %get3A_132 : vector<16xi32> to vector<16xi32>
      %sub3A_134 = arith.subi %get3A_133, %broadcast_in_dim3A_101 : vector<16xi32>
      %ge3A_135 = arith.constant 0 : i32
      %ge3A_136 = vector.broadcast %ge3A_135 : i32 to vector<16xi32>
      %ge3A_137 = arith.cmpi sge, %sub3A_134, %ge3A_136 : vector<16xi32>
      %lt3A_138 = arith.constant 5120 : i32
      %lt3A_139 = vector.broadcast %lt3A_138 : i32 to vector<16xi32>
      %lt3A_140 = arith.cmpi slt, %sub3A_134, %lt3A_139 : vector<16xi32>
      %and3A_141 = arith.andi %ge3A_137, %lt3A_140 : vector<16xi1>
      %select_n3A_142 = arith.select %and3A_141, %sub3A_134, %broadcast_in_dim3A_103 : vector<16xi1>, vector<16xi32>
      %swap3A_143 = arith.constant 32 : index
      %swap3A_144 = tpu.vector_load %arg8[%swap3A_143] {strides = array<i32>} : memref<128xi32, #tpu.memory_space<vmem>>, vector<16xi32>,
      %swap3A_145 = vector.shape_cast %swap3A_144 : vector<16xi32> to vector<16xi32>
      %swap3A_146 = vector.shape_cast %select_n3A_142 : vector<16xi32> to vector<16xi32>
      tpu.vector_store %arg8[%swap3A_143], %swap3A_146 {strides = array<i32>} : memref<128xi32, #tpu.memory_space<vmem>>, vector<16xi32>,
      %get3A_147 = arith.constant 48 : index
      %get3A_148 = tpu.vector_load %arg8[%get3A_147] {strides = array<i32>} : memref<128xi32, #tpu.memory_space<vmem>>, vector<16xi32>,
      %get3A_149 = vector.shape_cast %get3A_148 : vector<16xi32> to vector<16xi32>
      %sub3A_150 = arith.subi %get3A_149, %broadcast_in_dim3A_101 : vector<16xi32>
      %ge3A_151 = arith.constant 0 : i32
      %ge3A_152 = vector.broadcast %ge3A_151 : i32 to vector<16xi32>
      %ge3A_153 = arith.cmpi sge, %sub3A_150, %ge3A_152 : vector<16xi32>
      %lt3A_154 = arith.constant 5120 : i32
      %lt3A_155 = vector.broadcast %lt3A_154 : i32 to vector<16xi32>
      %lt3A_156 = arith.cmpi slt, %sub3A_150, %lt3A_155 : vector<16xi32>
      %and3A_157 = arith.andi %ge3A_153, %lt3A_156 : vector<16xi1>
      %select_n3A_158 = arith.select %and3A_157, %sub3A_150, %broadcast_in_dim3A_103 : vector<16xi1>, vector<16xi32>
      %swap3A_159 = arith.constant 48 : index
      %swap3A_160 = tpu.vector_load %arg8[%swap3A_159] {strides = array<i32>} : memref<128xi32, #tpu.memory_space<vmem>>, vector<16xi32>,
      %swap3A_161 = vector.shape_cast %swap3A_160 : vector<16xi32> to vector<16xi32>
      %swap3A_162 = vector.shape_cast %select_n3A_158 : vector<16xi32> to vector<16xi32>
      tpu.vector_store %arg8[%swap3A_159], %swap3A_162 {strides = array<i32>} : memref<128xi32, #tpu.memory_space<vmem>>, vector<16xi32>,
      %get3A_163 = arith.constant 64 : index
      %get3A_164 = tpu.vector_load %arg8[%get3A_163] {strides = array<i32>} : memref<128xi32, #tpu.memory_space<vmem>>, vector<16xi32>,
      %get3A_165 = vector.shape_cast %get3A_164 : vector<16xi32> to vector<16xi32>
      %sub3A_166 = arith.subi %get3A_165, %broadcast_in_dim3A_101 : vector<16xi32>
      %ge3A_167 = arith.constant 0 : i32
      %ge3A_168 = vector.broadcast %ge3A_167 : i32 to vector<16xi32>
      %ge3A_169 = arith.cmpi sge, %sub3A_166, %ge3A_168 : vector<16xi32>
      %lt3A_170 = arith.constant 5120 : i32
      %lt3A_171 = vector.broadcast %lt3A_170 : i32 to vector<16xi32>
      %lt3A_172 = arith.cmpi slt, %sub3A_166, %lt3A_171 : vector<16xi32>
      %and3A_173 = arith.andi %ge3A_169, %lt3A_172 : vector<16xi1>
      %select_n3A_174 = arith.select %and3A_173, %sub3A_166, %broadcast_in_dim3A_103 : vector<16xi1>, vector<16xi32>
      %swap3A_175 = arith.constant 64 : index
      %swap3A_176 = tpu.vector_load %arg8[%swap3A_175] {strides = array<i32>} : memref<128xi32, #tpu.memory_space<vmem>>, vector<16xi32>,
      %swap3A_177 = vector.shape_cast %swap3A_176 : vector<16xi32> to vector<16xi32>
      %swap3A_178 = vector.shape_cast %select_n3A_174 : vector<16xi32> to vector<16xi32>
      tpu.vector_store %arg8[%swap3A_175], %swap3A_178 {strides = array<i32>} : memref<128xi32, #tpu.memory_space<vmem>>, vector<16xi32>,
      %get3A_179 = arith.constant 80 : index
      %get3A_180 = tpu.vector_load %arg8[%get3A_179] {strides = array<i32>} : memref<128xi32, #tpu.memory_space<vmem>>, vector<16xi32>,
      %get3A_181 = vector.shape_cast %get3A_180 : vector<16xi32> to vector<16xi32>
      %sub3A_182 = arith.subi %get3A_181, %broadcast_in_dim3A_101 : vector<16xi32>
      %ge3A_183 = arith.constant 0 : i32
      %ge3A_184 = vector.broadcast %ge3A_183 : i32 to vector<16xi32>
      %ge3A_185 = arith.cmpi sge, %sub3A_182, %ge3A_184 : vector<16xi32>
      %lt3A_186 = arith.constant 5120 : i32
      %lt3A_187 = vector.broadcast %lt3A_186 : i32 to vector<16xi32>
      %lt3A_188 = arith.cmpi slt, %sub3A_182, %lt3A_187 : vector<16xi32>
      %and3A_189 = arith.andi %ge3A_185, %lt3A_188 : vector<16xi1>
      %select_n3A_190 = arith.select %and3A_189, %sub3A_182, %broadcast_in_dim3A_103 : vector<16xi1>, vector<16xi32>
      %swap3A_191 = arith.constant 80 : index
      %swap3A_192 = tpu.vector_load %arg8[%swap3A_191] {strides = array<i32>} : memref<128xi32, #tpu.memory_space<vmem>>, vector<16xi32>,
      %swap3A_193 = vector.shape_cast %swap3A_192 : vector<16xi32> to vector<16xi32>
      %swap3A_194 = vector.shape_cast %select_n3A_190 : vector<16xi32> to vector<16xi32>
      tpu.vector_store %arg8[%swap3A_191], %swap3A_194 {strides = array<i32>} : memref<128xi32, #tpu.memory_space<vmem>>, vector<16xi32>,
      %get3A_195 = arith.constant 96 : index
      %get3A_196 = tpu.vector_load %arg8[%get3A_195] {strides = array<i32>} : memref<128xi32, #tpu.memory_space<vmem>>, vector<16xi32>,
      %get3A_197 = vector.shape_cast %get3A_196 : vector<16xi32> to vector<16xi32>
      %sub3A_198 = arith.subi %get3A_197, %broadcast_in_dim3A_101 : vector<16xi32>
      %ge3A_199 = arith.constant 0 : i32
      %ge3A_200 = vector.broadcast %ge3A_199 : i32 to vector<16xi32>
      %ge3A_201 = arith.cmpi sge, %sub3A_198, %ge3A_200 : vector<16xi32>
      %lt3A_202 = arith.constant 5120 : i32
      %lt3A_203 = vector.broadcast %lt3A_202 : i32 to vector<16xi32>
      %lt3A_204 = arith.cmpi slt, %sub3A_198, %lt3A_203 : vector<16xi32>
      %and3A_205 = arith.andi %ge3A_201, %lt3A_204 : vector<16xi1>
      %select_n3A_206 = arith.select %and3A_205, %sub3A_198, %broadcast_in_dim3A_103 : vector<16xi1>, vector<16xi32>
      %swap3A_207 = arith.constant 96 : index
      %swap3A_208 = tpu.vector_load %arg8[%swap3A_207] {strides = array<i32>} : memref<128xi32, #tpu.memory_space<vmem>>, vector<16xi32>,
      %swap3A_209 = vector.shape_cast %swap3A_208 : vector<16xi32> to vector<16xi32>
      %swap3A_210 = vector.shape_cast %select_n3A_206 : vector<16xi32> to vector<16xi32>
      tpu.vector_store %arg8[%swap3A_207], %swap3A_210 {strides = array<i32>} : memref<128xi32, #tpu.memory_space<vmem>>, vector<16xi32>,
      %get3A_211 = arith.constant 112 : index
      %get3A_212 = tpu.vector_load %arg8[%get3A_211] {strides = array<i32>} : memref<128xi32, #tpu.memory_space<vmem>>, vector<16xi32>,
      %get3A_213 = vector.shape_cast %get3A_212 : vector<16xi32> to vector<16xi32>
      %sub3A_214 = arith.subi %get3A_213, %broadcast_in_dim3A_101 : vector<16xi32>
      %ge3A_215 = arith.constant 0 : i32
      %ge3A_216 = vector.broadcast %ge3A_215 : i32 to vector<16xi32>
      %ge3A_217 = arith.cmpi sge, %sub3A_214, %ge3A_216 : vector<16xi32>
      %lt3A_218 = arith.constant 5120 : i32
      %lt3A_219 = vector.broadcast %lt3A_218 : i32 to vector<16xi32>
      %lt3A_220 = arith.cmpi slt, %sub3A_214, %lt3A_219 : vector<16xi32>
      %and3A_221 = arith.andi %ge3A_217, %lt3A_220 : vector<16xi1>
      %select_n3A_222 = arith.select %and3A_221, %sub3A_214, %broadcast_in_dim3A_103 : vector<16xi1>, vector<16xi32>
      %swap3A_223 = arith.constant 112 : index
      %swap3A_224 = tpu.vector_load %arg8[%swap3A_223] {strides = array<i32>} : memref<128xi32, #tpu.memory_space<vmem>>, vector<16xi32>,
      %swap3A_225 = vector.shape_cast %swap3A_224 : vector<16xi32> to vector<16xi32>
      %swap3A_226 = vector.shape_cast %select_n3A_222 : vector<16xi32> to vector<16xi32>
      tpu.vector_store %arg8[%swap3A_223], %swap3A_226 {strides = array<i32>} : memref<128xi32, #tpu.memory_space<vmem>>, vector<16xi32>,
      "tpu.region"() ({
        %run_scoped3A = tpu.sem_alloc : memref<!tpu.dma_semaphore, #tpu.memory_space<semaphore_mem>>
        %dma_start3A_227 = arith.constant 0 : i32
        %dma_start3A_228 = arith.constant 0 : i32
        %dma_start3A_229 = tpu.memref_slice %arg10[%dma_start3A_227, %dma_start3A_228] : memref<5248x128xf32, #tpu.memory_space<vmem_shared>> -> memref<5248x128xf32, #tpu.memory_space<vmem_shared>>
        tpu.enqueue_indirect_dma source(%arg9 : memref<128x128xf32, #tpu.memory_space<vmem>>) target(%dma_start3A_229 : memref<5248x128xf32, #tpu.memory_space<vmem_shared>>) offsets(%arg8 : memref<128xi32, #tpu.memory_space<vmem>>) semaphore(%run_scoped3A : memref<!tpu.dma_semaphore, #tpu.memory_space<semaphore_mem>>) {add = true}
        %dma_wait3A_230 = arith.constant 0 : i32
        %dma_wait3A_231 = arith.constant 0 : i32
        %dma_wait3A_232 = tpu.memref_slice %arg10[%dma_wait3A_230, %dma_wait3A_231] : memref<5248x128xf32, #tpu.memory_space<vmem_shared>> -> memref<5248x128xf32, #tpu.memory_space<vmem_shared>>
        tpu.wait_indirect_dma semaphore(%run_scoped3A : memref<!tpu.dma_semaphore, #tpu.memory_space<semaphore_mem>>) src(%arg9 : memref<128x128xf32, #tpu.memory_space<vmem>>) dst(%dma_wait3A_232 : memref<5248x128xf32, #tpu.memory_space<vmem_shared>>)
        tpu.yield
      }) : () -> ()
    }
    %scan3A_21 = arith.constant 158 : i32
    %barrier3A_22 = arith.constant 0 : index
    tpu.barrier barrier_id(%barrier3A_22)
    %mul3A_23 = arith.constant 320 : i32
    %mul3A_24 = arith.muli %arg1, %mul3A_23 : i32
    %add3A_25 = arith.constant 5120 : i32
    %add3A_26 = arith.addi %add3A_25, %mul3A_24 : i32
    "tpu.region"() ({
      %run_scoped3A = tpu.sem_alloc : memref<!tpu.dma_semaphore, #tpu.memory_space<semaphore_mem>>
      %dma_start3A = arith.constant 0 : i32
      %dma_start3A_28 = tpu.memref_slice %arg6[%arg0, %add3A_26, %dma_start3A] : memref<2x10240x128xf32, #tpu.memory_space<hbm>> -> memref<1x320x128xf32, #tpu.memory_space<hbm>>
      %dma_start3A_29 = tpu.memref_squeeze %dma_start3A_28 : memref<1x320x128xf32, #tpu.memory_space<hbm>> -> memref<320x128xf32, #tpu.memory_space<hbm>>
      %dma_start3A_30 = arith.constant 0 : i32
      %dma_start3A_31 = tpu.memref_slice %arg10[%mul3A_24, %dma_start3A_30] : memref<5248x128xf32, #tpu.memory_space<vmem_shared>> -> memref<320x128xf32, #tpu.memory_space<vmem_shared>>
      tpu.enqueue_dma source(%dma_start3A_31 : memref<320x128xf32, #tpu.memory_space<vmem_shared>>) target(%dma_start3A_29 : memref<320x128xf32, #tpu.memory_space<hbm>>) target_semaphore(%run_scoped3A : memref<!tpu.dma_semaphore, #tpu.memory_space<semaphore_mem>>)
      %dma_wait3A = arith.constant 0 : i32
      %dma_wait3A_32 = tpu.memref_slice %arg6[%arg0, %add3A_26, %dma_wait3A] : memref<2x10240x128xf32, #tpu.memory_space<hbm>> -> memref<1x320x128xf32, #tpu.memory_space<hbm>>
      %dma_wait3A_33 = tpu.memref_squeeze %dma_wait3A_32 : memref<1x320x128xf32, #tpu.memory_space<hbm>> -> memref<320x128xf32, #tpu.memory_space<hbm>>
      %dma_wait3A_34 = arith.constant 0 : i32
      %dma_wait3A_35 = tpu.memref_slice %arg10[%mul3A_24, %dma_wait3A_34] : memref<5248x128xf32, #tpu.memory_space<vmem_shared>> -> memref<320x128xf32, #tpu.memory_space<vmem_shared>>
      tpu.wait_dma2 semaphore(%run_scoped3A : memref<!tpu.dma_semaphore, #tpu.memory_space<semaphore_mem>>) src(%dma_wait3A_35 : memref<320x128xf32, #tpu.memory_space<vmem_shared>>) dst(%dma_wait3A_33 : memref<320x128xf32, #tpu.memory_space<hbm>>)
      tpu.yield
    }) : () -> ()
    %barrier3A_27 = arith.constant 0 : index
    tpu.barrier barrier_id(%barrier3A_27)
    return
  }
}

module attributes {stable_mosaic.version = 14 : i64} {
  func.func @_tc1_body(%arg0: i32, %arg1: memref<400x128xf32, #tpu.memory_space<vmem>>, %arg2: memref<400x128xf32, #tpu.memory_space<vmem>>, %arg3: memref<400x128xf32, #tpu.memory_space<vmem>>, %arg4: memref<256x128xf32, #tpu.memory_space<vmem>>, %arg5: memref<256x128xf32, #tpu.memory_space<vmem>>, %arg6: memref<256xf32, #tpu.memory_space<vmem>>, %arg7: memref<256x128xf32, #tpu.memory_space<vmem>>, %arg8: memref<256x128xf32, #tpu.memory_space<vmem>>, %arg9: memref<256xf32, #tpu.memory_space<vmem>>, %arg10: memref<2x400x128xf32, #tpu.memory_space<vmem>>, %arg11: memref<2x400x128xf32, #tpu.memory_space<vmem>>) attributes {dimension_semantics = [#tpu.dimension_semantics<arbitrary>], iteration_bounds = array<i64: 25>, scalar_prefetch = 0 : i64, scratch_operands = 0 : i64, tpu.core_type = #tpu.core_type<tc>, window_params = [{transform_indices = @transform_0, window_bounds = array<i64: 400, 128>}, {transform_indices = @transform_1, window_bounds = array<i64: 400, 128>}, {transform_indices = @transform_2, window_bounds = array<i64: 400, 128>}, {pipeline_mode = #tpu.pipeline_mode<synchronous>, transform_indices = @transform_3, window_bounds = array<i64: 256, 128>}, {pipeline_mode = #tpu.pipeline_mode<synchronous>, transform_indices = @transform_4, window_bounds = array<i64: 256, 128>}, {pipeline_mode = #tpu.pipeline_mode<synchronous>, transform_indices = @transform_5, window_bounds = array<i64: 256>}, {pipeline_mode = #tpu.pipeline_mode<synchronous>, transform_indices = @transform_6, window_bounds = array<i64: 256, 128>}, {pipeline_mode = #tpu.pipeline_mode<synchronous>, transform_indices = @transform_7, window_bounds = array<i64: 256, 128>}, {pipeline_mode = #tpu.pipeline_mode<synchronous>, transform_indices = @transform_8, window_bounds = array<i64: 256>}, {transform_indices = @transform_9, window_bounds = array<i64: 2, 400, 128>}, {transform_indices = @transform_10, window_bounds = array<i64: 2, 400, 128>}]} {
    %get3A = arith.constant 0 : index
    %get3A_0 = arith.constant 0 : index
    %get3A_1 = vector.load %arg2[%get3A, %get3A_0] : memref<400x128xf32, #tpu.memory_space<vmem>>, vector<400x128xf32>
    %slice3A = vector.extract_strided_slice %get3A_1 {offsets = [0, 0], sizes = [400, 1], strides = [1, 1]} : vector<400x128xf32> to vector<400x1xf32>
    %max3A = arith.constant 1.000000e+00 : f32
    %max3A_2 = vector.broadcast %max3A : f32 to vector<400x1xf32>
    %max3A_3 = arith.maximumf %slice3A, %max3A_2 : vector<400x1xf32>
    %div3A = arith.constant 1.000000e+00 : f32
    %div3A_4 = vector.broadcast %div3A : f32 to vector<400x1xf32>
    %div3A_5 = arith.divf %div3A_4, %max3A_3 : vector<400x1xf32>
    %get3A_6 = arith.constant 0 : index
    %get3A_7 = arith.constant 0 : index
    %get3A_8 = vector.load %arg1[%get3A_6, %get3A_7] : memref<400x128xf32, #tpu.memory_space<vmem>>, vector<400x128xf32>
    %mul3A = vector.broadcast %div3A_5 : vector<400x1xf32> to vector<400x128xf32>
    %mul3A_9 = arith.mulf %get3A_8, %mul3A : vector<400x128xf32>
    %get3A_10 = arith.constant 0 : index
    %get3A_11 = arith.constant 0 : index
    %get3A_12 = vector.load %arg3[%get3A_10, %get3A_11] : memref<400x128xf32, #tpu.memory_space<vmem>>, vector<400x128xf32>
    %get3A_13 = arith.constant 0 : index
    %get3A_14 = arith.constant 0 : index
    %get3A_15 = vector.load %arg4[%get3A_13, %get3A_14] : memref<256x128xf32, #tpu.memory_space<vmem>>, vector<256x128xf32>
    %dot_general3A = arith.constant dense<0.000000e+00> : vector<400x256xf32>
    %dot_general3A_16 = tpu.matmul %mul3A_9, %get3A_15, %dot_general3A {dimension_numbers = #tpu.dot_dimension_numbers<[1], [1], [0], [0], [0, 0, 1, 0], [], []>, transpose_lhs_hint = false} : vector<400x128xf32>, vector<256x128xf32>, vector<400x256xf32> -> vector<400x256xf32>
    %get3A_17 = arith.constant 0 : index
    %get3A_18 = arith.constant 0 : index
    %get3A_19 = vector.load %arg5[%get3A_17, %get3A_18] : memref<256x128xf32, #tpu.memory_space<vmem>>, vector<256x128xf32>
    %dot_general3A_20 = arith.constant dense<0.000000e+00> : vector<400x256xf32>
    %dot_general3A_21 = tpu.matmul %get3A_12, %get3A_19, %dot_general3A_20 {dimension_numbers = #tpu.dot_dimension_numbers<[1], [1], [0], [0], [0, 0, 1, 0], [], []>, transpose_lhs_hint = false} : vector<400x128xf32>, vector<256x128xf32>, vector<400x256xf32> -> vector<400x256xf32>
    %add3A = arith.addf %dot_general3A_16, %dot_general3A_21 : vector<400x256xf32>
    %get3A_22 = arith.constant 0 : index
    %get3A_23 = vector.load %arg6[%get3A_22] : memref<256xf32, #tpu.memory_space<vmem>>, vector<256xf32>
    %broadcast_in_dim3A = vector.shape_cast %get3A_23 : vector<256xf32> to vector<1x256xf32>
    %add3A_24 = vector.broadcast %broadcast_in_dim3A : vector<1x256xf32> to vector<400x256xf32>
    %add3A_25 = arith.addf %add3A, %add3A_24 : vector<400x256xf32>
    %max3A_26 = arith.constant 0.000000e+00 : f32
    %max3A_27 = vector.broadcast %max3A_26 : f32 to vector<400x256xf32>
    %max3A_28 = arith.maximumf %add3A_25, %max3A_27 : vector<400x256xf32>
    %get3A_29 = arith.constant 0 : index
    %get3A_30 = arith.constant 0 : index
    %get3A_31 = vector.load %arg7[%get3A_29, %get3A_30] : memref<256x128xf32, #tpu.memory_space<vmem>>, vector<256x128xf32>
    %dot_general3A_32 = arith.constant dense<0.000000e+00> : vector<400x256xf32>
    %dot_general3A_33 = tpu.matmul %mul3A_9, %get3A_31, %dot_general3A_32 {dimension_numbers = #tpu.dot_dimension_numbers<[1], [1], [0], [0], [0, 0, 1, 0], [], []>, transpose_lhs_hint = false} : vector<400x128xf32>, vector<256x128xf32>, vector<400x256xf32> -> vector<400x256xf32>
    %get3A_34 = arith.constant 0 : index
    %get3A_35 = arith.constant 0 : index
    %get3A_36 = vector.load %arg8[%get3A_34, %get3A_35] : memref<256x128xf32, #tpu.memory_space<vmem>>, vector<256x128xf32>
    %dot_general3A_37 = arith.constant dense<0.000000e+00> : vector<400x256xf32>
    %dot_general3A_38 = tpu.matmul %get3A_12, %get3A_36, %dot_general3A_37 {dimension_numbers = #tpu.dot_dimension_numbers<[1], [1], [0], [0], [0, 0, 1, 0], [], []>, transpose_lhs_hint = false} : vector<400x128xf32>, vector<256x128xf32>, vector<400x256xf32> -> vector<400x256xf32>
    %add3A_39 = arith.addf %dot_general3A_33, %dot_general3A_38 : vector<400x256xf32>
    %get3A_40 = arith.constant 0 : index
    %get3A_41 = vector.load %arg9[%get3A_40] : memref<256xf32, #tpu.memory_space<vmem>>, vector<256xf32>
    %broadcast_in_dim3A_42 = vector.shape_cast %get3A_41 : vector<256xf32> to vector<1x256xf32>
    %add3A_43 = vector.broadcast %broadcast_in_dim3A_42 : vector<1x256xf32> to vector<400x256xf32>
    %add3A_44 = arith.addf %add3A_39, %add3A_43 : vector<400x256xf32>
    %max3A_45 = arith.constant 0.000000e+00 : f32
    %max3A_46 = vector.broadcast %max3A_45 : f32 to vector<400x256xf32>
    %max3A_47 = arith.maximumf %add3A_44, %max3A_46 : vector<400x256xf32>
    %slice3A_48 = vector.extract_strided_slice %max3A_28 {offsets = [0, 0], sizes = [400, 128], strides = [1, 1]} : vector<400x256xf32> to vector<400x128xf32>
    %swap3A = arith.constant 0 : index
    %swap3A_49 = arith.constant 0 : index
    %swap3A_50 = arith.constant 0 : index
    %swap3A_51 = vector.load %arg10[%swap3A, %swap3A_49, %swap3A_50] : memref<2x400x128xf32, #tpu.memory_space<vmem>>, vector<1x400x128xf32>
    %swap3A_52 = vector.shape_cast %swap3A_51 : vector<1x400x128xf32> to vector<400x128xf32>
    %swap3A_53 = vector.shape_cast %slice3A_48 : vector<400x128xf32> to vector<1x400x128xf32>
    tpu.vector_store %arg10[%swap3A, %swap3A_49, %swap3A_50], %swap3A_53 {strides = array<i32>} : memref<2x400x128xf32, #tpu.memory_space<vmem>>, vector<1x400x128xf32>,
    %slice3A_54 = vector.extract_strided_slice %max3A_28 {offsets = [0, 128], sizes = [400, 128], strides = [1, 1]} : vector<400x256xf32> to vector<400x128xf32>
    %swap3A_55 = arith.constant 1 : index
    %swap3A_56 = arith.constant 0 : index
    %swap3A_57 = arith.constant 0 : index
    %swap3A_58 = vector.load %arg10[%swap3A_55, %swap3A_56, %swap3A_57] : memref<2x400x128xf32, #tpu.memory_space<vmem>>, vector<1x400x128xf32>
    %swap3A_59 = vector.shape_cast %swap3A_58 : vector<1x400x128xf32> to vector<400x128xf32>
    %swap3A_60 = vector.shape_cast %slice3A_54 : vector<400x128xf32> to vector<1x400x128xf32>
    tpu.vector_store %arg10[%swap3A_55, %swap3A_56, %swap3A_57], %swap3A_60 {strides = array<i32>} : memref<2x400x128xf32, #tpu.memory_space<vmem>>, vector<1x400x128xf32>,
    %slice3A_61 = vector.extract_strided_slice %max3A_47 {offsets = [0, 0], sizes = [400, 128], strides = [1, 1]} : vector<400x256xf32> to vector<400x128xf32>
    %swap3A_62 = arith.constant 0 : index
    %swap3A_63 = arith.constant 0 : index
    %swap3A_64 = arith.constant 0 : index
    %swap3A_65 = vector.load %arg11[%swap3A_62, %swap3A_63, %swap3A_64] : memref<2x400x128xf32, #tpu.memory_space<vmem>>, vector<1x400x128xf32>
    %swap3A_66 = vector.shape_cast %swap3A_65 : vector<1x400x128xf32> to vector<400x128xf32>
    %swap3A_67 = vector.shape_cast %slice3A_61 : vector<400x128xf32> to vector<1x400x128xf32>
    tpu.vector_store %arg11[%swap3A_62, %swap3A_63, %swap3A_64], %swap3A_67 {strides = array<i32>} : memref<2x400x128xf32, #tpu.memory_space<vmem>>, vector<1x400x128xf32>,
    %slice3A_68 = vector.extract_strided_slice %max3A_47 {offsets = [0, 128], sizes = [400, 128], strides = [1, 1]} : vector<400x256xf32> to vector<400x128xf32>
    %swap3A_69 = arith.constant 1 : index
    %swap3A_70 = arith.constant 0 : index
    %swap3A_71 = arith.constant 0 : index
    %swap3A_72 = vector.load %arg11[%swap3A_69, %swap3A_70, %swap3A_71] : memref<2x400x128xf32, #tpu.memory_space<vmem>>, vector<1x400x128xf32>
    %swap3A_73 = vector.shape_cast %swap3A_72 : vector<1x400x128xf32> to vector<400x128xf32>
    %swap3A_74 = vector.shape_cast %slice3A_68 : vector<400x128xf32> to vector<1x400x128xf32>
    tpu.vector_store %arg11[%swap3A_69, %swap3A_70, %swap3A_71], %swap3A_74 {strides = array<i32>} : memref<2x400x128xf32, #tpu.memory_space<vmem>>, vector<1x400x128xf32>,
    return
  }
  func.func @transform_0(%arg0: i32) -> (i32, i32) {
    %c0_i32 = arith.constant 0 : i32
    %c0_i32_0 = arith.constant 0 : i32
    return %arg0, %c0_i32 : i32, i32
  }
  func.func @transform_1(%arg0: i32) -> (i32, i32) {
    %c0_i32 = arith.constant 0 : i32
    %c0_i32_0 = arith.constant 0 : i32
    return %arg0, %c0_i32 : i32, i32
  }
  func.func @transform_2(%arg0: i32) -> (i32, i32) {
    %c0_i32 = arith.constant 0 : i32
    %c0_i32_0 = arith.constant 0 : i32
    return %arg0, %c0_i32 : i32, i32
  }
  func.func @transform_3(%arg0: i32) -> (i32, i32) {
    %c0_i32 = arith.constant 0 : i32
    %c0_i32_0 = arith.constant 0 : i32
    %c0_i32_1 = arith.constant 0 : i32
    return %c0_i32, %c0_i32_0 : i32, i32
  }
  func.func @transform_4(%arg0: i32) -> (i32, i32) {
    %c0_i32 = arith.constant 0 : i32
    %c0_i32_0 = arith.constant 0 : i32
    %c0_i32_1 = arith.constant 0 : i32
    return %c0_i32, %c0_i32_0 : i32, i32
  }
  func.func @transform_5(%arg0: i32) -> i32 {
    %c0_i32 = arith.constant 0 : i32
    %c0_i32_0 = arith.constant 0 : i32
    return %c0_i32 : i32
  }
  func.func @transform_6(%arg0: i32) -> (i32, i32) {
    %c0_i32 = arith.constant 0 : i32
    %c0_i32_0 = arith.constant 0 : i32
    %c0_i32_1 = arith.constant 0 : i32
    return %c0_i32, %c0_i32_0 : i32, i32
  }
  func.func @transform_7(%arg0: i32) -> (i32, i32) {
    %c0_i32 = arith.constant 0 : i32
    %c0_i32_0 = arith.constant 0 : i32
    %c0_i32_1 = arith.constant 0 : i32
    return %c0_i32, %c0_i32_0 : i32, i32
  }
  func.func @transform_8(%arg0: i32) -> i32 {
    %c0_i32 = arith.constant 0 : i32
    %c0_i32_0 = arith.constant 0 : i32
    return %c0_i32 : i32
  }
  func.func @transform_9(%arg0: i32) -> (i32, i32, i32) {
    %c0_i32 = arith.constant 0 : i32
    %c0_i32_0 = arith.constant 0 : i32
    %c0_i32_1 = arith.constant 0 : i32
    return %c0_i32, %arg0, %c0_i32_0 : i32, i32, i32
  }
  func.func @transform_10(%arg0: i32) -> (i32, i32, i32) {
    %c0_i32 = arith.constant 0 : i32
    %c0_i32_0 = arith.constant 0 : i32
    %c0_i32_1 = arith.constant 0 : i32
    return %c0_i32, %arg0, %c0_i32_0 : i32, i32, i32
  }
}

module attributes {stable_mosaic.version = 14 : i64} {
  func.func @_tc2_body(%arg0: i32, %arg1: memref<2x400x128xf32, #tpu.memory_space<vmem>>, %arg2: memref<2x400x128xf32, #tpu.memory_space<vmem>>, %arg3: memref<400x128xf32, #tpu.memory_space<vmem>>, %arg4: memref<400x128xf32, #tpu.memory_space<vmem>>, %arg5: memref<128x256xf32, #tpu.memory_space<vmem>>, %arg6: memref<128x256xf32, #tpu.memory_space<vmem>>, %arg7: memref<128xf32, #tpu.memory_space<vmem>>, %arg8: memref<1x128xf32, #tpu.memory_space<vmem>>, %arg9: memref<1xf32, #tpu.memory_space<vmem>>, %arg10: memref<256x128xf32, #tpu.memory_space<vmem>>, %arg11: memref<256xf32, #tpu.memory_space<vmem>>, %arg12: memref<400x1xf32, #tpu.memory_space<vmem>>, %arg13: memref<400x256xf32, #tpu.memory_space<vmem>>) attributes {dimension_semantics = [#tpu.dimension_semantics<arbitrary>], iteration_bounds = array<i64: 25>, scalar_prefetch = 0 : i64, scratch_operands = 0 : i64, tpu.core_type = #tpu.core_type<tc>, window_params = [{transform_indices = @transform_0, window_bounds = array<i64: 2, 400, 128>}, {transform_indices = @transform_1, window_bounds = array<i64: 2, 400, 128>}, {transform_indices = @transform_2, window_bounds = array<i64: 400, 128>}, {transform_indices = @transform_3, window_bounds = array<i64: 400, 128>}, {pipeline_mode = #tpu.pipeline_mode<synchronous>, transform_indices = @transform_4, window_bounds = array<i64: 128, 256>}, {pipeline_mode = #tpu.pipeline_mode<synchronous>, transform_indices = @transform_5, window_bounds = array<i64: 128, 256>}, {pipeline_mode = #tpu.pipeline_mode<synchronous>, transform_indices = @transform_6, window_bounds = array<i64: 128>}, {pipeline_mode = #tpu.pipeline_mode<synchronous>, transform_indices = @transform_7, window_bounds = array<i64: 1, 128>}, {pipeline_mode = #tpu.pipeline_mode<synchronous>, transform_indices = @transform_8, window_bounds = array<i64: 1>}, {pipeline_mode = #tpu.pipeline_mode<synchronous>, transform_indices = @transform_9, window_bounds = array<i64: 256, 128>}, {pipeline_mode = #tpu.pipeline_mode<synchronous>, transform_indices = @transform_10, window_bounds = array<i64: 256>}, {transform_indices = @transform_11, window_bounds = array<i64: 400, 1>}, {transform_indices = @transform_12, window_bounds = array<i64: 400, 256>}]} {
    %get3A = arith.constant 0 : index
    %get3A_0 = arith.constant 0 : index
    %get3A_1 = vector.load %arg3[%get3A, %get3A_0] : memref<400x128xf32, #tpu.memory_space<vmem>>, vector<400x128xf32>
    %slice3A = vector.extract_strided_slice %get3A_1 {offsets = [0, 0], sizes = [400, 1], strides = [1, 1]} : vector<400x128xf32> to vector<400x1xf32>
    %max3A = arith.constant 1.000000e+00 : f32
    %max3A_2 = vector.broadcast %max3A : f32 to vector<400x1xf32>
    %max3A_3 = arith.maximumf %slice3A, %max3A_2 : vector<400x1xf32>
    %div3A = arith.constant 1.000000e+00 : f32
    %div3A_4 = vector.broadcast %div3A : f32 to vector<400x1xf32>
    %div3A_5 = arith.divf %div3A_4, %max3A_3 : vector<400x1xf32>
    %get3A_6 = arith.constant 0 : index
    %get3A_7 = arith.constant 0 : index
    %get3A_8 = vector.load %arg5[%get3A_6, %get3A_7] : memref<128x256xf32, #tpu.memory_space<vmem>>, vector<128x256xf32>
    %get3A_9 = arith.constant 0 : index
    %get3A_10 = arith.constant 0 : index
    %get3A_11 = vector.load %arg6[%get3A_9, %get3A_10] : memref<128x256xf32, #tpu.memory_space<vmem>>, vector<128x256xf32>
    %get3A_12 = arith.constant 0 : index
    %get3A_13 = arith.constant 0 : index
    %get3A_14 = arith.constant 0 : index
    %get3A_15 = vector.load %arg1[%get3A_12, %get3A_13, %get3A_14] : memref<2x400x128xf32, #tpu.memory_space<vmem>>, vector<1x400x128xf32>
    %get3A_16 = vector.shape_cast %get3A_15 : vector<1x400x128xf32> to vector<400x128xf32>
    %mul3A = vector.broadcast %div3A_5 : vector<400x1xf32> to vector<400x128xf32>
    %mul3A_17 = arith.mulf %get3A_16, %mul3A : vector<400x128xf32>
    %slice3A_18 = vector.extract_strided_slice %get3A_8 {offsets = [0, 0], sizes = [128, 128], strides = [1, 1]} : vector<128x256xf32> to vector<128x128xf32>
    %dot_general3A = arith.constant dense<0.000000e+00> : vector<400x128xf32>
    %dot_general3A_19 = tpu.matmul %mul3A_17, %slice3A_18, %dot_general3A {dimension_numbers = #tpu.dot_dimension_numbers<[1], [1], [0], [0], [0, 0, 1, 0], [], []>, transpose_lhs_hint = false} : vector<400x128xf32>, vector<128x128xf32>, vector<400x128xf32> -> vector<400x128xf32>
    %get3A_20 = arith.constant 1 : index
    %get3A_21 = arith.constant 0 : index
    %get3A_22 = arith.constant 0 : index
    %get3A_23 = vector.load %arg1[%get3A_20, %get3A_21, %get3A_22] : memref<2x400x128xf32, #tpu.memory_space<vmem>>, vector<1x400x128xf32>
    %get3A_24 = vector.shape_cast %get3A_23 : vector<1x400x128xf32> to vector<400x128xf32>
    %mul3A_25 = vector.broadcast %div3A_5 : vector<400x1xf32> to vector<400x128xf32>
    %mul3A_26 = arith.mulf %get3A_24, %mul3A_25 : vector<400x128xf32>
    %slice3A_27 = vector.extract_strided_slice %get3A_8 {offsets = [0, 128], sizes = [128, 128], strides = [1, 1]} : vector<128x256xf32> to vector<128x128xf32>
    %dot_general3A_28 = arith.constant dense<0.000000e+00> : vector<400x128xf32>
    %dot_general3A_29 = tpu.matmul %mul3A_26, %slice3A_27, %dot_general3A_28 {dimension_numbers = #tpu.dot_dimension_numbers<[1], [1], [0], [0], [0, 0, 1, 0], [], []>, transpose_lhs_hint = false} : vector<400x128xf32>, vector<128x128xf32>, vector<400x128xf32> -> vector<400x128xf32>
    %add3A = arith.addf %dot_general3A_19, %dot_general3A_29 : vector<400x128xf32>
    %get3A_30 = arith.constant 0 : index
    %get3A_31 = arith.constant 0 : index
    %get3A_32 = arith.constant 0 : index
    %get3A_33 = vector.load %arg2[%get3A_30, %get3A_31, %get3A_32] : memref<2x400x128xf32, #tpu.memory_space<vmem>>, vector<1x400x128xf32>
    %get3A_34 = vector.shape_cast %get3A_33 : vector<1x400x128xf32> to vector<400x128xf32>
    %slice3A_35 = vector.extract_strided_slice %get3A_11 {offsets = [0, 0], sizes = [128, 128], strides = [1, 1]} : vector<128x256xf32> to vector<128x128xf32>
    %dot_general3A_36 = arith.constant dense<0.000000e+00> : vector<400x128xf32>
    %dot_general3A_37 = tpu.matmul %get3A_34, %slice3A_35, %dot_general3A_36 {dimension_numbers = #tpu.dot_dimension_numbers<[1], [1], [0], [0], [0, 0, 1, 0], [], []>, transpose_lhs_hint = false} : vector<400x128xf32>, vector<128x128xf32>, vector<400x128xf32> -> vector<400x128xf32>
    %add3A_38 = arith.addf %add3A, %dot_general3A_37 : vector<400x128xf32>
    %get3A_39 = arith.constant 1 : index
    %get3A_40 = arith.constant 0 : index
    %get3A_41 = arith.constant 0 : index
    %get3A_42 = vector.load %arg2[%get3A_39, %get3A_40, %get3A_41] : memref<2x400x128xf32, #tpu.memory_space<vmem>>, vector<1x400x128xf32>
    %get3A_43 = vector.shape_cast %get3A_42 : vector<1x400x128xf32> to vector<400x128xf32>
    %slice3A_44 = vector.extract_strided_slice %get3A_11 {offsets = [0, 128], sizes = [128, 128], strides = [1, 1]} : vector<128x256xf32> to vector<128x128xf32>
    %dot_general3A_45 = arith.constant dense<0.000000e+00> : vector<400x128xf32>
    %dot_general3A_46 = tpu.matmul %get3A_43, %slice3A_44, %dot_general3A_45 {dimension_numbers = #tpu.dot_dimension_numbers<[1], [1], [0], [0], [0, 0, 1, 0], [], []>, transpose_lhs_hint = false} : vector<400x128xf32>, vector<128x128xf32>, vector<400x128xf32> -> vector<400x128xf32>
    %add3A_47 = arith.addf %add3A_38, %dot_general3A_46 : vector<400x128xf32>
    %get3A_48 = arith.constant 0 : index
    %get3A_49 = vector.load %arg7[%get3A_48] : memref<128xf32, #tpu.memory_space<vmem>>, vector<128xf32>
    %broadcast_in_dim3A = vector.shape_cast %get3A_49 : vector<128xf32> to vector<1x128xf32>
    %add3A_50 = vector.broadcast %broadcast_in_dim3A : vector<1x128xf32> to vector<400x128xf32>
    %add3A_51 = arith.addf %add3A_47, %add3A_50 : vector<400x128xf32>
    %get3A_52 = arith.constant 0 : index
    %get3A_53 = arith.constant 0 : index
    %get3A_54 = vector.load %arg8[%get3A_52, %get3A_53] : memref<1x128xf32, #tpu.memory_space<vmem>>, vector<1x128xf32>
    %mul3A_55 = vector.broadcast %get3A_54 : vector<1x128xf32> to vector<400x128xf32>
    %mul3A_56 = arith.mulf %add3A_51, %mul3A_55 : vector<400x128xf32>
    %reduce_sum3A = arith.constant dense<0.000000e+00> : vector<400xf32>
    %reduce_sum3A_57 = vector.multi_reduction <add>, %mul3A_56, %reduce_sum3A [1] : vector<400x128xf32> to vector<400xf32>
    %broadcast_in_dim3A_58 = vector.shape_cast %reduce_sum3A_57 : vector<400xf32> to vector<400x1xf32>
    %get3A_59 = arith.constant 0 : index
    %get3A_60 = vector.load %arg9[%get3A_59] : memref<1xf32, #tpu.memory_space<vmem>>, vector<1xf32>
    %get3A_61 = vector.extract %get3A_60[0] : f32 from vector<1xf32>
    %add3A_62 = vector.broadcast %get3A_61 : f32 to vector<400x1xf32>
    %add3A_63 = arith.addf %broadcast_in_dim3A_58, %add3A_62 : vector<400x1xf32>
    %max3A_64 = arith.constant 0.000000e+00 : f32
    %max3A_65 = vector.broadcast %max3A_64 : f32 to vector<400x1xf32>
    %max3A_66 = arith.maximumf %add3A_63, %max3A_65 : vector<400x1xf32>
    %swap3A = arith.constant 0 : index
    %swap3A_67 = arith.constant 0 : index
    %swap3A_68 = vector.load %arg12[%swap3A, %swap3A_67] : memref<400x1xf32, #tpu.memory_space<vmem>>, vector<400x1xf32>
    tpu.vector_store %arg12[%swap3A, %swap3A_67], %max3A_66 {strides = array<i32>} : memref<400x1xf32, #tpu.memory_space<vmem>>, vector<400x1xf32>,
    %get3A_69 = arith.constant 0 : index
    %get3A_70 = arith.constant 0 : index
    %get3A_71 = vector.load %arg4[%get3A_69, %get3A_70] : memref<400x128xf32, #tpu.memory_space<vmem>>, vector<400x128xf32>
    %add3A_72 = arith.addf %add3A_51, %get3A_71 : vector<400x128xf32>
    %get3A_73 = arith.constant 0 : index
    %get3A_74 = arith.constant 0 : index
    %get3A_75 = vector.load %arg10[%get3A_73, %get3A_74] : memref<256x128xf32, #tpu.memory_space<vmem>>, vector<256x128xf32>
    %dot_general3A_76 = arith.constant dense<0.000000e+00> : vector<400x256xf32>
    %dot_general3A_77 = tpu.matmul %add3A_72, %get3A_75, %dot_general3A_76 {dimension_numbers = #tpu.dot_dimension_numbers<[1], [1], [0], [0], [0, 0, 1, 0], [], []>, transpose_lhs_hint = false} : vector<400x128xf32>, vector<256x128xf32>, vector<400x256xf32> -> vector<400x256xf32>
    %get3A_78 = arith.constant 0 : index
    %get3A_79 = vector.load %arg11[%get3A_78] : memref<256xf32, #tpu.memory_space<vmem>>, vector<256xf32>
    %broadcast_in_dim3A_80 = vector.shape_cast %get3A_79 : vector<256xf32> to vector<1x256xf32>
    %add3A_81 = vector.broadcast %broadcast_in_dim3A_80 : vector<1x256xf32> to vector<400x256xf32>
    %add3A_82 = arith.addf %dot_general3A_77, %add3A_81 : vector<400x256xf32>
    %max3A_83 = arith.constant 0.000000e+00 : f32
    %max3A_84 = vector.broadcast %max3A_83 : f32 to vector<400x256xf32>
    %max3A_85 = arith.maximumf %add3A_82, %max3A_84 : vector<400x256xf32>
    %swap3A_86 = arith.constant 0 : index
    %swap3A_87 = arith.constant 0 : index
    %swap3A_88 = vector.load %arg13[%swap3A_86, %swap3A_87] : memref<400x256xf32, #tpu.memory_space<vmem>>, vector<400x256xf32>
    tpu.vector_store %arg13[%swap3A_86, %swap3A_87], %max3A_85 {strides = array<i32>} : memref<400x256xf32, #tpu.memory_space<vmem>>, vector<400x256xf32>,
    return
  }
  func.func @transform_0(%arg0: i32) -> (i32, i32, i32) {
    %c0_i32 = arith.constant 0 : i32
    %c0_i32_0 = arith.constant 0 : i32
    %c0_i32_1 = arith.constant 0 : i32
    return %c0_i32, %arg0, %c0_i32_0 : i32, i32, i32
  }
  func.func @transform_1(%arg0: i32) -> (i32, i32, i32) {
    %c0_i32 = arith.constant 0 : i32
    %c0_i32_0 = arith.constant 0 : i32
    %c0_i32_1 = arith.constant 0 : i32
    return %c0_i32, %arg0, %c0_i32_0 : i32, i32, i32
  }
  func.func @transform_2(%arg0: i32) -> (i32, i32) {
    %c0_i32 = arith.constant 0 : i32
    %c0_i32_0 = arith.constant 0 : i32
    return %arg0, %c0_i32 : i32, i32
  }
  func.func @transform_3(%arg0: i32) -> (i32, i32) {
    %c0_i32 = arith.constant 0 : i32
    %c0_i32_0 = arith.constant 0 : i32
    return %arg0, %c0_i32 : i32, i32
  }
  func.func @transform_4(%arg0: i32) -> (i32, i32) {
    %c0_i32 = arith.constant 0 : i32
    %c0_i32_0 = arith.constant 0 : i32
    %c0_i32_1 = arith.constant 0 : i32
    return %c0_i32, %c0_i32_0 : i32, i32
  }
  func.func @transform_5(%arg0: i32) -> (i32, i32) {
    %c0_i32 = arith.constant 0 : i32
    %c0_i32_0 = arith.constant 0 : i32
    %c0_i32_1 = arith.constant 0 : i32
    return %c0_i32, %c0_i32_0 : i32, i32
  }
  func.func @transform_6(%arg0: i32) -> i32 {
    %c0_i32 = arith.constant 0 : i32
    %c0_i32_0 = arith.constant 0 : i32
    return %c0_i32 : i32
  }
  func.func @transform_7(%arg0: i32) -> (i32, i32) {
    %c0_i32 = arith.constant 0 : i32
    %c0_i32_0 = arith.constant 0 : i32
    %c0_i32_1 = arith.constant 0 : i32
    return %c0_i32, %c0_i32_0 : i32, i32
  }
  func.func @transform_8(%arg0: i32) -> i32 {
    %c0_i32 = arith.constant 0 : i32
    %c0_i32_0 = arith.constant 0 : i32
    return %c0_i32 : i32
  }
  func.func @transform_9(%arg0: i32) -> (i32, i32) {
    %c0_i32 = arith.constant 0 : i32
    %c0_i32_0 = arith.constant 0 : i32
    %c0_i32_1 = arith.constant 0 : i32
    return %c0_i32, %c0_i32_0 : i32, i32
  }
  func.func @transform_10(%arg0: i32) -> i32 {
    %c0_i32 = arith.constant 0 : i32
    %c0_i32_0 = arith.constant 0 : i32
    return %c0_i32 : i32
  }
  func.func @transform_11(%arg0: i32) -> (i32, i32) {
    %c0_i32 = arith.constant 0 : i32
    %c0_i32_0 = arith.constant 0 : i32
    return %arg0, %c0_i32 : i32, i32
  }
  func.func @transform_12(%arg0: i32) -> (i32, i32) {
    %c0_i32 = arith.constant 0 : i32
    %c0_i32_0 = arith.constant 0 : i32
    return %arg0, %c0_i32 : i32, i32
  }
}

module attributes {stable_mosaic.version = 14 : i64} {
  func.func @_tc3_body(%arg0: i32, %arg1: memref<400x256xf32, #tpu.memory_space<vmem>>, %arg2: memref<2048x256xf32, #tpu.memory_space<vmem>>, %arg3: memref<2048xf32, #tpu.memory_space<vmem>>, %arg4: memref<640x2048xf32, #tpu.memory_space<vmem>>, %arg5: memref<640xf32, #tpu.memory_space<vmem>>, %arg6: memref<400x640xf32, #tpu.memory_space<vmem>>) attributes {dimension_semantics = [#tpu.dimension_semantics<arbitrary>], iteration_bounds = array<i64: 25>, scalar_prefetch = 0 : i64, scratch_operands = 0 : i64, tpu.core_type = #tpu.core_type<tc>, window_params = [{transform_indices = @transform_0, window_bounds = array<i64: 400, 256>}, {pipeline_mode = #tpu.pipeline_mode<synchronous>, transform_indices = @transform_1, window_bounds = array<i64: 2048, 256>}, {pipeline_mode = #tpu.pipeline_mode<synchronous>, transform_indices = @transform_2, window_bounds = array<i64: 2048>}, {pipeline_mode = #tpu.pipeline_mode<synchronous>, transform_indices = @transform_3, window_bounds = array<i64: 640, 2048>}, {pipeline_mode = #tpu.pipeline_mode<synchronous>, transform_indices = @transform_4, window_bounds = array<i64: 640>}, {transform_indices = @transform_5, window_bounds = array<i64: 400, 640>}]} {
    %get3A = arith.constant 0 : index
    %get3A_0 = arith.constant 0 : index
    %get3A_1 = vector.load %arg1[%get3A, %get3A_0] : memref<400x256xf32, #tpu.memory_space<vmem>>, vector<400x256xf32>
    %get3A_2 = arith.constant 0 : index
    %get3A_3 = arith.constant 0 : index
    %get3A_4 = vector.load %arg2[%get3A_2, %get3A_3] : memref<2048x256xf32, #tpu.memory_space<vmem>>, vector<2048x256xf32>
    %dot_general3A = arith.constant dense<0.000000e+00> : vector<400x2048xf32>
    %dot_general3A_5 = tpu.matmul %get3A_1, %get3A_4, %dot_general3A {dimension_numbers = #tpu.dot_dimension_numbers<[1], [1], [0], [0], [0, 0, 1, 0], [], []>, transpose_lhs_hint = false} : vector<400x256xf32>, vector<2048x256xf32>, vector<400x2048xf32> -> vector<400x2048xf32>
    %get3A_6 = arith.constant 0 : index
    %get3A_7 = vector.load %arg3[%get3A_6] : memref<2048xf32, #tpu.memory_space<vmem>>, vector<2048xf32>
    %broadcast_in_dim3A = vector.shape_cast %get3A_7 : vector<2048xf32> to vector<1x2048xf32>
    %add3A = vector.broadcast %broadcast_in_dim3A : vector<1x2048xf32> to vector<400x2048xf32>
    %add3A_8 = arith.addf %dot_general3A_5, %add3A : vector<400x2048xf32>
    %max3A = arith.constant 0.000000e+00 : f32
    %max3A_9 = vector.broadcast %max3A : f32 to vector<400x2048xf32>
    %max3A_10 = arith.maximumf %add3A_8, %max3A_9 : vector<400x2048xf32>
    %get3A_11 = arith.constant 0 : index
    %get3A_12 = arith.constant 0 : index
    %get3A_13 = vector.load %arg4[%get3A_11, %get3A_12] : memref<640x2048xf32, #tpu.memory_space<vmem>>, vector<640x2048xf32>
    %dot_general3A_14 = arith.constant dense<0.000000e+00> : vector<400x640xf32>
    %dot_general3A_15 = tpu.matmul %max3A_10, %get3A_13, %dot_general3A_14 {dimension_numbers = #tpu.dot_dimension_numbers<[1], [1], [0], [0], [0, 0, 1, 0], [], []>, transpose_lhs_hint = false} : vector<400x2048xf32>, vector<640x2048xf32>, vector<400x640xf32> -> vector<400x640xf32>
    %get3A_16 = arith.constant 0 : index
    %get3A_17 = vector.load %arg5[%get3A_16] : memref<640xf32, #tpu.memory_space<vmem>>, vector<640xf32>
    %broadcast_in_dim3A_18 = vector.shape_cast %get3A_17 : vector<640xf32> to vector<1x640xf32>
    %add3A_19 = vector.broadcast %broadcast_in_dim3A_18 : vector<1x640xf32> to vector<400x640xf32>
    %add3A_20 = arith.addf %dot_general3A_15, %add3A_19 : vector<400x640xf32>
    %tanh3A = math.tanh %add3A_20 : vector<400x640xf32>
    %swap3A = arith.constant 0 : index
    %swap3A_21 = arith.constant 0 : index
    %swap3A_22 = vector.load %arg6[%swap3A, %swap3A_21] : memref<400x640xf32, #tpu.memory_space<vmem>>, vector<400x640xf32>
    tpu.vector_store %arg6[%swap3A, %swap3A_21], %tanh3A {strides = array<i32>} : memref<400x640xf32, #tpu.memory_space<vmem>>, vector<400x640xf32>,
    return
  }
  func.func @transform_0(%arg0: i32) -> (i32, i32) {
    %c0_i32 = arith.constant 0 : i32
    %c0_i32_0 = arith.constant 0 : i32
    return %arg0, %c0_i32 : i32, i32
  }
  func.func @transform_1(%arg0: i32) -> (i32, i32) {
    %c0_i32 = arith.constant 0 : i32
    %c0_i32_0 = arith.constant 0 : i32
    %c0_i32_1 = arith.constant 0 : i32
    return %c0_i32, %c0_i32_0 : i32, i32
  }
  func.func @transform_2(%arg0: i32) -> i32 {
    %c0_i32 = arith.constant 0 : i32
    %c0_i32_0 = arith.constant 0 : i32
    return %c0_i32 : i32
  }
  func.func @transform_3(%arg0: i32) -> (i32, i32) {
    %c0_i32 = arith.constant 0 : i32
    %c0_i32_0 = arith.constant 0 : i32
    %c0_i32_1 = arith.constant 0 : i32
    return %c0_i32, %c0_i32_0 : i32, i32
  }
  func.func @transform_4(%arg0: i32) -> i32 {
    %c0_i32 = arith.constant 0 : i32
    %c0_i32_0 = arith.constant 0 : i32
    return %c0_i32 : i32
  }
  func.func @transform_5(%arg0: i32) -> (i32, i32) {
    %c0_i32 = arith.constant 0 : i32
    %c0_i32_0 = arith.constant 0 : i32
    return %arg0, %c0_i32 : i32, i32
  }
}

module attributes {stable_mosaic.version = 14 : i64} {
  func.func @_tc4_body(%arg0: i32, %arg1: memref<2x400x128xf32, #tpu.memory_space<vmem>>, %arg2: memref<2x400x128xf32, #tpu.memory_space<vmem>>, %arg3: memref<400x128xf32, #tpu.memory_space<vmem>>, %arg4: memref<128x256xf32, #tpu.memory_space<vmem>>, %arg5: memref<128x256xf32, #tpu.memory_space<vmem>>, %arg6: memref<128xf32, #tpu.memory_space<vmem>>, %arg7: memref<400x128xf32, #tpu.memory_space<vmem>>) attributes {dimension_semantics = [#tpu.dimension_semantics<arbitrary>], iteration_bounds = array<i64: 25>, scalar_prefetch = 0 : i64, scratch_operands = 0 : i64, tpu.core_type = #tpu.core_type<tc>, window_params = [{transform_indices = @transform_0, window_bounds = array<i64: 2, 400, 128>}, {transform_indices = @transform_1, window_bounds = array<i64: 2, 400, 128>}, {transform_indices = @transform_2, window_bounds = array<i64: 400, 128>}, {pipeline_mode = #tpu.pipeline_mode<synchronous>, transform_indices = @transform_3, window_bounds = array<i64: 128, 256>}, {pipeline_mode = #tpu.pipeline_mode<synchronous>, transform_indices = @transform_4, window_bounds = array<i64: 128, 256>}, {pipeline_mode = #tpu.pipeline_mode<synchronous>, transform_indices = @transform_5, window_bounds = array<i64: 128>}, {transform_indices = @transform_6, window_bounds = array<i64: 400, 128>}]} {
    %get3A = arith.constant 0 : index
    %get3A_0 = arith.constant 0 : index
    %get3A_1 = vector.load %arg3[%get3A, %get3A_0] : memref<400x128xf32, #tpu.memory_space<vmem>>, vector<400x128xf32>
    %slice3A = vector.extract_strided_slice %get3A_1 {offsets = [0, 0], sizes = [400, 1], strides = [1, 1]} : vector<400x128xf32> to vector<400x1xf32>
    %max3A = arith.constant 1.000000e+00 : f32
    %max3A_2 = vector.broadcast %max3A : f32 to vector<400x1xf32>
    %max3A_3 = arith.maximumf %slice3A, %max3A_2 : vector<400x1xf32>
    %div3A = arith.constant 1.000000e+00 : f32
    %div3A_4 = vector.broadcast %div3A : f32 to vector<400x1xf32>
    %div3A_5 = arith.divf %div3A_4, %max3A_3 : vector<400x1xf32>
    %get3A_6 = arith.constant 0 : index
    %get3A_7 = arith.constant 0 : index
    %get3A_8 = vector.load %arg4[%get3A_6, %get3A_7] : memref<128x256xf32, #tpu.memory_space<vmem>>, vector<128x256xf32>
    %get3A_9 = arith.constant 0 : index
    %get3A_10 = arith.constant 0 : index
    %get3A_11 = vector.load %arg5[%get3A_9, %get3A_10] : memref<128x256xf32, #tpu.memory_space<vmem>>, vector<128x256xf32>
    %get3A_12 = arith.constant 0 : index
    %get3A_13 = arith.constant 0 : index
    %get3A_14 = arith.constant 0 : index
    %get3A_15 = vector.load %arg1[%get3A_12, %get3A_13, %get3A_14] : memref<2x400x128xf32, #tpu.memory_space<vmem>>, vector<1x400x128xf32>
    %get3A_16 = vector.shape_cast %get3A_15 : vector<1x400x128xf32> to vector<400x128xf32>
    %mul3A = vector.broadcast %div3A_5 : vector<400x1xf32> to vector<400x128xf32>
    %mul3A_17 = arith.mulf %get3A_16, %mul3A : vector<400x128xf32>
    %slice3A_18 = vector.extract_strided_slice %get3A_8 {offsets = [0, 0], sizes = [128, 128], strides = [1, 1]} : vector<128x256xf32> to vector<128x128xf32>
    %dot_general3A = arith.constant dense<0.000000e+00> : vector<400x128xf32>
    %dot_general3A_19 = tpu.matmul %mul3A_17, %slice3A_18, %dot_general3A {dimension_numbers = #tpu.dot_dimension_numbers<[1], [1], [0], [0], [0, 0, 1, 0], [], []>, transpose_lhs_hint = false} : vector<400x128xf32>, vector<128x128xf32>, vector<400x128xf32> -> vector<400x128xf32>
    %get3A_20 = arith.constant 1 : index
    %get3A_21 = arith.constant 0 : index
    %get3A_22 = arith.constant 0 : index
    %get3A_23 = vector.load %arg1[%get3A_20, %get3A_21, %get3A_22] : memref<2x400x128xf32, #tpu.memory_space<vmem>>, vector<1x400x128xf32>
    %get3A_24 = vector.shape_cast %get3A_23 : vector<1x400x128xf32> to vector<400x128xf32>
    %mul3A_25 = vector.broadcast %div3A_5 : vector<400x1xf32> to vector<400x128xf32>
    %mul3A_26 = arith.mulf %get3A_24, %mul3A_25 : vector<400x128xf32>
    %slice3A_27 = vector.extract_strided_slice %get3A_8 {offsets = [0, 128], sizes = [128, 128], strides = [1, 1]} : vector<128x256xf32> to vector<128x128xf32>
    %dot_general3A_28 = arith.constant dense<0.000000e+00> : vector<400x128xf32>
    %dot_general3A_29 = tpu.matmul %mul3A_26, %slice3A_27, %dot_general3A_28 {dimension_numbers = #tpu.dot_dimension_numbers<[1], [1], [0], [0], [0, 0, 1, 0], [], []>, transpose_lhs_hint = false} : vector<400x128xf32>, vector<128x128xf32>, vector<400x128xf32> -> vector<400x128xf32>
    %add3A = arith.addf %dot_general3A_19, %dot_general3A_29 : vector<400x128xf32>
    %get3A_30 = arith.constant 0 : index
    %get3A_31 = arith.constant 0 : index
    %get3A_32 = arith.constant 0 : index
    %get3A_33 = vector.load %arg2[%get3A_30, %get3A_31, %get3A_32] : memref<2x400x128xf32, #tpu.memory_space<vmem>>, vector<1x400x128xf32>
    %get3A_34 = vector.shape_cast %get3A_33 : vector<1x400x128xf32> to vector<400x128xf32>
    %slice3A_35 = vector.extract_strided_slice %get3A_11 {offsets = [0, 0], sizes = [128, 128], strides = [1, 1]} : vector<128x256xf32> to vector<128x128xf32>
    %dot_general3A_36 = arith.constant dense<0.000000e+00> : vector<400x128xf32>
    %dot_general3A_37 = tpu.matmul %get3A_34, %slice3A_35, %dot_general3A_36 {dimension_numbers = #tpu.dot_dimension_numbers<[1], [1], [0], [0], [0, 0, 1, 0], [], []>, transpose_lhs_hint = false} : vector<400x128xf32>, vector<128x128xf32>, vector<400x128xf32> -> vector<400x128xf32>
    %add3A_38 = arith.addf %add3A, %dot_general3A_37 : vector<400x128xf32>
    %get3A_39 = arith.constant 1 : index
    %get3A_40 = arith.constant 0 : index
    %get3A_41 = arith.constant 0 : index
    %get3A_42 = vector.load %arg2[%get3A_39, %get3A_40, %get3A_41] : memref<2x400x128xf32, #tpu.memory_space<vmem>>, vector<1x400x128xf32>
    %get3A_43 = vector.shape_cast %get3A_42 : vector<1x400x128xf32> to vector<400x128xf32>
    %slice3A_44 = vector.extract_strided_slice %get3A_11 {offsets = [0, 128], sizes = [128, 128], strides = [1, 1]} : vector<128x256xf32> to vector<128x128xf32>
    %dot_general3A_45 = arith.constant dense<0.000000e+00> : vector<400x128xf32>
    %dot_general3A_46 = tpu.matmul %get3A_43, %slice3A_44, %dot_general3A_45 {dimension_numbers = #tpu.dot_dimension_numbers<[1], [1], [0], [0], [0, 0, 1, 0], [], []>, transpose_lhs_hint = false} : vector<400x128xf32>, vector<128x128xf32>, vector<400x128xf32> -> vector<400x128xf32>
    %add3A_47 = arith.addf %add3A_38, %dot_general3A_46 : vector<400x128xf32>
    %get3A_48 = arith.constant 0 : index
    %get3A_49 = vector.load %arg6[%get3A_48] : memref<128xf32, #tpu.memory_space<vmem>>, vector<128xf32>
    %broadcast_in_dim3A = vector.shape_cast %get3A_49 : vector<128xf32> to vector<1x128xf32>
    %add3A_50 = vector.broadcast %broadcast_in_dim3A : vector<1x128xf32> to vector<400x128xf32>
    %add3A_51 = arith.addf %add3A_47, %add3A_50 : vector<400x128xf32>
    %swap3A = arith.constant 0 : index
    %swap3A_52 = arith.constant 0 : index
    %swap3A_53 = vector.load %arg7[%swap3A, %swap3A_52] : memref<400x128xf32, #tpu.memory_space<vmem>>, vector<400x128xf32>
    tpu.vector_store %arg7[%swap3A, %swap3A_52], %add3A_51 {strides = array<i32>} : memref<400x128xf32, #tpu.memory_space<vmem>>, vector<400x128xf32>,
    return
  }
  func.func @transform_0(%arg0: i32) -> (i32, i32, i32) {
    %c0_i32 = arith.constant 0 : i32
    %c0_i32_0 = arith.constant 0 : i32
    %c0_i32_1 = arith.constant 0 : i32
    return %c0_i32, %arg0, %c0_i32_0 : i32, i32, i32
  }
  func.func @transform_1(%arg0: i32) -> (i32, i32, i32) {
    %c0_i32 = arith.constant 0 : i32
    %c0_i32_0 = arith.constant 0 : i32
    %c0_i32_1 = arith.constant 0 : i32
    return %c0_i32, %arg0, %c0_i32_0 : i32, i32, i32
  }
  func.func @transform_2(%arg0: i32) -> (i32, i32) {
    %c0_i32 = arith.constant 0 : i32
    %c0_i32_0 = arith.constant 0 : i32
    return %arg0, %c0_i32 : i32, i32
  }
  func.func @transform_3(%arg0: i32) -> (i32, i32) {
    %c0_i32 = arith.constant 0 : i32
    %c0_i32_0 = arith.constant 0 : i32
    %c0_i32_1 = arith.constant 0 : i32
    return %c0_i32, %c0_i32_0 : i32, i32
  }
  func.func @transform_4(%arg0: i32) -> (i32, i32) {
    %c0_i32 = arith.constant 0 : i32
    %c0_i32_0 = arith.constant 0 : i32
    %c0_i32_1 = arith.constant 0 : i32
    return %c0_i32, %c0_i32_0 : i32, i32
  }
  func.func @transform_5(%arg0: i32) -> i32 {
    %c0_i32 = arith.constant 0 : i32
    %c0_i32_0 = arith.constant 0 : i32
    return %c0_i32 : i32
  }
  func.func @transform_6(%arg0: i32) -> (i32, i32) {
    %c0_i32 = arith.constant 0 : i32
    %c0_i32_0 = arith.constant 0 : i32
    return %arg0, %c0_i32 : i32, i32
  }
}

</mosaic_0001>

<sc_bundles>
// kernel: kernel.10.cloned.1.call-start
scs
__scs_entry_jumppad:
0x0: {  	(pc) =	sbr.rel $0x88, $3  }
0x1: {  	(tag) =	ssettag $0x0;
	lr =	simm.s32 $0x1  }
0x2: {  	[smem:$0x3F8A] =	sst lr;
	_ =	strace $0xD0000000  }
0x3: {  	_ = 	snop  }
0x4: {  	_ = 	snop  }
0x5: {  	_ = 	snop  }
0x6: {  	_ = 	snop  }
0x7: {  	_ = 	snop  }
__scs_overlays_trampoline_lowered:
0x8: {  	[smem:$0x3F99] =	sst s0  }
0x9: {  	[smem:$0x3F9A] =	sst s1  }
0xa: {  	[smem:$0x3F9B] =	sst s2  }
0xb: {  	[smem:$0x3F9C] =	sst s3  }
0xc: {  	[smem:$0x3F9D] =	sst s4  }
0xd: {  	[smem:$0x3F9E] =	sst s5  }
0xe: {  	[smem:$0x3F9F] =	sst s6  }
0xf: {  	[smem:$0x3FA0] =	sst s7  }
0x10: {  	[smem:$0x3FA1] =	sst s8  }
0x11: {  	[smem:$0x3FA2] =	sst s9;
	s0 =	simm.s32 @!p0 $0x0  }
0x12: {  	s1 =	sld [smem:$0x3F88];
	s0 =	simm.s32 @p0 $0x1  }
0x13: {  	[smem:$0x3FA3] =	sst s0;
	s0 =	simm.s32 @!p1 $0x0  }
0x14: {  	s2 =	sld [smem:$0x3F87];
	s0 =	simm.s32 @p1 $0x1  }
0x15: {  	[smem:$0x3FA4] =	sst s0;
	s0 =	simm.s32 @!p2 $0x0  }
0x16: {  	s3 =	sld [smem:$0x3FDB];
	s0 =	simm.s32 @p2 $0x1  }
0x17: {  	s4 =	simm.s32 $0x1BF5;
	[smem:$0x3FA6] =	sst s0  }
0x18: {  	s0 =	sld [smem:$0x3F89];
	_ =	swait.ge [sflag:s4], $0x0  }
0x19: {  	s7 =	sld [smem:$0x3F8A]  }
0x1a: {  	s8 =	sadd.s32 $0xFFFFE003, lr  }
0x1b: {  	s9 =	sadd.s32 $0xFFFFFEF7, lr;
	s5 =	simm.s32 $0xFFFFFFFF;
	p2 =	slt.u32 s8, $0xFFFFF086  }
0x1c: {  	p1 =	slt.u32 s9, $0xF7A;
	s5 =	simm.s32 @!p2 $0x0  }
0x1d: {  	s5 =	simm.s32 @p1 $0x1;
	p0 =	seq.s32 s7, s2  }
0x1e: {  	s7 =	smul.u32 @!p0 $0xF7A, s2;
	p2 =	seq.s32 @!p0 s5, $0x0  }
0x1f: {  	s9 =	smul.u32 $0xF7A, s1;
	s8 =	simm.s32 @!p0 $0x1BF5;
	p2 =	por !p2, p0  }
0x20: {  	[sflag:s8] =	ssyncset.s32 @!p0 $0xFFFFF086;
	s6 =	sadd.s32 @!p0 s3, s7;
	s7 =	simm.s32 @!p0 $0x108  }
0x21: {  	s3 =	sadd.s32 s3, s9;
	s6 =	sadd.s32 @!p0 $0x88, s6;
	s7 =	simm.s32 @p2 $0x1082  }
0x22: {  	[simem:s7], [sflag:s8] =	dma.local @!p0 [hbm:s6], $0xF7A  }
0x23: {  	s9 =	sor.u32 $0xD0000000, s2;
	s6 =	simm.s32 $0x108;
	_ =	swait.ge @!p0 [sflag:s8], $0x0  }
0x24: {  	s3 =	sadd.s32 $0x88, s3;
	s6 =	simm.s32 @!p1 $0x1082;
	[sflag:s4] =	ssyncset.s32 $0xFFFFF086  }
0x25: {  	[simem:s6], [sflag:s4] =	dma.local [hbm:s3], $0xF7A  }
0x26: {  	[smem:$0x3F8A] =	sst s1;
	(tag) =	ssettag s2;
	_ =	strace s9  }
0x27: {  	s1 =	sld [smem:$0x3F9A]  }
0x28: {  	s2 =	sld [smem:$0x3F9B]  }
0x29: {  	s4 =	sld [smem:$0x3F9D]  }
0x2a: {  	p0 =	seq.s32 s5, $0x0;
	s5 =	sld [smem:$0x3F9E]  }
0x2b: {  	s6 =	sld [smem:$0x3F9F]  }
0x2c: {  	s7 =	sld [smem:$0x3FA0]  }
0x2d: {  	s3 =	simm.s32 $0x108;
	s8 =	sld [smem:$0x3FA1]  }
0x2e: {  	s3 =	simm.s32 @!p0 $0x1082;
	s9 =	sld [smem:$0x3FA2]  }
0x2f: {  	lr =	sadd.s32 s0, s3;
	s0 =	sld [smem:$0x3F99]  }
0x30: {  	s3 =	sld [smem:$0x3F9C]  }
0x31: {  	[smem:$0x3FA5] =	sst s10  }
0x32: {  	s10 =	sld [smem:$0x3FA3];
	_ =	sdelay $0x3  }
0x33: {  	p0 =	seq.s32 s10, $0x1;
	s10 =	sld [smem:$0x3FA5];
	_ =	sdelay $0x3  }
0x34: {  	[smem:$0x3FA5] =	sst s10  }
0x35: {  	s10 =	sld [smem:$0x3FA4];
	_ =	sdelay $0x3  }
0x36: {  	p1 =	seq.s32 s10, $0x1;
	s10 =	sld [smem:$0x3FA5];
	_ =	sdelay $0x3  }
0x37: {  	[smem:$0x3FA5] =	sst s10  }
0x38: {  	s10 =	sld [smem:$0x3FA6]  }
0x39: {  	_ = 	snop;
	(pc) =	sbr.ind lr, $3  }
0x3a: {  	_ = 	snop  }
0x3b: {  	_ = 	snop  }
0x3c: {  	p2 =	seq.s32 s10, $0x1;
	s10 =	sld [smem:$0x3FA5]  }
0x3d: {  	_ =	shalt  }
0x3e: {  	_ =	shalt  }
0x3f: {  	_ =	shalt  }
0x40: {  	_ =	shalt  }
0x41: {  	_ =	shalt  }
0x42: {  	_ =	shalt  }
0x43: {  	_ =	shalt  }
0x44: {  	_ =	shalt  }
0x45: {  	_ =	shalt  }
0x46: {  	_ =	shalt  }
0x47: {  	_ =	shalt  }
0x48: {  	_ =	shalt  }
0x49: {  	_ =	shalt  }
0x4a: {  	_ =	shalt  }
0x4b: {  	_ =	shalt  }
0x4c: {  	_ =	shalt  }
0x4d: {  	_ =	shalt  }
0x4e: {  	_ =	shalt  }
0x4f: {  	_ =	shalt  }
0x50: {  	_ =	shalt  }
0x51: {  	_ =	shalt  }
0x52: {  	_ =	shalt  }
0x53: {  	_ =	shalt  }
0x54: {  	_ =	shalt  }
0x55: {  	_ =	shalt  }
0x56: {  	_ =	shalt  }
0x57: {  	_ =	shalt  }
0x58: {  	_ =	shalt  }
0x59: {  	_ =	shalt  }
0x5a: {  	_ =	shalt  }
0x5b: {  	_ =	shalt  }
0x5c: {  	_ =	shalt  }
0x5d: {  	_ =	shalt  }
0x5e: {  	_ =	shalt  }
0x5f: {  	_ =	shalt  }
0x60: {  	_ =	shalt  }
0x61: {  	_ =	shalt  }
0x62: {  	_ =	shalt  }
0x63: {  	_ =	shalt  }
0x64: {  	_ =	shalt  }
0x65: {  	_ =	shalt  }
0x66: {  	_ =	shalt  }
0x67: {  	_ =	shalt  }
0x68: {  	_ =	shalt  }
0x69: {  	_ =	shalt  }
0x6a: {  	_ =	shalt  }
0x6b: {  	_ =	shalt  }
0x6c: {  	_ =	shalt  }
0x6d: {  	_ =	shalt  }
0x6e: {  	_ =	shalt  }
0x6f: {  	_ =	shalt  }
0x70: {  	_ =	shalt  }
0x71: {  	_ =	shalt  }
0x72: {  	_ =	shalt  }
0x73: {  	_ =	shalt  }
0x74: {  	_ =	shalt  }
0x75: {  	_ =	shalt  }
0x76: {  	_ =	shalt  }
0x77: {  	_ =	shalt  }
0x78: {  	_ =	shalt  }
0x79: {  	_ =	shalt  }
0x7a: {  	_ =	shalt  }
0x7b: {  	_ =	shalt  }
0x7c: {  	_ =	shalt  }
0x7d: {  	_ =	shalt  }
0x7e: {  	_ =	shalt  }
0x7f: {  	_ =	shalt  }
0x80: {  	_ =	shalt  }
0x81: {  	_ =	shalt  }
0x82: {  	_ =	shalt  }
0x83: {  	_ =	shalt  }
0x84: {  	_ =	shalt  }
0x85: {  	_ =	shalt  }
0x86: {  	_ =	shalt  }
0x87: {  	_ =	shalt  }
.Lfunc_end0:
.L_simem_size_0:
called_computation_lowered:
.L_overlay_start_0:
0x88: {  	s2 =	sld [smem:$0x3FD9]  }
0x89: {  	s3 =	sld [smem:$0x3FFE];
	_ =	sdelay $0x1  }
0x8a: {  	s1 =	srdreg.scid  }
0x8b: {  	s0 =	sand.u32 $0x1, s1  }
0x8c: {  	s15 =	sshll.u32 s0, $0xA;
	s2 =	sadd.s32 s3, s2  }
0x8d: {  	s2 =	sadd.s32 s2, s15  }
0x8e: {  	[smem:$0x3FB1] =	sst s2  }
0x8f: {  	_ = 	snop  }
0x90: {  	s2 =	sld [smem:$0x3FD0];
	_ =	sdelay $0x2  }
0x91: {  	s16 =	simm.s32 $0xB;
	s4 =	simm.s32 $0x10  }
0x92: {  	[smem:s4], [sflag:s16] =	dma.local [hbm:s2], $0x1  }
0x93: {  	_ =	swait.eq [sflag:s16], $0x1  }
0x94: {  	[sflag:s16] =	ssyncset.done $0x0  }
0x95: {  	[sflag:s16] =	ssyncadd.s32 $0xFFFFFFFF  }
0x96: {  	s17 =	sld [smem:$0x12];
	(tm) =	ssettm $0x1  }
0x97: {  	s18 =	sld [smem:$0x3FFB];
	_ =	sdelay $0x3  }
0x98: {  	_ =	strace s18  }
0x99: {  	s2 =	sld [smem:$0x3FFC];
	_ =	sdelay $0x3  }
0x9a: {  	_ =	strace s2  }
0x9b: {  	s2 =	sld [smem:$0x3FFD];
	_ =	sdelay $0x3  }
0x9c: {  	_ =	strace s2  }
0x9d: {  	_ =	strace $0x8FFFFFFF  }
0x9e: {  	s19 =	sld [smem:$0x3FDB];
	_ =	sdelay $0x1  }
0x9f: {  	s20 =	simm.s32 $_scs_section_size  }
0xa0: {  	s5 =	simm.s32 $_size__tile_overlayer_lowered;
	s6 =	simm.s32 $_tile_overlayer_lowered  }
0xa1: {  	s7 =	simm.s32 $0x1BFF;
	s21 =	sshll.u32 s6, $0x1;
	s4 =	sadd.s32 s20, s19  }
0xa2: {  	s22 =	simm.s32 $0x0;
	s5 =	sshll.u32 s5, $0x1;
	s6 =	sadd.s32 s21, s4  }
0xa3: {  	[timem:s22], [sflag:s7] =	dma.local [hbm:s6], s5  }
0xa4: {  	_ =	swait.ge [sflag:s7], s5  }
0xa5: {  	s5 =	ssub.s32 $0x0, s5;
	[sflag:s7] =	ssyncset.done $0x0  }
0xa6: {  	[sflag:s7] =	ssyncadd.s32 s5;
	_ =	sdelay $0x1  }
0xa7: {  	s23 =	simm.s32 $0x1B8B  }
0xa8: {  	_ =	swait.ge [sflag:s23], $0x1  }
0xa9: {  	[sflag:s23] =	ssyncset.done $0x0  }
0xaa: {  	[sflag:s23] =	ssyncadd.s32 $0xFFFFFFFF  }
0xab: {  	s5 =	sld [smem:$0x0]  }
0xac: {  	s6 =	sand.u32 $0xFFFFFFFE, s1  }
0xad: {  	p0 =	sne.s32 s1, s6  }
0xae: {  	s6 =	sshll.u32 @p0 s6, $0xE  }
0xaf: {  	s6 =	sadd.s32 @p0 $0x11B8D, s6;
	s7 =	sshll.u32 @p0 s5, $0x11  }
0xb0: {  	s6 =	sor.u32 @p0 s7, s6  }
0xb1: {  	[sflag:s6] =	ssyncadd.remote.s32 @p0 $0x1;
	_ =	sdelay $0x1  }
0xb2: {  	s6 =	simm.s32 @p0 $0x1B8D  }
0xb3: {  	_ =	swait.eq @p0 [sflag:s6], $0x1  }
0xb4: {  	[sflag:s6] =	ssyncadd.s32 @p0 $0xFFFFFFFF  }
0xb5: {  	s7 =	sshll.u32 @!p0 s1, $0xE  }
0xb6: {  	s7 =	sor.u32 @!p0 $0x4000, s7;
	s6 =	simm.s32 @!p0 $0x1B8D  }
0xb7: {  	s5 =	sshll.u32 @!p0 s5, $0x11;
	s7 =	sadd.s32 @!p0 $0x11B8D, s7;
	_ =	swait.eq @!p0 [sflag:s6], $0x1  }
0xb8: {  	s5 =	sor.u32 @!p0 s5, s7;
	[sflag:s6] =	ssyncadd.s32 @!p0 $0xFFFFFFFF  }
0xb9: {  	s25 =	simm.s32 $0x1B8E;
	s24 =	sld [smem:$0x3FFE];
	[sflag:s5] =	ssyncadd.remote.s32 @!p0 $0x1  }
0xba: {  	s26 =	simm.s32 $execute0_lowered;
	[smem:$0x3FD2] =	sst s25  }
0xbb: {  	s6 =	sshll.u32 s26, $0x1;
	_ =	strace $0x80000049;
	[dreg:$0x1] =	wrdreg $0xFFFFFFFF  }
0xbc: {  	s28 =	simm.s32 $_size_execute0_lowered;
	s4 =	sadd.s32 s4, s6;
	[dreg:$0x0] =	wrdreg $0x0  }
0xbd: {  	s6 =	sshll.u32 s28, $0x1;
	[dreg:$0x2] =	wrdreg s4  }
0xbe: {  	[dreg:$0x3] =	wrdreg s6  }
0xbf: {  	[dreg:$0x4] =	wrdreg $0xC0  }
0xc0: {  	_ =	task [dreg:s22], $0x5FFFF  }
0xc1: {  	[dreg:$0x1] =	wrdreg $0xFFFFFFFF  }
0xc2: {  	[dreg:$0x0] =	wrdreg $0x60  }
0xc3: {  	[dreg:$0x2] =	wrdreg s24  }
0xc4: {  	[dreg:$0x3] =	wrdreg s17  }
0xc5: {  	[dreg:$0x4] =	wrdreg $0x40800  }
0xc6: {  	[dreg:$0x5] =	wrdreg $0x9  }
0xc7: {  	_ =	task.clear_ibuf [dreg:s22], $0x6FFFF;
	_ =	strace $0x90000049  }
0xc8: {  	s29 =	simm.s32 $0x9;
	_ =	strace $0x8000004B  }
0xc9: {  	_ =	swait.ge [sflag:s29], $0x1  }
0xca: {  	[sflag:s29] =	ssyncadd.s32 $0xFFFFFFFF  }
0xcb: {  	_ =	strace $0x9000004B  }
0xcc: {  	_ =	sfence  }
0xcd: {  	s30 =	sld [smem:$0x0];
	_ =	sdelay $0x2  }
0xce: {  	s31 =	sshll.u32 s1, $0xD;
	s1 =	sshrl.u32 s1, $0x2  }
0xcf: {  	s4 =	sand.u32 $0x4000, s31;
	s1 =	sadd.s32 s1, s30  }
0xd0: {  	s0 =	sor.u32 s4, s0;
	s1 =	sshll.u32 s1, $0x11  }
0xd1: {  	s0 =	sor.u32 s1, s0  }
0xd2: {  	s0 =	sadd.s32 $0x8F2B, s0  }
0xd3: {  	[sflag:s0] =	ssyncadd.remote.s32 $0x1  }
0xd4: {  	_ =	sfence.sel $0xFFFF  }
0xd5: {  	[dreg:$0x0] =	wrdreg $0xFFFFFFFF;
	(pc) =	sbr.abs _section_cstart, $3  }
0xd6: {  	[dreg:$0x1] =	wrdreg $0xFFFFFFFF  }
0xd7: {  	_ =	task.clear_ibuf [dreg:s22], $0x2FFFF;
	_ =	strace $0x9FFFFFFF  }
0xd8: {  	(tm) =	ssettm $0x7FFFFFFF  }
0xd9: {  	_ =	shalt  }
tec
execute0_lowered:
.L_overlay_start_1:
0x0: {  	(tag) =	ssettag $0x1  }
0x1: {  	s5 =	rddreg [dreg:$0x0]  }
0x2: {  	s6 =	rddreg [dreg:$0x1];
	s2 =	srdreg.scid  }
0x3: {  	s1 =	rddreg [dreg:$0x2];
	s7 =	sand.u32 $0x1, s2  }
0x4: {  	s2 =	stileid.u32;
	s8 =	smul.u32 $0x14000, s7  }
0x5: {  	s0 =	rddreg [dreg:$0x3];
	s3 =	simm.s32 $0x0;
	s10 =	smul.u32 $0x1400, s2  }
0x6: {  	[smem:$0x7FF] =	sst s3;
	s11 =	smul.u32 $0x29000, s2  }
0x7: {  	s4 =	sadd.s32 $0x19800, s5;
	s9 =	sshll.u32 s2, $0x4;
	s12 =	smul.u32 $0x1480, s2  }
0x8: {  	_ =	strace $0x8000004A;
	s24 =	ssub.s32 $0x2, s7;
	s28 =	smul.u32 $0x28000, s2  }
0x9: {  	s29 =	sshll.u32 s2, $0x6;
	s30 =	smul.u32 $0x1400, s7;
	s25 =	sshrl.u32 s24, $0x1  }
0xa: {  	s9 =	sadd.s32 s9, s5;
	s8 =	sadd.s32 s10, s8;
	s10 =	ssub.s32 s24, s25  }
0xb: {  	s26 =	sshrl.u32 s11, $0x2;
	s31 =	sshrl.u32 s28, $0x2;
	s9 =	sadd.s32 $0x5C00, s9  }
0xc: {  	s11 =	simm.s32 $0x1;
	s8 =	sadd.s32 s8, s5;
	s13 =	sadd.s32 s26, s1  }
0xd: {  	s5 =	sadd.s32 s6, s12;
	s6 =	sor.u32 $0x1C01, s29;
	s14 =	sadd.s32 s31, s1  }
0xe: {  	s12 =	simm.s32 $0x80;
	s7 =	sadd.s32 $0x1A000, s8;
	s8 =	smax.u32 s10, $0x1  }
0xf: {  	v0 =	vmov s30;
	s10 =	sshrl.u32 s13, $0x3;
	s13 =	sshrl.u32 s14, $0x3;
	s14 =	simm.s32 $0x0  }
.LBB2_1:
0x10: {  	[spmem:s10], [sflag:s6] =	dma.local [hbm:s5], $0x1480  }
0x11: {  	_ =	swait.ge [sflag:s11], $0x1480  }
0x12: {  	[sflag:s11] =	ssyncset.done $0x0  }
0x13: {  	[sflag:s11] =	ssyncadd.s32 $0xFFFFEB80  }
0x14: {  	[tilespmem:s12], [sflag:$0x1] =	stream.linear.gather [hbm4b:s4+s3], $0x4000, $0x38;
	[tilespmem:$0xE480] =	vst v63  }
0x15: {  	_ =	swait.ge [sflag:s11], $0x4000  }
0x16: {  	[sflag:s11] =	ssyncset.done $0x0  }
0x17: {  	[sflag:s11] =	ssyncadd.s32 $0xFFFFC000  }
0x18: {  	s15 =	sadd.s32 $0x0, s9;
	[bflag:$0x0] =	sbarrier.arrive $0xFFFF  }
0x19: {  	[tilespmem:s3], [sflag:$0x1] =	stream.linear.gather [hbm4b:s15+s3], $0x80, $0x38;
	[tilespmem:$0xE480] =	vst v63  }
0x1a: {  	_ =	swait.ge [sflag:s11], $0x80  }
0x1b: {  	[sflag:s11] =	ssyncset.done $0x0  }
0x1c: {  	[sflag:s11] =	ssyncadd.s32 $0xFFFFFF80  }
0x1d: {  	v1 =	vld [tilespmem:$0x0]  }
0x1e: {  	v2 =	vld [tilespmem:$0x30]  }
0x1f: {  	v3 =	vld [tilespmem:$0x70];
	_ =	sdelay $0x1  }
0x20: {  	v5 =	vld [tilespmem:$0x10]  }
0x21: {  	v4 =	vld [tilespmem:$0x60]  }
0x22: {  	v6 =	vld [tilespmem:$0x50];
	v1 =	vsub.s32 v1, v0  }
0x23: {  	v7 =	vld [tilespmem:$0x20];
	v2 =	vsub.s32 v2, v0;
	v3 =	vsub.s32 v3, v0;
	v1 =	vmin.u32 v1, $0x1400  }
0x24: {  	v3 =	vmin.u32 v3, $0x1400;
	[tilespmem:$0x0] =	vst v1;
	v1 =	vmin.u32 v2, $0x1400;
	v2 =	vld [tilespmem:$0x40]  }
0x25: {  	v62 =	vsub.s32 v5, v0;
	[tilespmem:$0x70] =	vst v3  }
0x26: {  	v3 =	vmin.u32 v62, $0x1400;
	[tilespmem:$0x30] =	vst v1;
	v1 =	vsub.s32 v4, v0  }
0x27: {  	v63 =	vsub.s32 v6, v0;
	[tilespmem:$0x10] =	vst v3;
	v1 =	vmin.u32 v1, $0x1400  }
0x28: {  	v3 =	vmin.u32 v63, $0x1400;
	[tilespmem:$0x60] =	vst v1;
	v1 =	vsub.s32 v7, v0  }
0x29: {  	s16 =	simm.s32 $0x100;
	s17 =	simm.s32 $0x300;
	s15 =	simm.s32 $0x200;
	[tilespmem:$0x50] =	vst v3;
	v1 =	vmin.u32 v1, $0x1400;
	v2 =	vsub.s32 v2, v0  }
.LBB2_2:
0x2a: {  	p0 =	sne.s32 s17, $0x9D00;
	[tilespmem:$0x20] =	vst v1;
	v1 =	vmin.u32 v2, $0x1400;
	s18 =	smov.u32 s17;
	s17 =	sadd.s32 $0x100, s17  }
0x2b: {  	[tilespmem:$0x40] =	vst v1  }
0x2c: {  	[spmem:s1] =	stream.indirect.scatter.add.f32 [tilespmem:s12], [sflag:$0x1], $0x80, s3, s12, $0xb8;
	[tilespmem:$0xE480] =	vst v63  }
0x2d: {  	_ =	swait.ge [sflag:s11], $0x4000  }
0x2e: {  	[sflag:s11] =	ssyncset.done $0x0  }
0x2f: {  	s19 =	sadd.s32 s16, s9;
	s16 =	smov.u32 s15;
	[sflag:s11] =	ssyncadd.s32 $0xFFFFC000  }
0x30: {  	[tilespmem:s3], [sflag:$0x1] =	stream.linear.gather [hbm4b:s19+s3], $0x80, $0x38;
	[tilespmem:$0xE480] =	vst v63  }
0x31: {  	s15 =	smov.u32 s18;
	_ =	swait.ge [sflag:s11], $0x80  }
0x32: {  	[sflag:s11] =	ssyncset.done $0x0  }
0x33: {  	[sflag:s11] =	ssyncadd.s32 $0xFFFFFF80  }
0x34: {  	v1 =	vld [tilespmem:$0x0]  }
0x35: {  	v2 =	vld [tilespmem:$0x30]  }
0x36: {  	v3 =	vld [tilespmem:$0x70]  }
0x37: {  	v4 =	vld [tilespmem:$0x60]  }
0x38: {  	v5 =	vld [tilespmem:$0x10]  }
0x39: {  	v1 =	vsub.s32 v1, v0;
	v6 =	vld [tilespmem:$0x50]  }
0x3a: {  	v1 =	vmin.u32 v1, $0x1400;
	v7 =	vld [tilespmem:$0x20];
	v2 =	vsub.s32 v2, v0  }
0x3b: {  	[tilespmem:$0x0] =	vst v1;
	v1 =	vmin.u32 v2, $0x1400;
	v2 =	vld [tilespmem:$0x40];
	v3 =	vsub.s32 v3, v0  }
.Ltmp0:
0x3c: {  	[tilespmem:$0x30] =	vst v1;
	v1 =	vsub.s32 v4, v0;
	v3 =	vmin.u32 v3, $0x1400;
	(pc) =	sbr.rel @p0 .LBB2_2-.Ltmp0, $4  }
0x3d: {  	v4 =	vsub.s32 v5, v0;
	v1 =	vmin.u32 v1, $0x1400;
	[tilespmem:$0x70] =	vst v3  }
0x3e: {  	v3 =	vmin.u32 v4, $0x1400;
	v4 =	vsub.s32 v6, v0;
	[tilespmem:$0x60] =	vst v1  }
0x3f: {  	[tilespmem:$0x10] =	vst v3;
	v1 =	vsub.s32 v7, v0;
	v3 =	vmin.u32 v4, $0x1400  }
0x40: {  	v1 =	vmin.u32 v1, $0x1400;
	v2 =	vsub.s32 v2, v0;
	[tilespmem:$0x50] =	vst v3  }
0x41: {  	[tilespmem:$0x20] =	vst v1;
	v1 =	vmin.u32 v2, $0x1400  }
0x42: {  	[tilespmem:$0x40] =	vst v1  }
0x43: {  	[spmem:s1] =	stream.indirect.scatter.add.f32 [tilespmem:s12], [sflag:$0x1], $0x80, s3, s12, $0xb8;
	[tilespmem:$0xE480] =	vst v63  }
0x44: {  	_ =	swait.ge [sflag:s11], $0x4000  }
0x45: {  	[sflag:s11] =	ssyncset.done $0x0  }
0x46: {  	s16 =	sadd.s32 s16, s9;
	[sflag:s11] =	ssyncadd.s32 $0xFFFFC000  }
0x47: {  	[tilespmem:s3], [sflag:$0x1] =	stream.linear.gather [hbm4b:s16+s3], $0x80, $0x38;
	[tilespmem:$0xE480] =	vst v63  }
0x48: {  	_ =	swait.ge [sflag:s11], $0x80  }
0x49: {  	[sflag:s11] =	ssyncset.done $0x0  }
0x4a: {  	[sflag:s11] =	ssyncadd.s32 $0xFFFFFF80  }
0x4b: {  	v1 =	vld [tilespmem:$0x0]  }
0x4c: {  	v2 =	vld [tilespmem:$0x30]  }
0x4d: {  	v3 =	vld [tilespmem:$0x70];
	_ =	sdelay $0x1  }
0x4e: {  	v5 =	vld [tilespmem:$0x10]  }
0x4f: {  	v4 =	vld [tilespmem:$0x60]  }
0x50: {  	v6 =	vld [tilespmem:$0x50];
	v1 =	vsub.s32 v1, v0  }
0x51: {  	v7 =	vld [tilespmem:$0x20];
	v2 =	vsub.s32 v2, v0;
	v3 =	vsub.s32 v3, v0;
	v1 =	vmin.u32 v1, $0x1400  }
0x52: {  	v3 =	vmin.u32 v3, $0x1400;
	[tilespmem:$0x0] =	vst v1;
	v1 =	vmin.u32 v2, $0x1400;
	v2 =	vld [tilespmem:$0x40]  }
0x53: {  	v56 =	vsub.s32 v5, v0;
	[tilespmem:$0x70] =	vst v3  }
0x54: {  	v3 =	vmin.u32 v56, $0x1400;
	[tilespmem:$0x30] =	vst v1;
	v1 =	vsub.s32 v4, v0  }
0x55: {  	v57 =	vsub.s32 v6, v0;
	[tilespmem:$0x10] =	vst v3;
	v1 =	vmin.u32 v1, $0x1400  }
0x56: {  	v3 =	vmin.u32 v57, $0x1400;
	[tilespmem:$0x60] =	vst v1;
	v1 =	vsub.s32 v7, v0  }
0x57: {  	[tilespmem:$0x50] =	vst v3;
	v1 =	vmin.u32 v1, $0x1400;
	v2 =	vsub.s32 v2, v0  }
0x58: {  	[tilespmem:$0x20] =	vst v1;
	v1 =	vmin.u32 v2, $0x1400  }
0x59: {  	[tilespmem:$0x40] =	vst v1  }
0x5a: {  	[spmem:s1] =	stream.indirect.scatter.add.f32 [tilespmem:s12], [sflag:$0x1], $0x80, s3, s12, $0xb8;
	[tilespmem:$0xE480] =	vst v63  }
0x5b: {  	_ =	swait.ge [sflag:s11], $0x4000  }
0x5c: {  	[sflag:s11] =	ssyncset.done $0x0  }
0x5d: {  	s15 =	sadd.s32 s15, s9;
	[sflag:s11] =	ssyncadd.s32 $0xFFFFC000  }
0x5e: {  	[tilespmem:s3], [sflag:$0x1] =	stream.linear.gather [hbm4b:s15+s3], $0x80, $0x38;
	[tilespmem:$0xE480] =	vst v63  }
0x5f: {  	_ =	swait.ge [sflag:s11], $0x80  }
0x60: {  	[sflag:s11] =	ssyncset.done $0x0  }
0x61: {  	[sflag:s11] =	ssyncadd.s32 $0xFFFFFF80  }
0x62: {  	v1 =	vld [tilespmem:$0x0]  }
0x63: {  	v2 =	vld [tilespmem:$0x30]  }
0x64: {  	v3 =	vld [tilespmem:$0x70];
	_ =	sdelay $0x1  }
0x65: {  	v59 =	vld [tilespmem:$0x10]  }
0x66: {  	v58 =	vld [tilespmem:$0x60]  }
0x67: {  	v60 =	vld [tilespmem:$0x50];
	v1 =	vsub.s32 v1, v0  }
0x68: {  	v61 =	vld [tilespmem:$0x20];
	v2 =	vsub.s32 v2, v0;
	v3 =	vsub.s32 v3, v0;
	v1 =	vmin.u32 v1, $0x1400  }
0x69: {  	v3 =	vmin.u32 v3, $0x1400;
	[tilespmem:$0x0] =	vst v1;
	v1 =	vmin.u32 v2, $0x1400;
	v2 =	vld [tilespmem:$0x40]  }
0x6a: {  	v62 =	vsub.s32 v59, v0;
	[tilespmem:$0x70] =	vst v3  }
0x6b: {  	v3 =	vmin.u32 v62, $0x1400;
	[tilespmem:$0x30] =	vst v1;
	v1 =	vsub.s32 v58, v0  }
0x6c: {  	v63 =	vsub.s32 v60, v0;
	[tilespmem:$0x10] =	vst v3;
	v1 =	vmin.u32 v1, $0x1400  }
0x6d: {  	v3 =	vmin.u32 v63, $0x1400;
	[tilespmem:$0x60] =	vst v1;
	v1 =	vsub.s32 v61, v0  }
0x6e: {  	[tilespmem:$0x50] =	vst v3;
	v1 =	vmin.u32 v1, $0x1400;
	v2 =	vsub.s32 v2, v0  }
0x6f: {  	[tilespmem:$0x20] =	vst v1;
	v1 =	vmin.u32 v2, $0x1400  }
0x70: {  	[tilespmem:$0x40] =	vst v1  }
0x71: {  	[spmem:s1] =	stream.indirect.scatter.add.f32 [tilespmem:s12], [sflag:$0x1], $0x80, s3, s12, $0xb8;
	[tilespmem:$0xE480] =	vst v63  }
0x72: {  	_ =	swait.ge [sflag:s11], $0x4000  }
0x73: {  	s14 =	sadd.s32 $0x1, s14;
	[sflag:s11] =	ssyncset.done $0x0  }
0x74: {  	p0 =	sne.s32 s14, s8;
	[sflag:s11] =	ssyncadd.s32 $0xFFFFC000  }
.Ltmp1:
0x75: {  	[bflag:$0x0] =	sbarrier.arrive $0xFFFF;
	(pc) =	sbr.rel @p0 .LBB2_1-.Ltmp1, $4  }
0x76: {  	[hbm:s7], [sflag:s6] =	dma.local [spmem:s13], $0x1400  }
0x77: {  	_ =	swait.ge [sflag:s11], $0x1400  }
0x78: {  	[sflag:s11] =	ssyncset.done $0x0  }
0x79: {  	[sflag:s11] =	ssyncadd.s32 $0xFFFFEC00  }
0x7a: {  	_ =	sfence.sel $0x180000  }
0x7b: {  	[bflag:$0x0] =	sbarrier.arrive $0xFFFF  }
0x7c: {  	p0 =	sne.s32 s2, $0x0;
	_ =	strace $0x9000004A  }
0x7d: {  	s0 =	sadd.s32 @!p0 $0x100000, s0;
	[bflag:$0x2] =	sbarrier.arrive $0xFFFF  }
0x7e: {  	[sflag:s0] =	ssyncadd.tile.s32 @!p0 $0x1;
	_ =	shalt  }
.Lfunc_end2:
_tile_overlayer_lowered:
.L_overlay_start_2:
0x7f: {  	(tag) =	ssettag $0x2  }
0x80: {  	s0 =	rddreg [dreg:$0x0];
	s2 =	stileid.u32  }
0x81: {  	s1 =	rddreg [dreg:$0x1];
	p0 =	sne.s32 s2, $0x0  }
0x82: {  	s3 =	rddreg [dreg:$0x2];
	[bflag:$0x3] =	sbarrier.arrive $0xFFFF;
	s2 =	simm.s32 @!p0 $0x1C01  }
0x83: {  	[timem:s3], [sflag:s2] =	dma.local @!p0 [hbm:s0], s1  }
0x84: {  	s0 =	simm.s32 @!p0 $0x1  }
0x85: {  	_ =	swait.ge @!p0 [sflag:s0], s1  }
0x86: {  	s1 =	ssub.s32 @!p0 $0x0, s1;
	[sflag:s0] =	ssyncset.done @!p0 $0x0  }
0x87: {  	[sflag:s0] =	ssyncadd.s32 @!p0 s1  }
0x88: {  	[bflag:$0x3] =	sbarrier.arrive $0xFFFF  }
0x89: {  	_ =	shalt  }

// kernel: kernel.13.cloned.1.call-start
scs
__scs_entry_jumppad:
0x0: {  	(pc) =	sbr.rel $0x88, $3  }
0x1: {  	(tag) =	ssettag $0x0;
	lr =	simm.s32 $0x1  }
0x2: {  	[smem:$0x3F8A] =	sst lr;
	_ =	strace $0xD0000000  }
0x3: {  	_ = 	snop  }
0x4: {  	_ = 	snop  }
0x5: {  	_ = 	snop  }
0x6: {  	_ = 	snop  }
0x7: {  	_ = 	snop  }
__scs_overlays_trampoline_lowered:
0x8: {  	[smem:$0x3F99] =	sst s0  }
0x9: {  	[smem:$0x3F9A] =	sst s1  }
0xa: {  	[smem:$0x3F9B] =	sst s2  }
0xb: {  	[smem:$0x3F9C] =	sst s3  }
0xc: {  	[smem:$0x3F9D] =	sst s4  }
0xd: {  	[smem:$0x3F9E] =	sst s5  }
0xe: {  	[smem:$0x3F9F] =	sst s6  }
0xf: {  	[smem:$0x3FA0] =	sst s7  }
0x10: {  	[smem:$0x3FA1] =	sst s8  }
0x11: {  	[smem:$0x3FA2] =	sst s9;
	s0 =	simm.s32 @!p0 $0x0  }
0x12: {  	s1 =	sld [smem:$0x3F88];
	s0 =	simm.s32 @p0 $0x1  }
0x13: {  	[smem:$0x3FA3] =	sst s0;
	s0 =	simm.s32 @!p1 $0x0  }
0x14: {  	s2 =	sld [smem:$0x3F87];
	s0 =	simm.s32 @p1 $0x1  }
0x15: {  	[smem:$0x3FA4] =	sst s0;
	s0 =	simm.s32 @!p2 $0x0  }
0x16: {  	s3 =	sld [smem:$0x3FDB];
	s0 =	simm.s32 @p2 $0x1  }
0x17: {  	s4 =	simm.s32 $0x1BF5;
	[smem:$0x3FA6] =	sst s0  }
0x18: {  	s0 =	sld [smem:$0x3F89];
	_ =	swait.ge [sflag:s4], $0x0  }
0x19: {  	s7 =	sld [smem:$0x3F8A]  }
0x1a: {  	s8 =	sadd.s32 $0xFFFFE003, lr  }
0x1b: {  	s9 =	sadd.s32 $0xFFFFFEF7, lr;
	s5 =	simm.s32 $0xFFFFFFFF;
	p2 =	slt.u32 s8, $0xFFFFF086  }
0x1c: {  	p1 =	slt.u32 s9, $0xF7A;
	s5 =	simm.s32 @!p2 $0x0  }
0x1d: {  	s5 =	simm.s32 @p1 $0x1;
	p0 =	seq.s32 s7, s2  }
0x1e: {  	s7 =	smul.u32 @!p0 $0xF7A, s2;
	p2 =	seq.s32 @!p0 s5, $0x0  }
0x1f: {  	s9 =	smul.u32 $0xF7A, s1;
	s8 =	simm.s32 @!p0 $0x1BF5;
	p2 =	por !p2, p0  }
0x20: {  	[sflag:s8] =	ssyncset.s32 @!p0 $0xFFFFF086;
	s6 =	sadd.s32 @!p0 s3, s7;
	s7 =	simm.s32 @!p0 $0x108  }
0x21: {  	s3 =	sadd.s32 s3, s9;
	s6 =	sadd.s32 @!p0 $0x88, s6;
	s7 =	simm.s32 @p2 $0x1082  }
0x22: {  	[simem:s7], [sflag:s8] =	dma.local @!p0 [hbm:s6], $0xF7A  }
0x23: {  	s9 =	sor.u32 $0xD0000000, s2;
	s6 =	simm.s32 $0x108;
	_ =	swait.ge @!p0 [sflag:s8], $0x0  }
0x24: {  	s3 =	sadd.s32 $0x88, s3;
	s6 =	simm.s32 @!p1 $0x1082;
	[sflag:s4] =	ssyncset.s32 $0xFFFFF086  }
0x25: {  	[simem:s6], [sflag:s4] =	dma.local [hbm:s3], $0xF7A  }
0x26: {  	[smem:$0x3F8A] =	sst s1;
	(tag) =	ssettag s2;
	_ =	strace s9  }
0x27: {  	s1 =	sld [smem:$0x3F9A]  }
0x28: {  	s2 =	sld [smem:$0x3F9B]  }
0x29: {  	s4 =	sld [smem:$0x3F9D]  }
0x2a: {  	p0 =	seq.s32 s5, $0x0;
	s5 =	sld [smem:$0x3F9E]  }
0x2b: {  	s6 =	sld [smem:$0x3F9F]  }
0x2c: {  	s7 =	sld [smem:$0x3FA0]  }
0x2d: {  	s3 =	simm.s32 $0x108;
	s8 =	sld [smem:$0x3FA1]  }
0x2e: {  	s3 =	simm.s32 @!p0 $0x1082;
	s9 =	sld [smem:$0x3FA2]  }
0x2f: {  	lr =	sadd.s32 s0, s3;
	s0 =	sld [smem:$0x3F99]  }
0x30: {  	s3 =	sld [smem:$0x3F9C]  }
0x31: {  	[smem:$0x3FA5] =	sst s10  }
0x32: {  	s10 =	sld [smem:$0x3FA3];
	_ =	sdelay $0x3  }
0x33: {  	p0 =	seq.s32 s10, $0x1;
	s10 =	sld [smem:$0x3FA5];
	_ =	sdelay $0x3  }
0x34: {  	[smem:$0x3FA5] =	sst s10  }
0x35: {  	s10 =	sld [smem:$0x3FA4];
	_ =	sdelay $0x3  }
0x36: {  	p1 =	seq.s32 s10, $0x1;
	s10 =	sld [smem:$0x3FA5];
	_ =	sdelay $0x3  }
0x37: {  	[smem:$0x3FA5] =	sst s10  }
0x38: {  	s10 =	sld [smem:$0x3FA6]  }
0x39: {  	_ = 	snop;
	(pc) =	sbr.ind lr, $3  }
0x3a: {  	_ = 	snop  }
0x3b: {  	_ = 	snop  }
0x3c: {  	p2 =	seq.s32 s10, $0x1;
	s10 =	sld [smem:$0x3FA5]  }
0x3d: {  	_ =	shalt  }
0x3e: {  	_ =	shalt  }
0x3f: {  	_ =	shalt  }
0x40: {  	_ =	shalt  }
0x41: {  	_ =	shalt  }
0x42: {  	_ =	shalt  }
0x43: {  	_ =	shalt  }
0x44: {  	_ =	shalt  }
0x45: {  	_ =	shalt  }
0x46: {  	_ =	shalt  }
0x47: {  	_ =	shalt  }
0x48: {  	_ =	shalt  }
0x49: {  	_ =	shalt  }
0x4a: {  	_ =	shalt  }
0x4b: {  	_ =	shalt  }
0x4c: {  	_ =	shalt  }
0x4d: {  	_ =	shalt  }
0x4e: {  	_ =	shalt  }
0x4f: {  	_ =	shalt  }
0x50: {  	_ =	shalt  }
0x51: {  	_ =	shalt  }
0x52: {  	_ =	shalt  }
0x53: {  	_ =	shalt  }
0x54: {  	_ =	shalt  }
0x55: {  	_ =	shalt  }
0x56: {  	_ =	shalt  }
0x57: {  	_ =	shalt  }
0x58: {  	_ =	shalt  }
0x59: {  	_ =	shalt  }
0x5a: {  	_ =	shalt  }
0x5b: {  	_ =	shalt  }
0x5c: {  	_ =	shalt  }
0x5d: {  	_ =	shalt  }
0x5e: {  	_ =	shalt  }
0x5f: {  	_ =	shalt  }
0x60: {  	_ =	shalt  }
0x61: {  	_ =	shalt  }
0x62: {  	_ =	shalt  }
0x63: {  	_ =	shalt  }
0x64: {  	_ =	shalt  }
0x65: {  	_ =	shalt  }
0x66: {  	_ =	shalt  }
0x67: {  	_ =	shalt  }
0x68: {  	_ =	shalt  }
0x69: {  	_ =	shalt  }
0x6a: {  	_ =	shalt  }
0x6b: {  	_ =	shalt  }
0x6c: {  	_ =	shalt  }
0x6d: {  	_ =	shalt  }
0x6e: {  	_ =	shalt  }
0x6f: {  	_ =	shalt  }
0x70: {  	_ =	shalt  }
0x71: {  	_ =	shalt  }
0x72: {  	_ =	shalt  }
0x73: {  	_ =	shalt  }
0x74: {  	_ =	shalt  }
0x75: {  	_ =	shalt  }
0x76: {  	_ =	shalt  }
0x77: {  	_ =	shalt  }
0x78: {  	_ =	shalt  }
0x79: {  	_ =	shalt  }
0x7a: {  	_ =	shalt  }
0x7b: {  	_ =	shalt  }
0x7c: {  	_ =	shalt  }
0x7d: {  	_ =	shalt  }
0x7e: {  	_ =	shalt  }
0x7f: {  	_ =	shalt  }
0x80: {  	_ =	shalt  }
0x81: {  	_ =	shalt  }
0x82: {  	_ =	shalt  }
0x83: {  	_ =	shalt  }
0x84: {  	_ =	shalt  }
0x85: {  	_ =	shalt  }
0x86: {  	_ =	shalt  }
0x87: {  	_ =	shalt  }
.Lfunc_end0:
.L_simem_size_0:
called_computation.1_lowered:
.L_overlay_start_0:
0x88: {  	s2 =	sld [smem:$0x3FD9]  }
0x89: {  	s3 =	sld [smem:$0x3FFE];
	_ =	sdelay $0x1  }
0x8a: {  	s1 =	srdreg.scid  }
0x8b: {  	s0 =	sand.u32 $0x1, s1  }
0x8c: {  	s14 =	sshll.u32 s0, $0xA;
	s2 =	sadd.s32 s3, s2  }
0x8d: {  	s2 =	sadd.s32 s2, s14  }
0x8e: {  	[smem:$0x3FB1] =	sst s2  }
0x8f: {  	_ = 	snop  }
0x90: {  	s2 =	sld [smem:$0x3FD0];
	_ =	sdelay $0x2  }
0x91: {  	s4 =	simm.s32 $0xB;
	s5 =	simm.s32 $0x10;
	s15 =	sld [smem:$0x3FC9]  }
0x92: {  	[smem:s5], [sflag:s4] =	dma.local [hbm:s2], $0x1  }
0x93: {  	_ =	swait.eq [sflag:s4], $0x1  }
0x94: {  	[sflag:s4] =	ssyncset.done $0x0  }
0x95: {  	s16 =	sld [smem:$0x11];
	[sflag:s4] =	ssyncadd.s32 $0xFFFFFFFF  }
0x96: {  	s17 =	sld [smem:$0x12];
	(tm) =	ssettm $0x1  }
0x97: {  	s18 =	sld [smem:$0x3FFB];
	_ =	sdelay $0x3  }
0x98: {  	_ =	strace s18  }
0x99: {  	s5 =	sld [smem:$0x3FFC];
	_ =	sdelay $0x3  }
0x9a: {  	_ =	strace s5  }
0x9b: {  	s5 =	sld [smem:$0x3FFD];
	_ =	sdelay $0x3  }
0x9c: {  	_ =	strace s5  }
0x9d: {  	_ =	strace $0x8FFFFFFF  }
0x9e: {  	s19 =	sld [smem:$0x3FDB];
	_ =	sdelay $0x1  }
0x9f: {  	s6 =	simm.s32 $_scs_section_size  }
0xa0: {  	s7 =	simm.s32 $_size__tile_overlayer_lowered;
	s8 =	simm.s32 $_tile_overlayer_lowered  }
0xa1: {  	s22 =	simm.s32 $0x1BFF;
	s21 =	sshll.u32 s8, $0x1;
	s5 =	sadd.s32 s6, s19  }
0xa2: {  	s9 =	simm.s32 $0x0;
	s20 =	sshll.u32 s7, $0x1;
	s7 =	sadd.s32 s21, s5  }
0xa3: {  	[timem:s9], [sflag:s22] =	dma.local [hbm:s7], s20  }
0xa4: {  	_ =	swait.ge [sflag:s22], s20  }
0xa5: {  	s6 =	ssub.s32 $0x0, s20;
	[sflag:s22] =	ssyncset.done $0x0  }
0xa6: {  	[sflag:s22] =	ssyncadd.s32 s6;
	_ =	sdelay $0x1  }
0xa7: {  	s23 =	simm.s32 $0x1B8B  }
0xa8: {  	_ =	swait.ge [sflag:s23], $0x1  }
0xa9: {  	[sflag:s23] =	ssyncset.done $0x0  }
0xaa: {  	s25 =	simm.s32 $0x1B8E;
	s24 =	sld [smem:$0x3FFE];
	[sflag:s23] =	ssyncadd.s32 $0xFFFFFFFF  }
0xab: {  	s26 =	simm.s32 $execute0_lowered;
	[smem:$0x3FD2] =	sst s25  }
0xac: {  	s7 =	sshll.u32 s26, $0x1;
	_ =	strace $0x80000046;
	[dreg:$0x1] =	wrdreg $0xFFFFFFFF  }
0xad: {  	s28 =	simm.s32 $_size_execute0_lowered;
	s5 =	sadd.s32 s5, s7;
	[dreg:$0x0] =	wrdreg $0x0  }
0xae: {  	s7 =	sshll.u32 s28, $0x1;
	[dreg:$0x2] =	wrdreg s5  }
0xaf: {  	[dreg:$0x3] =	wrdreg s7  }
0xb0: {  	[dreg:$0x4] =	wrdreg $0xC0  }
0xb1: {  	_ =	task [dreg:s9], $0x5FFFF  }
0xb2: {  	[dreg:$0x1] =	wrdreg $0xFFFFFFFF  }
0xb3: {  	[dreg:$0x0] =	wrdreg $0x60  }
0xb4: {  	[dreg:$0x2] =	wrdreg s15  }
0xb5: {  	[dreg:$0x3] =	wrdreg s24  }
0xb6: {  	[dreg:$0x4] =	wrdreg s17  }
0xb7: {  	[dreg:$0x5] =	wrdreg s16  }
0xb8: {  	[dreg:$0x6] =	wrdreg $0x41000  }
0xb9: {  	[dreg:$0x7] =	wrdreg $0xA  }
0xba: {  	_ =	task.clear_ibuf [dreg:s9], $0x8FFFF;
	_ =	strace $0x90000046  }
0xbb: {  	s29 =	simm.s32 $0xA;
	_ =	strace $0x80000048  }
0xbc: {  	_ =	swait.ge [sflag:s29], $0x1  }
0xbd: {  	[sflag:s29] =	ssyncadd.s32 $0xFFFFFFFF  }
0xbe: {  	_ =	strace $0x90000048  }
0xbf: {  	_ =	sfence  }
0xc0: {  	s30 =	sld [smem:$0x0];
	_ =	sdelay $0x2  }
0xc1: {  	s31 =	sshll.u32 s1, $0xD;
	s1 =	sshrl.u32 s1, $0x2  }
0xc2: {  	s3 =	sand.u32 $0x4000, s31;
	s1 =	sadd.s32 s1, s30  }
0xc3: {  	s0 =	sor.u32 s3, s0;
	s1 =	sshll.u32 s1, $0x11  }
0xc4: {  	s0 =	sor.u32 s1, s0  }
0xc5: {  	s0 =	sadd.s32 $0x8F2B, s0  }
0xc6: {  	[sflag:s0] =	ssyncadd.remote.s32 $0x1  }
0xc7: {  	_ =	sfence.sel $0xFFFF  }
0xc8: {  	[dreg:$0x0] =	wrdreg $0xFFFFFFFF;
	(pc) =	sbr.abs _section_cstart, $3  }
0xc9: {  	[dreg:$0x1] =	wrdreg $0xFFFFFFFF  }
0xca: {  	_ =	task.clear_ibuf [dreg:s9], $0x2FFFF;
	_ =	strace $0x9FFFFFFF  }
0xcb: {  	(tm) =	ssettm $0x7FFFFFFF  }
tec
execute0_lowered:
.L_overlay_start_1:
0x0: {  	(tag) =	ssettag $0x1  }
0x1: {  	s1 =	rddreg [dreg:$0x0]  }
0x2: {  	s5 =	rddreg [dreg:$0x1]  }
0x3: {  	s6 =	rddreg [dreg:$0x2]  }
0x4: {  	s7 =	rddreg [dreg:$0x3]  }
0x5: {  	s3 =	rddreg [dreg:$0x4];
	s2 =	stileid.u32  }
0x6: {  	s0 =	rddreg [dreg:$0x5];
	s4 =	simm.s32 $0x0;
	s9 =	smul.u32 $0x29000, s2  }
0x7: {  	s8 =	srdreg.scid;
	s14 =	simm.s32 $0x100;
	s11 =	smul.u32 $0x1480, s2  }
0x8: {  	s17 =	simm.s32 $0x0;
	[smem:$0x7FF] =	sst s4;
	s12 =	smul.u32 $0x140, s2  }
0x9: {  	s10 =	sshll.u32 s2, $0x4;
	s8 =	sand.u32 $0x1, s8;
	s29 =	smul.u32 $0x28000, s2  }
0xa: {  	s30 =	sshll.u32 s2, $0x6;
	_ =	strace $0x80000047;
	s26 =	ssub.s32 $0x2, s8  }
0xb: {  	s10 =	sadd.s32 s10, s5;
	s15 =	smul.u32 $0x1400, s8;
	s28 =	sshrl.u32 s26, $0x1  }
0xc: {  	s9 =	sshrl.u32 s9, $0x2;
	s5 =	sadd.s32 s6, s11;
	s6 =	sor.u32 $0x1C02, s30  }
0xd: {  	s8 =	ssub.s32 s26, s28;
	s13 =	sadd.s32 s9, s3;
	s31 =	sadd.s32 s12, s15  }
0xe: {  	s9 =	sshrl.u32 s29, $0x2;
	s12 =	simm.s32 $0x2;
	v0 =	vmov s15;
	s15 =	simm.s32 $0x1  }
0xf: {  	s11 =	sshll.u32 s31, $0x4;
	s16 =	sadd.s32 s9, s3;
	s8 =	smax.u32 s8, $0x1  }
0x10: {  	s9 =	sadd.s32 $0xFA00, s10;
	s10 =	sadd.s32 $0x5C00, s10;
	s7 =	sadd.s32 s7, s11  }
0x11: {  	s11 =	sshrl.u32 s13, $0x3;
	s13 =	simm.s32 $0x80;
	s16 =	sshrl.u32 s16, $0x3  }
.LBB2_1:
0x12: {  	[spmem:s11], [sflag:s6] =	dma.local [hbm:s5], $0x1480  }
0x13: {  	_ =	swait.ge [sflag:s12], $0x1480  }
0x14: {  	[sflag:s12] =	ssyncset.done $0x0  }
0x15: {  	[sflag:s12] =	ssyncadd.s32 $0xFFFFEB80  }
0x16: {  	s18 =	sadd.s32 $0x0, s9;
	[bflag:$0x0] =	sbarrier.arrive $0xFFFF  }
0x17: {  	[tilespmem:s4], [sflag:$0x2] =	stream.linear.gather [hbm4b:s18+s4], $0x80, $0x38;
	[tilespmem:$0xE500] =	vst v63  }
0x18: {  	_ =	swait.ge [sflag:s12], $0x80  }
0x19: {  	[sflag:s12] =	ssyncset.done $0x0  }
0x1a: {  	[sflag:s12] =	ssyncadd.s32 $0xFFFFFF80  }
0x1b: {  	[tilespmem:s14], [sflag:$0x1] =	stream.indirect.gather [hbm4b:s1+s13], $0x80, s4, s13, $0xb8;
	[tilespmem:$0xE500] =	vst v63  }
0x1c: {  	_ =	swait.ge [sflag:s15], $0x4000  }
0x1d: {  	[sflag:s15] =	ssyncset.done $0x0  }
0x1e: {  	s31 =	sadd.s32 $0x0, s10;
	[sflag:s15] =	ssyncadd.s32 $0xFFFFC000  }
0x1f: {  	[tilespmem:s13], [sflag:$0x2] =	stream.linear.gather [hbm4b:s31+s4], $0x80, $0x38;
	[tilespmem:$0xE500] =	vst v63  }
0x20: {  	_ =	swait.ge [sflag:s12], $0x80  }
0x21: {  	[sflag:s12] =	ssyncset.done $0x0  }
0x22: {  	[sflag:s12] =	ssyncadd.s32 $0xFFFFFF80  }
0x23: {  	v1 =	vld [tilespmem:$0x80]  }
0x24: {  	v2 =	vld [tilespmem:$0xA0]  }
0x25: {  	v3 =	vld [tilespmem:$0xF0];
	_ =	sdelay $0x1  }
0x26: {  	v5 =	vld [tilespmem:$0x90]  }
0x27: {  	v4 =	vld [tilespmem:$0xE0]  }
0x28: {  	v6 =	vld [tilespmem:$0xC0];
	v1 =	vsub.s32 v1, v0  }
0x29: {  	v7 =	vld [tilespmem:$0xB0];
	v2 =	vsub.s32 v2, v0;
	v3 =	vsub.s32 v3, v0;
	v1 =	vmin.u32 v1, $0x1400  }
0x2a: {  	v3 =	vmin.u32 v3, $0x1400;
	[tilespmem:$0x80] =	vst v1;
	v1 =	vmin.u32 v2, $0x1400;
	v2 =	vld [tilespmem:$0xD0]  }
0x2b: {  	v62 =	vsub.s32 v5, v0;
	[tilespmem:$0xF0] =	vst v3  }
0x2c: {  	v3 =	vmin.u32 v62, $0x1400;
	[tilespmem:$0xA0] =	vst v1;
	v1 =	vsub.s32 v4, v0  }
0x2d: {  	v63 =	vsub.s32 v6, v0;
	[tilespmem:$0x90] =	vst v3;
	v1 =	vmin.u32 v1, $0x1400  }
0x2e: {  	v3 =	vmin.u32 v63, $0x1400;
	[tilespmem:$0xE0] =	vst v1;
	v1 =	vsub.s32 v7, v0  }
0x2f: {  	s19 =	simm.s32 $0x200;
	s18 =	simm.s32 $0x100;
	[tilespmem:$0xC0] =	vst v3;
	v1 =	vmin.u32 v1, $0x1400;
	v2 =	vsub.s32 v2, v0  }
.LBB2_2:
0x30: {  	p0 =	sne.s32 s19, $0x9D00;
	[tilespmem:$0xB0] =	vst v1;
	v1 =	vmin.u32 v2, $0x1400;
	s20 =	smov.u32 s19;
	s19 =	sadd.s32 $0x100, s19  }
0x31: {  	[tilespmem:$0xD0] =	vst v1  }
0x32: {  	[spmem:s3] =	stream.indirect.scatter.add.f32 [tilespmem:s14], [sflag:$0x2], $0x80, s13, s13, $0xb8;
	[tilespmem:$0xE500] =	vst v63  }
0x33: {  	_ =	swait.ge [sflag:s12], $0x4000  }
0x34: {  	[sflag:s12] =	ssyncset.done $0x0  }
0x35: {  	s21 =	sadd.s32 s18, s9;
	[sflag:s12] =	ssyncadd.s32 $0xFFFFC000  }
0x36: {  	[tilespmem:s4], [sflag:$0x2] =	stream.linear.gather [hbm4b:s21+s4], $0x80, $0x38;
	[tilespmem:$0xE500] =	vst v63  }
0x37: {  	_ =	swait.ge [sflag:s12], $0x80  }
0x38: {  	[sflag:s12] =	ssyncset.done $0x0  }
0x39: {  	[sflag:s12] =	ssyncadd.s32 $0xFFFFFF80  }
0x3a: {  	[tilespmem:s14], [sflag:$0x1] =	stream.indirect.gather [hbm4b:s1+s13], $0x80, s4, s13, $0xb8;
	[tilespmem:$0xE500] =	vst v63  }
0x3b: {  	_ =	swait.ge [sflag:s15], $0x4000  }
0x3c: {  	[sflag:s15] =	ssyncset.done $0x0  }
0x3d: {  	s21 =	sadd.s32 s18, s10;
	s18 =	smov.u32 s20;
	[sflag:s15] =	ssyncadd.s32 $0xFFFFC000  }
0x3e: {  	[tilespmem:s13], [sflag:$0x2] =	stream.linear.gather [hbm4b:s21+s4], $0x80, $0x38;
	[tilespmem:$0xE500] =	vst v63  }
0x3f: {  	_ =	swait.ge [sflag:s12], $0x80  }
0x40: {  	[sflag:s12] =	ssyncset.done $0x0  }
0x41: {  	[sflag:s12] =	ssyncadd.s32 $0xFFFFFF80  }
0x42: {  	v1 =	vld [tilespmem:$0x80]  }
0x43: {  	v2 =	vld [tilespmem:$0xA0]  }
0x44: {  	v3 =	vld [tilespmem:$0xF0]  }
0x45: {  	v4 =	vld [tilespmem:$0xE0]  }
0x46: {  	v5 =	vld [tilespmem:$0x90]  }
0x47: {  	v1 =	vsub.s32 v1, v0;
	v6 =	vld [tilespmem:$0xC0]  }
0x48: {  	v1 =	vmin.u32 v1, $0x1400;
	v2 =	vsub.s32 v2, v0;
	v7 =	vld [tilespmem:$0xB0]  }
0x49: {  	[tilespmem:$0x80] =	vst v1;
	v1 =	vmin.u32 v2, $0x1400;
	v2 =	vld [tilespmem:$0xD0];
	v3 =	vsub.s32 v3, v0  }
.Ltmp0:
0x4a: {  	[tilespmem:$0xA0] =	vst v1;
	v1 =	vsub.s32 v4, v0;
	v3 =	vmin.u32 v3, $0x1400;
	(pc) =	sbr.rel @p0 .LBB2_2-.Ltmp0, $4  }
0x4b: {  	v4 =	vsub.s32 v5, v0;
	v1 =	vmin.u32 v1, $0x1400;
	[tilespmem:$0xF0] =	vst v3  }
0x4c: {  	v3 =	vmin.u32 v4, $0x1400;
	v4 =	vsub.s32 v6, v0;
	[tilespmem:$0xE0] =	vst v1  }
0x4d: {  	[tilespmem:$0x90] =	vst v3;
	v1 =	vsub.s32 v7, v0;
	v3 =	vmin.u32 v4, $0x1400  }
0x4e: {  	v1 =	vmin.u32 v1, $0x1400;
	[tilespmem:$0xC0] =	vst v3;
	v2 =	vsub.s32 v2, v0  }
0x4f: {  	[tilespmem:$0xB0] =	vst v1;
	v1 =	vmin.u32 v2, $0x1400  }
0x50: {  	[tilespmem:$0xD0] =	vst v1  }
0x51: {  	[spmem:s3] =	stream.indirect.scatter.add.f32 [tilespmem:s14], [sflag:$0x2], $0x80, s13, s13, $0xb8;
	[tilespmem:$0xE500] =	vst v63  }
0x52: {  	_ =	swait.ge [sflag:s12], $0x4000  }
0x53: {  	[sflag:s12] =	ssyncset.done $0x0  }
0x54: {  	s19 =	sadd.s32 s18, s9;
	[sflag:s12] =	ssyncadd.s32 $0xFFFFC000  }
0x55: {  	[tilespmem:s4], [sflag:$0x2] =	stream.linear.gather [hbm4b:s19+s4], $0x80, $0x38;
	[tilespmem:$0xE500] =	vst v63  }
0x56: {  	_ =	swait.ge [sflag:s12], $0x80  }
0x57: {  	[sflag:s12] =	ssyncset.done $0x0  }
0x58: {  	[sflag:s12] =	ssyncadd.s32 $0xFFFFFF80  }
0x59: {  	[tilespmem:s14], [sflag:$0x1] =	stream.indirect.gather [hbm4b:s1+s13], $0x80, s4, s13, $0xb8;
	[tilespmem:$0xE500] =	vst v63  }
0x5a: {  	_ =	swait.ge [sflag:s15], $0x4000  }
0x5b: {  	[sflag:s15] =	ssyncset.done $0x0  }
0x5c: {  	s31 =	sadd.s32 s18, s10;
	[sflag:s15] =	ssyncadd.s32 $0xFFFFC000  }
0x5d: {  	[tilespmem:s13], [sflag:$0x2] =	stream.linear.gather [hbm4b:s31+s4], $0x80, $0x38;
	[tilespmem:$0xE500] =	vst v63  }
0x5e: {  	_ =	swait.ge [sflag:s12], $0x80  }
0x5f: {  	[sflag:s12] =	ssyncset.done $0x0  }
0x60: {  	[sflag:s12] =	ssyncadd.s32 $0xFFFFFF80  }
0x61: {  	v1 =	vld [tilespmem:$0x80]  }
0x62: {  	v2 =	vld [tilespmem:$0xA0]  }
0x63: {  	v3 =	vld [tilespmem:$0xF0];
	_ =	sdelay $0x1  }
0x64: {  	v5 =	vld [tilespmem:$0x90]  }
0x65: {  	v4 =	vld [tilespmem:$0xE0]  }
0x66: {  	v6 =	vld [tilespmem:$0xC0];
	v1 =	vsub.s32 v1, v0  }
0x67: {  	v7 =	vld [tilespmem:$0xB0];
	v2 =	vsub.s32 v2, v0;
	v3 =	vsub.s32 v3, v0;
	v1 =	vmin.u32 v1, $0x1400  }
0x68: {  	v3 =	vmin.u32 v3, $0x1400;
	[tilespmem:$0x80] =	vst v1;
	v1 =	vmin.u32 v2, $0x1400;
	v2 =	vld [tilespmem:$0xD0]  }
0x69: {  	v62 =	vsub.s32 v5, v0;
	[tilespmem:$0xF0] =	vst v3  }
0x6a: {  	v3 =	vmin.u32 v62, $0x1400;
	[tilespmem:$0xA0] =	vst v1;
	v1 =	vsub.s32 v4, v0  }
0x6b: {  	v63 =	vsub.s32 v6, v0;
	[tilespmem:$0x90] =	vst v3;
	v1 =	vmin.u32 v1, $0x1400  }
0x6c: {  	v3 =	vmin.u32 v63, $0x1400;
	[tilespmem:$0xE0] =	vst v1;
	v1 =	vsub.s32 v7, v0  }
0x6d: {  	[tilespmem:$0xC0] =	vst v3;
	v1 =	vmin.u32 v1, $0x1400;
	v2 =	vsub.s32 v2, v0  }
0x6e: {  	[tilespmem:$0xB0] =	vst v1;
	v1 =	vmin.u32 v2, $0x1400  }
0x6f: {  	[tilespmem:$0xD0] =	vst v1  }
0x70: {  	[spmem:s3] =	stream.indirect.scatter.add.f32 [tilespmem:s14], [sflag:$0x2], $0x80, s13, s13, $0xb8;
	[tilespmem:$0xE500] =	vst v63  }
0x71: {  	_ =	swait.ge [sflag:s12], $0x4000  }
0x72: {  	s17 =	sadd.s32 $0x1, s17;
	[sflag:s12] =	ssyncset.done $0x0  }
0x73: {  	p0 =	sne.s32 s17, s8;
	[sflag:s12] =	ssyncadd.s32 $0xFFFFC000  }
.Ltmp1:
0x74: {  	[bflag:$0x0] =	sbarrier.arrive $0xFFFF;
	(pc) =	sbr.rel @p0 .LBB2_1-.Ltmp1, $4  }
0x75: {  	[hbm:s7], [sflag:s6] =	dma.local [spmem:s16], $0x1400  }
0x76: {  	_ =	swait.ge [sflag:s12], $0x1400  }
0x77: {  	[sflag:s12] =	ssyncset.done $0x0  }
0x78: {  	[sflag:s12] =	ssyncadd.s32 $0xFFFFEC00  }
0x79: {  	_ =	sfence.sel $0x180000  }
0x7a: {  	[bflag:$0x0] =	sbarrier.arrive $0xFFFF  }
0x7b: {  	p0 =	sne.s32 s2, $0x0;
	_ =	strace $0x90000047  }
0x7c: {  	s0 =	sadd.s32 @!p0 $0x100000, s0;
	[bflag:$0x2] =	sbarrier.arrive $0xFFFF  }
0x7d: {  	[sflag:s0] =	ssyncadd.tile.s32 @!p0 $0x1;
	_ =	shalt  }
.Lfunc_end2:
_tile_overlayer_lowered:
.L_overlay_start_2:
0x7e: {  	(tag) =	ssettag $0x2  }
0x7f: {  	s0 =	rddreg [dreg:$0x0];
	s2 =	stileid.u32  }
0x80: {  	s1 =	rddreg [dreg:$0x1];
	p0 =	sne.s32 s2, $0x0  }
0x81: {  	s3 =	rddreg [dreg:$0x2];
	[bflag:$0x3] =	sbarrier.arrive $0xFFFF;
	s2 =	simm.s32 @!p0 $0x1C02  }
0x82: {  	[timem:s3], [sflag:s2] =	dma.local @!p0 [hbm:s0], s1  }
0x83: {  	s0 =	simm.s32 @!p0 $0x2  }
0x84: {  	_ =	swait.ge @!p0 [sflag:s0], s1  }
0x85: {  	s1 =	ssub.s32 @!p0 $0x0, s1;
	[sflag:s0] =	ssyncset.done @!p0 $0x0  }
0x86: {  	[sflag:s0] =	ssyncadd.s32 @!p0 s1  }
0x87: {  	[bflag:$0x3] =	sbarrier.arrive $0xFFFF  }
0x88: {  	_ =	shalt  }

// kernel: kernel.16.cloned.1.call-start
scs
__scs_entry_jumppad:
0x0: {  	(pc) =	sbr.rel $0x88, $3  }
0x1: {  	(tag) =	ssettag $0x0;
	lr =	simm.s32 $0x1  }
0x2: {  	[smem:$0x3F8A] =	sst lr;
	_ =	strace $0xD0000000  }
0x3: {  	_ = 	snop  }
0x4: {  	_ = 	snop  }
0x5: {  	_ = 	snop  }
0x6: {  	_ = 	snop  }
0x7: {  	_ = 	snop  }
__scs_overlays_trampoline_lowered:
0x8: {  	[smem:$0x3F99] =	sst s0  }
0x9: {  	[smem:$0x3F9A] =	sst s1  }
0xa: {  	[smem:$0x3F9B] =	sst s2  }
0xb: {  	[smem:$0x3F9C] =	sst s3  }
0xc: {  	[smem:$0x3F9D] =	sst s4  }
0xd: {  	[smem:$0x3F9E] =	sst s5  }
0xe: {  	[smem:$0x3F9F] =	sst s6  }
0xf: {  	[smem:$0x3FA0] =	sst s7  }
0x10: {  	[smem:$0x3FA1] =	sst s8  }
0x11: {  	[smem:$0x3FA2] =	sst s9;
	s0 =	simm.s32 @!p0 $0x0  }
0x12: {  	s1 =	sld [smem:$0x3F88];
	s0 =	simm.s32 @p0 $0x1  }
0x13: {  	[smem:$0x3FA3] =	sst s0;
	s0 =	simm.s32 @!p1 $0x0  }
0x14: {  	s2 =	sld [smem:$0x3F87];
	s0 =	simm.s32 @p1 $0x1  }
0x15: {  	[smem:$0x3FA4] =	sst s0;
	s0 =	simm.s32 @!p2 $0x0  }
0x16: {  	s3 =	sld [smem:$0x3FDB];
	s0 =	simm.s32 @p2 $0x1  }
0x17: {  	s4 =	simm.s32 $0x1BF5;
	[smem:$0x3FA6] =	sst s0  }
0x18: {  	s0 =	sld [smem:$0x3F89];
	_ =	swait.ge [sflag:s4], $0x0  }
0x19: {  	s7 =	sld [smem:$0x3F8A]  }
0x1a: {  	s8 =	sadd.s32 $0xFFFFE003, lr  }
0x1b: {  	s9 =	sadd.s32 $0xFFFFFEF7, lr;
	s5 =	simm.s32 $0xFFFFFFFF;
	p2 =	slt.u32 s8, $0xFFFFF086  }
0x1c: {  	p1 =	slt.u32 s9, $0xF7A;
	s5 =	simm.s32 @!p2 $0x0  }
0x1d: {  	s5 =	simm.s32 @p1 $0x1;
	p0 =	seq.s32 s7, s2  }
0x1e: {  	s7 =	smul.u32 @!p0 $0xF7A, s2;
	p2 =	seq.s32 @!p0 s5, $0x0  }
0x1f: {  	s9 =	smul.u32 $0xF7A, s1;
	s8 =	simm.s32 @!p0 $0x1BF5;
	p2 =	por !p2, p0  }
0x20: {  	[sflag:s8] =	ssyncset.s32 @!p0 $0xFFFFF086;
	s6 =	sadd.s32 @!p0 s3, s7;
	s7 =	simm.s32 @!p0 $0x108  }
0x21: {  	s3 =	sadd.s32 s3, s9;
	s6 =	sadd.s32 @!p0 $0x88, s6;
	s7 =	simm.s32 @p2 $0x1082  }
0x22: {  	[simem:s7], [sflag:s8] =	dma.local @!p0 [hbm:s6], $0xF7A  }
0x23: {  	s9 =	sor.u32 $0xD0000000, s2;
	s6 =	simm.s32 $0x108;
	_ =	swait.ge @!p0 [sflag:s8], $0x0  }
0x24: {  	s3 =	sadd.s32 $0x88, s3;
	s6 =	simm.s32 @!p1 $0x1082;
	[sflag:s4] =	ssyncset.s32 $0xFFFFF086  }
0x25: {  	[simem:s6], [sflag:s4] =	dma.local [hbm:s3], $0xF7A  }
0x26: {  	[smem:$0x3F8A] =	sst s1;
	(tag) =	ssettag s2;
	_ =	strace s9  }
0x27: {  	s1 =	sld [smem:$0x3F9A]  }
0x28: {  	s2 =	sld [smem:$0x3F9B]  }
0x29: {  	s4 =	sld [smem:$0x3F9D]  }
0x2a: {  	p0 =	seq.s32 s5, $0x0;
	s5 =	sld [smem:$0x3F9E]  }
0x2b: {  	s6 =	sld [smem:$0x3F9F]  }
0x2c: {  	s7 =	sld [smem:$0x3FA0]  }
0x2d: {  	s3 =	simm.s32 $0x108;
	s8 =	sld [smem:$0x3FA1]  }
0x2e: {  	s3 =	simm.s32 @!p0 $0x1082;
	s9 =	sld [smem:$0x3FA2]  }
0x2f: {  	lr =	sadd.s32 s0, s3;
	s0 =	sld [smem:$0x3F99]  }
0x30: {  	s3 =	sld [smem:$0x3F9C]  }
0x31: {  	[smem:$0x3FA5] =	sst s10  }
0x32: {  	s10 =	sld [smem:$0x3FA3];
	_ =	sdelay $0x3  }
0x33: {  	p0 =	seq.s32 s10, $0x1;
	s10 =	sld [smem:$0x3FA5];
	_ =	sdelay $0x3  }
0x34: {  	[smem:$0x3FA5] =	sst s10  }
0x35: {  	s10 =	sld [smem:$0x3FA4];
	_ =	sdelay $0x3  }
0x36: {  	p1 =	seq.s32 s10, $0x1;
	s10 =	sld [smem:$0x3FA5];
	_ =	sdelay $0x3  }
0x37: {  	[smem:$0x3FA5] =	sst s10  }
0x38: {  	s10 =	sld [smem:$0x3FA6]  }
0x39: {  	_ = 	snop;
	(pc) =	sbr.ind lr, $3  }
0x3a: {  	_ = 	snop  }
0x3b: {  	_ = 	snop  }
0x3c: {  	p2 =	seq.s32 s10, $0x1;
	s10 =	sld [smem:$0x3FA5]  }
0x3d: {  	_ =	shalt  }
0x3e: {  	_ =	shalt  }
0x3f: {  	_ =	shalt  }
0x40: {  	_ =	shalt  }
0x41: {  	_ =	shalt  }
0x42: {  	_ =	shalt  }
0x43: {  	_ =	shalt  }
0x44: {  	_ =	shalt  }
0x45: {  	_ =	shalt  }
0x46: {  	_ =	shalt  }
0x47: {  	_ =	shalt  }
0x48: {  	_ =	shalt  }
0x49: {  	_ =	shalt  }
0x4a: {  	_ =	shalt  }
0x4b: {  	_ =	shalt  }
0x4c: {  	_ =	shalt  }
0x4d: {  	_ =	shalt  }
0x4e: {  	_ =	shalt  }
0x4f: {  	_ =	shalt  }
0x50: {  	_ =	shalt  }
0x51: {  	_ =	shalt  }
0x52: {  	_ =	shalt  }
0x53: {  	_ =	shalt  }
0x54: {  	_ =	shalt  }
0x55: {  	_ =	shalt  }
0x56: {  	_ =	shalt  }
0x57: {  	_ =	shalt  }
0x58: {  	_ =	shalt  }
0x59: {  	_ =	shalt  }
0x5a: {  	_ =	shalt  }
0x5b: {  	_ =	shalt  }
0x5c: {  	_ =	shalt  }
0x5d: {  	_ =	shalt  }
0x5e: {  	_ =	shalt  }
0x5f: {  	_ =	shalt  }
0x60: {  	_ =	shalt  }
0x61: {  	_ =	shalt  }
0x62: {  	_ =	shalt  }
0x63: {  	_ =	shalt  }
0x64: {  	_ =	shalt  }
0x65: {  	_ =	shalt  }
0x66: {  	_ =	shalt  }
0x67: {  	_ =	shalt  }
0x68: {  	_ =	shalt  }
0x69: {  	_ =	shalt  }
0x6a: {  	_ =	shalt  }
0x6b: {  	_ =	shalt  }
0x6c: {  	_ =	shalt  }
0x6d: {  	_ =	shalt  }
0x6e: {  	_ =	shalt  }
0x6f: {  	_ =	shalt  }
0x70: {  	_ =	shalt  }
0x71: {  	_ =	shalt  }
0x72: {  	_ =	shalt  }
0x73: {  	_ =	shalt  }
0x74: {  	_ =	shalt  }
0x75: {  	_ =	shalt  }
0x76: {  	_ =	shalt  }
0x77: {  	_ =	shalt  }
0x78: {  	_ =	shalt  }
0x79: {  	_ =	shalt  }
0x7a: {  	_ =	shalt  }
0x7b: {  	_ =	shalt  }
0x7c: {  	_ =	shalt  }
0x7d: {  	_ =	shalt  }
0x7e: {  	_ =	shalt  }
0x7f: {  	_ =	shalt  }
0x80: {  	_ =	shalt  }
0x81: {  	_ =	shalt  }
0x82: {  	_ =	shalt  }
0x83: {  	_ =	shalt  }
0x84: {  	_ =	shalt  }
0x85: {  	_ =	shalt  }
0x86: {  	_ =	shalt  }
0x87: {  	_ =	shalt  }
.Lfunc_end0:
.L_simem_size_0:
called_computation.2_lowered:
.L_overlay_start_0:
0x88: {  	s2 =	sld [smem:$0x3FD9]  }
0x89: {  	s3 =	sld [smem:$0x3FFE];
	_ =	sdelay $0x1  }
0x8a: {  	s1 =	srdreg.scid  }
0x8b: {  	s0 =	sand.u32 $0x1, s1  }
0x8c: {  	s14 =	sshll.u32 s0, $0xA;
	s2 =	sadd.s32 s3, s2  }
0x8d: {  	s2 =	sadd.s32 s2, s14  }
0x8e: {  	[smem:$0x3FB1] =	sst s2  }
0x8f: {  	_ = 	snop  }
0x90: {  	s2 =	sld [smem:$0x3FD0];
	_ =	sdelay $0x2  }
0x91: {  	s15 =	simm.s32 $0xB;
	s4 =	simm.s32 $0x10  }
0x92: {  	[smem:s4], [sflag:s15] =	dma.local [hbm:s2], $0x1  }
0x93: {  	_ =	swait.eq [sflag:s15], $0x1  }
0x94: {  	[sflag:s15] =	ssyncset.done $0x0  }
0x95: {  	s16 =	sld [smem:$0x11];
	[sflag:s15] =	ssyncadd.s32 $0xFFFFFFFF  }
0x96: {  	s17 =	sld [smem:$0x12];
	(tm) =	ssettm $0x1  }
0x97: {  	s18 =	sld [smem:$0x3FFB];
	_ =	sdelay $0x3  }
0x98: {  	_ =	strace s18  }
0x99: {  	s4 =	sld [smem:$0x3FFC];
	_ =	sdelay $0x3  }
0x9a: {  	_ =	strace s4  }
0x9b: {  	s4 =	sld [smem:$0x3FFD];
	_ =	sdelay $0x3  }
0x9c: {  	_ =	strace s4  }
0x9d: {  	_ =	strace $0x8FFFFFFF  }
0x9e: {  	s19 =	sld [smem:$0x3FDB];
	_ =	sdelay $0x1  }
0x9f: {  	s5 =	simm.s32 $_scs_section_size  }
0xa0: {  	s6 =	simm.s32 $_size__tile_overlayer_lowered;
	s7 =	simm.s32 $_tile_overlayer_lowered  }
0xa1: {  	s22 =	simm.s32 $0x1BFF;
	s21 =	sshll.u32 s7, $0x1;
	s4 =	sadd.s32 s5, s19  }
0xa2: {  	s8 =	simm.s32 $0x0;
	s20 =	sshll.u32 s6, $0x1;
	s6 =	sadd.s32 s21, s4  }
0xa3: {  	[timem:s8], [sflag:s22] =	dma.local [hbm:s6], s20  }
0xa4: {  	_ =	swait.ge [sflag:s22], s20  }
0xa5: {  	s5 =	ssub.s32 $0x0, s20;
	[sflag:s22] =	ssyncset.done $0x0  }
0xa6: {  	[sflag:s22] =	ssyncadd.s32 s5;
	_ =	sdelay $0x1  }
0xa7: {  	s23 =	simm.s32 $0x1B8B  }
0xa8: {  	_ =	swait.ge [sflag:s23], $0x1  }
0xa9: {  	[sflag:s23] =	ssyncset.done $0x0  }
0xaa: {  	s25 =	simm.s32 $0x1B8E;
	s24 =	sld [smem:$0x3FFE];
	[sflag:s23] =	ssyncadd.s32 $0xFFFFFFFF  }
0xab: {  	s26 =	simm.s32 $execute0_lowered;
	[smem:$0x3FD2] =	sst s25  }
0xac: {  	s6 =	sshll.u32 s26, $0x1;
	_ =	strace $0x8000004C;
	[dreg:$0x1] =	wrdreg $0xFFFFFFFF  }
0xad: {  	s28 =	simm.s32 $_size_execute0_lowered;
	s4 =	sadd.s32 s4, s6;
	[dreg:$0x0] =	wrdreg $0x0  }
0xae: {  	s6 =	sshll.u32 s28, $0x1;
	[dreg:$0x2] =	wrdreg s4  }
0xaf: {  	[dreg:$0x3] =	wrdreg s6  }
0xb0: {  	[dreg:$0x4] =	wrdreg $0xC0  }
0xb1: {  	_ =	task [dreg:s8], $0x5FFFF  }
0xb2: {  	[dreg:$0x1] =	wrdreg $0xFFFFFFFF  }
0xb3: {  	[dreg:$0x0] =	wrdreg $0x60  }
0xb4: {  	[dreg:$0x2] =	wrdreg s24  }
0xb5: {  	[dreg:$0x3] =	wrdreg s17  }
0xb6: {  	[dreg:$0x4] =	wrdreg s16  }
0xb7: {  	[dreg:$0x5] =	wrdreg $0x41000  }
0xb8: {  	[dreg:$0x6] =	wrdreg $0x9  }
0xb9: {  	_ =	task.clear_ibuf [dreg:s8], $0x7FFFF;
	_ =	strace $0x9000004C  }
0xba: {  	s29 =	simm.s32 $0x9;
	_ =	strace $0x8000004E  }
0xbb: {  	_ =	swait.ge [sflag:s29], $0x1  }
0xbc: {  	[sflag:s29] =	ssyncadd.s32 $0xFFFFFFFF  }
0xbd: {  	_ =	strace $0x9000004E  }
0xbe: {  	_ =	sfence  }
0xbf: {  	s30 =	sld [smem:$0x0];
	_ =	sdelay $0x2  }
0xc0: {  	s31 =	sshll.u32 s1, $0xD;
	s1 =	sshrl.u32 s1, $0x2  }
0xc1: {  	s3 =	sand.u32 $0x4000, s31;
	s1 =	sadd.s32 s1, s30  }
0xc2: {  	s0 =	sor.u32 s3, s0;
	s1 =	sshll.u32 s1, $0x11  }
0xc3: {  	s0 =	sor.u32 s1, s0  }
0xc4: {  	s0 =	sadd.s32 $0x8F2B, s0  }
0xc5: {  	[sflag:s0] =	ssyncadd.remote.s32 $0x1  }
0xc6: {  	_ =	sfence.sel $0xFFFF  }
0xc7: {  	[dreg:$0x0] =	wrdreg $0xFFFFFFFF;
	(pc) =	sbr.abs _section_cstart, $3  }
0xc8: {  	[dreg:$0x1] =	wrdreg $0xFFFFFFFF  }
0xc9: {  	_ =	task.clear_ibuf [dreg:s8], $0x2FFFF;
	_ =	strace $0x9FFFFFFF  }
0xca: {  	(tm) =	ssettm $0x7FFFFFFF  }
0xcb: {  	_ =	shalt  }
tec
execute0_lowered:
.L_overlay_start_1:
0x0: {  	(tag) =	ssettag $0x1  }
0x1: {  	s5 =	rddreg [dreg:$0x0]  }
0x2: {  	s6 =	rddreg [dreg:$0x1]  }
0x3: {  	s7 =	rddreg [dreg:$0x2];
	s2 =	srdreg.scid  }
0x4: {  	s1 =	rddreg [dreg:$0x3];
	s8 =	sand.u32 $0x1, s2  }
0x5: {  	s2 =	stileid.u32;
	s16 =	smul.u32 $0x2710, s8  }
0x6: {  	s0 =	rddreg [dreg:$0x4];
	s3 =	simm.s32 $0x0;
	s9 =	smul.u32 $0x29000, s2  }
0x7: {  	s14 =	simm.s32 $0x80;
	s11 =	ssub.s32 $0x2, s8;
	s8 =	smul.u32 $0x140000, s8  }
0x8: {  	s15 =	simm.s32 $0x100;
	s18 =	simm.s32 $0x0;
	s25 =	smul.u32 $0xA000, s2  }
0x9: {  	[smem:$0x7FF] =	sst s3;
	s4 =	sadd.s32 $0x42000, s5;
	s28 =	smul.u32 $0x1480, s2  }
0xa: {  	_ =	strace $0x8000004D;
	s10 =	sshll.u32 s2, $0x4;
	s29 =	smul.u32 $0x28000, s2  }
0xb: {  	s30 =	sshll.u32 s2, $0x6;
	s12 =	sadd.s32 s10, s5;
	s24 =	sshrl.u32 s11, $0x1  }
0xc: {  	s11 =	ssub.s32 s11, s24;
	s26 =	sshrl.u32 s9, $0x2;
	s8 =	sadd.s32 s25, s8  }
0xd: {  	s5 =	sadd.s32 s6, s28;
	s6 =	sor.u32 $0x1C02, s30;
	s31 =	sshrl.u32 s29, $0x2  }
0xe: {  	s10 =	sadd.s32 $0xFA00, s12;
	v0 =	vmov s16;
	s16 =	simm.s32 $0x1;
	s13 =	sadd.s32 s26, s1  }
0xf: {  	s8 =	sshrl.u32 s8, $0x3;
	s17 =	sadd.s32 s31, s1;
	s9 =	smax.u32 s11, $0x1  }
0x10: {  	s11 =	sadd.s32 $0x5C00, s12;
	s7 =	sadd.s32 s7, s8;
	s12 =	sshrl.u32 s13, $0x3  }
0x11: {  	s13 =	simm.s32 $0x2;
	s17 =	sshrl.u32 s17, $0x3;
	s8 =	sadd.s32 $0x14000, s7  }
.LBB2_1:
0x12: {  	[spmem:s12], [sflag:s6] =	dma.local [hbm:s5], $0x1480  }
0x13: {  	_ =	swait.ge [sflag:s13], $0x1480  }
0x14: {  	[sflag:s13] =	ssyncset.done $0x0  }
0x15: {  	[sflag:s13] =	ssyncadd.s32 $0xFFFFEB80  }
0x16: {  	s19 =	sadd.s32 $0x0, s10;
	[bflag:$0x0] =	sbarrier.arrive $0xFFFF  }
0x17: {  	[tilespmem:s3], [sflag:$0x2] =	stream.linear.gather [hbm4b:s19+s3], $0x80, $0x38;
	[tilespmem:$0xE500] =	vst v63  }
0x18: {  	_ =	swait.ge [sflag:s13], $0x80  }
0x19: {  	[sflag:s13] =	ssyncset.done $0x0  }
0x1a: {  	[sflag:s13] =	ssyncadd.s32 $0xFFFFFF80  }
0x1b: {  	v1 =	vld [tilespmem:$0x70]  }
0x1c: {  	v2 =	vld [tilespmem:$0x60]  }
0x1d: {  	v3 =	vld [tilespmem:$0x30]  }
0x1e: {  	v4 =	vld [tilespmem:$0x40]  }
0x1f: {  	v6 =	vld [tilespmem:$0x20]  }
0x20: {  	v5 =	vld [tilespmem:$0x50];
	v1 =	vadd.s32 v0, v1  }
0x21: {  	v7 =	vld [tilespmem:$0x0];
	v2 =	vadd.s32 v0, v2;
	[tilespmem:$0x70] =	vst v1  }
0x22: {  	v3 =	vadd.s32 v0, v3;
	v1 =	vld [tilespmem:$0x10];
	[tilespmem:$0x60] =	vst v2  }
0x23: {  	[tilespmem:$0x30] =	vst v3;
	v2 =	vadd.s32 v0, v4  }
0x24: {  	v3 =	vadd.s32 v0, v6;
	[tilespmem:$0x40] =	vst v2  }
0x25: {  	v2 =	vadd.s32 v0, v5;
	[tilespmem:$0x20] =	vst v3  }
0x26: {  	[tilespmem:$0x50] =	vst v2;
	v2 =	vadd.s32 v0, v7  }
0x27: {  	[tilespmem:$0x0] =	vst v2;
	v1 =	vadd.s32 v0, v1  }
0x28: {  	[tilespmem:$0x10] =	vst v1  }
0x29: {  	[tilespmem:s15], [sflag:$0x1] =	stream.indirect.gather [hbm4b:s4+s14], $0x80, s3, s14, $0xb8;
	[tilespmem:$0xE500] =	vst v63  }
0x2a: {  	_ =	swait.ge [sflag:s16], $0x4000  }
0x2b: {  	[sflag:s16] =	ssyncset.done $0x0  }
0x2c: {  	s31 =	sadd.s32 $0x0, s11;
	[sflag:s16] =	ssyncadd.s32 $0xFFFFC000  }
0x2d: {  	[tilespmem:s14], [sflag:$0x2] =	stream.linear.gather [hbm4b:s31+s3], $0x80, $0x38;
	[tilespmem:$0xE500] =	vst v63  }
0x2e: {  	_ =	swait.ge [sflag:s13], $0x80  }
0x2f: {  	[sflag:s13] =	ssyncset.done $0x0  }
0x30: {  	[sflag:s13] =	ssyncadd.s32 $0xFFFFFF80  }
0x31: {  	v1 =	vld [tilespmem:$0x80]  }
0x32: {  	v2 =	vld [tilespmem:$0x90]  }
0x33: {  	v3 =	vld [tilespmem:$0xA0]  }
0x34: {  	v61 =	vld [tilespmem:$0xB0]  }
0x35: {  	v62 =	vld [tilespmem:$0xC0]  }
0x36: {  	v1 =	vmin.u32 v1, $0x1400  }
0x37: {  	[tilespmem:$0x80] =	vst v1;
	v1 =	vmin.u32 v2, $0x1400  }
0x38: {  	[tilespmem:$0x90] =	vst v1;
	v1 =	vmin.u32 v3, $0x1400  }
0x39: {  	v63 =	vld [tilespmem:$0xD0];
	[tilespmem:$0xA0] =	vst v1;
	v1 =	vmin.u32 v61, $0x1400  }
0x3a: {  	v2 =	vld [tilespmem:$0xE0];
	[tilespmem:$0xB0] =	vst v1;
	v1 =	vmin.u32 v62, $0x1400  }
0x3b: {  	[tilespmem:$0xC0] =	vst v1;
	v1 =	vld [tilespmem:$0xF0];
	_ =	sdelay $0x2  }
0x3c: {  	v3 =	vmin.u32 v63, $0x1400  }
0x3d: {  	s20 =	simm.s32 $0x200;
	s19 =	simm.s32 $0x100;
	[tilespmem:$0xD0] =	vst v3;
	v2 =	vmin.u32 v2, $0x1400  }
.LBB2_2:
0x3e: {  	p0 =	sne.s32 s20, $0x9D00;
	[tilespmem:$0xE0] =	vst v2;
	v1 =	vmin.u32 v1, $0x1400;
	s21 =	smov.u32 s20;
	s20 =	sadd.s32 $0x100, s20  }
0x3f: {  	[tilespmem:$0xF0] =	vst v1  }
0x40: {  	[spmem:s1] =	stream.indirect.scatter.add.f32 [tilespmem:s15], [sflag:$0x2], $0x80, s14, s14, $0xb8;
	[tilespmem:$0xE500] =	vst v63  }
0x41: {  	_ =	swait.ge [sflag:s13], $0x4000  }
0x42: {  	[sflag:s13] =	ssyncset.done $0x0  }
0x43: {  	s22 =	sadd.s32 s19, s10;
	[sflag:s13] =	ssyncadd.s32 $0xFFFFC000  }
0x44: {  	[tilespmem:s3], [sflag:$0x2] =	stream.linear.gather [hbm4b:s22+s3], $0x80, $0x38;
	[tilespmem:$0xE500] =	vst v63  }
0x45: {  	_ =	swait.ge [sflag:s13], $0x80  }
0x46: {  	[sflag:s13] =	ssyncset.done $0x0  }
0x47: {  	[sflag:s13] =	ssyncadd.s32 $0xFFFFFF80  }
0x48: {  	v1 =	vld [tilespmem:$0x70]  }
0x49: {  	v2 =	vld [tilespmem:$0x60]  }
0x4a: {  	v3 =	vld [tilespmem:$0x30]  }
0x4b: {  	v4 =	vld [tilespmem:$0x40]  }
0x4c: {  	v5 =	vld [tilespmem:$0x50]  }
0x4d: {  	v6 =	vld [tilespmem:$0x20];
	v1 =	vadd.s32 v0, v1  }
0x4e: {  	v7 =	vld [tilespmem:$0x0];
	v2 =	vadd.s32 v0, v2;
	[tilespmem:$0x70] =	vst v1  }
0x4f: {  	v1 =	vld [tilespmem:$0x10];
	v3 =	vadd.s32 v0, v3;
	[tilespmem:$0x60] =	vst v2  }
0x50: {  	[tilespmem:$0x30] =	vst v3;
	v2 =	vadd.s32 v0, v4  }
0x51: {  	[tilespmem:$0x40] =	vst v2;
	v2 =	vadd.s32 v0, v5  }
0x52: {  	v3 =	vadd.s32 v0, v6;
	[tilespmem:$0x50] =	vst v2  }
0x53: {  	v2 =	vadd.s32 v0, v7;
	[tilespmem:$0x20] =	vst v3  }
0x54: {  	[tilespmem:$0x0] =	vst v2;
	v1 =	vadd.s32 v0, v1  }
0x55: {  	[tilespmem:$0x10] =	vst v1  }
0x56: {  	[tilespmem:s15], [sflag:$0x1] =	stream.indirect.gather [hbm4b:s4+s14], $0x80, s3, s14, $0xb8;
	[tilespmem:$0xE500] =	vst v63  }
0x57: {  	_ =	swait.ge [sflag:s16], $0x4000  }
0x58: {  	[sflag:s16] =	ssyncset.done $0x0  }
0x59: {  	s22 =	sadd.s32 s19, s11;
	s19 =	smov.u32 s21;
	[sflag:s16] =	ssyncadd.s32 $0xFFFFC000  }
0x5a: {  	[tilespmem:s14], [sflag:$0x2] =	stream.linear.gather [hbm4b:s22+s3], $0x80, $0x38;
	[tilespmem:$0xE500] =	vst v63  }
0x5b: {  	_ =	swait.ge [sflag:s13], $0x80  }
0x5c: {  	[sflag:s13] =	ssyncset.done $0x0  }
0x5d: {  	[sflag:s13] =	ssyncadd.s32 $0xFFFFFF80  }
0x5e: {  	v1 =	vld [tilespmem:$0x80]  }
0x5f: {  	v2 =	vld [tilespmem:$0x90]  }
0x60: {  	v3 =	vld [tilespmem:$0xA0]  }
0x61: {  	v4 =	vld [tilespmem:$0xB0]  }
0x62: {  	v5 =	vld [tilespmem:$0xC0]  }
0x63: {  	v1 =	vmin.u32 v1, $0x1400;
	v6 =	vld [tilespmem:$0xD0]  }
0x64: {  	[tilespmem:$0x80] =	vst v1;
	v1 =	vmin.u32 v2, $0x1400;
	v2 =	vld [tilespmem:$0xE0]  }
.Ltmp0:
0x65: {  	[tilespmem:$0x90] =	vst v1;
	v3 =	vmin.u32 v3, $0x1400;
	v1 =	vld [tilespmem:$0xF0];
	(pc) =	sbr.rel @p0 .LBB2_2-.Ltmp0, $4  }
0x66: {  	[tilespmem:$0xA0] =	vst v3;
	v3 =	vmin.u32 v4, $0x1400  }
0x67: {  	[tilespmem:$0xB0] =	vst v3;
	v3 =	vmin.u32 v5, $0x1400  }
0x68: {  	[tilespmem:$0xC0] =	vst v3;
	v3 =	vmin.u32 v6, $0x1400  }
0x69: {  	[tilespmem:$0xD0] =	vst v3;
	v2 =	vmin.u32 v2, $0x1400  }
0x6a: {  	[tilespmem:$0xE0] =	vst v2;
	v1 =	vmin.u32 v1, $0x1400  }
0x6b: {  	[tilespmem:$0xF0] =	vst v1  }
0x6c: {  	[spmem:s1] =	stream.indirect.scatter.add.f32 [tilespmem:s15], [sflag:$0x2], $0x80, s14, s14, $0xb8;
	[tilespmem:$0xE500] =	vst v63  }
0x6d: {  	_ =	swait.ge [sflag:s13], $0x4000  }
0x6e: {  	[sflag:s13] =	ssyncset.done $0x0  }
0x6f: {  	s20 =	sadd.s32 s19, s10;
	[sflag:s13] =	ssyncadd.s32 $0xFFFFC000  }
0x70: {  	[tilespmem:s3], [sflag:$0x2] =	stream.linear.gather [hbm4b:s20+s3], $0x80, $0x38;
	[tilespmem:$0xE500] =	vst v63  }
0x71: {  	_ =	swait.ge [sflag:s13], $0x80  }
0x72: {  	[sflag:s13] =	ssyncset.done $0x0  }
0x73: {  	[sflag:s13] =	ssyncadd.s32 $0xFFFFFF80  }
0x74: {  	v1 =	vld [tilespmem:$0x70]  }
0x75: {  	v2 =	vld [tilespmem:$0x60]  }
0x76: {  	v3 =	vld [tilespmem:$0x30]  }
0x77: {  	v4 =	vld [tilespmem:$0x40]  }
0x78: {  	v6 =	vld [tilespmem:$0x20]  }
0x79: {  	v5 =	vld [tilespmem:$0x50];
	v1 =	vadd.s32 v0, v1  }
0x7a: {  	v7 =	vld [tilespmem:$0x0];
	v2 =	vadd.s32 v0, v2;
	[tilespmem:$0x70] =	vst v1  }
0x7b: {  	v3 =	vadd.s32 v0, v3;
	v1 =	vld [tilespmem:$0x10];
	[tilespmem:$0x60] =	vst v2  }
0x7c: {  	[tilespmem:$0x30] =	vst v3;
	v2 =	vadd.s32 v0, v4  }
0x7d: {  	v3 =	vadd.s32 v0, v6;
	[tilespmem:$0x40] =	vst v2  }
0x7e: {  	v2 =	vadd.s32 v0, v5;
	[tilespmem:$0x20] =	vst v3  }
0x7f: {  	[tilespmem:$0x50] =	vst v2;
	v2 =	vadd.s32 v0, v7  }
0x80: {  	[tilespmem:$0x0] =	vst v2;
	v1 =	vadd.s32 v0, v1  }
0x81: {  	[tilespmem:$0x10] =	vst v1  }
0x82: {  	[tilespmem:s15], [sflag:$0x1] =	stream.indirect.gather [hbm4b:s4+s14], $0x80, s3, s14, $0xb8;
	[tilespmem:$0xE500] =	vst v63  }
0x83: {  	_ =	swait.ge [sflag:s16], $0x4000  }
0x84: {  	[sflag:s16] =	ssyncset.done $0x0  }
0x85: {  	s30 =	sadd.s32 s19, s11;
	[sflag:s16] =	ssyncadd.s32 $0xFFFFC000  }
0x86: {  	[tilespmem:s14], [sflag:$0x2] =	stream.linear.gather [hbm4b:s30+s3], $0x80, $0x38;
	[tilespmem:$0xE500] =	vst v63  }
0x87: {  	_ =	swait.ge [sflag:s13], $0x80  }
0x88: {  	[sflag:s13] =	ssyncset.done $0x0  }
0x89: {  	[sflag:s13] =	ssyncadd.s32 $0xFFFFFF80  }
0x8a: {  	v1 =	vld [tilespmem:$0x80]  }
0x8b: {  	v2 =	vld [tilespmem:$0x90]  }
0x8c: {  	v3 =	vld [tilespmem:$0xA0]  }
0x8d: {  	v4 =	vld [tilespmem:$0xB0]  }
0x8e: {  	v5 =	vld [tilespmem:$0xC0]  }
0x8f: {  	v6 =	vld [tilespmem:$0xD0];
	v1 =	vmin.u32 v1, $0x1400  }
0x90: {  	[tilespmem:$0x80] =	vst v1;
	v1 =	vmin.u32 v2, $0x1400;
	v2 =	vld [tilespmem:$0xE0]  }
0x91: {  	[tilespmem:$0x90] =	vst v1;
	v1 =	vmin.u32 v3, $0x1400;
	v3 =	vld [tilespmem:$0xF0]  }
0x92: {  	[tilespmem:$0xA0] =	vst v1;
	v1 =	vmin.u32 v4, $0x1400  }
0x93: {  	[tilespmem:$0xB0] =	vst v1;
	v1 =	vmin.u32 v5, $0x1400  }
0x94: {  	[tilespmem:$0xC0] =	vst v1;
	v1 =	vmin.u32 v6, $0x1400  }
0x95: {  	[tilespmem:$0xD0] =	vst v1;
	v1 =	vmin.u32 v2, $0x1400  }
0x96: {  	[tilespmem:$0xE0] =	vst v1;
	v1 =	vmin.u32 v3, $0x1400  }
0x97: {  	[tilespmem:$0xF0] =	vst v1  }
0x98: {  	[spmem:s1] =	stream.indirect.scatter.add.f32 [tilespmem:s15], [sflag:$0x2], $0x80, s14, s14, $0xb8;
	[tilespmem:$0xE500] =	vst v63  }
0x99: {  	_ =	swait.ge [sflag:s13], $0x4000  }
0x9a: {  	[sflag:s13] =	ssyncset.done $0x0  }
0x9b: {  	[sflag:s13] =	ssyncadd.s32 $0xFFFFC000  }
0x9c: {  	[bflag:$0x0] =	sbarrier.arrive $0xFFFF  }
0x9d: {  	[hbm:s7], [sflag:s6] =	dma.local [spmem:s17], $0x1400  }
0x9e: {  	_ =	swait.ge [sflag:s13], $0x1400  }
0x9f: {  	[sflag:s13] =	ssyncset.done $0x0  }
0xa0: {  	[sflag:s13] =	ssyncadd.s32 $0xFFFFEC00  }
0xa1: {  	[bflag:$0x0] =	sbarrier.arrive $0xFFFF  }
0xa2: {  	[spmem:s12], [sflag:s6] =	dma.local [hbm:s5], $0x1480  }
0xa3: {  	_ =	swait.ge [sflag:s13], $0x1480  }
0xa4: {  	[sflag:s13] =	ssyncset.done $0x0  }
0xa5: {  	[sflag:s13] =	ssyncadd.s32 $0xFFFFEB80  }
0xa6: {  	s31 =	sadd.s32 $0x0, s10;
	[bflag:$0x0] =	sbarrier.arrive $0xFFFF  }
0xa7: {  	[tilespmem:s3], [sflag:$0x2] =	stream.linear.gather [hbm4b:s31+s3], $0x80, $0x38;
	[tilespmem:$0xE500] =	vst v63  }
0xa8: {  	_ =	swait.ge [sflag:s13], $0x80  }
0xa9: {  	[sflag:s13] =	ssyncset.done $0x0  }
0xaa: {  	[sflag:s13] =	ssyncadd.s32 $0xFFFFFF80  }
0xab: {  	v2 =	vld [tilespmem:$0x50]  }
0xac: {  	v6 =	vld [tilespmem:$0x70]  }
0xad: {  	v4 =	vld [tilespmem:$0x40]  }
0xae: {  	v1 =	vld [tilespmem:$0x30]  }
0xaf: {  	v3 =	vld [tilespmem:$0x10]  }
0xb0: {  	s19 =	simm.s32 $0x0;
	s20 =	simm.s32 $0x100;
	v5 =	vadd.s32 v0, v2;
	v2 =	vld [tilespmem:$0x60]  }
.LBB2_4:
0xb1: {  	p0 =	sne.s32 s20, $0x9D00;
	v7 =	vld [tilespmem:$0x20];
	v6 =	vadd.s32 v0, v6;
	s21 =	smov.u32 s20;
	s20 =	sadd.s32 $0x100, s20  }
0xb2: {  	v8 =	vld [tilespmem:$0x0];
	v4 =	vadd.s32 v0, v4;
	[tilespmem:$0x70] =	vst v6  }
0xb3: {  	[tilespmem:$0x40] =	vst v4  }
0xb4: {  	v3 =	vadd.s32 v0, v3;
	[tilespmem:$0x50] =	vst v5  }
0xb5: {  	v1 =	vadd.s32 v0, v1;
	[tilespmem:$0x10] =	vst v3;
	v2 =	vadd.s32 v0, v2  }
0xb6: {  	v3 =	vadd.s32 v0, v7;
	[tilespmem:$0x60] =	vst v2  }
0xb7: {  	v2 =	vadd.s32 v0, v8;
	[tilespmem:$0x20] =	vst v3  }
0xb8: {  	[tilespmem:$0x0] =	vst v2  }
0xb9: {  	[tilespmem:$0x30] =	vst v1  }
0xba: {  	[tilespmem:s15], [sflag:$0x1] =	stream.indirect.gather [hbm4b:s4+s14], $0x80, s3, s14, $0xb8;
	[tilespmem:$0xE500] =	vst v63  }
0xbb: {  	_ =	swait.ge [sflag:s16], $0x4000  }
0xbc: {  	[sflag:s16] =	ssyncset.done $0x0  }
0xbd: {  	s22 =	sadd.s32 s19, s11;
	s19 =	smov.u32 s21;
	[sflag:s16] =	ssyncadd.s32 $0xFFFFC000  }
0xbe: {  	[tilespmem:s14], [sflag:$0x2] =	stream.linear.gather [hbm4b:s22+s3], $0x80, $0x38;
	[tilespmem:$0xE500] =	vst v63  }
0xbf: {  	_ =	swait.ge [sflag:s13], $0x80  }
0xc0: {  	[sflag:s13] =	ssyncset.done $0x0  }
0xc1: {  	[sflag:s13] =	ssyncadd.s32 $0xFFFFFF80  }
0xc2: {  	v1 =	vld [tilespmem:$0x80]  }
0xc3: {  	v2 =	vld [tilespmem:$0x90]  }
0xc4: {  	v3 =	vld [tilespmem:$0xB0]  }
0xc5: {  	v4 =	vld [tilespmem:$0xC0]  }
0xc6: {  	v5 =	vld [tilespmem:$0xD0]  }
0xc7: {  	v1 =	vadd.s32 $0xFFFFEC00, v1;
	v6 =	vld [tilespmem:$0xE0]  }
0xc8: {  	v1 =	vmin.u32 v1, $0x1400;
	v2 =	vadd.s32 $0xFFFFEC00, v2;
	v7 =	vld [tilespmem:$0xF0]  }
0xc9: {  	[tilespmem:$0x80] =	vst v1;
	v1 =	vmin.u32 v2, $0x1400;
	v2 =	vadd.s32 $0xFFFFEC00, v3  }
0xca: {  	[tilespmem:$0x90] =	vst v1;
	v1 =	vld [tilespmem:$0xA0];
	v2 =	vmin.u32 v2, $0x1400;
	v3 =	vadd.s32 $0xFFFFEC00, v4  }
0xcb: {  	[tilespmem:$0xB0] =	vst v2;
	v2 =	vmin.u32 v3, $0x1400;
	v3 =	vadd.s32 $0xFFFFEC00, v5  }
0xcc: {  	[tilespmem:$0xC0] =	vst v2;
	v2 =	vmin.u32 v3, $0x1400;
	v3 =	vadd.s32 $0xFFFFEC00, v6  }
0xcd: {  	[tilespmem:$0xD0] =	vst v2;
	v2 =	vmin.u32 v3, $0x1400;
	v3 =	vadd.s32 $0xFFFFEC00, v7  }
0xce: {  	[tilespmem:$0xE0] =	vst v2;
	v2 =	vmin.u32 v3, $0x1400  }
0xcf: {  	v1 =	vadd.s32 $0xFFFFEC00, v1;
	[tilespmem:$0xF0] =	vst v2  }
0xd0: {  	v1 =	vmin.u32 v1, $0x1400  }
0xd1: {  	[tilespmem:$0xA0] =	vst v1  }
0xd2: {  	[spmem:s1] =	stream.indirect.scatter.add.f32 [tilespmem:s15], [sflag:$0x2], $0x80, s14, s14, $0xb8;
	[tilespmem:$0xE500] =	vst v63  }
0xd3: {  	_ =	swait.ge [sflag:s13], $0x4000  }
0xd4: {  	[sflag:s13] =	ssyncset.done $0x0  }
0xd5: {  	s21 =	sadd.s32 s19, s10;
	[sflag:s13] =	ssyncadd.s32 $0xFFFFC000  }
0xd6: {  	[tilespmem:s3], [sflag:$0x2] =	stream.linear.gather [hbm4b:s21+s3], $0x80, $0x38;
	[tilespmem:$0xE500] =	vst v63  }
0xd7: {  	_ =	swait.ge [sflag:s13], $0x80  }
0xd8: {  	[sflag:s13] =	ssyncset.done $0x0  }
0xd9: {  	[sflag:s13] =	ssyncadd.s32 $0xFFFFFF80  }
0xda: {  	v2 =	vld [tilespmem:$0x50]  }
.Ltmp1:
0xdb: {  	v6 =	vld [tilespmem:$0x70];
	(pc) =	sbr.rel @p0 .LBB2_4-.Ltmp1, $4  }
0xdc: {  	v4 =	vld [tilespmem:$0x40]  }
0xdd: {  	v1 =	vld [tilespmem:$0x30]  }
0xde: {  	v3 =	vld [tilespmem:$0x10]  }
0xdf: {  	v5 =	vadd.s32 v0, v2;
	v2 =	vld [tilespmem:$0x60]  }
0xe0: {  	v7 =	vld [tilespmem:$0x20];
	v6 =	vadd.s32 v0, v6;
	[tilespmem:$0x50] =	vst v5  }
0xe1: {  	v8 =	vld [tilespmem:$0x0];
	v4 =	vadd.s32 v0, v4;
	[tilespmem:$0x70] =	vst v6  }
0xe2: {  	[tilespmem:$0x40] =	vst v4;
	v1 =	vadd.s32 v0, v1  }
0xe3: {  	v3 =	vadd.s32 v0, v3;
	[tilespmem:$0x30] =	vst v1  }
0xe4: {  	[tilespmem:$0x10] =	vst v3;
	v2 =	vadd.s32 v0, v2  }
0xe5: {  	v3 =	vadd.s32 v0, v7;
	[tilespmem:$0x60] =	vst v2  }
0xe6: {  	v2 =	vadd.s32 v0, v8;
	[tilespmem:$0x20] =	vst v3  }
0xe7: {  	[tilespmem:$0x0] =	vst v2  }
0xe8: {  	[tilespmem:s15], [sflag:$0x1] =	stream.indirect.gather [hbm4b:s4+s14], $0x80, s3, s14, $0xb8;
	[tilespmem:$0xE500] =	vst v63  }
0xe9: {  	_ =	swait.ge [sflag:s16], $0x4000  }
0xea: {  	[sflag:s16] =	ssyncset.done $0x0  }
0xeb: {  	s19 =	sadd.s32 s19, s11;
	[sflag:s16] =	ssyncadd.s32 $0xFFFFC000  }
0xec: {  	[tilespmem:s14], [sflag:$0x2] =	stream.linear.gather [hbm4b:s19+s3], $0x80, $0x38;
	[tilespmem:$0xE500] =	vst v63  }
0xed: {  	_ =	swait.ge [sflag:s13], $0x80  }
0xee: {  	[sflag:s13] =	ssyncset.done $0x0  }
0xef: {  	[sflag:s13] =	ssyncadd.s32 $0xFFFFFF80  }
0xf0: {  	v1 =	vld [tilespmem:$0x80]  }
0xf1: {  	v2 =	vld [tilespmem:$0x90]  }
0xf2: {  	v3 =	vld [tilespmem:$0xB0]  }
0xf3: {  	v60 =	vld [tilespmem:$0xC0]  }
0xf4: {  	v61 =	vld [tilespmem:$0xD0]  }
0xf5: {  	v62 =	vld [tilespmem:$0xE0];
	v1 =	vadd.s32 $0xFFFFEC00, v1  }
0xf6: {  	v63 =	vld [tilespmem:$0xF0];
	v2 =	vadd.s32 $0xFFFFEC00, v2;
	v1 =	vmin.u32 v1, $0x1400  }
0xf7: {  	[tilespmem:$0x80] =	vst v1;
	v1 =	vmin.u32 v2, $0x1400;
	v2 =	vadd.s32 $0xFFFFEC00, v3;
	v3 =	vld [tilespmem:$0xA0]  }
0xf8: {  	[tilespmem:$0x90] =	vst v1;
	v1 =	vmin.u32 v2, $0x1400;
	v2 =	vadd.s32 $0xFFFFEC00, v60  }
0xf9: {  	[tilespmem:$0xB0] =	vst v1;
	v1 =	vmin.u32 v2, $0x1400;
	v2 =	vadd.s32 $0xFFFFEC00, v61  }
0xfa: {  	[tilespmem:$0xC0] =	vst v1;
	v1 =	vmin.u32 v2, $0x1400;
	v2 =	vadd.s32 $0xFFFFEC00, v62  }
0xfb: {  	[tilespmem:$0xD0] =	vst v1;
	v1 =	vmin.u32 v2, $0x1400;
	v2 =	vadd.s32 $0xFFFFEC00, v63  }
0xfc: {  	[tilespmem:$0xE0] =	vst v1;
	v1 =	vmin.u32 v2, $0x1400;
	v2 =	vadd.s32 $0xFFFFEC00, v3  }
0xfd: {  	[tilespmem:$0xF0] =	vst v1;
	v1 =	vmin.u32 v2, $0x1400  }
0xfe: {  	[tilespmem:$0xA0] =	vst v1  }
0xff: {  	[spmem:s1] =	stream.indirect.scatter.add.f32 [tilespmem:s15], [sflag:$0x2], $0x80, s14, s14, $0xb8;
	[tilespmem:$0xE500] =	vst v63  }
0x100: {  	_ =	swait.ge [sflag:s13], $0x4000  }
0x101: {  	[sflag:s13] =	ssyncset.done $0x0  }
0x102: {  	s18 =	sadd.s32 $0x1, s18;
	[sflag:s13] =	ssyncadd.s32 $0xFFFFC000  }
0x103: {  	p0 =	sne.s32 s18, s9;
	[bflag:$0x0] =	sbarrier.arrive $0xFFFF  }
0x104: {  	[hbm:s8], [sflag:s6] =	dma.local [spmem:s17], $0x1400  }
.Ltmp2:
0x105: {  	_ =	swait.ge [sflag:s13], $0x1400;
	(pc) =	sbr.rel @p0 .LBB2_1-.Ltmp2, $3  }
0x106: {  	[sflag:s13] =	ssyncset.done $0x0  }
0x107: {  	[sflag:s13] =	ssyncadd.s32 $0xFFFFEC00  }
0x108: {  	[bflag:$0x0] =	sbarrier.arrive $0xFFFF;
	_ =	sdelay $0x1  }
0x109: {  	_ =	sfence.sel $0x180000  }
0x10a: {  	[bflag:$0x0] =	sbarrier.arrive $0xFFFF  }
0x10b: {  	p0 =	sne.s32 s2, $0x0;
	_ =	strace $0x9000004D  }
0x10c: {  	s0 =	sadd.s32 @!p0 $0x100000, s0;
	[bflag:$0x2] =	sbarrier.arrive $0xFFFF  }
0x10d: {  	[sflag:s0] =	ssyncadd.tile.s32 @!p0 $0x1;
	_ =	shalt  }
.Lfunc_end2:
_tile_overlayer_lowered:
.L_overlay_start_2:
0x10e: {  	(tag) =	ssettag $0x2  }
0x10f: {  	s0 =	rddreg [dreg:$0x0];
	s2 =	stileid.u32  }
0x110: {  	s1 =	rddreg [dreg:$0x1];
	p0 =	sne.s32 s2, $0x0  }
0x111: {  	s3 =	rddreg [dreg:$0x2];
	[bflag:$0x3] =	sbarrier.arrive $0xFFFF;
	s2 =	simm.s32 @!p0 $0x1C02  }
0x112: {  	[timem:s3], [sflag:s2] =	dma.local @!p0 [hbm:s0], s1  }
0x113: {  	s0 =	simm.s32 @!p0 $0x2  }
0x114: {  	_ =	swait.ge @!p0 [sflag:s0], s1  }
0x115: {  	s1 =	ssub.s32 @!p0 $0x0, s1;
	[sflag:s0] =	ssyncset.done @!p0 $0x0  }
0x116: {  	[sflag:s0] =	ssyncadd.s32 @!p0 s1  }
0x117: {  	[bflag:$0x3] =	sbarrier.arrive $0xFFFF  }
0x118: {  	_ =	shalt  }

// kernel: kernel.19.cloned.1.call-start
scs
__scs_entry_jumppad:
0x0: {  	(pc) =	sbr.rel $0x88, $3  }
0x1: {  	(tag) =	ssettag $0x0;
	lr =	simm.s32 $0x1  }
0x2: {  	[smem:$0x3F8A] =	sst lr;
	_ =	strace $0xD0000000  }
0x3: {  	_ = 	snop  }
0x4: {  	_ = 	snop  }
0x5: {  	_ = 	snop  }
0x6: {  	_ = 	snop  }
0x7: {  	_ = 	snop  }
__scs_overlays_trampoline_lowered:
0x8: {  	[smem:$0x3F99] =	sst s0  }
0x9: {  	[smem:$0x3F9A] =	sst s1  }
0xa: {  	[smem:$0x3F9B] =	sst s2  }
0xb: {  	[smem:$0x3F9C] =	sst s3  }
0xc: {  	[smem:$0x3F9D] =	sst s4  }
0xd: {  	[smem:$0x3F9E] =	sst s5  }
0xe: {  	[smem:$0x3F9F] =	sst s6  }
0xf: {  	[smem:$0x3FA0] =	sst s7  }
0x10: {  	[smem:$0x3FA1] =	sst s8  }
0x11: {  	[smem:$0x3FA2] =	sst s9;
	s0 =	simm.s32 @!p0 $0x0  }
0x12: {  	s1 =	sld [smem:$0x3F88];
	s0 =	simm.s32 @p0 $0x1  }
0x13: {  	[smem:$0x3FA3] =	sst s0;
	s0 =	simm.s32 @!p1 $0x0  }
0x14: {  	s2 =	sld [smem:$0x3F87];
	s0 =	simm.s32 @p1 $0x1  }
0x15: {  	[smem:$0x3FA4] =	sst s0;
	s0 =	simm.s32 @!p2 $0x0  }
0x16: {  	s3 =	sld [smem:$0x3FDB];
	s0 =	simm.s32 @p2 $0x1  }
0x17: {  	s4 =	simm.s32 $0x1BF5;
	[smem:$0x3FA6] =	sst s0  }
0x18: {  	s0 =	sld [smem:$0x3F89];
	_ =	swait.ge [sflag:s4], $0x0  }
0x19: {  	s7 =	sld [smem:$0x3F8A]  }
0x1a: {  	s8 =	sadd.s32 $0xFFFFE003, lr  }
0x1b: {  	s9 =	sadd.s32 $0xFFFFFEF7, lr;
	s5 =	simm.s32 $0xFFFFFFFF;
	p2 =	slt.u32 s8, $0xFFFFF086  }
0x1c: {  	p1 =	slt.u32 s9, $0xF7A;
	s5 =	simm.s32 @!p2 $0x0  }
0x1d: {  	s5 =	simm.s32 @p1 $0x1;
	p0 =	seq.s32 s7, s2  }
0x1e: {  	s7 =	smul.u32 @!p0 $0xF7A, s2;
	p2 =	seq.s32 @!p0 s5, $0x0  }
0x1f: {  	s9 =	smul.u32 $0xF7A, s1;
	s8 =	simm.s32 @!p0 $0x1BF5;
	p2 =	por !p2, p0  }
0x20: {  	[sflag:s8] =	ssyncset.s32 @!p0 $0xFFFFF086;
	s6 =	sadd.s32 @!p0 s3, s7;
	s7 =	simm.s32 @!p0 $0x108  }
0x21: {  	s3 =	sadd.s32 s3, s9;
	s6 =	sadd.s32 @!p0 $0x88, s6;
	s7 =	simm.s32 @p2 $0x1082  }
0x22: {  	[simem:s7], [sflag:s8] =	dma.local @!p0 [hbm:s6], $0xF7A  }
0x23: {  	s9 =	sor.u32 $0xD0000000, s2;
	s6 =	simm.s32 $0x108;
	_ =	swait.ge @!p0 [sflag:s8], $0x0  }
0x24: {  	s3 =	sadd.s32 $0x88, s3;
	s6 =	simm.s32 @!p1 $0x1082;
	[sflag:s4] =	ssyncset.s32 $0xFFFFF086  }
0x25: {  	[simem:s6], [sflag:s4] =	dma.local [hbm:s3], $0xF7A  }
0x26: {  	[smem:$0x3F8A] =	sst s1;
	(tag) =	ssettag s2;
	_ =	strace s9  }
0x27: {  	s1 =	sld [smem:$0x3F9A]  }
0x28: {  	s2 =	sld [smem:$0x3F9B]  }
0x29: {  	s4 =	sld [smem:$0x3F9D]  }
0x2a: {  	p0 =	seq.s32 s5, $0x0;
	s5 =	sld [smem:$0x3F9E]  }
0x2b: {  	s6 =	sld [smem:$0x3F9F]  }
0x2c: {  	s7 =	sld [smem:$0x3FA0]  }
0x2d: {  	s3 =	simm.s32 $0x108;
	s8 =	sld [smem:$0x3FA1]  }
0x2e: {  	s3 =	simm.s32 @!p0 $0x1082;
	s9 =	sld [smem:$0x3FA2]  }
0x2f: {  	lr =	sadd.s32 s0, s3;
	s0 =	sld [smem:$0x3F99]  }
0x30: {  	s3 =	sld [smem:$0x3F9C]  }
0x31: {  	[smem:$0x3FA5] =	sst s10  }
0x32: {  	s10 =	sld [smem:$0x3FA3];
	_ =	sdelay $0x3  }
0x33: {  	p0 =	seq.s32 s10, $0x1;
	s10 =	sld [smem:$0x3FA5];
	_ =	sdelay $0x3  }
0x34: {  	[smem:$0x3FA5] =	sst s10  }
0x35: {  	s10 =	sld [smem:$0x3FA4];
	_ =	sdelay $0x3  }
0x36: {  	p1 =	seq.s32 s10, $0x1;
	s10 =	sld [smem:$0x3FA5];
	_ =	sdelay $0x3  }
0x37: {  	[smem:$0x3FA5] =	sst s10  }
0x38: {  	s10 =	sld [smem:$0x3FA6]  }
0x39: {  	_ = 	snop;
	(pc) =	sbr.ind lr, $3  }
0x3a: {  	_ = 	snop  }
0x3b: {  	_ = 	snop  }
0x3c: {  	p2 =	seq.s32 s10, $0x1;
	s10 =	sld [smem:$0x3FA5]  }
0x3d: {  	_ =	shalt  }
0x3e: {  	_ =	shalt  }
0x3f: {  	_ =	shalt  }
0x40: {  	_ =	shalt  }
0x41: {  	_ =	shalt  }
0x42: {  	_ =	shalt  }
0x43: {  	_ =	shalt  }
0x44: {  	_ =	shalt  }
0x45: {  	_ =	shalt  }
0x46: {  	_ =	shalt  }
0x47: {  	_ =	shalt  }
0x48: {  	_ =	shalt  }
0x49: {  	_ =	shalt  }
0x4a: {  	_ =	shalt  }
0x4b: {  	_ =	shalt  }
0x4c: {  	_ =	shalt  }
0x4d: {  	_ =	shalt  }
0x4e: {  	_ =	shalt  }
0x4f: {  	_ =	shalt  }
0x50: {  	_ =	shalt  }
0x51: {  	_ =	shalt  }
0x52: {  	_ =	shalt  }
0x53: {  	_ =	shalt  }
0x54: {  	_ =	shalt  }
0x55: {  	_ =	shalt  }
0x56: {  	_ =	shalt  }
0x57: {  	_ =	shalt  }
0x58: {  	_ =	shalt  }
0x59: {  	_ =	shalt  }
0x5a: {  	_ =	shalt  }
0x5b: {  	_ =	shalt  }
0x5c: {  	_ =	shalt  }
0x5d: {  	_ =	shalt  }
0x5e: {  	_ =	shalt  }
0x5f: {  	_ =	shalt  }
0x60: {  	_ =	shalt  }
0x61: {  	_ =	shalt  }
0x62: {  	_ =	shalt  }
0x63: {  	_ =	shalt  }
0x64: {  	_ =	shalt  }
0x65: {  	_ =	shalt  }
0x66: {  	_ =	shalt  }
0x67: {  	_ =	shalt  }
0x68: {  	_ =	shalt  }
0x69: {  	_ =	shalt  }
0x6a: {  	_ =	shalt  }
0x6b: {  	_ =	shalt  }
0x6c: {  	_ =	shalt  }
0x6d: {  	_ =	shalt  }
0x6e: {  	_ =	shalt  }
0x6f: {  	_ =	shalt  }
0x70: {  	_ =	shalt  }
0x71: {  	_ =	shalt  }
0x72: {  	_ =	shalt  }
0x73: {  	_ =	shalt  }
0x74: {  	_ =	shalt  }
0x75: {  	_ =	shalt  }
0x76: {  	_ =	shalt  }
0x77: {  	_ =	shalt  }
0x78: {  	_ =	shalt  }
0x79: {  	_ =	shalt  }
0x7a: {  	_ =	shalt  }
0x7b: {  	_ =	shalt  }
0x7c: {  	_ =	shalt  }
0x7d: {  	_ =	shalt  }
0x7e: {  	_ =	shalt  }
0x7f: {  	_ =	shalt  }
0x80: {  	_ =	shalt  }
0x81: {  	_ =	shalt  }
0x82: {  	_ =	shalt  }
0x83: {  	_ =	shalt  }
0x84: {  	_ =	shalt  }
0x85: {  	_ =	shalt  }
0x86: {  	_ =	shalt  }
0x87: {  	_ =	shalt  }
.Lfunc_end0:
.L_simem_size_0:
called_computation.3_lowered:
.L_overlay_start_0:
0x88: {  	s2 =	sld [smem:$0x3FD9]  }
0x89: {  	s3 =	sld [smem:$0x3FFE];
	_ =	sdelay $0x1  }
0x8a: {  	s1 =	srdreg.scid  }
0x8b: {  	s0 =	sand.u32 $0x1, s1  }
0x8c: {  	s15 =	sshll.u32 s0, $0xA;
	s2 =	sadd.s32 s3, s2  }
0x8d: {  	s2 =	sadd.s32 s2, s15  }
0x8e: {  	[smem:$0x3FB1] =	sst s2  }
0x8f: {  	_ = 	snop  }
0x90: {  	s2 =	sld [smem:$0x3FD0];
	_ =	sdelay $0x2  }
0x91: {  	s16 =	simm.s32 $0xB;
	s4 =	simm.s32 $0x10  }
0x92: {  	[smem:s4], [sflag:s16] =	dma.local [hbm:s2], $0x1  }
0x93: {  	_ =	swait.eq [sflag:s16], $0x1  }
0x94: {  	[sflag:s16] =	ssyncset.done $0x0  }
0x95: {  	[sflag:s16] =	ssyncadd.s32 $0xFFFFFFFF  }
0x96: {  	s17 =	sld [smem:$0x12];
	(tm) =	ssettm $0x1  }
0x97: {  	s18 =	sld [smem:$0x3FFB];
	_ =	sdelay $0x3  }
0x98: {  	_ =	strace s18  }
0x99: {  	s2 =	sld [smem:$0x3FFC];
	_ =	sdelay $0x3  }
0x9a: {  	_ =	strace s2  }
0x9b: {  	s2 =	sld [smem:$0x3FFD];
	_ =	sdelay $0x3  }
0x9c: {  	_ =	strace s2  }
0x9d: {  	_ =	strace $0x8FFFFFFF  }
0x9e: {  	s19 =	sld [smem:$0x3FDB];
	_ =	sdelay $0x1  }
0x9f: {  	s20 =	simm.s32 $_scs_section_size  }
0xa0: {  	s5 =	simm.s32 $_size__tile_overlayer_lowered;
	s6 =	simm.s32 $_tile_overlayer_lowered  }
0xa1: {  	s7 =	simm.s32 $0x1BFF;
	s21 =	sshll.u32 s6, $0x1;
	s4 =	sadd.s32 s20, s19  }
0xa2: {  	s22 =	simm.s32 $0x0;
	s5 =	sshll.u32 s5, $0x1;
	s6 =	sadd.s32 s21, s4  }
0xa3: {  	[timem:s22], [sflag:s7] =	dma.local [hbm:s6], s5  }
0xa4: {  	_ =	swait.ge [sflag:s7], s5  }
0xa5: {  	s5 =	ssub.s32 $0x0, s5;
	[sflag:s7] =	ssyncset.done $0x0  }
0xa6: {  	[sflag:s7] =	ssyncadd.s32 s5;
	_ =	sdelay $0x1  }
0xa7: {  	s23 =	simm.s32 $0x1B8B  }
0xa8: {  	_ =	swait.ge [sflag:s23], $0x1  }
0xa9: {  	[sflag:s23] =	ssyncset.done $0x0  }
0xaa: {  	[sflag:s23] =	ssyncadd.s32 $0xFFFFFFFF  }
0xab: {  	s5 =	sld [smem:$0x0]  }
0xac: {  	s6 =	sand.u32 $0xFFFFFFFE, s1  }
0xad: {  	p0 =	sne.s32 s1, s6  }
0xae: {  	s6 =	sshll.u32 @p0 s6, $0xE  }
0xaf: {  	s6 =	sadd.s32 @p0 $0x11B8D, s6;
	s7 =	sshll.u32 @p0 s5, $0x11  }
0xb0: {  	s6 =	sor.u32 @p0 s7, s6  }
0xb1: {  	[sflag:s6] =	ssyncadd.remote.s32 @p0 $0x1;
	_ =	sdelay $0x1  }
0xb2: {  	s6 =	simm.s32 @p0 $0x1B8D  }
0xb3: {  	_ =	swait.eq @p0 [sflag:s6], $0x1  }
0xb4: {  	[sflag:s6] =	ssyncadd.s32 @p0 $0xFFFFFFFF  }
0xb5: {  	s7 =	sshll.u32 @!p0 s1, $0xE  }
0xb6: {  	s7 =	sor.u32 @!p0 $0x4000, s7;
	s6 =	simm.s32 @!p0 $0x1B8D  }
0xb7: {  	s5 =	sshll.u32 @!p0 s5, $0x11;
	s7 =	sadd.s32 @!p0 $0x11B8D, s7;
	_ =	swait.eq @!p0 [sflag:s6], $0x1  }
0xb8: {  	s5 =	sor.u32 @!p0 s5, s7;
	[sflag:s6] =	ssyncadd.s32 @!p0 $0xFFFFFFFF  }
0xb9: {  	s25 =	simm.s32 $0x1B8E;
	s24 =	sld [smem:$0x3FFE];
	[sflag:s5] =	ssyncadd.remote.s32 @!p0 $0x1  }
0xba: {  	s26 =	simm.s32 $execute0_lowered;
	[smem:$0x3FD2] =	sst s25  }
0xbb: {  	s6 =	sshll.u32 s26, $0x1;
	_ =	strace $0x8000004F;
	[dreg:$0x1] =	wrdreg $0xFFFFFFFF  }
0xbc: {  	s28 =	simm.s32 $_size_execute0_lowered;
	s4 =	sadd.s32 s4, s6;
	[dreg:$0x0] =	wrdreg $0x0  }
0xbd: {  	s6 =	sshll.u32 s28, $0x1;
	[dreg:$0x2] =	wrdreg s4  }
0xbe: {  	[dreg:$0x3] =	wrdreg s6  }
0xbf: {  	[dreg:$0x4] =	wrdreg $0xC0  }
0xc0: {  	_ =	task [dreg:s22], $0x5FFFF  }
0xc1: {  	[dreg:$0x1] =	wrdreg $0xFFFFFFFF  }
0xc2: {  	[dreg:$0x0] =	wrdreg $0x60  }
0xc3: {  	[dreg:$0x2] =	wrdreg s24  }
0xc4: {  	[dreg:$0x3] =	wrdreg s17  }
0xc5: {  	[dreg:$0x4] =	wrdreg $0x41000  }
0xc6: {  	[dreg:$0x5] =	wrdreg $0xA  }
0xc7: {  	_ =	task.clear_ibuf [dreg:s22], $0x6FFFF;
	_ =	strace $0x9000004F  }
0xc8: {  	s29 =	simm.s32 $0xA;
	_ =	strace $0x80000051  }
0xc9: {  	_ =	swait.ge [sflag:s29], $0x1  }
0xca: {  	[sflag:s29] =	ssyncadd.s32 $0xFFFFFFFF  }
0xcb: {  	_ =	strace $0x90000051  }
0xcc: {  	_ =	sfence  }
0xcd: {  	s30 =	sld [smem:$0x0];
	_ =	sdelay $0x2  }
0xce: {  	s31 =	sshll.u32 s1, $0xD;
	s1 =	sshrl.u32 s1, $0x2  }
0xcf: {  	s4 =	sand.u32 $0x4000, s31;
	s1 =	sadd.s32 s1, s30  }
0xd0: {  	s0 =	sor.u32 s4, s0;
	s1 =	sshll.u32 s1, $0x11  }
0xd1: {  	s0 =	sor.u32 s1, s0  }
0xd2: {  	s0 =	sadd.s32 $0x8F2B, s0  }
0xd3: {  	[sflag:s0] =	ssyncadd.remote.s32 $0x1  }
0xd4: {  	_ =	sfence.sel $0xFFFF  }
0xd5: {  	[dreg:$0x0] =	wrdreg $0xFFFFFFFF;
	(pc) =	sbr.abs _section_cstart, $3  }
0xd6: {  	[dreg:$0x1] =	wrdreg $0xFFFFFFFF  }
0xd7: {  	_ =	task.clear_ibuf [dreg:s22], $0x2FFFF;
	_ =	strace $0x9FFFFFFF  }
0xd8: {  	(tm) =	ssettm $0x7FFFFFFF  }
0xd9: {  	_ =	shalt  }
tec
execute0_lowered:
.L_overlay_start_1:
0x0: {  	(tag) =	ssettag $0x1  }
0x1: {  	s5 =	rddreg [dreg:$0x0]  }
0x2: {  	s6 =	rddreg [dreg:$0x1]  }
0x3: {  	s1 =	rddreg [dreg:$0x2];
	s2 =	srdreg.scid  }
0x4: {  	s0 =	rddreg [dreg:$0x3];
	s7 =	sand.u32 $0x1, s2  }
0x5: {  	s2 =	stileid.u32;
	s8 =	smul.u32 $0x140000, s7  }
0x6: {  	s3 =	simm.s32 $0x0;
	s14 =	simm.s32 $0x80;
	s9 =	smul.u32 $0xA000, s2  }
0x7: {  	s15 =	simm.s32 $0x100;
	s18 =	simm.s32 $0x0;
	s16 =	smul.u32 $0x2710, s7  }
0x8: {  	[smem:$0x7FF] =	sst s3;
	s4 =	sadd.s32 $0x90200, s5;
	s25 =	smul.u32 $0x29000, s2  }
0x9: {  	_ =	strace $0x80000050;
	s10 =	sshll.u32 s2, $0x4;
	s28 =	smul.u32 $0x1480, s2  }
0xa: {  	s7 =	ssub.s32 $0x2, s7;
	s30 =	smul.u32 $0x28000, s2;
	s31 =	sshll.u32 s2, $0x6  }
0xb: {  	s11 =	sadd.s32 s10, s5;
	s26 =	sshrl.u32 s7, $0x1;
	s8 =	sadd.s32 s9, s8  }
0xc: {  	s12 =	ssub.s32 s7, s26;
	s29 =	sshrl.u32 s25, $0x2;
	s9 =	sshrl.u32 s30, $0x2  }
0xd: {  	s10 =	sadd.s32 $0xFA00, s11;
	s11 =	sadd.s32 $0x5C00, s11;
	v0 =	vmov s16;
	s16 =	simm.s32 $0x1  }
0xe: {  	s8 =	sshrl.u32 s8, $0x3;
	s13 =	sadd.s32 s29, s1;
	s17 =	sadd.s32 s9, s1  }
0xf: {  	s9 =	smax.u32 s12, $0x1;
	s8 =	sadd.s32 s8, s5;
	s5 =	sadd.s32 s6, s28  }
0x10: {  	s6 =	sor.u32 $0x1C02, s31;
	s12 =	sshrl.u32 s13, $0x3;
	s13 =	simm.s32 $0x2  }
0x11: {  	s17 =	sshrl.u32 s17, $0x3;
	s7 =	sadd.s32 $0xDE400, s8;
	s8 =	sadd.s32 $0xF2400, s8  }
.LBB2_1:
0x12: {  	[spmem:s12], [sflag:s6] =	dma.local [hbm:s5], $0x1480  }
0x13: {  	_ =	swait.ge [sflag:s13], $0x1480  }
0x14: {  	[sflag:s13] =	ssyncset.done $0x0  }
0x15: {  	[sflag:s13] =	ssyncadd.s32 $0xFFFFEB80  }
0x16: {  	s19 =	sadd.s32 $0x0, s10;
	[bflag:$0x0] =	sbarrier.arrive $0xFFFF  }
0x17: {  	[tilespmem:s3], [sflag:$0x2] =	stream.linear.gather [hbm4b:s19+s3], $0x80, $0x38;
	[tilespmem:$0xE500] =	vst v63  }
0x18: {  	_ =	swait.ge [sflag:s13], $0x80  }
0x19: {  	[sflag:s13] =	ssyncset.done $0x0  }
0x1a: {  	[sflag:s13] =	ssyncadd.s32 $0xFFFFFF80  }
0x1b: {  	v1 =	vld [tilespmem:$0x70]  }
0x1c: {  	v2 =	vld [tilespmem:$0x60]  }
0x1d: {  	v3 =	vld [tilespmem:$0x30]  }
0x1e: {  	v4 =	vld [tilespmem:$0x40]  }
0x1f: {  	v6 =	vld [tilespmem:$0x20]  }
0x20: {  	v5 =	vld [tilespmem:$0x50];
	v1 =	vadd.s32 v0, v1  }
0x21: {  	v7 =	vld [tilespmem:$0x0];
	v2 =	vadd.s32 v0, v2;
	[tilespmem:$0x70] =	vst v1  }
0x22: {  	v3 =	vadd.s32 v0, v3;
	v1 =	vld [tilespmem:$0x10];
	[tilespmem:$0x60] =	vst v2  }
0x23: {  	[tilespmem:$0x30] =	vst v3;
	v2 =	vadd.s32 v0, v4  }
0x24: {  	v3 =	vadd.s32 v0, v6;
	[tilespmem:$0x40] =	vst v2  }
0x25: {  	v2 =	vadd.s32 v0, v5;
	[tilespmem:$0x20] =	vst v3  }
0x26: {  	[tilespmem:$0x50] =	vst v2;
	v2 =	vadd.s32 v0, v7  }
0x27: {  	[tilespmem:$0x0] =	vst v2;
	v1 =	vadd.s32 v0, v1  }
0x28: {  	[tilespmem:$0x10] =	vst v1  }
0x29: {  	[tilespmem:s15], [sflag:$0x1] =	stream.indirect.gather [hbm4b:s4+s14], $0x80, s3, s14, $0xb8;
	[tilespmem:$0xE500] =	vst v63  }
0x2a: {  	_ =	swait.ge [sflag:s16], $0x4000  }
0x2b: {  	[sflag:s16] =	ssyncset.done $0x0  }
0x2c: {  	s31 =	sadd.s32 $0x0, s11;
	[sflag:s16] =	ssyncadd.s32 $0xFFFFC000  }
0x2d: {  	[tilespmem:s14], [sflag:$0x2] =	stream.linear.gather [hbm4b:s31+s3], $0x80, $0x38;
	[tilespmem:$0xE500] =	vst v63  }
0x2e: {  	_ =	swait.ge [sflag:s13], $0x80  }
0x2f: {  	[sflag:s13] =	ssyncset.done $0x0  }
0x30: {  	[sflag:s13] =	ssyncadd.s32 $0xFFFFFF80  }
0x31: {  	v1 =	vld [tilespmem:$0x80]  }
0x32: {  	v2 =	vld [tilespmem:$0x90]  }
0x33: {  	v3 =	vld [tilespmem:$0xA0]  }
0x34: {  	v61 =	vld [tilespmem:$0xB0]  }
0x35: {  	v62 =	vld [tilespmem:$0xC0]  }
0x36: {  	v1 =	vmin.u32 v1, $0x1400  }
0x37: {  	[tilespmem:$0x80] =	vst v1;
	v1 =	vmin.u32 v2, $0x1400  }
0x38: {  	[tilespmem:$0x90] =	vst v1;
	v1 =	vmin.u32 v3, $0x1400  }
0x39: {  	v63 =	vld [tilespmem:$0xD0];
	[tilespmem:$0xA0] =	vst v1;
	v1 =	vmin.u32 v61, $0x1400  }
0x3a: {  	v2 =	vld [tilespmem:$0xE0];
	[tilespmem:$0xB0] =	vst v1;
	v1 =	vmin.u32 v62, $0x1400  }
0x3b: {  	[tilespmem:$0xC0] =	vst v1;
	v1 =	vld [tilespmem:$0xF0];
	_ =	sdelay $0x2  }
0x3c: {  	v3 =	vmin.u32 v63, $0x1400  }
0x3d: {  	s20 =	simm.s32 $0x200;
	s19 =	simm.s32 $0x100;
	[tilespmem:$0xD0] =	vst v3;
	v2 =	vmin.u32 v2, $0x1400  }
.LBB2_2:
0x3e: {  	p0 =	sne.s32 s20, $0x9D00;
	[tilespmem:$0xE0] =	vst v2;
	v1 =	vmin.u32 v1, $0x1400;
	s21 =	smov.u32 s20;
	s20 =	sadd.s32 $0x100, s20  }
0x3f: {  	[tilespmem:$0xF0] =	vst v1  }
0x40: {  	[spmem:s1] =	stream.indirect.scatter.add.f32 [tilespmem:s15], [sflag:$0x2], $0x80, s14, s14, $0xb8;
	[tilespmem:$0xE500] =	vst v63  }
0x41: {  	_ =	swait.ge [sflag:s13], $0x4000  }
0x42: {  	[sflag:s13] =	ssyncset.done $0x0  }
0x43: {  	s22 =	sadd.s32 s19, s10;
	[sflag:s13] =	ssyncadd.s32 $0xFFFFC000  }
0x44: {  	[tilespmem:s3], [sflag:$0x2] =	stream.linear.gather [hbm4b:s22+s3], $0x80, $0x38;
	[tilespmem:$0xE500] =	vst v63  }
0x45: {  	_ =	swait.ge [sflag:s13], $0x80  }
0x46: {  	[sflag:s13] =	ssyncset.done $0x0  }
0x47: {  	[sflag:s13] =	ssyncadd.s32 $0xFFFFFF80  }
0x48: {  	v1 =	vld [tilespmem:$0x70]  }
0x49: {  	v2 =	vld [tilespmem:$0x60]  }
0x4a: {  	v3 =	vld [tilespmem:$0x30]  }
0x4b: {  	v4 =	vld [tilespmem:$0x40]  }
0x4c: {  	v5 =	vld [tilespmem:$0x50]  }
0x4d: {  	v6 =	vld [tilespmem:$0x20];
	v1 =	vadd.s32 v0, v1  }
0x4e: {  	v7 =	vld [tilespmem:$0x0];
	v2 =	vadd.s32 v0, v2;
	[tilespmem:$0x70] =	vst v1  }
0x4f: {  	v1 =	vld [tilespmem:$0x10];
	v3 =	vadd.s32 v0, v3;
	[tilespmem:$0x60] =	vst v2  }
0x50: {  	[tilespmem:$0x30] =	vst v3;
	v2 =	vadd.s32 v0, v4  }
0x51: {  	[tilespmem:$0x40] =	vst v2;
	v2 =	vadd.s32 v0, v5  }
0x52: {  	v3 =	vadd.s32 v0, v6;
	[tilespmem:$0x50] =	vst v2  }
0x53: {  	v2 =	vadd.s32 v0, v7;
	[tilespmem:$0x20] =	vst v3  }
0x54: {  	[tilespmem:$0x0] =	vst v2;
	v1 =	vadd.s32 v0, v1  }
0x55: {  	[tilespmem:$0x10] =	vst v1  }
0x56: {  	[tilespmem:s15], [sflag:$0x1] =	stream.indirect.gather [hbm4b:s4+s14], $0x80, s3, s14, $0xb8;
	[tilespmem:$0xE500] =	vst v63  }
0x57: {  	_ =	swait.ge [sflag:s16], $0x4000  }
0x58: {  	[sflag:s16] =	ssyncset.done $0x0  }
0x59: {  	s22 =	sadd.s32 s19, s11;
	s19 =	smov.u32 s21;
	[sflag:s16] =	ssyncadd.s32 $0xFFFFC000  }
0x5a: {  	[tilespmem:s14], [sflag:$0x2] =	stream.linear.gather [hbm4b:s22+s3], $0x80, $0x38;
	[tilespmem:$0xE500] =	vst v63  }
0x5b: {  	_ =	swait.ge [sflag:s13], $0x80  }
0x5c: {  	[sflag:s13] =	ssyncset.done $0x0  }
0x5d: {  	[sflag:s13] =	ssyncadd.s32 $0xFFFFFF80  }
0x5e: {  	v1 =	vld [tilespmem:$0x80]  }
0x5f: {  	v2 =	vld [tilespmem:$0x90]  }
0x60: {  	v3 =	vld [tilespmem:$0xA0]  }
0x61: {  	v4 =	vld [tilespmem:$0xB0]  }
0x62: {  	v5 =	vld [tilespmem:$0xC0]  }
0x63: {  	v1 =	vmin.u32 v1, $0x1400;
	v6 =	vld [tilespmem:$0xD0]  }
0x64: {  	[tilespmem:$0x80] =	vst v1;
	v1 =	vmin.u32 v2, $0x1400;
	v2 =	vld [tilespmem:$0xE0]  }
.Ltmp0:
0x65: {  	[tilespmem:$0x90] =	vst v1;
	v3 =	vmin.u32 v3, $0x1400;
	v1 =	vld [tilespmem:$0xF0];
	(pc) =	sbr.rel @p0 .LBB2_2-.Ltmp0, $4  }
0x66: {  	[tilespmem:$0xA0] =	vst v3;
	v3 =	vmin.u32 v4, $0x1400  }
0x67: {  	[tilespmem:$0xB0] =	vst v3;
	v3 =	vmin.u32 v5, $0x1400  }
0x68: {  	[tilespmem:$0xC0] =	vst v3;
	v3 =	vmin.u32 v6, $0x1400  }
0x69: {  	[tilespmem:$0xD0] =	vst v3;
	v2 =	vmin.u32 v2, $0x1400  }
0x6a: {  	[tilespmem:$0xE0] =	vst v2;
	v1 =	vmin.u32 v1, $0x1400  }
0x6b: {  	[tilespmem:$0xF0] =	vst v1  }
0x6c: {  	[spmem:s1] =	stream.indirect.scatter.add.f32 [tilespmem:s15], [sflag:$0x2], $0x80, s14, s14, $0xb8;
	[tilespmem:$0xE500] =	vst v63  }
0x6d: {  	_ =	swait.ge [sflag:s13], $0x4000  }
0x6e: {  	[sflag:s13] =	ssyncset.done $0x0  }
0x6f: {  	s20 =	sadd.s32 s19, s10;
	[sflag:s13] =	ssyncadd.s32 $0xFFFFC000  }
0x70: {  	[tilespmem:s3], [sflag:$0x2] =	stream.linear.gather [hbm4b:s20+s3], $0x80, $0x38;
	[tilespmem:$0xE500] =	vst v63  }
0x71: {  	_ =	swait.ge [sflag:s13], $0x80  }
0x72: {  	[sflag:s13] =	ssyncset.done $0x0  }
0x73: {  	[sflag:s13] =	ssyncadd.s32 $0xFFFFFF80  }
0x74: {  	v1 =	vld [tilespmem:$0x70]  }
0x75: {  	v2 =	vld [tilespmem:$0x60]  }
0x76: {  	v3 =	vld [tilespmem:$0x30]  }
0x77: {  	v4 =	vld [tilespmem:$0x40]  }
0x78: {  	v6 =	vld [tilespmem:$0x20]  }
0x79: {  	v5 =	vld [tilespmem:$0x50];
	v1 =	vadd.s32 v0, v1  }
0x7a: {  	v7 =	vld [tilespmem:$0x0];
	v2 =	vadd.s32 v0, v2;
	[tilespmem:$0x70] =	vst v1  }
0x7b: {  	v3 =	vadd.s32 v0, v3;
	v1 =	vld [tilespmem:$0x10];
	[tilespmem:$0x60] =	vst v2  }
0x7c: {  	[tilespmem:$0x30] =	vst v3;
	v2 =	vadd.s32 v0, v4  }
0x7d: {  	v3 =	vadd.s32 v0, v6;
	[tilespmem:$0x40] =	vst v2  }
0x7e: {  	v2 =	vadd.s32 v0, v5;
	[tilespmem:$0x20] =	vst v3  }
0x7f: {  	[tilespmem:$0x50] =	vst v2;
	v2 =	vadd.s32 v0, v7  }
0x80: {  	[tilespmem:$0x0] =	vst v2;
	v1 =	vadd.s32 v0, v1  }
0x81: {  	[tilespmem:$0x10] =	vst v1  }
0x82: {  	[tilespmem:s15], [sflag:$0x1] =	stream.indirect.gather [hbm4b:s4+s14], $0x80, s3, s14, $0xb8;
	[tilespmem:$0xE500] =	vst v63  }
0x83: {  	_ =	swait.ge [sflag:s16], $0x4000  }
0x84: {  	[sflag:s16] =	ssyncset.done $0x0  }
0x85: {  	s30 =	sadd.s32 s19, s11;
	[sflag:s16] =	ssyncadd.s32 $0xFFFFC000  }
0x86: {  	[tilespmem:s14], [sflag:$0x2] =	stream.linear.gather [hbm4b:s30+s3], $0x80, $0x38;
	[tilespmem:$0xE500] =	vst v63  }
0x87: {  	_ =	swait.ge [sflag:s13], $0x80  }
0x88: {  	[sflag:s13] =	ssyncset.done $0x0  }
0x89: {  	[sflag:s13] =	ssyncadd.s32 $0xFFFFFF80  }
0x8a: {  	v1 =	vld [tilespmem:$0x80]  }
0x8b: {  	v2 =	vld [tilespmem:$0x90]  }
0x8c: {  	v3 =	vld [tilespmem:$0xA0]  }
0x8d: {  	v4 =	vld [tilespmem:$0xB0]  }
0x8e: {  	v5 =	vld [tilespmem:$0xC0]  }
0x8f: {  	v6 =	vld [tilespmem:$0xD0];
	v1 =	vmin.u32 v1, $0x1400  }
0x90: {  	[tilespmem:$0x80] =	vst v1;
	v1 =	vmin.u32 v2, $0x1400;
	v2 =	vld [tilespmem:$0xE0]  }
0x91: {  	[tilespmem:$0x90] =	vst v1;
	v1 =	vmin.u32 v3, $0x1400;
	v3 =	vld [tilespmem:$0xF0]  }
0x92: {  	[tilespmem:$0xA0] =	vst v1;
	v1 =	vmin.u32 v4, $0x1400  }
0x93: {  	[tilespmem:$0xB0] =	vst v1;
	v1 =	vmin.u32 v5, $0x1400  }
0x94: {  	[tilespmem:$0xC0] =	vst v1;
	v1 =	vmin.u32 v6, $0x1400  }
0x95: {  	[tilespmem:$0xD0] =	vst v1;
	v1 =	vmin.u32 v2, $0x1400  }
0x96: {  	[tilespmem:$0xE0] =	vst v1;
	v1 =	vmin.u32 v3, $0x1400  }
0x97: {  	[tilespmem:$0xF0] =	vst v1  }
0x98: {  	[spmem:s1] =	stream.indirect.scatter.add.f32 [tilespmem:s15], [sflag:$0x2], $0x80, s14, s14, $0xb8;
	[tilespmem:$0xE500] =	vst v63  }
0x99: {  	_ =	swait.ge [sflag:s13], $0x4000  }
0x9a: {  	[sflag:s13] =	ssyncset.done $0x0  }
0x9b: {  	[sflag:s13] =	ssyncadd.s32 $0xFFFFC000  }
0x9c: {  	[bflag:$0x0] =	sbarrier.arrive $0xFFFF  }
0x9d: {  	[hbm:s7], [sflag:s6] =	dma.local [spmem:s17], $0x1400  }
0x9e: {  	_ =	swait.ge [sflag:s13], $0x1400  }
0x9f: {  	[sflag:s13] =	ssyncset.done $0x0  }
0xa0: {  	[sflag:s13] =	ssyncadd.s32 $0xFFFFEC00  }
0xa1: {  	[bflag:$0x0] =	sbarrier.arrive $0xFFFF  }
0xa2: {  	[spmem:s12], [sflag:s6] =	dma.local [hbm:s5], $0x1480  }
0xa3: {  	_ =	swait.ge [sflag:s13], $0x1480  }
0xa4: {  	[sflag:s13] =	ssyncset.done $0x0  }
0xa5: {  	[sflag:s13] =	ssyncadd.s32 $0xFFFFEB80  }
0xa6: {  	s31 =	sadd.s32 $0x0, s10;
	[bflag:$0x0] =	sbarrier.arrive $0xFFFF  }
0xa7: {  	[tilespmem:s3], [sflag:$0x2] =	stream.linear.gather [hbm4b:s31+s3], $0x80, $0x38;
	[tilespmem:$0xE500] =	vst v63  }
0xa8: {  	_ =	swait.ge [sflag:s13], $0x80  }
0xa9: {  	[sflag:s13] =	ssyncset.done $0x0  }
0xaa: {  	[sflag:s13] =	ssyncadd.s32 $0xFFFFFF80  }
0xab: {  	v2 =	vld [tilespmem:$0x50]  }
0xac: {  	v6 =	vld [tilespmem:$0x70]  }
0xad: {  	v4 =	vld [tilespmem:$0x40]  }
0xae: {  	v1 =	vld [tilespmem:$0x30]  }
0xaf: {  	v3 =	vld [tilespmem:$0x10]  }
0xb0: {  	s19 =	simm.s32 $0x0;
	s20 =	simm.s32 $0x100;
	v5 =	vadd.s32 v0, v2;
	v2 =	vld [tilespmem:$0x60]  }
.LBB2_4:
0xb1: {  	p0 =	sne.s32 s20, $0x9D00;
	v7 =	vld [tilespmem:$0x20];
	v6 =	vadd.s32 v0, v6;
	s21 =	smov.u32 s20;
	s20 =	sadd.s32 $0x100, s20  }
0xb2: {  	v8 =	vld [tilespmem:$0x0];
	v4 =	vadd.s32 v0, v4;
	[tilespmem:$0x70] =	vst v6  }
0xb3: {  	[tilespmem:$0x40] =	vst v4  }
0xb4: {  	v3 =	vadd.s32 v0, v3;
	[tilespmem:$0x50] =	vst v5  }
0xb5: {  	v1 =	vadd.s32 v0, v1;
	[tilespmem:$0x10] =	vst v3;
	v2 =	vadd.s32 v0, v2  }
0xb6: {  	v3 =	vadd.s32 v0, v7;
	[tilespmem:$0x60] =	vst v2  }
0xb7: {  	v2 =	vadd.s32 v0, v8;
	[tilespmem:$0x20] =	vst v3  }
0xb8: {  	[tilespmem:$0x0] =	vst v2  }
0xb9: {  	[tilespmem:$0x30] =	vst v1  }
0xba: {  	[tilespmem:s15], [sflag:$0x1] =	stream.indirect.gather [hbm4b:s4+s14], $0x80, s3, s14, $0xb8;
	[tilespmem:$0xE500] =	vst v63  }
0xbb: {  	_ =	swait.ge [sflag:s16], $0x4000  }
0xbc: {  	[sflag:s16] =	ssyncset.done $0x0  }
0xbd: {  	s22 =	sadd.s32 s19, s11;
	s19 =	smov.u32 s21;
	[sflag:s16] =	ssyncadd.s32 $0xFFFFC000  }
0xbe: {  	[tilespmem:s14], [sflag:$0x2] =	stream.linear.gather [hbm4b:s22+s3], $0x80, $0x38;
	[tilespmem:$0xE500] =	vst v63  }
0xbf: {  	_ =	swait.ge [sflag:s13], $0x80  }
0xc0: {  	[sflag:s13] =	ssyncset.done $0x0  }
0xc1: {  	[sflag:s13] =	ssyncadd.s32 $0xFFFFFF80  }
0xc2: {  	v1 =	vld [tilespmem:$0x80]  }
0xc3: {  	v2 =	vld [tilespmem:$0x90]  }
0xc4: {  	v3 =	vld [tilespmem:$0xB0]  }
0xc5: {  	v4 =	vld [tilespmem:$0xC0]  }
0xc6: {  	v5 =	vld [tilespmem:$0xD0]  }
0xc7: {  	v1 =	vadd.s32 $0xFFFFEC00, v1;
	v6 =	vld [tilespmem:$0xE0]  }
0xc8: {  	v1 =	vmin.u32 v1, $0x1400;
	v2 =	vadd.s32 $0xFFFFEC00, v2;
	v7 =	vld [tilespmem:$0xF0]  }
0xc9: {  	[tilespmem:$0x80] =	vst v1;
	v1 =	vmin.u32 v2, $0x1400;
	v2 =	vadd.s32 $0xFFFFEC00, v3  }
0xca: {  	[tilespmem:$0x90] =	vst v1;
	v1 =	vld [tilespmem:$0xA0];
	v2 =	vmin.u32 v2, $0x1400;
	v3 =	vadd.s32 $0xFFFFEC00, v4  }
0xcb: {  	[tilespmem:$0xB0] =	vst v2;
	v2 =	vmin.u32 v3, $0x1400;
	v3 =	vadd.s32 $0xFFFFEC00, v5  }
0xcc: {  	[tilespmem:$0xC0] =	vst v2;
	v2 =	vmin.u32 v3, $0x1400;
	v3 =	vadd.s32 $0xFFFFEC00, v6  }
0xcd: {  	[tilespmem:$0xD0] =	vst v2;
	v2 =	vmin.u32 v3, $0x1400;
	v3 =	vadd.s32 $0xFFFFEC00, v7  }
0xce: {  	[tilespmem:$0xE0] =	vst v2;
	v2 =	vmin.u32 v3, $0x1400  }
0xcf: {  	v1 =	vadd.s32 $0xFFFFEC00, v1;
	[tilespmem:$0xF0] =	vst v2  }
0xd0: {  	v1 =	vmin.u32 v1, $0x1400  }
0xd1: {  	[tilespmem:$0xA0] =	vst v1  }
0xd2: {  	[spmem:s1] =	stream.indirect.scatter.add.f32 [tilespmem:s15], [sflag:$0x2], $0x80, s14, s14, $0xb8;
	[tilespmem:$0xE500] =	vst v63  }
0xd3: {  	_ =	swait.ge [sflag:s13], $0x4000  }
0xd4: {  	[sflag:s13] =	ssyncset.done $0x0  }
0xd5: {  	s21 =	sadd.s32 s19, s10;
	[sflag:s13] =	ssyncadd.s32 $0xFFFFC000  }
0xd6: {  	[tilespmem:s3], [sflag:$0x2] =	stream.linear.gather [hbm4b:s21+s3], $0x80, $0x38;
	[tilespmem:$0xE500] =	vst v63  }
0xd7: {  	_ =	swait.ge [sflag:s13], $0x80  }
0xd8: {  	[sflag:s13] =	ssyncset.done $0x0  }
0xd9: {  	[sflag:s13] =	ssyncadd.s32 $0xFFFFFF80  }
0xda: {  	v2 =	vld [tilespmem:$0x50]  }
.Ltmp1:
0xdb: {  	v6 =	vld [tilespmem:$0x70];
	(pc) =	sbr.rel @p0 .LBB2_4-.Ltmp1, $4  }
0xdc: {  	v4 =	vld [tilespmem:$0x40]  }
0xdd: {  	v1 =	vld [tilespmem:$0x30]  }
0xde: {  	v3 =	vld [tilespmem:$0x10]  }
0xdf: {  	v5 =	vadd.s32 v0, v2;
	v2 =	vld [tilespmem:$0x60]  }
0xe0: {  	v7 =	vld [tilespmem:$0x20];
	v6 =	vadd.s32 v0, v6;
	[tilespmem:$0x50] =	vst v5  }
0xe1: {  	v8 =	vld [tilespmem:$0x0];
	v4 =	vadd.s32 v0, v4;
	[tilespmem:$0x70] =	vst v6  }
0xe2: {  	[tilespmem:$0x40] =	vst v4;
	v1 =	vadd.s32 v0, v1  }
0xe3: {  	v3 =	vadd.s32 v0, v3;
	[tilespmem:$0x30] =	vst v1  }
0xe4: {  	[tilespmem:$0x10] =	vst v3;
	v2 =	vadd.s32 v0, v2  }
0xe5: {  	v3 =	vadd.s32 v0, v7;
	[tilespmem:$0x60] =	vst v2  }
0xe6: {  	v2 =	vadd.s32 v0, v8;
	[tilespmem:$0x20] =	vst v3  }
0xe7: {  	[tilespmem:$0x0] =	vst v2  }
0xe8: {  	[tilespmem:s15], [sflag:$0x1] =	stream.indirect.gather [hbm4b:s4+s14], $0x80, s3, s14, $0xb8;
	[tilespmem:$0xE500] =	vst v63  }
0xe9: {  	_ =	swait.ge [sflag:s16], $0x4000  }
0xea: {  	[sflag:s16] =	ssyncset.done $0x0  }
0xeb: {  	s19 =	sadd.s32 s19, s11;
	[sflag:s16] =	ssyncadd.s32 $0xFFFFC000  }
0xec: {  	[tilespmem:s14], [sflag:$0x2] =	stream.linear.gather [hbm4b:s19+s3], $0x80, $0x38;
	[tilespmem:$0xE500] =	vst v63  }
0xed: {  	_ =	swait.ge [sflag:s13], $0x80  }
0xee: {  	[sflag:s13] =	ssyncset.done $0x0  }
0xef: {  	[sflag:s13] =	ssyncadd.s32 $0xFFFFFF80  }
0xf0: {  	v1 =	vld [tilespmem:$0x80]  }
0xf1: {  	v2 =	vld [tilespmem:$0x90]  }
0xf2: {  	v3 =	vld [tilespmem:$0xB0]  }
0xf3: {  	v60 =	vld [tilespmem:$0xC0]  }
0xf4: {  	v61 =	vld [tilespmem:$0xD0]  }
0xf5: {  	v62 =	vld [tilespmem:$0xE0];
	v1 =	vadd.s32 $0xFFFFEC00, v1  }
0xf6: {  	v63 =	vld [tilespmem:$0xF0];
	v2 =	vadd.s32 $0xFFFFEC00, v2;
	v1 =	vmin.u32 v1, $0x1400  }
0xf7: {  	[tilespmem:$0x80] =	vst v1;
	v1 =	vmin.u32 v2, $0x1400;
	v2 =	vadd.s32 $0xFFFFEC00, v3;
	v3 =	vld [tilespmem:$0xA0]  }
0xf8: {  	[tilespmem:$0x90] =	vst v1;
	v1 =	vmin.u32 v2, $0x1400;
	v2 =	vadd.s32 $0xFFFFEC00, v60  }
0xf9: {  	[tilespmem:$0xB0] =	vst v1;
	v1 =	vmin.u32 v2, $0x1400;
	v2 =	vadd.s32 $0xFFFFEC00, v61  }
0xfa: {  	[tilespmem:$0xC0] =	vst v1;
	v1 =	vmin.u32 v2, $0x1400;
	v2 =	vadd.s32 $0xFFFFEC00, v62  }
0xfb: {  	[tilespmem:$0xD0] =	vst v1;
	v1 =	vmin.u32 v2, $0x1400;
	v2 =	vadd.s32 $0xFFFFEC00, v63  }
0xfc: {  	[tilespmem:$0xE0] =	vst v1;
	v1 =	vmin.u32 v2, $0x1400;
	v2 =	vadd.s32 $0xFFFFEC00, v3  }
0xfd: {  	[tilespmem:$0xF0] =	vst v1;
	v1 =	vmin.u32 v2, $0x1400  }
0xfe: {  	[tilespmem:$0xA0] =	vst v1  }
0xff: {  	[spmem:s1] =	stream.indirect.scatter.add.f32 [tilespmem:s15], [sflag:$0x2], $0x80, s14, s14, $0xb8;
	[tilespmem:$0xE500] =	vst v63  }
0x100: {  	_ =	swait.ge [sflag:s13], $0x4000  }
0x101: {  	[sflag:s13] =	ssyncset.done $0x0  }
0x102: {  	s18 =	sadd.s32 $0x1, s18;
	[sflag:s13] =	ssyncadd.s32 $0xFFFFC000  }
0x103: {  	p0 =	sne.s32 s18, s9;
	[bflag:$0x0] =	sbarrier.arrive $0xFFFF  }
0x104: {  	[hbm:s8], [sflag:s6] =	dma.local [spmem:s17], $0x1400  }
.Ltmp2:
0x105: {  	_ =	swait.ge [sflag:s13], $0x1400;
	(pc) =	sbr.rel @p0 .LBB2_1-.Ltmp2, $3  }
0x106: {  	[sflag:s13] =	ssyncset.done $0x0  }
0x107: {  	[sflag:s13] =	ssyncadd.s32 $0xFFFFEC00  }
0x108: {  	[bflag:$0x0] =	sbarrier.arrive $0xFFFF;
	_ =	sdelay $0x1  }
0x109: {  	_ =	sfence.sel $0x180000  }
0x10a: {  	[bflag:$0x0] =	sbarrier.arrive $0xFFFF  }
0x10b: {  	p0 =	sne.s32 s2, $0x0;
	_ =	strace $0x90000050  }
0x10c: {  	s0 =	sadd.s32 @!p0 $0x100000, s0;
	[bflag:$0x2] =	sbarrier.arrive $0xFFFF  }
0x10d: {  	[sflag:s0] =	ssyncadd.tile.s32 @!p0 $0x1;
	_ =	shalt  }
.Lfunc_end2:
_tile_overlayer_lowered:
.L_overlay_start_2:
0x10e: {  	(tag) =	ssettag $0x2  }
0x10f: {  	s0 =	rddreg [dreg:$0x0];
	s2 =	stileid.u32  }
0x110: {  	s1 =	rddreg [dreg:$0x1];
	p0 =	sne.s32 s2, $0x0  }
0x111: {  	s3 =	rddreg [dreg:$0x2];
	[bflag:$0x3] =	sbarrier.arrive $0xFFFF;
	s2 =	simm.s32 @!p0 $0x1C02  }
0x112: {  	[timem:s3], [sflag:s2] =	dma.local @!p0 [hbm:s0], s1  }
0x113: {  	s0 =	simm.s32 @!p0 $0x2  }
0x114: {  	_ =	swait.ge @!p0 [sflag:s0], s1  }
0x115: {  	s1 =	ssub.s32 @!p0 $0x0, s1;
	[sflag:s0] =	ssyncset.done @!p0 $0x0  }
0x116: {  	[sflag:s0] =	ssyncadd.s32 @!p0 s1  }
0x117: {  	[bflag:$0x3] =	sbarrier.arrive $0xFFFF  }
0x118: {  	_ =	shalt  }

</sc_bundles>
